<compile_context>
chip_gen: v7x
topology: tpu7x:2x2x1
jax: 0.10.2.dev20260603
libtpu: 0.0.44.dev20260713+nightly
codegen_flags: <defaults>
</compile_context>

<pallas_src>
import jax
import jax.numpy as jnp
from jax import lax
from jax.experimental import pallas as pl
from jax.experimental.pallas import tpu as pltpu
from jax.experimental.pallas import tpu_sc as plsc

_N = 10000
_E = 320000
_D = 128
_NT = 10
_NB = 8
_RMAX = 5.0
_EV_TO_KJ_MOL = 96.48533212331

_NC = 2
_NS = 16
_EPT = _E // _NS
_BATCH = 128
_NFULL = _EPT // _BATCH
_TAIL = _EPT - _NFULL * _BATCH

_NBKT = _N * _NT // _NC
_TRASH = _NBKT * _NB
_AWORDS = 409600
_WPT = _AWORDS // _NS

_PI = 3.14159265358979
_C_BESSEL = 0.6324555320336759

_COSC = (1.0, -1.0 / 2, 1.0 / 24, -1.0 / 720, 1.0 / 40320,
         -1.0 / 3628800, 1.0 / 479001600)
_SINC = (1.0, -1.0 / 6, 1.0 / 120, -1.0 / 5040, 1.0 / 362880,
         -1.0 / 39916800)


def _f32(x):
    return jnp.float32(x)


def _edge_group(o, pos_v, types_v, epack_v, sipack_v, c10, c_idx):
    lane = jnp.arange(16, dtype=jnp.int32)
    code = epack_v[pl.ds(o, 16)]
    snd = code & jnp.int32(0xFFFF)
    rcv = lax.shift_right_logical(code, 16)
    e = o + lane
    w27 = plsc.load_gather(sipack_v, [lax.shift_right_logical(e, 1)])
    c27 = lax.shift_right_logical(
        w27, (e & jnp.int32(1)) * jnp.int32(5)) & jnp.int32(31)
    q3 = lax.shift_right_logical(c27 * jnp.int32(21846), 16)
    q9 = lax.shift_right_logical(c27 * jnp.int32(7282), 16)
    si0 = c27 - jnp.int32(3) * q3
    si1 = q3 - jnp.int32(3) * q9
    si2 = q9
    sif = [si0.astype(jnp.float32), si1.astype(jnp.float32),
           si2.astype(jnp.float32)]

    snd3 = snd * jnp.int32(3)
    rcv3 = rcv * jnp.int32(3)
    ps = [plsc.load_gather(pos_v, [snd3 + jnp.int32(d)]) for d in range(3)]
    pr = [plsc.load_gather(pos_v, [rcv3 + jnp.int32(d)]) for d in range(3)]
    t = plsc.load_gather(types_v, [snd])

    d2 = _f32(1e-9)
    for d in range(3):
        v = (pr[d] - ps[d]) * _f32(10.0)
        for k in range(3):
            v = v + sif[k] * c10[k][d]
        d2 = d2 + v * v

    ibits = plsc.bitcast(d2, jnp.int32)
    y = plsc.bitcast(jnp.int32(0x5F3759DF) - lax.shift_right_logical(ibits, 1),
                     jnp.float32)
    for _ in range(3):
        y = y * (_f32(1.5) - _f32(0.5) * d2 * y * y)
    r = d2 * y
    inv_r = y

    x = r * _f32(1.0 / _RMAX)
    xc = jnp.minimum(x, _f32(1.0))

    u = _f32(_PI) * xc - _f32(_PI / 2)
    u2 = u * u
    cp = _f32(_COSC[-1])
    for cc in _COSC[-2::-1]:
        cp = cp * u2 + _f32(cc)
    sp = _f32(_SINC[-1])
    for cc in _SINC[-2::-1]:
        sp = sp * u2 + _f32(cc)
    sp = sp * u
    s1 = cp
    c1 = -sp

    t2 = _f32(2.0) * c1
    sins = [s1, t2 * s1]
    for _ in range(2, _NB):
        sins.append(t2 * sins[-1] - sins[-2])

    x3 = xc * xc * xc
    x6 = x3 * x3
    x7 = x6 * xc
    x8 = x7 * xc
    fc = _f32(1.0) - _f32(28.0) * x6 + _f32(48.0) * x7 - _f32(21.0) * x8
    w = _f32(_C_BESSEL) * fc * inv_r
    w = jnp.where(x < _f32(1.0), w, _f32(0.0))

    tl = t - jnp.int32(5) * c_idx
    in_half = (tl >= jnp.int32(0)) & (tl < jnp.int32(5))
    basew = jnp.where(in_half,
                      (rcv * jnp.int32(5) + tl) * jnp.int32(_NB),
                      jnp.int32(_TRASH))
    return basew, [s * w for s in sins]


def _sc_body(pos_hbm, types_hbm, epack_hbm, sipack_hbm, cell_hbm, zeros_hbm,
             out_hbm,
             pos_v, types_v, epack_v, sipack_v,
             idx2_v, val2_v, idx2t_v, val2t_v, cell_s, acc_v, sem):
    c_idx = lax.axis_index("c")
    s_idx = lax.axis_index("s")
    base = s_idx * _EPT

    pltpu.sync_copy(cell_hbm, cell_s)
    pltpu.sync_copy(pos_hbm, pos_v)
    pltpu.sync_copy(types_hbm, types_v)
    pltpu.sync_copy(epack_hbm.at[pl.ds(pl.multiple_of(base, 8), _EPT)],
                    epack_v)
    pltpu.sync_copy(
        sipack_hbm.at[pl.ds(pl.multiple_of(base // 2, 8), _EPT // 2)],
        sipack_v)

    pltpu.sync_copy(zeros_hbm,
                    acc_v.at[pl.ds(pl.multiple_of(s_idx * _WPT, 8), _WPT)])
    plsc.subcore_barrier()

    cvec = cell_s[...]
    c10 = [[cvec[k * 3 + d] * _f32(10.0) for d in range(3)]
           for k in range(3)]

    def batch_body(b, carry):
        o0 = b * _BATCH
        for g in range(_BATCH // 16):
            basew, rad = _edge_group(o0 + g * 16, pos_v, types_v, epack_v,
                                     sipack_v, c10, c_idx)
            for n in range(_NB):
                idx2_v[n, pl.ds(g * 16, 16)] = basew + jnp.int32(n)
                val2_v[n, pl.ds(g * 16, 16)] = rad[n]
        for n in range(_NB):
            pltpu.make_async_copy(val2_v.at[n], acc_v.at[idx2_v.at[n]],
                                  sem).start(add=True)
        for n in range(_NB):
            pltpu.make_async_copy(val2_v.at[n], acc_v.at[idx2_v.at[n]],
                                  sem).wait()
        return carry

    lax.fori_loop(0, _NFULL, batch_body, 0)

    for g in range(_TAIL // 16):
        basew, rad = _edge_group(_NFULL * _BATCH + g * 16, pos_v, types_v,
                                 epack_v, sipack_v, c10, c_idx)
        for n in range(_NB):
            p = n * _TAIL + g * 16
            idx2t_v[p // 128, pl.ds(p % 128, 16)] = basew + jnp.int32(n)
            val2t_v[p // 128, pl.ds(p % 128, 16)] = rad[n]
    for n in range(2):
        pltpu.make_async_copy(val2t_v.at[n], acc_v.at[idx2t_v.at[n]],
                              sem).start(add=True)
    for n in range(2):
        pltpu.make_async_copy(val2t_v.at[n], acc_v.at[idx2t_v.at[n]],
                              sem).wait()

    plsc.subcore_barrier()
    pltpu.sync_copy(
        acc_v.at[pl.ds(pl.multiple_of(s_idx * _WPT, 8), _WPT)],
        out_hbm.at[pl.ds(
            pl.multiple_of(c_idx * _AWORDS + s_idx * _WPT, 8), _WPT)])


_sc_call = pl.kernel(
    _sc_body,
    out_type=jax.ShapeDtypeStruct((_NC * _AWORDS,), jnp.float32),
    mesh=plsc.VectorSubcoreMesh(core_axis_name="c", subcore_axis_name="s"),
    compiler_params=pltpu.CompilerParams(needs_layout_passes=False),
    scratch_types=[
        pltpu.VMEM((_N * 3,), jnp.float32),
        pltpu.VMEM((_N,), jnp.int32),
        pltpu.VMEM((_EPT,), jnp.int32),
        pltpu.VMEM((_EPT // 2,), jnp.int32),
        pltpu.VMEM((_NB, _BATCH), jnp.int32),
        pltpu.VMEM((_NB, _BATCH), jnp.float32),
        pltpu.VMEM((2, _BATCH), jnp.int32),
        pltpu.VMEM((2, _BATCH), jnp.float32),
        pltpu.VMEM((16,), jnp.float32),
        pltpu.VMEM_SHARED((_AWORDS,), jnp.float32),
        pltpu.SemaphoreType.DMA,
    ],
)


def _tc_body(r_ref, embed_ref, wmsg_ref, wrad_ref, woutT_ref, out_ref):
    hw = jnp.dot(embed_ref[...], wmsg_ref[...],
                 preferred_element_type=jnp.float32,
                 precision=lax.Precision.HIGHEST)
    wbig = (hw[:, None, :] * wrad_ref[...][None, :, :]).reshape(
        _NT * _NB, _D)
    agg = jnp.dot(r_ref[...], wbig, preferred_element_type=jnp.float32,
                  precision=lax.Precision.HIGHEST)
    act = agg * jax.nn.sigmoid(agg)
    node_e = act * woutT_ref[...]
    total = jnp.sum(node_e) * jnp.float32(_EV_TO_KJ_MOL)
    out_ref[...] = jnp.reshape(total, (1, 1))


_tc_call = pl.pallas_call(
    _tc_body,
    out_shape=jax.ShapeDtypeStruct((1, 1), jnp.float32),
)


@jax.jit
def kernel(positions, boxVectors, edge_index, shifts_idx, node_types,
           embed, W_msg, W_rad, W_out):
    cell_flat = jnp.pad(jnp.reshape(boxVectors, (9,)), (0, 7))
    epack = edge_index[0] + edge_index[1] * jnp.int32(65536)
    c27 = (shifts_idx[:, 0] + shifts_idx[:, 1] * jnp.int32(3)
           + shifts_idx[:, 2] * jnp.int32(9)).reshape(_E // 2, 2)
    sipack = c27[:, 0] + (c27[:, 1] << 5)
    zeros = jnp.zeros((_WPT,), jnp.float32)
    pos_flat = jnp.reshape(positions, (3 * _N,))
    r2 = _sc_call(pos_flat, node_types, epack, sipack, cell_flat, zeros)
    halves = jnp.reshape(r2, (_NC, _AWORDS))[:, :_NBKT * _NB]
    rfull = jnp.concatenate(
        [jnp.reshape(halves[0], (_N, 5 * _NB)),
         jnp.reshape(halves[1], (_N, 5 * _NB))], axis=1)
    out = _tc_call(rfull, embed, W_msg, W_rad, jnp.reshape(W_out, (1, _D)))
    return out[0, 0]

# --- scband reference (transcript-rebuilt; emitter-appended) ---
"""Pipeline reference for scband-mace-openmm-81801947120083 (READ-ONLY COPY).

The authoritative reference and input builder live on the scoring server;
editing this copy changes nothing except your own understanding.
"""

import jax, jax.numpy as jnp
import numpy as np

N = 10000
E = 320000
D = 128
NTYPES = 10
NBESSEL = 8
R_MAX = 5.0
EV_TO_KJ_MOL = 96.48533212331


def setup_inputs(seed: int = 0) -> dict:
    key = jax.random.key(seed)
    ks = jax.random.split(key, 9)
    positions = jax.random.uniform(ks[0], (N, 3), dtype=jnp.float32)
    boxVectors = jax.random.uniform(ks[1], (3, 3), dtype=jnp.float32)
    edge_index = jax.random.randint(ks[2], (2, E), 0, N, dtype=jnp.int32)
    shifts_idx = jax.random.randint(ks[3], (E, 3), 0, 3, dtype=jnp.int32)
    node_types = jax.random.randint(ks[4], (N,), 0, NTYPES, dtype=jnp.int32)
    embed = jax.random.normal(ks[5], (NTYPES, D), dtype=jnp.float32) * 0.1
    W_msg = jax.random.normal(ks[6], (D, D), dtype=jnp.float32) / np.sqrt(D)
    W_rad = jax.random.normal(ks[7], (NBESSEL, D), dtype=jnp.float32) * 0.1
    W_out = jax.random.normal(ks[8], (D, 1), dtype=jnp.float32) * 0.1
    return {
        'positions': positions,
        'boxVectors': boxVectors,
        'edge_index': edge_index,
        'shifts_idx': shifts_idx,
        'node_types': node_types,
        'embed': embed,
        'W_msg': W_msg,
        'W_rad': W_rad,
        'W_out': W_out,
    }


def reference(positions, boxVectors, edge_index, shifts_idx, node_types, embed, W_msg, W_rad, W_out):
    # unit conversion as in MACE_openmm.forward: nm -> Angstrom
    pos = positions * 10.0
    cell = boxVectors * 10.0
    sender = edge_index[0]
    receiver = edge_index[1]
    # periodic shifts: shifts_idx @ cell
    shifts = shifts_idx.astype(jnp.float32) @ cell
    # edge vectors and lengths (gather on positions)
    vec = pos[receiver] - pos[sender] + shifts
    r = jnp.sqrt(jnp.sum(vec * vec, axis=1) + 1e-9)
    # Bessel radial basis with polynomial cutoff (MACE radial embedding)
    n = jnp.arange(1, NBESSEL + 1, dtype=jnp.float32)
    bessel = jnp.sqrt(2.0 / R_MAX) * jnp.sin(n[None, :] * jnp.pi * r[:, None] / R_MAX) / r[:, None]
    x = r / R_MAX
    p = 6.0
    fcut = 1.0 - (p + 1.0) * (p + 2.0) / 2.0 * x ** p + p * (p + 2.0) * x ** (p + 1.0) - p * (p + 1.0) / 2.0 * x ** (p + 2.0)
    fcut = fcut * (x < 1.0).astype(jnp.float32)
    radial = bessel * fcut[:, None]
    # node embeddings from atom types (gather on embedding table)
    h = embed[node_types]
    # edge messages: linear(node feat of sender) modulated by radial MLP
    m = (h[sender] @ W_msg) * (radial @ W_rad)
    # scatter-add messages to receiver nodes
    agg = jnp.zeros((N, D), dtype=jnp.float32).at[receiver].add(m)
    # per-node energy readout and global sum -> interaction energy
    node_e = (jax.nn.silu(agg) @ W_out)[:, 0]
    interaction_energy = jnp.sum(node_e)
    return interaction_energy * EV_TO_KJ_MOL

if __name__ == "__main__":
    import jax
    _d = setup_inputs()
    print(jax.jit(kernel)(*tuple(_d.values())))

</pallas_src>

<mosaic_0001>
#map = affine_map<(d0, d1) -> (0)>
module attributes {stable_mosaic.version = 14 : i64} {
  func.func @_sc_body(%arg0: i32, %arg1: i32, %arg2: memref<30000xf32, #tpu.memory_space<hbm>>, %arg3: memref<10000xi32, #tpu.memory_space<hbm>>, %arg4: memref<320000xi32, #tpu.memory_space<hbm>>, %arg5: memref<160000xi32, #tpu.memory_space<hbm>>, %arg6: memref<16xf32, #tpu.memory_space<hbm>>, %arg7: memref<25600xf32, #tpu.memory_space<hbm>>, %arg8: memref<819200xf32, #tpu.memory_space<hbm>>, %arg9: memref<30000xf32, #tpu.memory_space<vmem>>, %arg10: memref<10000xi32, #tpu.memory_space<vmem>>, %arg11: memref<20000xi32, #tpu.memory_space<vmem>>, %arg12: memref<10000xi32, #tpu.memory_space<vmem>>, %arg13: memref<8x128xi32, #tpu.memory_space<vmem>>, %arg14: memref<8x128xf32, #tpu.memory_space<vmem>>, %arg15: memref<2x128xi32, #tpu.memory_space<vmem>>, %arg16: memref<2x128xf32, #tpu.memory_space<vmem>>, %arg17: memref<16xf32, #tpu.memory_space<vmem>>, %arg18: memref<409600xf32, #tpu.memory_space<vmem_shared>>, %arg19: memref<!tpu.dma_semaphore, #tpu.memory_space<semaphore_mem>>) attributes {dimension_semantics = [#tpu.dimension_semantics<core_parallel>, #tpu.dimension_semantics<subcore_parallel>], iteration_bounds = array<i64: 2, 16>, scalar_prefetch = 0 : i64, scratch_operands = 11 : i64, tpu.core_type = #tpu.core_type<sc_vector_subcore>, window_params = [{transform_indices = #map}, {transform_indices = #map}, {transform_indices = #map}, {transform_indices = #map}, {transform_indices = #map}, {transform_indices = #map}, {transform_indices = #map}]} {
    %mul3A = arith.constant 20000 : i32
    %mul3A_0 = arith.muli %arg1, %mul3A : i32
    "tpu.region"() ({
      %run_scoped3A = tpu.sem_alloc : memref<!tpu.dma_semaphore, #tpu.memory_space<semaphore_mem>>
      tpu.enqueue_dma source(%arg6 : memref<16xf32, #tpu.memory_space<hbm>>) target(%arg17 : memref<16xf32, #tpu.memory_space<vmem>>) target_semaphore(%run_scoped3A : memref<!tpu.dma_semaphore, #tpu.memory_space<semaphore_mem>>)
      tpu.wait_dma2 semaphore(%run_scoped3A : memref<!tpu.dma_semaphore, #tpu.memory_space<semaphore_mem>>) src(%arg6 : memref<16xf32, #tpu.memory_space<hbm>>) dst(%arg17 : memref<16xf32, #tpu.memory_space<vmem>>)
      tpu.yield
    }) : () -> ()
    "tpu.region"() ({
      %run_scoped3A = tpu.sem_alloc : memref<!tpu.dma_semaphore, #tpu.memory_space<semaphore_mem>>
      tpu.enqueue_dma source(%arg2 : memref<30000xf32, #tpu.memory_space<hbm>>) target(%arg9 : memref<30000xf32, #tpu.memory_space<vmem>>) target_semaphore(%run_scoped3A : memref<!tpu.dma_semaphore, #tpu.memory_space<semaphore_mem>>)
      tpu.wait_dma2 semaphore(%run_scoped3A : memref<!tpu.dma_semaphore, #tpu.memory_space<semaphore_mem>>) src(%arg2 : memref<30000xf32, #tpu.memory_space<hbm>>) dst(%arg9 : memref<30000xf32, #tpu.memory_space<vmem>>)
      tpu.yield
    }) : () -> ()
    "tpu.region"() ({
      %run_scoped3A = tpu.sem_alloc : memref<!tpu.dma_semaphore, #tpu.memory_space<semaphore_mem>>
      tpu.enqueue_dma source(%arg3 : memref<10000xi32, #tpu.memory_space<hbm>>) target(%arg10 : memref<10000xi32, #tpu.memory_space<vmem>>) target_semaphore(%run_scoped3A : memref<!tpu.dma_semaphore, #tpu.memory_space<semaphore_mem>>)
      tpu.wait_dma2 semaphore(%run_scoped3A : memref<!tpu.dma_semaphore, #tpu.memory_space<semaphore_mem>>) src(%arg3 : memref<10000xi32, #tpu.memory_space<hbm>>) dst(%arg10 : memref<10000xi32, #tpu.memory_space<vmem>>)
      tpu.yield
    }) : () -> ()
    %multiple_of3A = tpu.assume_multiple %mul3A_0, 8 : i32
    "tpu.region"() ({
      %run_scoped3A = tpu.sem_alloc : memref<!tpu.dma_semaphore, #tpu.memory_space<semaphore_mem>>
      %dma_start3A_877 = tpu.memref_slice %arg4[%multiple_of3A] : memref<320000xi32, #tpu.memory_space<hbm>> -> memref<20000xi32, #tpu.memory_space<hbm>>
      %dma_start3A_878 = tpu.memref_slice %arg4[%multiple_of3A] : memref<320000xi32, #tpu.memory_space<hbm>> -> memref<20000xi32, #tpu.memory_space<hbm>>
      tpu.enqueue_dma source(%dma_start3A_878 : memref<20000xi32, #tpu.memory_space<hbm>>) target(%arg11 : memref<20000xi32, #tpu.memory_space<vmem>>) target_semaphore(%run_scoped3A : memref<!tpu.dma_semaphore, #tpu.memory_space<semaphore_mem>>)
      %dma_wait3A_879 = tpu.memref_slice %arg4[%multiple_of3A] : memref<320000xi32, #tpu.memory_space<hbm>> -> memref<20000xi32, #tpu.memory_space<hbm>>
      %dma_wait3A_880 = tpu.memref_slice %arg4[%multiple_of3A] : memref<320000xi32, #tpu.memory_space<hbm>> -> memref<20000xi32, #tpu.memory_space<hbm>>
      tpu.wait_dma2 semaphore(%run_scoped3A : memref<!tpu.dma_semaphore, #tpu.memory_space<semaphore_mem>>) src(%dma_wait3A_880 : memref<20000xi32, #tpu.memory_space<hbm>>) dst(%arg11 : memref<20000xi32, #tpu.memory_space<vmem>>)
      tpu.yield
    }) : () -> ()
    %jit3A = arith.constant 2 : i32
    %div3A = arith.divsi %mul3A_0, %jit3A : i32
    %sign3A = arith.constant 0 : i32
    %sign3A_1 = arith.cmpi sgt, %mul3A_0, %sign3A : i32
    %sign3A_2 = arith.extui %sign3A_1 : i1 to i32
    %sign3A_3 = arith.constant 0 : i32
    %sign3A_4 = arith.cmpi slt, %mul3A_0, %sign3A_3 : i32
    %sign3A_5 = arith.extui %sign3A_4 : i1 to i32
    %sign3A_6 = arith.subi %sign3A_2, %sign3A_5 : i32
    %sign3A_7 = arith.constant 0 : i32
    %sign3A_8 = arith.cmpi sgt, %jit3A, %sign3A_7 : i32
    %sign3A_9 = arith.extui %sign3A_8 : i1 to i32
    %sign3A_10 = arith.constant 0 : i32
    %sign3A_11 = arith.cmpi slt, %jit3A, %sign3A_10 : i32
    %sign3A_12 = arith.extui %sign3A_11 : i1 to i32
    %sign3A_13 = arith.subi %sign3A_9, %sign3A_12 : i32
    %ne3A = arith.cmpi ne, %sign3A_6, %sign3A_13 : i32
    %rem3A = arith.remsi %mul3A_0, %jit3A : i32
    %ne3A_14 = arith.constant 0 : i32
    %ne3A_15 = arith.cmpi ne, %rem3A, %ne3A_14 : i32
    %and3A = arith.andi %ne3A, %ne3A_15 : i1
    %sub3A = arith.constant 1 : i32
    %sub3A_16 = arith.subi %div3A, %sub3A : i32
    %select_n3A = arith.select %and3A, %sub3A_16, %div3A : i32
    %multiple_of3A_17 = tpu.assume_multiple %select_n3A, 8 : i32
    "tpu.region"() ({
      %run_scoped3A = tpu.sem_alloc : memref<!tpu.dma_semaphore, #tpu.memory_space<semaphore_mem>>
      %dma_start3A_877 = tpu.memref_slice %arg5[%multiple_of3A_17] : memref<160000xi32, #tpu.memory_space<hbm>> -> memref<10000xi32, #tpu.memory_space<hbm>>
      %dma_start3A_878 = tpu.memref_slice %arg5[%multiple_of3A_17] : memref<160000xi32, #tpu.memory_space<hbm>> -> memref<10000xi32, #tpu.memory_space<hbm>>
      tpu.enqueue_dma source(%dma_start3A_878 : memref<10000xi32, #tpu.memory_space<hbm>>) target(%arg12 : memref<10000xi32, #tpu.memory_space<vmem>>) target_semaphore(%run_scoped3A : memref<!tpu.dma_semaphore, #tpu.memory_space<semaphore_mem>>)
      %dma_wait3A_879 = tpu.memref_slice %arg5[%multiple_of3A_17] : memref<160000xi32, #tpu.memory_space<hbm>> -> memref<10000xi32, #tpu.memory_space<hbm>>
      %dma_wait3A_880 = tpu.memref_slice %arg5[%multiple_of3A_17] : memref<160000xi32, #tpu.memory_space<hbm>> -> memref<10000xi32, #tpu.memory_space<hbm>>
      tpu.wait_dma2 semaphore(%run_scoped3A : memref<!tpu.dma_semaphore, #tpu.memory_space<semaphore_mem>>) src(%dma_wait3A_880 : memref<10000xi32, #tpu.memory_space<hbm>>) dst(%arg12 : memref<10000xi32, #tpu.memory_space<vmem>>)
      tpu.yield
    }) : () -> ()
    %mul3A_18 = arith.constant 25600 : i32
    %mul3A_19 = arith.muli %arg1, %mul3A_18 : i32
    %multiple_of3A_20 = tpu.assume_multiple %mul3A_19, 8 : i32
    "tpu.region"() ({
      %run_scoped3A = tpu.sem_alloc : memref<!tpu.dma_semaphore, #tpu.memory_space<semaphore_mem>>
      %dma_start3A_877 = tpu.memref_slice %arg18[%multiple_of3A_20] : memref<409600xf32, #tpu.memory_space<vmem_shared>> -> memref<25600xf32, #tpu.memory_space<vmem_shared>>
      tpu.enqueue_dma source(%arg7 : memref<25600xf32, #tpu.memory_space<hbm>>) target(%dma_start3A_877 : memref<25600xf32, #tpu.memory_space<vmem_shared>>) target_semaphore(%run_scoped3A : memref<!tpu.dma_semaphore, #tpu.memory_space<semaphore_mem>>)
      %dma_wait3A_878 = tpu.memref_slice %arg18[%multiple_of3A_20] : memref<409600xf32, #tpu.memory_space<vmem_shared>> -> memref<25600xf32, #tpu.memory_space<vmem_shared>>
      tpu.wait_dma2 semaphore(%run_scoped3A : memref<!tpu.dma_semaphore, #tpu.memory_space<semaphore_mem>>) src(%arg7 : memref<25600xf32, #tpu.memory_space<hbm>>) dst(%dma_wait3A_878 : memref<25600xf32, #tpu.memory_space<vmem_shared>>)
      tpu.yield
    }) : () -> ()
    %barrier3A = arith.constant 0 : index
    tpu.barrier barrier_id(%barrier3A)
    %get3A = arith.constant 0 : index
    %get3A_21 = tpu.vector_load %arg17[%get3A] {strides = array<i32>} : memref<16xf32, #tpu.memory_space<vmem>>, vector<16xf32>,
    %slice3A = vector.extract_strided_slice %get3A_21 {offsets = [0], sizes = [1], strides = [1]} : vector<16xf32> to vector<1xf32>
    %squeeze3A = vector.extract %slice3A[0] : f32 from vector<1xf32>
    %mul3A_22 = arith.constant 1.000000e+01 : f32
    %mul3A_23 = arith.mulf %squeeze3A, %mul3A_22 : f32
    %slice3A_24 = vector.extract_strided_slice %get3A_21 {offsets = [1], sizes = [1], strides = [1]} : vector<16xf32> to vector<1xf32>
    %squeeze3A_25 = vector.extract %slice3A_24[0] : f32 from vector<1xf32>
    %mul3A_26 = arith.constant 1.000000e+01 : f32
    %mul3A_27 = arith.mulf %squeeze3A_25, %mul3A_26 : f32
    %slice3A_28 = vector.extract_strided_slice %get3A_21 {offsets = [2], sizes = [1], strides = [1]} : vector<16xf32> to vector<1xf32>
    %squeeze3A_29 = vector.extract %slice3A_28[0] : f32 from vector<1xf32>
    %mul3A_30 = arith.constant 1.000000e+01 : f32
    %mul3A_31 = arith.mulf %squeeze3A_29, %mul3A_30 : f32
    %slice3A_32 = vector.extract_strided_slice %get3A_21 {offsets = [3], sizes = [1], strides = [1]} : vector<16xf32> to vector<1xf32>
    %squeeze3A_33 = vector.extract %slice3A_32[0] : f32 from vector<1xf32>
    %mul3A_34 = arith.constant 1.000000e+01 : f32
    %mul3A_35 = arith.mulf %squeeze3A_33, %mul3A_34 : f32
    %slice3A_36 = vector.extract_strided_slice %get3A_21 {offsets = [4], sizes = [1], strides = [1]} : vector<16xf32> to vector<1xf32>
    %squeeze3A_37 = vector.extract %slice3A_36[0] : f32 from vector<1xf32>
    %mul3A_38 = arith.constant 1.000000e+01 : f32
    %mul3A_39 = arith.mulf %squeeze3A_37, %mul3A_38 : f32
    %slice3A_40 = vector.extract_strided_slice %get3A_21 {offsets = [5], sizes = [1], strides = [1]} : vector<16xf32> to vector<1xf32>
    %squeeze3A_41 = vector.extract %slice3A_40[0] : f32 from vector<1xf32>
    %mul3A_42 = arith.constant 1.000000e+01 : f32
    %mul3A_43 = arith.mulf %squeeze3A_41, %mul3A_42 : f32
    %slice3A_44 = vector.extract_strided_slice %get3A_21 {offsets = [6], sizes = [1], strides = [1]} : vector<16xf32> to vector<1xf32>
    %squeeze3A_45 = vector.extract %slice3A_44[0] : f32 from vector<1xf32>
    %mul3A_46 = arith.constant 1.000000e+01 : f32
    %mul3A_47 = arith.mulf %squeeze3A_45, %mul3A_46 : f32
    %slice3A_48 = vector.extract_strided_slice %get3A_21 {offsets = [7], sizes = [1], strides = [1]} : vector<16xf32> to vector<1xf32>
    %squeeze3A_49 = vector.extract %slice3A_48[0] : f32 from vector<1xf32>
    %mul3A_50 = arith.constant 1.000000e+01 : f32
    %mul3A_51 = arith.mulf %squeeze3A_49, %mul3A_50 : f32
    %slice3A_52 = vector.extract_strided_slice %get3A_21 {offsets = [8], sizes = [1], strides = [1]} : vector<16xf32> to vector<1xf32>
    %squeeze3A_53 = vector.extract %slice3A_52[0] : f32 from vector<1xf32>
    %mul3A_54 = arith.constant 1.000000e+01 : f32
    %mul3A_55 = arith.mulf %squeeze3A_53, %mul3A_54 : f32
    %scan3A = arith.constant 0 : i32
    %scan3A_56 = arith.constant 0 : i32
    %scan3A_57 = arith.constant 156 : i32
    %scan3A_58 = arith.addi %scan3A_56, %scan3A_57 : i32
    %scan3A_59 = arith.constant 1 : i32
    scf.for %scan3A_877 = %scan3A_56 to %scan3A_58 step %scan3A_59  : i32 {
      %mul3A_878 = arith.constant 128 : i32
      %mul3A_879 = arith.muli %scan3A_877, %mul3A_878 : i32
      %add3A_880 = arith.constant 0 : i32
      %add3A_881 = arith.addi %mul3A_879, %add3A_880 : i32
      %iota3A_882 = tpu.iota {dimensions = array<i32: 0>} : vector<16xi32>
      %get3A_883 = arith.index_cast %add3A_881 : i32 to index
      %get3A_884 = tpu.vector_load %arg11[%get3A_883] {strides = array<i32>} : memref<20000xi32, #tpu.memory_space<vmem>>, vector<16xi32>,
      %and3A_885 = arith.constant 65535 : i32
      %and3A_886 = vector.broadcast %and3A_885 : i32 to vector<16xi32>
      %and3A_887 = arith.andi %get3A_884, %and3A_886 : vector<16xi32>
      %shift_right_logical3A_888 = arith.constant 16 : i32
      %shift_right_logical3A_889 = vector.broadcast %shift_right_logical3A_888 : i32 to vector<16xi32>
      %shift_right_logical3A_890 = arith.shrui %get3A_884, %shift_right_logical3A_889 : vector<16xi32>
      %add3A_891 = vector.broadcast %add3A_881 : i32 to vector<16xi32>
      %add3A_892 = arith.addi %add3A_891, %iota3A_882 : vector<16xi32>
      %shift_right_logical3A_893 = arith.constant 1 : i32
      %shift_right_logical3A_894 = vector.broadcast %shift_right_logical3A_893 : i32 to vector<16xi32>
      %shift_right_logical3A_895 = arith.shrui %add3A_892, %shift_right_logical3A_894 : vector<16xi32>
      %gather3A_896 = tpu.vector_load_idx %arg12[%shift_right_logical3A_895] : memref<10000xi32, #tpu.memory_space<vmem>>[vector<16xi32>], vector<16xi32>,
      %and3A_897 = arith.constant 1 : i32
      %and3A_898 = vector.broadcast %and3A_897 : i32 to vector<16xi32>
      %and3A_899 = arith.andi %add3A_892, %and3A_898 : vector<16xi32>
      %mul3A_900 = arith.constant 5 : i32
      %mul3A_901 = vector.broadcast %mul3A_900 : i32 to vector<16xi32>
      %mul3A_902 = arith.muli %and3A_899, %mul3A_901 : vector<16xi32>
      %shift_right_logical3A_903 = arith.shrui %gather3A_896, %mul3A_902 : vector<16xi32>
      %and3A_904 = arith.constant 31 : i32
      %and3A_905 = vector.broadcast %and3A_904 : i32 to vector<16xi32>
      %and3A_906 = arith.andi %shift_right_logical3A_903, %and3A_905 : vector<16xi32>
      %mul3A_907 = arith.constant 21846 : i32
      %mul3A_908 = vector.broadcast %mul3A_907 : i32 to vector<16xi32>
      %mul3A_909 = arith.muli %and3A_906, %mul3A_908 : vector<16xi32>
      %shift_right_logical3A_910 = arith.constant 16 : i32
      %shift_right_logical3A_911 = vector.broadcast %shift_right_logical3A_910 : i32 to vector<16xi32>
      %shift_right_logical3A_912 = arith.shrui %mul3A_909, %shift_right_logical3A_911 : vector<16xi32>
      %mul3A_913 = arith.constant 7282 : i32
      %mul3A_914 = vector.broadcast %mul3A_913 : i32 to vector<16xi32>
      %mul3A_915 = arith.muli %and3A_906, %mul3A_914 : vector<16xi32>
      %shift_right_logical3A_916 = arith.constant 16 : i32
      %shift_right_logical3A_917 = vector.broadcast %shift_right_logical3A_916 : i32 to vector<16xi32>
      %shift_right_logical3A_918 = arith.shrui %mul3A_915, %shift_right_logical3A_917 : vector<16xi32>
      %mul3A_919 = arith.constant 3 : i32
      %mul3A_920 = vector.broadcast %mul3A_919 : i32 to vector<16xi32>
      %mul3A_921 = arith.muli %mul3A_920, %shift_right_logical3A_912 : vector<16xi32>
      %sub3A_922 = arith.subi %and3A_906, %mul3A_921 : vector<16xi32>
      %mul3A_923 = arith.constant 3 : i32
      %mul3A_924 = vector.broadcast %mul3A_923 : i32 to vector<16xi32>
      %mul3A_925 = arith.muli %mul3A_924, %shift_right_logical3A_918 : vector<16xi32>
      %sub3A_926 = arith.subi %shift_right_logical3A_912, %mul3A_925 : vector<16xi32>
      %convert_element_type3A_927 = arith.sitofp %sub3A_922 : vector<16xi32> to vector<16xf32>
      %convert_element_type3A_928 = arith.sitofp %sub3A_926 : vector<16xi32> to vector<16xf32>
      %convert_element_type3A_929 = arith.sitofp %shift_right_logical3A_918 : vector<16xi32> to vector<16xf32>
      %mul3A_930 = arith.constant 3 : i32
      %mul3A_931 = vector.broadcast %mul3A_930 : i32 to vector<16xi32>
      %mul3A_932 = arith.muli %and3A_887, %mul3A_931 : vector<16xi32>
      %mul3A_933 = arith.constant 3 : i32
      %mul3A_934 = vector.broadcast %mul3A_933 : i32 to vector<16xi32>
      %mul3A_935 = arith.muli %shift_right_logical3A_890, %mul3A_934 : vector<16xi32>
      %add3A_936 = arith.constant 0 : i32
      %add3A_937 = vector.broadcast %add3A_936 : i32 to vector<16xi32>
      %add3A_938 = arith.addi %mul3A_932, %add3A_937 : vector<16xi32>
      %gather3A_939 = tpu.vector_load_idx %arg9[%add3A_938] : memref<30000xf32, #tpu.memory_space<vmem>>[vector<16xi32>], vector<16xf32>,
      %add3A_940 = arith.constant 1 : i32
      %add3A_941 = vector.broadcast %add3A_940 : i32 to vector<16xi32>
      %add3A_942 = arith.addi %mul3A_932, %add3A_941 : vector<16xi32>
      %gather3A_943 = tpu.vector_load_idx %arg9[%add3A_942] : memref<30000xf32, #tpu.memory_space<vmem>>[vector<16xi32>], vector<16xf32>,
      %add3A_944 = arith.constant 2 : i32
      %add3A_945 = vector.broadcast %add3A_944 : i32 to vector<16xi32>
      %add3A_946 = arith.addi %mul3A_932, %add3A_945 : vector<16xi32>
      %gather3A_947 = tpu.vector_load_idx %arg9[%add3A_946] : memref<30000xf32, #tpu.memory_space<vmem>>[vector<16xi32>], vector<16xf32>,
      %add3A_948 = arith.constant 0 : i32
      %add3A_949 = vector.broadcast %add3A_948 : i32 to vector<16xi32>
      %add3A_950 = arith.addi %mul3A_935, %add3A_949 : vector<16xi32>
      %gather3A_951 = tpu.vector_load_idx %arg9[%add3A_950] : memref<30000xf32, #tpu.memory_space<vmem>>[vector<16xi32>], vector<16xf32>,
      %add3A_952 = arith.constant 1 : i32
      %add3A_953 = vector.broadcast %add3A_952 : i32 to vector<16xi32>
      %add3A_954 = arith.addi %mul3A_935, %add3A_953 : vector<16xi32>
      %gather3A_955 = tpu.vector_load_idx %arg9[%add3A_954] : memref<30000xf32, #tpu.memory_space<vmem>>[vector<16xi32>], vector<16xf32>,
      %add3A_956 = arith.constant 2 : i32
      %add3A_957 = vector.broadcast %add3A_956 : i32 to vector<16xi32>
      %add3A_958 = arith.addi %mul3A_935, %add3A_957 : vector<16xi32>
      %gather3A_959 = tpu.vector_load_idx %arg9[%add3A_958] : memref<30000xf32, #tpu.memory_space<vmem>>[vector<16xi32>], vector<16xf32>,
      %gather3A_960 = tpu.vector_load_idx %arg10[%and3A_887] : memref<10000xi32, #tpu.memory_space<vmem>>[vector<16xi32>], vector<16xi32>,
      %sub3A_961 = arith.subf %gather3A_951, %gather3A_939 : vector<16xf32>
      %mul3A_962 = arith.constant 1.000000e+01 : f32
      %mul3A_963 = vector.broadcast %mul3A_962 : f32 to vector<16xf32>
      %mul3A_964 = arith.mulf %sub3A_961, %mul3A_963 : vector<16xf32>
      %mul3A_965 = vector.broadcast %mul3A_23 : f32 to vector<16xf32>
      %mul3A_966 = arith.mulf %convert_element_type3A_927, %mul3A_965 : vector<16xf32>
      %add3A_967 = arith.addf %mul3A_964, %mul3A_966 : vector<16xf32>
      %mul3A_968 = vector.broadcast %mul3A_35 : f32 to vector<16xf32>
      %mul3A_969 = arith.mulf %convert_element_type3A_928, %mul3A_968 : vector<16xf32>
      %add3A_970 = arith.addf %add3A_967, %mul3A_969 : vector<16xf32>
      %mul3A_971 = vector.broadcast %mul3A_47 : f32 to vector<16xf32>
      %mul3A_972 = arith.mulf %convert_element_type3A_929, %mul3A_971 : vector<16xf32>
      %add3A_973 = arith.addf %add3A_970, %mul3A_972 : vector<16xf32>
      %mul3A_974 = arith.mulf %add3A_973, %add3A_973 : vector<16xf32>
      %add3A_975 = arith.constant 9.99999971E-10 : f32
      %add3A_976 = vector.broadcast %add3A_975 : f32 to vector<16xf32>
      %add3A_977 = arith.addf %add3A_976, %mul3A_974 : vector<16xf32>
      %sub3A_978 = arith.subf %gather3A_955, %gather3A_943 : vector<16xf32>
      %mul3A_979 = arith.constant 1.000000e+01 : f32
      %mul3A_980 = vector.broadcast %mul3A_979 : f32 to vector<16xf32>
      %mul3A_981 = arith.mulf %sub3A_978, %mul3A_980 : vector<16xf32>
      %mul3A_982 = vector.broadcast %mul3A_27 : f32 to vector<16xf32>
      %mul3A_983 = arith.mulf %convert_element_type3A_927, %mul3A_982 : vector<16xf32>
      %add3A_984 = arith.addf %mul3A_981, %mul3A_983 : vector<16xf32>
      %mul3A_985 = vector.broadcast %mul3A_39 : f32 to vector<16xf32>
      %mul3A_986 = arith.mulf %convert_element_type3A_928, %mul3A_985 : vector<16xf32>
      %add3A_987 = arith.addf %add3A_984, %mul3A_986 : vector<16xf32>
      %mul3A_988 = vector.broadcast %mul3A_51 : f32 to vector<16xf32>
      %mul3A_989 = arith.mulf %convert_element_type3A_929, %mul3A_988 : vector<16xf32>
      %add3A_990 = arith.addf %add3A_987, %mul3A_989 : vector<16xf32>
      %mul3A_991 = arith.mulf %add3A_990, %add3A_990 : vector<16xf32>
      %add3A_992 = arith.addf %add3A_977, %mul3A_991 : vector<16xf32>
      %sub3A_993 = arith.subf %gather3A_959, %gather3A_947 : vector<16xf32>
      %mul3A_994 = arith.constant 1.000000e+01 : f32
      %mul3A_995 = vector.broadcast %mul3A_994 : f32 to vector<16xf32>
      %mul3A_996 = arith.mulf %sub3A_993, %mul3A_995 : vector<16xf32>
      %mul3A_997 = vector.broadcast %mul3A_31 : f32 to vector<16xf32>
      %mul3A_998 = arith.mulf %convert_element_type3A_927, %mul3A_997 : vector<16xf32>
      %add3A_999 = arith.addf %mul3A_996, %mul3A_998 : vector<16xf32>
      %mul3A_1000 = vector.broadcast %mul3A_43 : f32 to vector<16xf32>
      %mul3A_1001 = arith.mulf %convert_element_type3A_928, %mul3A_1000 : vector<16xf32>
      %add3A_1002 = arith.addf %add3A_999, %mul3A_1001 : vector<16xf32>
      %mul3A_1003 = vector.broadcast %mul3A_55 : f32 to vector<16xf32>
      %mul3A_1004 = arith.mulf %convert_element_type3A_929, %mul3A_1003 : vector<16xf32>
      %add3A_1005 = arith.addf %add3A_1002, %mul3A_1004 : vector<16xf32>
      %mul3A_1006 = arith.mulf %add3A_1005, %add3A_1005 : vector<16xf32>
      %add3A_1007 = arith.addf %add3A_992, %mul3A_1006 : vector<16xf32>
      %bitcast3A_1008 = vector.bitcast %add3A_1007 : vector<16xf32> to vector<16xi32>
      %shift_right_logical3A_1009 = arith.constant 1 : i32
      %shift_right_logical3A_1010 = vector.broadcast %shift_right_logical3A_1009 : i32 to vector<16xi32>
      %shift_right_logical3A_1011 = arith.shrui %bitcast3A_1008, %shift_right_logical3A_1010 : vector<16xi32>
      %sub3A_1012 = arith.constant 1597463007 : i32
      %sub3A_1013 = vector.broadcast %sub3A_1012 : i32 to vector<16xi32>
      %sub3A_1014 = arith.subi %sub3A_1013, %shift_right_logical3A_1011 : vector<16xi32>
      %bitcast3A_1015 = vector.bitcast %sub3A_1014 : vector<16xi32> to vector<16xf32>
      %mul3A_1016 = arith.constant 5.000000e-01 : f32
      %mul3A_1017 = vector.broadcast %mul3A_1016 : f32 to vector<16xf32>
      %mul3A_1018 = arith.mulf %mul3A_1017, %add3A_1007 : vector<16xf32>
      %mul3A_1019 = arith.mulf %mul3A_1018, %bitcast3A_1015 : vector<16xf32>
      %mul3A_1020 = arith.mulf %mul3A_1019, %bitcast3A_1015 : vector<16xf32>
      %sub3A_1021 = arith.constant 1.500000e+00 : f32
      %sub3A_1022 = vector.broadcast %sub3A_1021 : f32 to vector<16xf32>
      %sub3A_1023 = arith.subf %sub3A_1022, %mul3A_1020 : vector<16xf32>
      %mul3A_1024 = arith.mulf %bitcast3A_1015, %sub3A_1023 : vector<16xf32>
      %mul3A_1025 = arith.constant 5.000000e-01 : f32
      %mul3A_1026 = vector.broadcast %mul3A_1025 : f32 to vector<16xf32>
      %mul3A_1027 = arith.mulf %mul3A_1026, %add3A_1007 : vector<16xf32>
      %mul3A_1028 = arith.mulf %mul3A_1027, %mul3A_1024 : vector<16xf32>
      %mul3A_1029 = arith.mulf %mul3A_1028, %mul3A_1024 : vector<16xf32>
      %sub3A_1030 = arith.constant 1.500000e+00 : f32
      %sub3A_1031 = vector.broadcast %sub3A_1030 : f32 to vector<16xf32>
      %sub3A_1032 = arith.subf %sub3A_1031, %mul3A_1029 : vector<16xf32>
      %mul3A_1033 = arith.mulf %mul3A_1024, %sub3A_1032 : vector<16xf32>
      %mul3A_1034 = arith.constant 5.000000e-01 : f32
      %mul3A_1035 = vector.broadcast %mul3A_1034 : f32 to vector<16xf32>
      %mul3A_1036 = arith.mulf %mul3A_1035, %add3A_1007 : vector<16xf32>
      %mul3A_1037 = arith.mulf %mul3A_1036, %mul3A_1033 : vector<16xf32>
      %mul3A_1038 = arith.mulf %mul3A_1037, %mul3A_1033 : vector<16xf32>
      %sub3A_1039 = arith.constant 1.500000e+00 : f32
      %sub3A_1040 = vector.broadcast %sub3A_1039 : f32 to vector<16xf32>
      %sub3A_1041 = arith.subf %sub3A_1040, %mul3A_1038 : vector<16xf32>
      %mul3A_1042 = arith.mulf %mul3A_1033, %sub3A_1041 : vector<16xf32>
      %mul3A_1043 = arith.mulf %add3A_1007, %mul3A_1042 : vector<16xf32>
      %mul3A_1044 = arith.constant 2.000000e-01 : f32
      %mul3A_1045 = vector.broadcast %mul3A_1044 : f32 to vector<16xf32>
      %mul3A_1046 = arith.mulf %mul3A_1043, %mul3A_1045 : vector<16xf32>
      %min3A_1047 = arith.constant 1.000000e+00 : f32
      %min3A_1048 = vector.broadcast %min3A_1047 : f32 to vector<16xf32>
      %min3A_1049 = arith.minimumf %mul3A_1046, %min3A_1048 : vector<16xf32>
      %mul3A_1050 = arith.constant 3.14159274 : f32
      %mul3A_1051 = vector.broadcast %mul3A_1050 : f32 to vector<16xf32>
      %mul3A_1052 = arith.mulf %mul3A_1051, %min3A_1049 : vector<16xf32>
      %sub3A_1053 = arith.constant 1.57079637 : f32
      %sub3A_1054 = vector.broadcast %sub3A_1053 : f32 to vector<16xf32>
      %sub3A_1055 = arith.subf %mul3A_1052, %sub3A_1054 : vector<16xf32>
      %mul3A_1056 = arith.mulf %sub3A_1055, %sub3A_1055 : vector<16xf32>
      %mul3A_1057 = arith.constant 2.08767559E-9 : f32
      %mul3A_1058 = vector.broadcast %mul3A_1057 : f32 to vector<16xf32>
      %mul3A_1059 = arith.mulf %mul3A_1058, %mul3A_1056 : vector<16xf32>
      %add3A_1060 = arith.constant -2.755732E-7 : f32
      %add3A_1061 = vector.broadcast %add3A_1060 : f32 to vector<16xf32>
      %add3A_1062 = arith.addf %mul3A_1059, %add3A_1061 : vector<16xf32>
      %mul3A_1063 = arith.mulf %add3A_1062, %mul3A_1056 : vector<16xf32>
      %add3A_1064 = arith.constant 2.48015876E-5 : f32
      %add3A_1065 = vector.broadcast %add3A_1064 : f32 to vector<16xf32>
      %add3A_1066 = arith.addf %mul3A_1063, %add3A_1065 : vector<16xf32>
      %mul3A_1067 = arith.mulf %add3A_1066, %mul3A_1056 : vector<16xf32>
      %add3A_1068 = arith.constant -0.00138888892 : f32
      %add3A_1069 = vector.broadcast %add3A_1068 : f32 to vector<16xf32>
      %add3A_1070 = arith.addf %mul3A_1067, %add3A_1069 : vector<16xf32>
      %mul3A_1071 = arith.mulf %add3A_1070, %mul3A_1056 : vector<16xf32>
      %add3A_1072 = arith.constant 0.0416666679 : f32
      %add3A_1073 = vector.broadcast %add3A_1072 : f32 to vector<16xf32>
      %add3A_1074 = arith.addf %mul3A_1071, %add3A_1073 : vector<16xf32>
      %mul3A_1075 = arith.mulf %add3A_1074, %mul3A_1056 : vector<16xf32>
      %add3A_1076 = arith.constant -5.000000e-01 : f32
      %add3A_1077 = vector.broadcast %add3A_1076 : f32 to vector<16xf32>
      %add3A_1078 = arith.addf %mul3A_1075, %add3A_1077 : vector<16xf32>
      %mul3A_1079 = arith.mulf %add3A_1078, %mul3A_1056 : vector<16xf32>
      %add3A_1080 = arith.constant 1.000000e+00 : f32
      %add3A_1081 = vector.broadcast %add3A_1080 : f32 to vector<16xf32>
      %add3A_1082 = arith.addf %mul3A_1079, %add3A_1081 : vector<16xf32>
      %mul3A_1083 = arith.constant -2.50521079E-8 : f32
      %mul3A_1084 = vector.broadcast %mul3A_1083 : f32 to vector<16xf32>
      %mul3A_1085 = arith.mulf %mul3A_1084, %mul3A_1056 : vector<16xf32>
      %add3A_1086 = arith.constant 2.75573188E-6 : f32
      %add3A_1087 = vector.broadcast %add3A_1086 : f32 to vector<16xf32>
      %add3A_1088 = arith.addf %mul3A_1085, %add3A_1087 : vector<16xf32>
      %mul3A_1089 = arith.mulf %add3A_1088, %mul3A_1056 : vector<16xf32>
      %add3A_1090 = arith.constant -1.98412701E-4 : f32
      %add3A_1091 = vector.broadcast %add3A_1090 : f32 to vector<16xf32>
      %add3A_1092 = arith.addf %mul3A_1089, %add3A_1091 : vector<16xf32>
      %mul3A_1093 = arith.mulf %add3A_1092, %mul3A_1056 : vector<16xf32>
      %add3A_1094 = arith.constant 0.00833333377 : f32
      %add3A_1095 = vector.broadcast %add3A_1094 : f32 to vector<16xf32>
      %add3A_1096 = arith.addf %mul3A_1093, %add3A_1095 : vector<16xf32>
      %mul3A_1097 = arith.mulf %add3A_1096, %mul3A_1056 : vector<16xf32>
      %add3A_1098 = arith.constant -0.166666672 : f32
      %add3A_1099 = vector.broadcast %add3A_1098 : f32 to vector<16xf32>
      %add3A_1100 = arith.addf %mul3A_1097, %add3A_1099 : vector<16xf32>
      %mul3A_1101 = arith.mulf %add3A_1100, %mul3A_1056 : vector<16xf32>
      %add3A_1102 = arith.constant 1.000000e+00 : f32
      %add3A_1103 = vector.broadcast %add3A_1102 : f32 to vector<16xf32>
      %add3A_1104 = arith.addf %mul3A_1101, %add3A_1103 : vector<16xf32>
      %mul3A_1105 = arith.mulf %add3A_1104, %sub3A_1055 : vector<16xf32>
      %neg3A_1106 = arith.constant 0.000000e+00 : f32
      %neg3A_1107 = vector.broadcast %neg3A_1106 : f32 to vector<16xf32>
      %neg3A_1108 = arith.subf %neg3A_1107, %mul3A_1105 : vector<16xf32>
      %mul3A_1109 = arith.constant 2.000000e+00 : f32
      %mul3A_1110 = vector.broadcast %mul3A_1109 : f32 to vector<16xf32>
      %mul3A_1111 = arith.mulf %mul3A_1110, %neg3A_1108 : vector<16xf32>
      %mul3A_1112 = arith.mulf %mul3A_1111, %add3A_1082 : vector<16xf32>
      %mul3A_1113 = arith.mulf %mul3A_1111, %mul3A_1112 : vector<16xf32>
      %sub3A_1114 = arith.subf %mul3A_1113, %add3A_1082 : vector<16xf32>
      %mul3A_1115 = arith.mulf %mul3A_1111, %sub3A_1114 : vector<16xf32>
      %sub3A_1116 = arith.subf %mul3A_1115, %mul3A_1112 : vector<16xf32>
      %mul3A_1117 = arith.mulf %mul3A_1111, %sub3A_1116 : vector<16xf32>
      %sub3A_1118 = arith.subf %mul3A_1117, %sub3A_1114 : vector<16xf32>
      %mul3A_1119 = arith.mulf %mul3A_1111, %sub3A_1118 : vector<16xf32>
      %sub3A_1120 = arith.subf %mul3A_1119, %sub3A_1116 : vector<16xf32>
      %mul3A_1121 = arith.mulf %mul3A_1111, %sub3A_1120 : vector<16xf32>
      %sub3A_1122 = arith.subf %mul3A_1121, %sub3A_1118 : vector<16xf32>
      %mul3A_1123 = arith.mulf %mul3A_1111, %sub3A_1122 : vector<16xf32>
      %sub3A_1124 = arith.subf %mul3A_1123, %sub3A_1120 : vector<16xf32>
      %mul3A_1125 = arith.mulf %min3A_1049, %min3A_1049 : vector<16xf32>
      %mul3A_1126 = arith.mulf %mul3A_1125, %min3A_1049 : vector<16xf32>
      %mul3A_1127 = arith.mulf %mul3A_1126, %mul3A_1126 : vector<16xf32>
      %mul3A_1128 = arith.mulf %mul3A_1127, %min3A_1049 : vector<16xf32>
      %mul3A_1129 = arith.mulf %mul3A_1128, %min3A_1049 : vector<16xf32>
      %mul3A_1130 = arith.constant 2.800000e+01 : f32
      %mul3A_1131 = vector.broadcast %mul3A_1130 : f32 to vector<16xf32>
      %mul3A_1132 = arith.mulf %mul3A_1131, %mul3A_1127 : vector<16xf32>
      %sub3A_1133 = arith.constant 1.000000e+00 : f32
      %sub3A_1134 = vector.broadcast %sub3A_1133 : f32 to vector<16xf32>
      %sub3A_1135 = arith.subf %sub3A_1134, %mul3A_1132 : vector<16xf32>
      %mul3A_1136 = arith.constant 4.800000e+01 : f32
      %mul3A_1137 = vector.broadcast %mul3A_1136 : f32 to vector<16xf32>
      %mul3A_1138 = arith.mulf %mul3A_1137, %mul3A_1128 : vector<16xf32>
      %add3A_1139 = arith.addf %sub3A_1135, %mul3A_1138 : vector<16xf32>
      %mul3A_1140 = arith.constant 2.100000e+01 : f32
      %mul3A_1141 = vector.broadcast %mul3A_1140 : f32 to vector<16xf32>
      %mul3A_1142 = arith.mulf %mul3A_1141, %mul3A_1129 : vector<16xf32>
      %sub3A_1143 = arith.subf %add3A_1139, %mul3A_1142 : vector<16xf32>
      %mul3A_1144 = arith.constant 0.632455527 : f32
      %mul3A_1145 = vector.broadcast %mul3A_1144 : f32 to vector<16xf32>
      %mul3A_1146 = arith.mulf %mul3A_1145, %sub3A_1143 : vector<16xf32>
      %mul3A_1147 = arith.mulf %mul3A_1146, %mul3A_1042 : vector<16xf32>
      %lt3A_1148 = arith.constant 1.000000e+00 : f32
      %lt3A_1149 = vector.broadcast %lt3A_1148 : f32 to vector<16xf32>
      %lt3A_1150 = arith.cmpf olt, %mul3A_1046, %lt3A_1149 : vector<16xf32>
      %jit3A_1151 = arith.constant 0.000000e+00 : f32
      %broadcast_in_dim3A_1152 = vector.broadcast %jit3A_1151 : f32 to vector<16xf32>
      %select_n3A_1153 = arith.select %lt3A_1150, %mul3A_1147, %broadcast_in_dim3A_1152 : vector<16xi1>, vector<16xf32>
      %mul3A_1154 = arith.constant 5 : i32
      %mul3A_1155 = arith.muli %mul3A_1154, %arg0 : i32
      %sub3A_1156 = vector.broadcast %mul3A_1155 : i32 to vector<16xi32>
      %sub3A_1157 = arith.subi %gather3A_960, %sub3A_1156 : vector<16xi32>
      %ge3A_1158 = arith.constant 0 : i32
      %ge3A_1159 = vector.broadcast %ge3A_1158 : i32 to vector<16xi32>
      %ge3A_1160 = arith.cmpi sge, %sub3A_1157, %ge3A_1159 : vector<16xi32>
      %lt3A_1161 = arith.constant 5 : i32
      %lt3A_1162 = vector.broadcast %lt3A_1161 : i32 to vector<16xi32>
      %lt3A_1163 = arith.cmpi slt, %sub3A_1157, %lt3A_1162 : vector<16xi32>
      %and3A_1164 = arith.andi %ge3A_1160, %lt3A_1163 : vector<16xi1>
      %mul3A_1165 = arith.constant 5 : i32
      %mul3A_1166 = vector.broadcast %mul3A_1165 : i32 to vector<16xi32>
      %mul3A_1167 = arith.muli %shift_right_logical3A_890, %mul3A_1166 : vector<16xi32>
      %add3A_1168 = arith.addi %mul3A_1167, %sub3A_1157 : vector<16xi32>
      %mul3A_1169 = arith.constant 8 : i32
      %mul3A_1170 = vector.broadcast %mul3A_1169 : i32 to vector<16xi32>
      %mul3A_1171 = arith.muli %add3A_1168, %mul3A_1170 : vector<16xi32>
      %jit3A_1172 = arith.constant 400000 : i32
      %broadcast_in_dim3A_1173 = vector.broadcast %jit3A_1172 : i32 to vector<16xi32>
      %select_n3A_1174 = arith.select %and3A_1164, %mul3A_1171, %broadcast_in_dim3A_1173 : vector<16xi1>, vector<16xi32>
      %mul3A_1175 = arith.mulf %add3A_1082, %select_n3A_1153 : vector<16xf32>
      %mul3A_1176 = arith.mulf %mul3A_1112, %select_n3A_1153 : vector<16xf32>
      %mul3A_1177 = arith.mulf %sub3A_1114, %select_n3A_1153 : vector<16xf32>
      %mul3A_1178 = arith.mulf %sub3A_1116, %select_n3A_1153 : vector<16xf32>
      %mul3A_1179 = arith.mulf %sub3A_1118, %select_n3A_1153 : vector<16xf32>
      %mul3A_1180 = arith.mulf %sub3A_1120, %select_n3A_1153 : vector<16xf32>
      %mul3A_1181 = arith.mulf %sub3A_1122, %select_n3A_1153 : vector<16xf32>
      %mul3A_1182 = arith.mulf %sub3A_1124, %select_n3A_1153 : vector<16xf32>
      %add3A_1183 = arith.constant 0 : i32
      %add3A_1184 = vector.broadcast %add3A_1183 : i32 to vector<16xi32>
      %add3A_1185 = arith.addi %select_n3A_1174, %add3A_1184 : vector<16xi32>
      %swap3A_1186 = arith.constant 0 : i32
      %swap3A_1187 = arith.index_cast %swap3A_1186 : i32 to index
      %swap3A_1188 = arith.constant 0 : index
      %swap3A_1189 = tpu.vector_load %arg13[%swap3A_1187, %swap3A_1188] {strides = array<i32>} : memref<8x128xi32, #tpu.memory_space<vmem>>, vector<16xi32>,
      tpu.vector_store %arg13[%swap3A_1187, %swap3A_1188], %add3A_1185 {strides = array<i32>} : memref<8x128xi32, #tpu.memory_space<vmem>>, vector<16xi32>,
      %swap3A_1190 = arith.constant 0 : i32
      %swap3A_1191 = arith.index_cast %swap3A_1190 : i32 to index
      %swap3A_1192 = arith.constant 0 : index
      %swap3A_1193 = tpu.vector_load %arg14[%swap3A_1191, %swap3A_1192] {strides = array<i32>} : memref<8x128xf32, #tpu.memory_space<vmem>>, vector<16xf32>,
      tpu.vector_store %arg14[%swap3A_1191, %swap3A_1192], %mul3A_1175 {strides = array<i32>} : memref<8x128xf32, #tpu.memory_space<vmem>>, vector<16xf32>,
      %add3A_1194 = arith.constant 1 : i32
      %add3A_1195 = vector.broadcast %add3A_1194 : i32 to vector<16xi32>
      %add3A_1196 = arith.addi %select_n3A_1174, %add3A_1195 : vector<16xi32>
      %swap3A_1197 = arith.constant 1 : i32
      %swap3A_1198 = arith.index_cast %swap3A_1197 : i32 to index
      %swap3A_1199 = arith.constant 0 : index
      %swap3A_1200 = tpu.vector_load %arg13[%swap3A_1198, %swap3A_1199] {strides = array<i32>} : memref<8x128xi32, #tpu.memory_space<vmem>>, vector<16xi32>,
      tpu.vector_store %arg13[%swap3A_1198, %swap3A_1199], %add3A_1196 {strides = array<i32>} : memref<8x128xi32, #tpu.memory_space<vmem>>, vector<16xi32>,
      %swap3A_1201 = arith.constant 1 : i32
      %swap3A_1202 = arith.index_cast %swap3A_1201 : i32 to index
      %swap3A_1203 = arith.constant 0 : index
      %swap3A_1204 = tpu.vector_load %arg14[%swap3A_1202, %swap3A_1203] {strides = array<i32>} : memref<8x128xf32, #tpu.memory_space<vmem>>, vector<16xf32>,
      tpu.vector_store %arg14[%swap3A_1202, %swap3A_1203], %mul3A_1176 {strides = array<i32>} : memref<8x128xf32, #tpu.memory_space<vmem>>, vector<16xf32>,
      %add3A_1205 = arith.constant 2 : i32
      %add3A_1206 = vector.broadcast %add3A_1205 : i32 to vector<16xi32>
      %add3A_1207 = arith.addi %select_n3A_1174, %add3A_1206 : vector<16xi32>
      %swap3A_1208 = arith.constant 2 : i32
      %swap3A_1209 = arith.index_cast %swap3A_1208 : i32 to index
      %swap3A_1210 = arith.constant 0 : index
      %swap3A_1211 = tpu.vector_load %arg13[%swap3A_1209, %swap3A_1210] {strides = array<i32>} : memref<8x128xi32, #tpu.memory_space<vmem>>, vector<16xi32>,
      tpu.vector_store %arg13[%swap3A_1209, %swap3A_1210], %add3A_1207 {strides = array<i32>} : memref<8x128xi32, #tpu.memory_space<vmem>>, vector<16xi32>,
      %swap3A_1212 = arith.constant 2 : i32
      %swap3A_1213 = arith.index_cast %swap3A_1212 : i32 to index
      %swap3A_1214 = arith.constant 0 : index
      %swap3A_1215 = tpu.vector_load %arg14[%swap3A_1213, %swap3A_1214] {strides = array<i32>} : memref<8x128xf32, #tpu.memory_space<vmem>>, vector<16xf32>,
      tpu.vector_store %arg14[%swap3A_1213, %swap3A_1214], %mul3A_1177 {strides = array<i32>} : memref<8x128xf32, #tpu.memory_space<vmem>>, vector<16xf32>,
      %add3A_1216 = arith.constant 3 : i32
      %add3A_1217 = vector.broadcast %add3A_1216 : i32 to vector<16xi32>
      %add3A_1218 = arith.addi %select_n3A_1174, %add3A_1217 : vector<16xi32>
      %swap3A_1219 = arith.constant 3 : i32
      %swap3A_1220 = arith.index_cast %swap3A_1219 : i32 to index
      %swap3A_1221 = arith.constant 0 : index
      %swap3A_1222 = tpu.vector_load %arg13[%swap3A_1220, %swap3A_1221] {strides = array<i32>} : memref<8x128xi32, #tpu.memory_space<vmem>>, vector<16xi32>,
      tpu.vector_store %arg13[%swap3A_1220, %swap3A_1221], %add3A_1218 {strides = array<i32>} : memref<8x128xi32, #tpu.memory_space<vmem>>, vector<16xi32>,
      %swap3A_1223 = arith.constant 3 : i32
      %swap3A_1224 = arith.index_cast %swap3A_1223 : i32 to index
      %swap3A_1225 = arith.constant 0 : index
      %swap3A_1226 = tpu.vector_load %arg14[%swap3A_1224, %swap3A_1225] {strides = array<i32>} : memref<8x128xf32, #tpu.memory_space<vmem>>, vector<16xf32>,
      tpu.vector_store %arg14[%swap3A_1224, %swap3A_1225], %mul3A_1178 {strides = array<i32>} : memref<8x128xf32, #tpu.memory_space<vmem>>, vector<16xf32>,
      %add3A_1227 = arith.constant 4 : i32
      %add3A_1228 = vector.broadcast %add3A_1227 : i32 to vector<16xi32>
      %add3A_1229 = arith.addi %select_n3A_1174, %add3A_1228 : vector<16xi32>
      %swap3A_1230 = arith.constant 4 : i32
      %swap3A_1231 = arith.index_cast %swap3A_1230 : i32 to index
      %swap3A_1232 = arith.constant 0 : index
      %swap3A_1233 = tpu.vector_load %arg13[%swap3A_1231, %swap3A_1232] {strides = array<i32>} : memref<8x128xi32, #tpu.memory_space<vmem>>, vector<16xi32>,
      tpu.vector_store %arg13[%swap3A_1231, %swap3A_1232], %add3A_1229 {strides = array<i32>} : memref<8x128xi32, #tpu.memory_space<vmem>>, vector<16xi32>,
      %swap3A_1234 = arith.constant 4 : i32
      %swap3A_1235 = arith.index_cast %swap3A_1234 : i32 to index
      %swap3A_1236 = arith.constant 0 : index
      %swap3A_1237 = tpu.vector_load %arg14[%swap3A_1235, %swap3A_1236] {strides = array<i32>} : memref<8x128xf32, #tpu.memory_space<vmem>>, vector<16xf32>,
      tpu.vector_store %arg14[%swap3A_1235, %swap3A_1236], %mul3A_1179 {strides = array<i32>} : memref<8x128xf32, #tpu.memory_space<vmem>>, vector<16xf32>,
      %add3A_1238 = arith.constant 5 : i32
      %add3A_1239 = vector.broadcast %add3A_1238 : i32 to vector<16xi32>
      %add3A_1240 = arith.addi %select_n3A_1174, %add3A_1239 : vector<16xi32>
      %swap3A_1241 = arith.constant 5 : i32
      %swap3A_1242 = arith.index_cast %swap3A_1241 : i32 to index
      %swap3A_1243 = arith.constant 0 : index
      %swap3A_1244 = tpu.vector_load %arg13[%swap3A_1242, %swap3A_1243] {strides = array<i32>} : memref<8x128xi32, #tpu.memory_space<vmem>>, vector<16xi32>,
      tpu.vector_store %arg13[%swap3A_1242, %swap3A_1243], %add3A_1240 {strides = array<i32>} : memref<8x128xi32, #tpu.memory_space<vmem>>, vector<16xi32>,
      %swap3A_1245 = arith.constant 5 : i32
      %swap3A_1246 = arith.index_cast %swap3A_1245 : i32 to index
      %swap3A_1247 = arith.constant 0 : index
      %swap3A_1248 = tpu.vector_load %arg14[%swap3A_1246, %swap3A_1247] {strides = array<i32>} : memref<8x128xf32, #tpu.memory_space<vmem>>, vector<16xf32>,
      tpu.vector_store %arg14[%swap3A_1246, %swap3A_1247], %mul3A_1180 {strides = array<i32>} : memref<8x128xf32, #tpu.memory_space<vmem>>, vector<16xf32>,
      %add3A_1249 = arith.constant 6 : i32
      %add3A_1250 = vector.broadcast %add3A_1249 : i32 to vector<16xi32>
      %add3A_1251 = arith.addi %select_n3A_1174, %add3A_1250 : vector<16xi32>
      %swap3A_1252 = arith.constant 6 : i32
      %swap3A_1253 = arith.index_cast %swap3A_1252 : i32 to index
      %swap3A_1254 = arith.constant 0 : index
      %swap3A_1255 = tpu.vector_load %arg13[%swap3A_1253, %swap3A_1254] {strides = array<i32>} : memref<8x128xi32, #tpu.memory_space<vmem>>, vector<16xi32>,
      tpu.vector_store %arg13[%swap3A_1253, %swap3A_1254], %add3A_1251 {strides = array<i32>} : memref<8x128xi32, #tpu.memory_space<vmem>>, vector<16xi32>,
      %swap3A_1256 = arith.constant 6 : i32
      %swap3A_1257 = arith.index_cast %swap3A_1256 : i32 to index
      %swap3A_1258 = arith.constant 0 : index
      %swap3A_1259 = tpu.vector_load %arg14[%swap3A_1257, %swap3A_1258] {strides = array<i32>} : memref<8x128xf32, #tpu.memory_space<vmem>>, vector<16xf32>,
      tpu.vector_store %arg14[%swap3A_1257, %swap3A_1258], %mul3A_1181 {strides = array<i32>} : memref<8x128xf32, #tpu.memory_space<vmem>>, vector<16xf32>,
      %add3A_1260 = arith.constant 7 : i32
      %add3A_1261 = vector.broadcast %add3A_1260 : i32 to vector<16xi32>
      %add3A_1262 = arith.addi %select_n3A_1174, %add3A_1261 : vector<16xi32>
      %swap3A_1263 = arith.constant 7 : i32
      %swap3A_1264 = arith.index_cast %swap3A_1263 : i32 to index
      %swap3A_1265 = arith.constant 0 : index
      %swap3A_1266 = tpu.vector_load %arg13[%swap3A_1264, %swap3A_1265] {strides = array<i32>} : memref<8x128xi32, #tpu.memory_space<vmem>>, vector<16xi32>,
      tpu.vector_store %arg13[%swap3A_1264, %swap3A_1265], %add3A_1262 {strides = array<i32>} : memref<8x128xi32, #tpu.memory_space<vmem>>, vector<16xi32>,
      %swap3A_1267 = arith.constant 7 : i32
      %swap3A_1268 = arith.index_cast %swap3A_1267 : i32 to index
      %swap3A_1269 = arith.constant 0 : index
      %swap3A_1270 = tpu.vector_load %arg14[%swap3A_1268, %swap3A_1269] {strides = array<i32>} : memref<8x128xf32, #tpu.memory_space<vmem>>, vector<16xf32>,
      tpu.vector_store %arg14[%swap3A_1268, %swap3A_1269], %mul3A_1182 {strides = array<i32>} : memref<8x128xf32, #tpu.memory_space<vmem>>, vector<16xf32>,
      %add3A_1271 = arith.constant 16 : i32
      %add3A_1272 = arith.addi %mul3A_879, %add3A_1271 : i32
      %iota3A_1273 = tpu.iota {dimensions = array<i32: 0>} : vector<16xi32>
      %get3A_1274 = arith.index_cast %add3A_1272 : i32 to index
      %get3A_1275 = tpu.vector_load %arg11[%get3A_1274] {strides = array<i32>} : memref<20000xi32, #tpu.memory_space<vmem>>, vector<16xi32>,
      %and3A_1276 = arith.constant 65535 : i32
      %and3A_1277 = vector.broadcast %and3A_1276 : i32 to vector<16xi32>
      %and3A_1278 = arith.andi %get3A_1275, %and3A_1277 : vector<16xi32>
      %shift_right_logical3A_1279 = arith.constant 16 : i32
      %shift_right_logical3A_1280 = vector.broadcast %shift_right_logical3A_1279 : i32 to vector<16xi32>
      %shift_right_logical3A_1281 = arith.shrui %get3A_1275, %shift_right_logical3A_1280 : vector<16xi32>
      %add3A_1282 = vector.broadcast %add3A_1272 : i32 to vector<16xi32>
      %add3A_1283 = arith.addi %add3A_1282, %iota3A_1273 : vector<16xi32>
      %shift_right_logical3A_1284 = arith.constant 1 : i32
      %shift_right_logical3A_1285 = vector.broadcast %shift_right_logical3A_1284 : i32 to vector<16xi32>
      %shift_right_logical3A_1286 = arith.shrui %add3A_1283, %shift_right_logical3A_1285 : vector<16xi32>
      %gather3A_1287 = tpu.vector_load_idx %arg12[%shift_right_logical3A_1286] : memref<10000xi32, #tpu.memory_space<vmem>>[vector<16xi32>], vector<16xi32>,
      %and3A_1288 = arith.constant 1 : i32
      %and3A_1289 = vector.broadcast %and3A_1288 : i32 to vector<16xi32>
      %and3A_1290 = arith.andi %add3A_1283, %and3A_1289 : vector<16xi32>
      %mul3A_1291 = arith.constant 5 : i32
      %mul3A_1292 = vector.broadcast %mul3A_1291 : i32 to vector<16xi32>
      %mul3A_1293 = arith.muli %and3A_1290, %mul3A_1292 : vector<16xi32>
      %shift_right_logical3A_1294 = arith.shrui %gather3A_1287, %mul3A_1293 : vector<16xi32>
      %and3A_1295 = arith.constant 31 : i32
      %and3A_1296 = vector.broadcast %and3A_1295 : i32 to vector<16xi32>
      %and3A_1297 = arith.andi %shift_right_logical3A_1294, %and3A_1296 : vector<16xi32>
      %mul3A_1298 = arith.constant 21846 : i32
      %mul3A_1299 = vector.broadcast %mul3A_1298 : i32 to vector<16xi32>
      %mul3A_1300 = arith.muli %and3A_1297, %mul3A_1299 : vector<16xi32>
      %shift_right_logical3A_1301 = arith.constant 16 : i32
      %shift_right_logical3A_1302 = vector.broadcast %shift_right_logical3A_1301 : i32 to vector<16xi32>
      %shift_right_logical3A_1303 = arith.shrui %mul3A_1300, %shift_right_logical3A_1302 : vector<16xi32>
      %mul3A_1304 = arith.constant 7282 : i32
      %mul3A_1305 = vector.broadcast %mul3A_1304 : i32 to vector<16xi32>
      %mul3A_1306 = arith.muli %and3A_1297, %mul3A_1305 : vector<16xi32>
      %shift_right_logical3A_1307 = arith.constant 16 : i32
      %shift_right_logical3A_1308 = vector.broadcast %shift_right_logical3A_1307 : i32 to vector<16xi32>
      %shift_right_logical3A_1309 = arith.shrui %mul3A_1306, %shift_right_logical3A_1308 : vector<16xi32>
      %mul3A_1310 = arith.constant 3 : i32
      %mul3A_1311 = vector.broadcast %mul3A_1310 : i32 to vector<16xi32>
      %mul3A_1312 = arith.muli %mul3A_1311, %shift_right_logical3A_1303 : vector<16xi32>
      %sub3A_1313 = arith.subi %and3A_1297, %mul3A_1312 : vector<16xi32>
      %mul3A_1314 = arith.constant 3 : i32
      %mul3A_1315 = vector.broadcast %mul3A_1314 : i32 to vector<16xi32>
      %mul3A_1316 = arith.muli %mul3A_1315, %shift_right_logical3A_1309 : vector<16xi32>
      %sub3A_1317 = arith.subi %shift_right_logical3A_1303, %mul3A_1316 : vector<16xi32>
      %convert_element_type3A_1318 = arith.sitofp %sub3A_1313 : vector<16xi32> to vector<16xf32>
      %convert_element_type3A_1319 = arith.sitofp %sub3A_1317 : vector<16xi32> to vector<16xf32>
      %convert_element_type3A_1320 = arith.sitofp %shift_right_logical3A_1309 : vector<16xi32> to vector<16xf32>
      %mul3A_1321 = arith.constant 3 : i32
      %mul3A_1322 = vector.broadcast %mul3A_1321 : i32 to vector<16xi32>
      %mul3A_1323 = arith.muli %and3A_1278, %mul3A_1322 : vector<16xi32>
      %mul3A_1324 = arith.constant 3 : i32
      %mul3A_1325 = vector.broadcast %mul3A_1324 : i32 to vector<16xi32>
      %mul3A_1326 = arith.muli %shift_right_logical3A_1281, %mul3A_1325 : vector<16xi32>
      %add3A_1327 = arith.constant 0 : i32
      %add3A_1328 = vector.broadcast %add3A_1327 : i32 to vector<16xi32>
      %add3A_1329 = arith.addi %mul3A_1323, %add3A_1328 : vector<16xi32>
      %gather3A_1330 = tpu.vector_load_idx %arg9[%add3A_1329] : memref<30000xf32, #tpu.memory_space<vmem>>[vector<16xi32>], vector<16xf32>,
      %add3A_1331 = arith.constant 1 : i32
      %add3A_1332 = vector.broadcast %add3A_1331 : i32 to vector<16xi32>
      %add3A_1333 = arith.addi %mul3A_1323, %add3A_1332 : vector<16xi32>
      %gather3A_1334 = tpu.vector_load_idx %arg9[%add3A_1333] : memref<30000xf32, #tpu.memory_space<vmem>>[vector<16xi32>], vector<16xf32>,
      %add3A_1335 = arith.constant 2 : i32
      %add3A_1336 = vector.broadcast %add3A_1335 : i32 to vector<16xi32>
      %add3A_1337 = arith.addi %mul3A_1323, %add3A_1336 : vector<16xi32>
      %gather3A_1338 = tpu.vector_load_idx %arg9[%add3A_1337] : memref<30000xf32, #tpu.memory_space<vmem>>[vector<16xi32>], vector<16xf32>,
      %add3A_1339 = arith.constant 0 : i32
      %add3A_1340 = vector.broadcast %add3A_1339 : i32 to vector<16xi32>
      %add3A_1341 = arith.addi %mul3A_1326, %add3A_1340 : vector<16xi32>
      %gather3A_1342 = tpu.vector_load_idx %arg9[%add3A_1341] : memref<30000xf32, #tpu.memory_space<vmem>>[vector<16xi32>], vector<16xf32>,
      %add3A_1343 = arith.constant 1 : i32
      %add3A_1344 = vector.broadcast %add3A_1343 : i32 to vector<16xi32>
      %add3A_1345 = arith.addi %mul3A_1326, %add3A_1344 : vector<16xi32>
      %gather3A_1346 = tpu.vector_load_idx %arg9[%add3A_1345] : memref<30000xf32, #tpu.memory_space<vmem>>[vector<16xi32>], vector<16xf32>,
      %add3A_1347 = arith.constant 2 : i32
      %add3A_1348 = vector.broadcast %add3A_1347 : i32 to vector<16xi32>
      %add3A_1349 = arith.addi %mul3A_1326, %add3A_1348 : vector<16xi32>
      %gather3A_1350 = tpu.vector_load_idx %arg9[%add3A_1349] : memref<30000xf32, #tpu.memory_space<vmem>>[vector<16xi32>], vector<16xf32>,
      %gather3A_1351 = tpu.vector_load_idx %arg10[%and3A_1278] : memref<10000xi32, #tpu.memory_space<vmem>>[vector<16xi32>], vector<16xi32>,
      %sub3A_1352 = arith.subf %gather3A_1342, %gather3A_1330 : vector<16xf32>
      %mul3A_1353 = arith.constant 1.000000e+01 : f32
      %mul3A_1354 = vector.broadcast %mul3A_1353 : f32 to vector<16xf32>
      %mul3A_1355 = arith.mulf %sub3A_1352, %mul3A_1354 : vector<16xf32>
      %mul3A_1356 = vector.broadcast %mul3A_23 : f32 to vector<16xf32>
      %mul3A_1357 = arith.mulf %convert_element_type3A_1318, %mul3A_1356 : vector<16xf32>
      %add3A_1358 = arith.addf %mul3A_1355, %mul3A_1357 : vector<16xf32>
      %mul3A_1359 = vector.broadcast %mul3A_35 : f32 to vector<16xf32>
      %mul3A_1360 = arith.mulf %convert_element_type3A_1319, %mul3A_1359 : vector<16xf32>
      %add3A_1361 = arith.addf %add3A_1358, %mul3A_1360 : vector<16xf32>
      %mul3A_1362 = vector.broadcast %mul3A_47 : f32 to vector<16xf32>
      %mul3A_1363 = arith.mulf %convert_element_type3A_1320, %mul3A_1362 : vector<16xf32>
      %add3A_1364 = arith.addf %add3A_1361, %mul3A_1363 : vector<16xf32>
      %mul3A_1365 = arith.mulf %add3A_1364, %add3A_1364 : vector<16xf32>
      %add3A_1366 = arith.constant 9.99999971E-10 : f32
      %add3A_1367 = vector.broadcast %add3A_1366 : f32 to vector<16xf32>
      %add3A_1368 = arith.addf %add3A_1367, %mul3A_1365 : vector<16xf32>
      %sub3A_1369 = arith.subf %gather3A_1346, %gather3A_1334 : vector<16xf32>
      %mul3A_1370 = arith.constant 1.000000e+01 : f32
      %mul3A_1371 = vector.broadcast %mul3A_1370 : f32 to vector<16xf32>
      %mul3A_1372 = arith.mulf %sub3A_1369, %mul3A_1371 : vector<16xf32>
      %mul3A_1373 = vector.broadcast %mul3A_27 : f32 to vector<16xf32>
      %mul3A_1374 = arith.mulf %convert_element_type3A_1318, %mul3A_1373 : vector<16xf32>
      %add3A_1375 = arith.addf %mul3A_1372, %mul3A_1374 : vector<16xf32>
      %mul3A_1376 = vector.broadcast %mul3A_39 : f32 to vector<16xf32>
      %mul3A_1377 = arith.mulf %convert_element_type3A_1319, %mul3A_1376 : vector<16xf32>
      %add3A_1378 = arith.addf %add3A_1375, %mul3A_1377 : vector<16xf32>
      %mul3A_1379 = vector.broadcast %mul3A_51 : f32 to vector<16xf32>
      %mul3A_1380 = arith.mulf %convert_element_type3A_1320, %mul3A_1379 : vector<16xf32>
      %add3A_1381 = arith.addf %add3A_1378, %mul3A_1380 : vector<16xf32>
      %mul3A_1382 = arith.mulf %add3A_1381, %add3A_1381 : vector<16xf32>
      %add3A_1383 = arith.addf %add3A_1368, %mul3A_1382 : vector<16xf32>
      %sub3A_1384 = arith.subf %gather3A_1350, %gather3A_1338 : vector<16xf32>
      %mul3A_1385 = arith.constant 1.000000e+01 : f32
      %mul3A_1386 = vector.broadcast %mul3A_1385 : f32 to vector<16xf32>
      %mul3A_1387 = arith.mulf %sub3A_1384, %mul3A_1386 : vector<16xf32>
      %mul3A_1388 = vector.broadcast %mul3A_31 : f32 to vector<16xf32>
      %mul3A_1389 = arith.mulf %convert_element_type3A_1318, %mul3A_1388 : vector<16xf32>
      %add3A_1390 = arith.addf %mul3A_1387, %mul3A_1389 : vector<16xf32>
      %mul3A_1391 = vector.broadcast %mul3A_43 : f32 to vector<16xf32>
      %mul3A_1392 = arith.mulf %convert_element_type3A_1319, %mul3A_1391 : vector<16xf32>
      %add3A_1393 = arith.addf %add3A_1390, %mul3A_1392 : vector<16xf32>
      %mul3A_1394 = vector.broadcast %mul3A_55 : f32 to vector<16xf32>
      %mul3A_1395 = arith.mulf %convert_element_type3A_1320, %mul3A_1394 : vector<16xf32>
      %add3A_1396 = arith.addf %add3A_1393, %mul3A_1395 : vector<16xf32>
      %mul3A_1397 = arith.mulf %add3A_1396, %add3A_1396 : vector<16xf32>
      %add3A_1398 = arith.addf %add3A_1383, %mul3A_1397 : vector<16xf32>
      %bitcast3A_1399 = vector.bitcast %add3A_1398 : vector<16xf32> to vector<16xi32>
      %shift_right_logical3A_1400 = arith.constant 1 : i32
      %shift_right_logical3A_1401 = vector.broadcast %shift_right_logical3A_1400 : i32 to vector<16xi32>
      %shift_right_logical3A_1402 = arith.shrui %bitcast3A_1399, %shift_right_logical3A_1401 : vector<16xi32>
      %sub3A_1403 = arith.constant 1597463007 : i32
      %sub3A_1404 = vector.broadcast %sub3A_1403 : i32 to vector<16xi32>
      %sub3A_1405 = arith.subi %sub3A_1404, %shift_right_logical3A_1402 : vector<16xi32>
      %bitcast3A_1406 = vector.bitcast %sub3A_1405 : vector<16xi32> to vector<16xf32>
      %mul3A_1407 = arith.constant 5.000000e-01 : f32
      %mul3A_1408 = vector.broadcast %mul3A_1407 : f32 to vector<16xf32>
      %mul3A_1409 = arith.mulf %mul3A_1408, %add3A_1398 : vector<16xf32>
      %mul3A_1410 = arith.mulf %mul3A_1409, %bitcast3A_1406 : vector<16xf32>
      %mul3A_1411 = arith.mulf %mul3A_1410, %bitcast3A_1406 : vector<16xf32>
      %sub3A_1412 = arith.constant 1.500000e+00 : f32
      %sub3A_1413 = vector.broadcast %sub3A_1412 : f32 to vector<16xf32>
      %sub3A_1414 = arith.subf %sub3A_1413, %mul3A_1411 : vector<16xf32>
      %mul3A_1415 = arith.mulf %bitcast3A_1406, %sub3A_1414 : vector<16xf32>
      %mul3A_1416 = arith.constant 5.000000e-01 : f32
      %mul3A_1417 = vector.broadcast %mul3A_1416 : f32 to vector<16xf32>
      %mul3A_1418 = arith.mulf %mul3A_1417, %add3A_1398 : vector<16xf32>
      %mul3A_1419 = arith.mulf %mul3A_1418, %mul3A_1415 : vector<16xf32>
      %mul3A_1420 = arith.mulf %mul3A_1419, %mul3A_1415 : vector<16xf32>
      %sub3A_1421 = arith.constant 1.500000e+00 : f32
      %sub3A_1422 = vector.broadcast %sub3A_1421 : f32 to vector<16xf32>
      %sub3A_1423 = arith.subf %sub3A_1422, %mul3A_1420 : vector<16xf32>
      %mul3A_1424 = arith.mulf %mul3A_1415, %sub3A_1423 : vector<16xf32>
      %mul3A_1425 = arith.constant 5.000000e-01 : f32
      %mul3A_1426 = vector.broadcast %mul3A_1425 : f32 to vector<16xf32>
      %mul3A_1427 = arith.mulf %mul3A_1426, %add3A_1398 : vector<16xf32>
      %mul3A_1428 = arith.mulf %mul3A_1427, %mul3A_1424 : vector<16xf32>
      %mul3A_1429 = arith.mulf %mul3A_1428, %mul3A_1424 : vector<16xf32>
      %sub3A_1430 = arith.constant 1.500000e+00 : f32
      %sub3A_1431 = vector.broadcast %sub3A_1430 : f32 to vector<16xf32>
      %sub3A_1432 = arith.subf %sub3A_1431, %mul3A_1429 : vector<16xf32>
      %mul3A_1433 = arith.mulf %mul3A_1424, %sub3A_1432 : vector<16xf32>
      %mul3A_1434 = arith.mulf %add3A_1398, %mul3A_1433 : vector<16xf32>
      %mul3A_1435 = arith.constant 2.000000e-01 : f32
      %mul3A_1436 = vector.broadcast %mul3A_1435 : f32 to vector<16xf32>
      %mul3A_1437 = arith.mulf %mul3A_1434, %mul3A_1436 : vector<16xf32>
      %min3A_1438 = arith.constant 1.000000e+00 : f32
      %min3A_1439 = vector.broadcast %min3A_1438 : f32 to vector<16xf32>
      %min3A_1440 = arith.minimumf %mul3A_1437, %min3A_1439 : vector<16xf32>
      %mul3A_1441 = arith.constant 3.14159274 : f32
      %mul3A_1442 = vector.broadcast %mul3A_1441 : f32 to vector<16xf32>
      %mul3A_1443 = arith.mulf %mul3A_1442, %min3A_1440 : vector<16xf32>
      %sub3A_1444 = arith.constant 1.57079637 : f32
      %sub3A_1445 = vector.broadcast %sub3A_1444 : f32 to vector<16xf32>
      %sub3A_1446 = arith.subf %mul3A_1443, %sub3A_1445 : vector<16xf32>
      %mul3A_1447 = arith.mulf %sub3A_1446, %sub3A_1446 : vector<16xf32>
      %mul3A_1448 = arith.constant 2.08767559E-9 : f32
      %mul3A_1449 = vector.broadcast %mul3A_1448 : f32 to vector<16xf32>
      %mul3A_1450 = arith.mulf %mul3A_1449, %mul3A_1447 : vector<16xf32>
      %add3A_1451 = arith.constant -2.755732E-7 : f32
      %add3A_1452 = vector.broadcast %add3A_1451 : f32 to vector<16xf32>
      %add3A_1453 = arith.addf %mul3A_1450, %add3A_1452 : vector<16xf32>
      %mul3A_1454 = arith.mulf %add3A_1453, %mul3A_1447 : vector<16xf32>
      %add3A_1455 = arith.constant 2.48015876E-5 : f32
      %add3A_1456 = vector.broadcast %add3A_1455 : f32 to vector<16xf32>
      %add3A_1457 = arith.addf %mul3A_1454, %add3A_1456 : vector<16xf32>
      %mul3A_1458 = arith.mulf %add3A_1457, %mul3A_1447 : vector<16xf32>
      %add3A_1459 = arith.constant -0.00138888892 : f32
      %add3A_1460 = vector.broadcast %add3A_1459 : f32 to vector<16xf32>
      %add3A_1461 = arith.addf %mul3A_1458, %add3A_1460 : vector<16xf32>
      %mul3A_1462 = arith.mulf %add3A_1461, %mul3A_1447 : vector<16xf32>
      %add3A_1463 = arith.constant 0.0416666679 : f32
      %add3A_1464 = vector.broadcast %add3A_1463 : f32 to vector<16xf32>
      %add3A_1465 = arith.addf %mul3A_1462, %add3A_1464 : vector<16xf32>
      %mul3A_1466 = arith.mulf %add3A_1465, %mul3A_1447 : vector<16xf32>
      %add3A_1467 = arith.constant -5.000000e-01 : f32
      %add3A_1468 = vector.broadcast %add3A_1467 : f32 to vector<16xf32>
      %add3A_1469 = arith.addf %mul3A_1466, %add3A_1468 : vector<16xf32>
      %mul3A_1470 = arith.mulf %add3A_1469, %mul3A_1447 : vector<16xf32>
      %add3A_1471 = arith.constant 1.000000e+00 : f32
      %add3A_1472 = vector.broadcast %add3A_1471 : f32 to vector<16xf32>
      %add3A_1473 = arith.addf %mul3A_1470, %add3A_1472 : vector<16xf32>
      %mul3A_1474 = arith.constant -2.50521079E-8 : f32
      %mul3A_1475 = vector.broadcast %mul3A_1474 : f32 to vector<16xf32>
      %mul3A_1476 = arith.mulf %mul3A_1475, %mul3A_1447 : vector<16xf32>
      %add3A_1477 = arith.constant 2.75573188E-6 : f32
      %add3A_1478 = vector.broadcast %add3A_1477 : f32 to vector<16xf32>
      %add3A_1479 = arith.addf %mul3A_1476, %add3A_1478 : vector<16xf32>
      %mul3A_1480 = arith.mulf %add3A_1479, %mul3A_1447 : vector<16xf32>
      %add3A_1481 = arith.constant -1.98412701E-4 : f32
      %add3A_1482 = vector.broadcast %add3A_1481 : f32 to vector<16xf32>
      %add3A_1483 = arith.addf %mul3A_1480, %add3A_1482 : vector<16xf32>
      %mul3A_1484 = arith.mulf %add3A_1483, %mul3A_1447 : vector<16xf32>
      %add3A_1485 = arith.constant 0.00833333377 : f32
      %add3A_1486 = vector.broadcast %add3A_1485 : f32 to vector<16xf32>
      %add3A_1487 = arith.addf %mul3A_1484, %add3A_1486 : vector<16xf32>
      %mul3A_1488 = arith.mulf %add3A_1487, %mul3A_1447 : vector<16xf32>
      %add3A_1489 = arith.constant -0.166666672 : f32
      %add3A_1490 = vector.broadcast %add3A_1489 : f32 to vector<16xf32>
      %add3A_1491 = arith.addf %mul3A_1488, %add3A_1490 : vector<16xf32>
      %mul3A_1492 = arith.mulf %add3A_1491, %mul3A_1447 : vector<16xf32>
      %add3A_1493 = arith.constant 1.000000e+00 : f32
      %add3A_1494 = vector.broadcast %add3A_1493 : f32 to vector<16xf32>
      %add3A_1495 = arith.addf %mul3A_1492, %add3A_1494 : vector<16xf32>
      %mul3A_1496 = arith.mulf %add3A_1495, %sub3A_1446 : vector<16xf32>
      %neg3A_1497 = arith.constant 0.000000e+00 : f32
      %neg3A_1498 = vector.broadcast %neg3A_1497 : f32 to vector<16xf32>
      %neg3A_1499 = arith.subf %neg3A_1498, %mul3A_1496 : vector<16xf32>
      %mul3A_1500 = arith.constant 2.000000e+00 : f32
      %mul3A_1501 = vector.broadcast %mul3A_1500 : f32 to vector<16xf32>
      %mul3A_1502 = arith.mulf %mul3A_1501, %neg3A_1499 : vector<16xf32>
      %mul3A_1503 = arith.mulf %mul3A_1502, %add3A_1473 : vector<16xf32>
      %mul3A_1504 = arith.mulf %mul3A_1502, %mul3A_1503 : vector<16xf32>
      %sub3A_1505 = arith.subf %mul3A_1504, %add3A_1473 : vector<16xf32>
      %mul3A_1506 = arith.mulf %mul3A_1502, %sub3A_1505 : vector<16xf32>
      %sub3A_1507 = arith.subf %mul3A_1506, %mul3A_1503 : vector<16xf32>
      %mul3A_1508 = arith.mulf %mul3A_1502, %sub3A_1507 : vector<16xf32>
      %sub3A_1509 = arith.subf %mul3A_1508, %sub3A_1505 : vector<16xf32>
      %mul3A_1510 = arith.mulf %mul3A_1502, %sub3A_1509 : vector<16xf32>
      %sub3A_1511 = arith.subf %mul3A_1510, %sub3A_1507 : vector<16xf32>
      %mul3A_1512 = arith.mulf %mul3A_1502, %sub3A_1511 : vector<16xf32>
      %sub3A_1513 = arith.subf %mul3A_1512, %sub3A_1509 : vector<16xf32>
      %mul3A_1514 = arith.mulf %mul3A_1502, %sub3A_1513 : vector<16xf32>
      %sub3A_1515 = arith.subf %mul3A_1514, %sub3A_1511 : vector<16xf32>
      %mul3A_1516 = arith.mulf %min3A_1440, %min3A_1440 : vector<16xf32>
      %mul3A_1517 = arith.mulf %mul3A_1516, %min3A_1440 : vector<16xf32>
      %mul3A_1518 = arith.mulf %mul3A_1517, %mul3A_1517 : vector<16xf32>
      %mul3A_1519 = arith.mulf %mul3A_1518, %min3A_1440 : vector<16xf32>
      %mul3A_1520 = arith.mulf %mul3A_1519, %min3A_1440 : vector<16xf32>
      %mul3A_1521 = arith.constant 2.800000e+01 : f32
      %mul3A_1522 = vector.broadcast %mul3A_1521 : f32 to vector<16xf32>
      %mul3A_1523 = arith.mulf %mul3A_1522, %mul3A_1518 : vector<16xf32>
      %sub3A_1524 = arith.constant 1.000000e+00 : f32
      %sub3A_1525 = vector.broadcast %sub3A_1524 : f32 to vector<16xf32>
      %sub3A_1526 = arith.subf %sub3A_1525, %mul3A_1523 : vector<16xf32>
      %mul3A_1527 = arith.constant 4.800000e+01 : f32
      %mul3A_1528 = vector.broadcast %mul3A_1527 : f32 to vector<16xf32>
      %mul3A_1529 = arith.mulf %mul3A_1528, %mul3A_1519 : vector<16xf32>
      %add3A_1530 = arith.addf %sub3A_1526, %mul3A_1529 : vector<16xf32>
      %mul3A_1531 = arith.constant 2.100000e+01 : f32
      %mul3A_1532 = vector.broadcast %mul3A_1531 : f32 to vector<16xf32>
      %mul3A_1533 = arith.mulf %mul3A_1532, %mul3A_1520 : vector<16xf32>
      %sub3A_1534 = arith.subf %add3A_1530, %mul3A_1533 : vector<16xf32>
      %mul3A_1535 = arith.constant 0.632455527 : f32
      %mul3A_1536 = vector.broadcast %mul3A_1535 : f32 to vector<16xf32>
      %mul3A_1537 = arith.mulf %mul3A_1536, %sub3A_1534 : vector<16xf32>
      %mul3A_1538 = arith.mulf %mul3A_1537, %mul3A_1433 : vector<16xf32>
      %lt3A_1539 = arith.constant 1.000000e+00 : f32
      %lt3A_1540 = vector.broadcast %lt3A_1539 : f32 to vector<16xf32>
      %lt3A_1541 = arith.cmpf olt, %mul3A_1437, %lt3A_1540 : vector<16xf32>
      %jit3A_1542 = arith.constant 0.000000e+00 : f32
      %broadcast_in_dim3A_1543 = vector.broadcast %jit3A_1542 : f32 to vector<16xf32>
      %select_n3A_1544 = arith.select %lt3A_1541, %mul3A_1538, %broadcast_in_dim3A_1543 : vector<16xi1>, vector<16xf32>
      %mul3A_1545 = arith.constant 5 : i32
      %mul3A_1546 = arith.muli %mul3A_1545, %arg0 : i32
      %sub3A_1547 = vector.broadcast %mul3A_1546 : i32 to vector<16xi32>
      %sub3A_1548 = arith.subi %gather3A_1351, %sub3A_1547 : vector<16xi32>
      %ge3A_1549 = arith.constant 0 : i32
      %ge3A_1550 = vector.broadcast %ge3A_1549 : i32 to vector<16xi32>
      %ge3A_1551 = arith.cmpi sge, %sub3A_1548, %ge3A_1550 : vector<16xi32>
      %lt3A_1552 = arith.constant 5 : i32
      %lt3A_1553 = vector.broadcast %lt3A_1552 : i32 to vector<16xi32>
      %lt3A_1554 = arith.cmpi slt, %sub3A_1548, %lt3A_1553 : vector<16xi32>
      %and3A_1555 = arith.andi %ge3A_1551, %lt3A_1554 : vector<16xi1>
      %mul3A_1556 = arith.constant 5 : i32
      %mul3A_1557 = vector.broadcast %mul3A_1556 : i32 to vector<16xi32>
      %mul3A_1558 = arith.muli %shift_right_logical3A_1281, %mul3A_1557 : vector<16xi32>
      %add3A_1559 = arith.addi %mul3A_1558, %sub3A_1548 : vector<16xi32>
      %mul3A_1560 = arith.constant 8 : i32
      %mul3A_1561 = vector.broadcast %mul3A_1560 : i32 to vector<16xi32>
      %mul3A_1562 = arith.muli %add3A_1559, %mul3A_1561 : vector<16xi32>
      %jit3A_1563 = arith.constant 400000 : i32
      %broadcast_in_dim3A_1564 = vector.broadcast %jit3A_1563 : i32 to vector<16xi32>
      %select_n3A_1565 = arith.select %and3A_1555, %mul3A_1562, %broadcast_in_dim3A_1564 : vector<16xi1>, vector<16xi32>
      %mul3A_1566 = arith.mulf %add3A_1473, %select_n3A_1544 : vector<16xf32>
      %mul3A_1567 = arith.mulf %mul3A_1503, %select_n3A_1544 : vector<16xf32>
      %mul3A_1568 = arith.mulf %sub3A_1505, %select_n3A_1544 : vector<16xf32>
      %mul3A_1569 = arith.mulf %sub3A_1507, %select_n3A_1544 : vector<16xf32>
      %mul3A_1570 = arith.mulf %sub3A_1509, %select_n3A_1544 : vector<16xf32>
      %mul3A_1571 = arith.mulf %sub3A_1511, %select_n3A_1544 : vector<16xf32>
      %mul3A_1572 = arith.mulf %sub3A_1513, %select_n3A_1544 : vector<16xf32>
      %mul3A_1573 = arith.mulf %sub3A_1515, %select_n3A_1544 : vector<16xf32>
      %add3A_1574 = arith.constant 0 : i32
      %add3A_1575 = vector.broadcast %add3A_1574 : i32 to vector<16xi32>
      %add3A_1576 = arith.addi %select_n3A_1565, %add3A_1575 : vector<16xi32>
      %swap3A_1577 = arith.constant 0 : i32
      %swap3A_1578 = arith.index_cast %swap3A_1577 : i32 to index
      %swap3A_1579 = arith.constant 16 : index
      %swap3A_1580 = tpu.vector_load %arg13[%swap3A_1578, %swap3A_1579] {strides = array<i32>} : memref<8x128xi32, #tpu.memory_space<vmem>>, vector<16xi32>,
      tpu.vector_store %arg13[%swap3A_1578, %swap3A_1579], %add3A_1576 {strides = array<i32>} : memref<8x128xi32, #tpu.memory_space<vmem>>, vector<16xi32>,
      %swap3A_1581 = arith.constant 0 : i32
      %swap3A_1582 = arith.index_cast %swap3A_1581 : i32 to index
      %swap3A_1583 = arith.constant 16 : index
      %swap3A_1584 = tpu.vector_load %arg14[%swap3A_1582, %swap3A_1583] {strides = array<i32>} : memref<8x128xf32, #tpu.memory_space<vmem>>, vector<16xf32>,
      tpu.vector_store %arg14[%swap3A_1582, %swap3A_1583], %mul3A_1566 {strides = array<i32>} : memref<8x128xf32, #tpu.memory_space<vmem>>, vector<16xf32>,
      %add3A_1585 = arith.constant 1 : i32
      %add3A_1586 = vector.broadcast %add3A_1585 : i32 to vector<16xi32>
      %add3A_1587 = arith.addi %select_n3A_1565, %add3A_1586 : vector<16xi32>
      %swap3A_1588 = arith.constant 1 : i32
      %swap3A_1589 = arith.index_cast %swap3A_1588 : i32 to index
      %swap3A_1590 = arith.constant 16 : index
      %swap3A_1591 = tpu.vector_load %arg13[%swap3A_1589, %swap3A_1590] {strides = array<i32>} : memref<8x128xi32, #tpu.memory_space<vmem>>, vector<16xi32>,
      tpu.vector_store %arg13[%swap3A_1589, %swap3A_1590], %add3A_1587 {strides = array<i32>} : memref<8x128xi32, #tpu.memory_space<vmem>>, vector<16xi32>,
      %swap3A_1592 = arith.constant 1 : i32
      %swap3A_1593 = arith.index_cast %swap3A_1592 : i32 to index
      %swap3A_1594 = arith.constant 16 : index
      %swap3A_1595 = tpu.vector_load %arg14[%swap3A_1593, %swap3A_1594] {strides = array<i32>} : memref<8x128xf32, #tpu.memory_space<vmem>>, vector<16xf32>,
      tpu.vector_store %arg14[%swap3A_1593, %swap3A_1594], %mul3A_1567 {strides = array<i32>} : memref<8x128xf32, #tpu.memory_space<vmem>>, vector<16xf32>,
      %add3A_1596 = arith.constant 2 : i32
      %add3A_1597 = vector.broadcast %add3A_1596 : i32 to vector<16xi32>
      %add3A_1598 = arith.addi %select_n3A_1565, %add3A_1597 : vector<16xi32>
      %swap3A_1599 = arith.constant 2 : i32
      %swap3A_1600 = arith.index_cast %swap3A_1599 : i32 to index
      %swap3A_1601 = arith.constant 16 : index
      %swap3A_1602 = tpu.vector_load %arg13[%swap3A_1600, %swap3A_1601] {strides = array<i32>} : memref<8x128xi32, #tpu.memory_space<vmem>>, vector<16xi32>,
      tpu.vector_store %arg13[%swap3A_1600, %swap3A_1601], %add3A_1598 {strides = array<i32>} : memref<8x128xi32, #tpu.memory_space<vmem>>, vector<16xi32>,
      %swap3A_1603 = arith.constant 2 : i32
      %swap3A_1604 = arith.index_cast %swap3A_1603 : i32 to index
      %swap3A_1605 = arith.constant 16 : index
      %swap3A_1606 = tpu.vector_load %arg14[%swap3A_1604, %swap3A_1605] {strides = array<i32>} : memref<8x128xf32, #tpu.memory_space<vmem>>, vector<16xf32>,
      tpu.vector_store %arg14[%swap3A_1604, %swap3A_1605], %mul3A_1568 {strides = array<i32>} : memref<8x128xf32, #tpu.memory_space<vmem>>, vector<16xf32>,
      %add3A_1607 = arith.constant 3 : i32
      %add3A_1608 = vector.broadcast %add3A_1607 : i32 to vector<16xi32>
      %add3A_1609 = arith.addi %select_n3A_1565, %add3A_1608 : vector<16xi32>
      %swap3A_1610 = arith.constant 3 : i32
      %swap3A_1611 = arith.index_cast %swap3A_1610 : i32 to index
      %swap3A_1612 = arith.constant 16 : index
      %swap3A_1613 = tpu.vector_load %arg13[%swap3A_1611, %swap3A_1612] {strides = array<i32>} : memref<8x128xi32, #tpu.memory_space<vmem>>, vector<16xi32>,
      tpu.vector_store %arg13[%swap3A_1611, %swap3A_1612], %add3A_1609 {strides = array<i32>} : memref<8x128xi32, #tpu.memory_space<vmem>>, vector<16xi32>,
      %swap3A_1614 = arith.constant 3 : i32
      %swap3A_1615 = arith.index_cast %swap3A_1614 : i32 to index
      %swap3A_1616 = arith.constant 16 : index
      %swap3A_1617 = tpu.vector_load %arg14[%swap3A_1615, %swap3A_1616] {strides = array<i32>} : memref<8x128xf32, #tpu.memory_space<vmem>>, vector<16xf32>,
      tpu.vector_store %arg14[%swap3A_1615, %swap3A_1616], %mul3A_1569 {strides = array<i32>} : memref<8x128xf32, #tpu.memory_space<vmem>>, vector<16xf32>,
      %add3A_1618 = arith.constant 4 : i32
      %add3A_1619 = vector.broadcast %add3A_1618 : i32 to vector<16xi32>
      %add3A_1620 = arith.addi %select_n3A_1565, %add3A_1619 : vector<16xi32>
      %swap3A_1621 = arith.constant 4 : i32
      %swap3A_1622 = arith.index_cast %swap3A_1621 : i32 to index
      %swap3A_1623 = arith.constant 16 : index
      %swap3A_1624 = tpu.vector_load %arg13[%swap3A_1622, %swap3A_1623] {strides = array<i32>} : memref<8x128xi32, #tpu.memory_space<vmem>>, vector<16xi32>,
      tpu.vector_store %arg13[%swap3A_1622, %swap3A_1623], %add3A_1620 {strides = array<i32>} : memref<8x128xi32, #tpu.memory_space<vmem>>, vector<16xi32>,
      %swap3A_1625 = arith.constant 4 : i32
      %swap3A_1626 = arith.index_cast %swap3A_1625 : i32 to index
      %swap3A_1627 = arith.constant 16 : index
      %swap3A_1628 = tpu.vector_load %arg14[%swap3A_1626, %swap3A_1627] {strides = array<i32>} : memref<8x128xf32, #tpu.memory_space<vmem>>, vector<16xf32>,
      tpu.vector_store %arg14[%swap3A_1626, %swap3A_1627], %mul3A_1570 {strides = array<i32>} : memref<8x128xf32, #tpu.memory_space<vmem>>, vector<16xf32>,
      %add3A_1629 = arith.constant 5 : i32
      %add3A_1630 = vector.broadcast %add3A_1629 : i32 to vector<16xi32>
      %add3A_1631 = arith.addi %select_n3A_1565, %add3A_1630 : vector<16xi32>
      %swap3A_1632 = arith.constant 5 : i32
      %swap3A_1633 = arith.index_cast %swap3A_1632 : i32 to index
      %swap3A_1634 = arith.constant 16 : index
      %swap3A_1635 = tpu.vector_load %arg13[%swap3A_1633, %swap3A_1634] {strides = array<i32>} : memref<8x128xi32, #tpu.memory_space<vmem>>, vector<16xi32>,
      tpu.vector_store %arg13[%swap3A_1633, %swap3A_1634], %add3A_1631 {strides = array<i32>} : memref<8x128xi32, #tpu.memory_space<vmem>>, vector<16xi32>,
      %swap3A_1636 = arith.constant 5 : i32
      %swap3A_1637 = arith.index_cast %swap3A_1636 : i32 to index
      %swap3A_1638 = arith.constant 16 : index
      %swap3A_1639 = tpu.vector_load %arg14[%swap3A_1637, %swap3A_1638] {strides = array<i32>} : memref<8x128xf32, #tpu.memory_space<vmem>>, vector<16xf32>,
      tpu.vector_store %arg14[%swap3A_1637, %swap3A_1638], %mul3A_1571 {strides = array<i32>} : memref<8x128xf32, #tpu.memory_space<vmem>>, vector<16xf32>,
      %add3A_1640 = arith.constant 6 : i32
      %add3A_1641 = vector.broadcast %add3A_1640 : i32 to vector<16xi32>
      %add3A_1642 = arith.addi %select_n3A_1565, %add3A_1641 : vector<16xi32>
      %swap3A_1643 = arith.constant 6 : i32
      %swap3A_1644 = arith.index_cast %swap3A_1643 : i32 to index
      %swap3A_1645 = arith.constant 16 : index
      %swap3A_1646 = tpu.vector_load %arg13[%swap3A_1644, %swap3A_1645] {strides = array<i32>} : memref<8x128xi32, #tpu.memory_space<vmem>>, vector<16xi32>,
      tpu.vector_store %arg13[%swap3A_1644, %swap3A_1645], %add3A_1642 {strides = array<i32>} : memref<8x128xi32, #tpu.memory_space<vmem>>, vector<16xi32>,
      %swap3A_1647 = arith.constant 6 : i32
      %swap3A_1648 = arith.index_cast %swap3A_1647 : i32 to index
      %swap3A_1649 = arith.constant 16 : index
      %swap3A_1650 = tpu.vector_load %arg14[%swap3A_1648, %swap3A_1649] {strides = array<i32>} : memref<8x128xf32, #tpu.memory_space<vmem>>, vector<16xf32>,
      tpu.vector_store %arg14[%swap3A_1648, %swap3A_1649], %mul3A_1572 {strides = array<i32>} : memref<8x128xf32, #tpu.memory_space<vmem>>, vector<16xf32>,
      %add3A_1651 = arith.constant 7 : i32
      %add3A_1652 = vector.broadcast %add3A_1651 : i32 to vector<16xi32>
      %add3A_1653 = arith.addi %select_n3A_1565, %add3A_1652 : vector<16xi32>
      %swap3A_1654 = arith.constant 7 : i32
      %swap3A_1655 = arith.index_cast %swap3A_1654 : i32 to index
      %swap3A_1656 = arith.constant 16 : index
      %swap3A_1657 = tpu.vector_load %arg13[%swap3A_1655, %swap3A_1656] {strides = array<i32>} : memref<8x128xi32, #tpu.memory_space<vmem>>, vector<16xi32>,
      tpu.vector_store %arg13[%swap3A_1655, %swap3A_1656], %add3A_1653 {strides = array<i32>} : memref<8x128xi32, #tpu.memory_space<vmem>>, vector<16xi32>,
      %swap3A_1658 = arith.constant 7 : i32
      %swap3A_1659 = arith.index_cast %swap3A_1658 : i32 to index
      %swap3A_1660 = arith.constant 16 : index
      %swap3A_1661 = tpu.vector_load %arg14[%swap3A_1659, %swap3A_1660] {strides = array<i32>} : memref<8x128xf32, #tpu.memory_space<vmem>>, vector<16xf32>,
      tpu.vector_store %arg14[%swap3A_1659, %swap3A_1660], %mul3A_1573 {strides = array<i32>} : memref<8x128xf32, #tpu.memory_space<vmem>>, vector<16xf32>,
      %add3A_1662 = arith.constant 32 : i32
      %add3A_1663 = arith.addi %mul3A_879, %add3A_1662 : i32
      %iota3A_1664 = tpu.iota {dimensions = array<i32: 0>} : vector<16xi32>
      %get3A_1665 = arith.index_cast %add3A_1663 : i32 to index
      %get3A_1666 = tpu.vector_load %arg11[%get3A_1665] {strides = array<i32>} : memref<20000xi32, #tpu.memory_space<vmem>>, vector<16xi32>,
      %and3A_1667 = arith.constant 65535 : i32
      %and3A_1668 = vector.broadcast %and3A_1667 : i32 to vector<16xi32>
      %and3A_1669 = arith.andi %get3A_1666, %and3A_1668 : vector<16xi32>
      %shift_right_logical3A_1670 = arith.constant 16 : i32
      %shift_right_logical3A_1671 = vector.broadcast %shift_right_logical3A_1670 : i32 to vector<16xi32>
      %shift_right_logical3A_1672 = arith.shrui %get3A_1666, %shift_right_logical3A_1671 : vector<16xi32>
      %add3A_1673 = vector.broadcast %add3A_1663 : i32 to vector<16xi32>
      %add3A_1674 = arith.addi %add3A_1673, %iota3A_1664 : vector<16xi32>
      %shift_right_logical3A_1675 = arith.constant 1 : i32
      %shift_right_logical3A_1676 = vector.broadcast %shift_right_logical3A_1675 : i32 to vector<16xi32>
      %shift_right_logical3A_1677 = arith.shrui %add3A_1674, %shift_right_logical3A_1676 : vector<16xi32>
      %gather3A_1678 = tpu.vector_load_idx %arg12[%shift_right_logical3A_1677] : memref<10000xi32, #tpu.memory_space<vmem>>[vector<16xi32>], vector<16xi32>,
      %and3A_1679 = arith.constant 1 : i32
      %and3A_1680 = vector.broadcast %and3A_1679 : i32 to vector<16xi32>
      %and3A_1681 = arith.andi %add3A_1674, %and3A_1680 : vector<16xi32>
      %mul3A_1682 = arith.constant 5 : i32
      %mul3A_1683 = vector.broadcast %mul3A_1682 : i32 to vector<16xi32>
      %mul3A_1684 = arith.muli %and3A_1681, %mul3A_1683 : vector<16xi32>
      %shift_right_logical3A_1685 = arith.shrui %gather3A_1678, %mul3A_1684 : vector<16xi32>
      %and3A_1686 = arith.constant 31 : i32
      %and3A_1687 = vector.broadcast %and3A_1686 : i32 to vector<16xi32>
      %and3A_1688 = arith.andi %shift_right_logical3A_1685, %and3A_1687 : vector<16xi32>
      %mul3A_1689 = arith.constant 21846 : i32
      %mul3A_1690 = vector.broadcast %mul3A_1689 : i32 to vector<16xi32>
      %mul3A_1691 = arith.muli %and3A_1688, %mul3A_1690 : vector<16xi32>
      %shift_right_logical3A_1692 = arith.constant 16 : i32
      %shift_right_logical3A_1693 = vector.broadcast %shift_right_logical3A_1692 : i32 to vector<16xi32>
      %shift_right_logical3A_1694 = arith.shrui %mul3A_1691, %shift_right_logical3A_1693 : vector<16xi32>
      %mul3A_1695 = arith.constant 7282 : i32
      %mul3A_1696 = vector.broadcast %mul3A_1695 : i32 to vector<16xi32>
      %mul3A_1697 = arith.muli %and3A_1688, %mul3A_1696 : vector<16xi32>
      %shift_right_logical3A_1698 = arith.constant 16 : i32
      %shift_right_logical3A_1699 = vector.broadcast %shift_right_logical3A_1698 : i32 to vector<16xi32>
      %shift_right_logical3A_1700 = arith.shrui %mul3A_1697, %shift_right_logical3A_1699 : vector<16xi32>
      %mul3A_1701 = arith.constant 3 : i32
      %mul3A_1702 = vector.broadcast %mul3A_1701 : i32 to vector<16xi32>
      %mul3A_1703 = arith.muli %mul3A_1702, %shift_right_logical3A_1694 : vector<16xi32>
      %sub3A_1704 = arith.subi %and3A_1688, %mul3A_1703 : vector<16xi32>
      %mul3A_1705 = arith.constant 3 : i32
      %mul3A_1706 = vector.broadcast %mul3A_1705 : i32 to vector<16xi32>
      %mul3A_1707 = arith.muli %mul3A_1706, %shift_right_logical3A_1700 : vector<16xi32>
      %sub3A_1708 = arith.subi %shift_right_logical3A_1694, %mul3A_1707 : vector<16xi32>
      %convert_element_type3A_1709 = arith.sitofp %sub3A_1704 : vector<16xi32> to vector<16xf32>
      %convert_element_type3A_1710 = arith.sitofp %sub3A_1708 : vector<16xi32> to vector<16xf32>
      %convert_element_type3A_1711 = arith.sitofp %shift_right_logical3A_1700 : vector<16xi32> to vector<16xf32>
      %mul3A_1712 = arith.constant 3 : i32
      %mul3A_1713 = vector.broadcast %mul3A_1712 : i32 to vector<16xi32>
      %mul3A_1714 = arith.muli %and3A_1669, %mul3A_1713 : vector<16xi32>
      %mul3A_1715 = arith.constant 3 : i32
      %mul3A_1716 = vector.broadcast %mul3A_1715 : i32 to vector<16xi32>
      %mul3A_1717 = arith.muli %shift_right_logical3A_1672, %mul3A_1716 : vector<16xi32>
      %add3A_1718 = arith.constant 0 : i32
      %add3A_1719 = vector.broadcast %add3A_1718 : i32 to vector<16xi32>
      %add3A_1720 = arith.addi %mul3A_1714, %add3A_1719 : vector<16xi32>
      %gather3A_1721 = tpu.vector_load_idx %arg9[%add3A_1720] : memref<30000xf32, #tpu.memory_space<vmem>>[vector<16xi32>], vector<16xf32>,
      %add3A_1722 = arith.constant 1 : i32
      %add3A_1723 = vector.broadcast %add3A_1722 : i32 to vector<16xi32>
      %add3A_1724 = arith.addi %mul3A_1714, %add3A_1723 : vector<16xi32>
      %gather3A_1725 = tpu.vector_load_idx %arg9[%add3A_1724] : memref<30000xf32, #tpu.memory_space<vmem>>[vector<16xi32>], vector<16xf32>,
      %add3A_1726 = arith.constant 2 : i32
      %add3A_1727 = vector.broadcast %add3A_1726 : i32 to vector<16xi32>
      %add3A_1728 = arith.addi %mul3A_1714, %add3A_1727 : vector<16xi32>
      %gather3A_1729 = tpu.vector_load_idx %arg9[%add3A_1728] : memref<30000xf32, #tpu.memory_space<vmem>>[vector<16xi32>], vector<16xf32>,
      %add3A_1730 = arith.constant 0 : i32
      %add3A_1731 = vector.broadcast %add3A_1730 : i32 to vector<16xi32>
      %add3A_1732 = arith.addi %mul3A_1717, %add3A_1731 : vector<16xi32>
      %gather3A_1733 = tpu.vector_load_idx %arg9[%add3A_1732] : memref<30000xf32, #tpu.memory_space<vmem>>[vector<16xi32>], vector<16xf32>,
      %add3A_1734 = arith.constant 1 : i32
      %add3A_1735 = vector.broadcast %add3A_1734 : i32 to vector<16xi32>
      %add3A_1736 = arith.addi %mul3A_1717, %add3A_1735 : vector<16xi32>
      %gather3A_1737 = tpu.vector_load_idx %arg9[%add3A_1736] : memref<30000xf32, #tpu.memory_space<vmem>>[vector<16xi32>], vector<16xf32>,
      %add3A_1738 = arith.constant 2 : i32
      %add3A_1739 = vector.broadcast %add3A_1738 : i32 to vector<16xi32>
      %add3A_1740 = arith.addi %mul3A_1717, %add3A_1739 : vector<16xi32>
      %gather3A_1741 = tpu.vector_load_idx %arg9[%add3A_1740] : memref<30000xf32, #tpu.memory_space<vmem>>[vector<16xi32>], vector<16xf32>,
      %gather3A_1742 = tpu.vector_load_idx %arg10[%and3A_1669] : memref<10000xi32, #tpu.memory_space<vmem>>[vector<16xi32>], vector<16xi32>,
      %sub3A_1743 = arith.subf %gather3A_1733, %gather3A_1721 : vector<16xf32>
      %mul3A_1744 = arith.constant 1.000000e+01 : f32
      %mul3A_1745 = vector.broadcast %mul3A_1744 : f32 to vector<16xf32>
      %mul3A_1746 = arith.mulf %sub3A_1743, %mul3A_1745 : vector<16xf32>
      %mul3A_1747 = vector.broadcast %mul3A_23 : f32 to vector<16xf32>
      %mul3A_1748 = arith.mulf %convert_element_type3A_1709, %mul3A_1747 : vector<16xf32>
      %add3A_1749 = arith.addf %mul3A_1746, %mul3A_1748 : vector<16xf32>
      %mul3A_1750 = vector.broadcast %mul3A_35 : f32 to vector<16xf32>
      %mul3A_1751 = arith.mulf %convert_element_type3A_1710, %mul3A_1750 : vector<16xf32>
      %add3A_1752 = arith.addf %add3A_1749, %mul3A_1751 : vector<16xf32>
      %mul3A_1753 = vector.broadcast %mul3A_47 : f32 to vector<16xf32>
      %mul3A_1754 = arith.mulf %convert_element_type3A_1711, %mul3A_1753 : vector<16xf32>
      %add3A_1755 = arith.addf %add3A_1752, %mul3A_1754 : vector<16xf32>
      %mul3A_1756 = arith.mulf %add3A_1755, %add3A_1755 : vector<16xf32>
      %add3A_1757 = arith.constant 9.99999971E-10 : f32
      %add3A_1758 = vector.broadcast %add3A_1757 : f32 to vector<16xf32>
      %add3A_1759 = arith.addf %add3A_1758, %mul3A_1756 : vector<16xf32>
      %sub3A_1760 = arith.subf %gather3A_1737, %gather3A_1725 : vector<16xf32>
      %mul3A_1761 = arith.constant 1.000000e+01 : f32
      %mul3A_1762 = vector.broadcast %mul3A_1761 : f32 to vector<16xf32>
      %mul3A_1763 = arith.mulf %sub3A_1760, %mul3A_1762 : vector<16xf32>
      %mul3A_1764 = vector.broadcast %mul3A_27 : f32 to vector<16xf32>
      %mul3A_1765 = arith.mulf %convert_element_type3A_1709, %mul3A_1764 : vector<16xf32>
      %add3A_1766 = arith.addf %mul3A_1763, %mul3A_1765 : vector<16xf32>
      %mul3A_1767 = vector.broadcast %mul3A_39 : f32 to vector<16xf32>
      %mul3A_1768 = arith.mulf %convert_element_type3A_1710, %mul3A_1767 : vector<16xf32>
      %add3A_1769 = arith.addf %add3A_1766, %mul3A_1768 : vector<16xf32>
      %mul3A_1770 = vector.broadcast %mul3A_51 : f32 to vector<16xf32>
      %mul3A_1771 = arith.mulf %convert_element_type3A_1711, %mul3A_1770 : vector<16xf32>
      %add3A_1772 = arith.addf %add3A_1769, %mul3A_1771 : vector<16xf32>
      %mul3A_1773 = arith.mulf %add3A_1772, %add3A_1772 : vector<16xf32>
      %add3A_1774 = arith.addf %add3A_1759, %mul3A_1773 : vector<16xf32>
      %sub3A_1775 = arith.subf %gather3A_1741, %gather3A_1729 : vector<16xf32>
      %mul3A_1776 = arith.constant 1.000000e+01 : f32
      %mul3A_1777 = vector.broadcast %mul3A_1776 : f32 to vector<16xf32>
      %mul3A_1778 = arith.mulf %sub3A_1775, %mul3A_1777 : vector<16xf32>
      %mul3A_1779 = vector.broadcast %mul3A_31 : f32 to vector<16xf32>
      %mul3A_1780 = arith.mulf %convert_element_type3A_1709, %mul3A_1779 : vector<16xf32>
      %add3A_1781 = arith.addf %mul3A_1778, %mul3A_1780 : vector<16xf32>
      %mul3A_1782 = vector.broadcast %mul3A_43 : f32 to vector<16xf32>
      %mul3A_1783 = arith.mulf %convert_element_type3A_1710, %mul3A_1782 : vector<16xf32>
      %add3A_1784 = arith.addf %add3A_1781, %mul3A_1783 : vector<16xf32>
      %mul3A_1785 = vector.broadcast %mul3A_55 : f32 to vector<16xf32>
      %mul3A_1786 = arith.mulf %convert_element_type3A_1711, %mul3A_1785 : vector<16xf32>
      %add3A_1787 = arith.addf %add3A_1784, %mul3A_1786 : vector<16xf32>
      %mul3A_1788 = arith.mulf %add3A_1787, %add3A_1787 : vector<16xf32>
      %add3A_1789 = arith.addf %add3A_1774, %mul3A_1788 : vector<16xf32>
      %bitcast3A_1790 = vector.bitcast %add3A_1789 : vector<16xf32> to vector<16xi32>
      %shift_right_logical3A_1791 = arith.constant 1 : i32
      %shift_right_logical3A_1792 = vector.broadcast %shift_right_logical3A_1791 : i32 to vector<16xi32>
      %shift_right_logical3A_1793 = arith.shrui %bitcast3A_1790, %shift_right_logical3A_1792 : vector<16xi32>
      %sub3A_1794 = arith.constant 1597463007 : i32
      %sub3A_1795 = vector.broadcast %sub3A_1794 : i32 to vector<16xi32>
      %sub3A_1796 = arith.subi %sub3A_1795, %shift_right_logical3A_1793 : vector<16xi32>
      %bitcast3A_1797 = vector.bitcast %sub3A_1796 : vector<16xi32> to vector<16xf32>
      %mul3A_1798 = arith.constant 5.000000e-01 : f32
      %mul3A_1799 = vector.broadcast %mul3A_1798 : f32 to vector<16xf32>
      %mul3A_1800 = arith.mulf %mul3A_1799, %add3A_1789 : vector<16xf32>
      %mul3A_1801 = arith.mulf %mul3A_1800, %bitcast3A_1797 : vector<16xf32>
      %mul3A_1802 = arith.mulf %mul3A_1801, %bitcast3A_1797 : vector<16xf32>
      %sub3A_1803 = arith.constant 1.500000e+00 : f32
      %sub3A_1804 = vector.broadcast %sub3A_1803 : f32 to vector<16xf32>
      %sub3A_1805 = arith.subf %sub3A_1804, %mul3A_1802 : vector<16xf32>
      %mul3A_1806 = arith.mulf %bitcast3A_1797, %sub3A_1805 : vector<16xf32>
      %mul3A_1807 = arith.constant 5.000000e-01 : f32
      %mul3A_1808 = vector.broadcast %mul3A_1807 : f32 to vector<16xf32>
      %mul3A_1809 = arith.mulf %mul3A_1808, %add3A_1789 : vector<16xf32>
      %mul3A_1810 = arith.mulf %mul3A_1809, %mul3A_1806 : vector<16xf32>
      %mul3A_1811 = arith.mulf %mul3A_1810, %mul3A_1806 : vector<16xf32>
      %sub3A_1812 = arith.constant 1.500000e+00 : f32
      %sub3A_1813 = vector.broadcast %sub3A_1812 : f32 to vector<16xf32>
      %sub3A_1814 = arith.subf %sub3A_1813, %mul3A_1811 : vector<16xf32>
      %mul3A_1815 = arith.mulf %mul3A_1806, %sub3A_1814 : vector<16xf32>
      %mul3A_1816 = arith.constant 5.000000e-01 : f32
      %mul3A_1817 = vector.broadcast %mul3A_1816 : f32 to vector<16xf32>
      %mul3A_1818 = arith.mulf %mul3A_1817, %add3A_1789 : vector<16xf32>
      %mul3A_1819 = arith.mulf %mul3A_1818, %mul3A_1815 : vector<16xf32>
      %mul3A_1820 = arith.mulf %mul3A_1819, %mul3A_1815 : vector<16xf32>
      %sub3A_1821 = arith.constant 1.500000e+00 : f32
      %sub3A_1822 = vector.broadcast %sub3A_1821 : f32 to vector<16xf32>
      %sub3A_1823 = arith.subf %sub3A_1822, %mul3A_1820 : vector<16xf32>
      %mul3A_1824 = arith.mulf %mul3A_1815, %sub3A_1823 : vector<16xf32>
      %mul3A_1825 = arith.mulf %add3A_1789, %mul3A_1824 : vector<16xf32>
      %mul3A_1826 = arith.constant 2.000000e-01 : f32
      %mul3A_1827 = vector.broadcast %mul3A_1826 : f32 to vector<16xf32>
      %mul3A_1828 = arith.mulf %mul3A_1825, %mul3A_1827 : vector<16xf32>
      %min3A_1829 = arith.constant 1.000000e+00 : f32
      %min3A_1830 = vector.broadcast %min3A_1829 : f32 to vector<16xf32>
      %min3A_1831 = arith.minimumf %mul3A_1828, %min3A_1830 : vector<16xf32>
      %mul3A_1832 = arith.constant 3.14159274 : f32
      %mul3A_1833 = vector.broadcast %mul3A_1832 : f32 to vector<16xf32>
      %mul3A_1834 = arith.mulf %mul3A_1833, %min3A_1831 : vector<16xf32>
      %sub3A_1835 = arith.constant 1.57079637 : f32
      %sub3A_1836 = vector.broadcast %sub3A_1835 : f32 to vector<16xf32>
      %sub3A_1837 = arith.subf %mul3A_1834, %sub3A_1836 : vector<16xf32>
      %mul3A_1838 = arith.mulf %sub3A_1837, %sub3A_1837 : vector<16xf32>
      %mul3A_1839 = arith.constant 2.08767559E-9 : f32
      %mul3A_1840 = vector.broadcast %mul3A_1839 : f32 to vector<16xf32>
      %mul3A_1841 = arith.mulf %mul3A_1840, %mul3A_1838 : vector<16xf32>
      %add3A_1842 = arith.constant -2.755732E-7 : f32
      %add3A_1843 = vector.broadcast %add3A_1842 : f32 to vector<16xf32>
      %add3A_1844 = arith.addf %mul3A_1841, %add3A_1843 : vector<16xf32>
      %mul3A_1845 = arith.mulf %add3A_1844, %mul3A_1838 : vector<16xf32>
      %add3A_1846 = arith.constant 2.48015876E-5 : f32
      %add3A_1847 = vector.broadcast %add3A_1846 : f32 to vector<16xf32>
      %add3A_1848 = arith.addf %mul3A_1845, %add3A_1847 : vector<16xf32>
      %mul3A_1849 = arith.mulf %add3A_1848, %mul3A_1838 : vector<16xf32>
      %add3A_1850 = arith.constant -0.00138888892 : f32
      %add3A_1851 = vector.broadcast %add3A_1850 : f32 to vector<16xf32>
      %add3A_1852 = arith.addf %mul3A_1849, %add3A_1851 : vector<16xf32>
      %mul3A_1853 = arith.mulf %add3A_1852, %mul3A_1838 : vector<16xf32>
      %add3A_1854 = arith.constant 0.0416666679 : f32
      %add3A_1855 = vector.broadcast %add3A_1854 : f32 to vector<16xf32>
      %add3A_1856 = arith.addf %mul3A_1853, %add3A_1855 : vector<16xf32>
      %mul3A_1857 = arith.mulf %add3A_1856, %mul3A_1838 : vector<16xf32>
      %add3A_1858 = arith.constant -5.000000e-01 : f32
      %add3A_1859 = vector.broadcast %add3A_1858 : f32 to vector<16xf32>
      %add3A_1860 = arith.addf %mul3A_1857, %add3A_1859 : vector<16xf32>
      %mul3A_1861 = arith.mulf %add3A_1860, %mul3A_1838 : vector<16xf32>
      %add3A_1862 = arith.constant 1.000000e+00 : f32
      %add3A_1863 = vector.broadcast %add3A_1862 : f32 to vector<16xf32>
      %add3A_1864 = arith.addf %mul3A_1861, %add3A_1863 : vector<16xf32>
      %mul3A_1865 = arith.constant -2.50521079E-8 : f32
      %mul3A_1866 = vector.broadcast %mul3A_1865 : f32 to vector<16xf32>
      %mul3A_1867 = arith.mulf %mul3A_1866, %mul3A_1838 : vector<16xf32>
      %add3A_1868 = arith.constant 2.75573188E-6 : f32
      %add3A_1869 = vector.broadcast %add3A_1868 : f32 to vector<16xf32>
      %add3A_1870 = arith.addf %mul3A_1867, %add3A_1869 : vector<16xf32>
      %mul3A_1871 = arith.mulf %add3A_1870, %mul3A_1838 : vector<16xf32>
      %add3A_1872 = arith.constant -1.98412701E-4 : f32
      %add3A_1873 = vector.broadcast %add3A_1872 : f32 to vector<16xf32>
      %add3A_1874 = arith.addf %mul3A_1871, %add3A_1873 : vector<16xf32>
      %mul3A_1875 = arith.mulf %add3A_1874, %mul3A_1838 : vector<16xf32>
      %add3A_1876 = arith.constant 0.00833333377 : f32
      %add3A_1877 = vector.broadcast %add3A_1876 : f32 to vector<16xf32>
      %add3A_1878 = arith.addf %mul3A_1875, %add3A_1877 : vector<16xf32>
      %mul3A_1879 = arith.mulf %add3A_1878, %mul3A_1838 : vector<16xf32>
      %add3A_1880 = arith.constant -0.166666672 : f32
      %add3A_1881 = vector.broadcast %add3A_1880 : f32 to vector<16xf32>
      %add3A_1882 = arith.addf %mul3A_1879, %add3A_1881 : vector<16xf32>
      %mul3A_1883 = arith.mulf %add3A_1882, %mul3A_1838 : vector<16xf32>
      %add3A_1884 = arith.constant 1.000000e+00 : f32
      %add3A_1885 = vector.broadcast %add3A_1884 : f32 to vector<16xf32>
      %add3A_1886 = arith.addf %mul3A_1883, %add3A_1885 : vector<16xf32>
      %mul3A_1887 = arith.mulf %add3A_1886, %sub3A_1837 : vector<16xf32>
      %neg3A_1888 = arith.constant 0.000000e+00 : f32
      %neg3A_1889 = vector.broadcast %neg3A_1888 : f32 to vector<16xf32>
      %neg3A_1890 = arith.subf %neg3A_1889, %mul3A_1887 : vector<16xf32>
      %mul3A_1891 = arith.constant 2.000000e+00 : f32
      %mul3A_1892 = vector.broadcast %mul3A_1891 : f32 to vector<16xf32>
      %mul3A_1893 = arith.mulf %mul3A_1892, %neg3A_1890 : vector<16xf32>
      %mul3A_1894 = arith.mulf %mul3A_1893, %add3A_1864 : vector<16xf32>
      %mul3A_1895 = arith.mulf %mul3A_1893, %mul3A_1894 : vector<16xf32>
      %sub3A_1896 = arith.subf %mul3A_1895, %add3A_1864 : vector<16xf32>
      %mul3A_1897 = arith.mulf %mul3A_1893, %sub3A_1896 : vector<16xf32>
      %sub3A_1898 = arith.subf %mul3A_1897, %mul3A_1894 : vector<16xf32>
      %mul3A_1899 = arith.mulf %mul3A_1893, %sub3A_1898 : vector<16xf32>
      %sub3A_1900 = arith.subf %mul3A_1899, %sub3A_1896 : vector<16xf32>
      %mul3A_1901 = arith.mulf %mul3A_1893, %sub3A_1900 : vector<16xf32>
      %sub3A_1902 = arith.subf %mul3A_1901, %sub3A_1898 : vector<16xf32>
      %mul3A_1903 = arith.mulf %mul3A_1893, %sub3A_1902 : vector<16xf32>
      %sub3A_1904 = arith.subf %mul3A_1903, %sub3A_1900 : vector<16xf32>
      %mul3A_1905 = arith.mulf %mul3A_1893, %sub3A_1904 : vector<16xf32>
      %sub3A_1906 = arith.subf %mul3A_1905, %sub3A_1902 : vector<16xf32>
      %mul3A_1907 = arith.mulf %min3A_1831, %min3A_1831 : vector<16xf32>
      %mul3A_1908 = arith.mulf %mul3A_1907, %min3A_1831 : vector<16xf32>
      %mul3A_1909 = arith.mulf %mul3A_1908, %mul3A_1908 : vector<16xf32>
      %mul3A_1910 = arith.mulf %mul3A_1909, %min3A_1831 : vector<16xf32>
      %mul3A_1911 = arith.mulf %mul3A_1910, %min3A_1831 : vector<16xf32>
      %mul3A_1912 = arith.constant 2.800000e+01 : f32
      %mul3A_1913 = vector.broadcast %mul3A_1912 : f32 to vector<16xf32>
      %mul3A_1914 = arith.mulf %mul3A_1913, %mul3A_1909 : vector<16xf32>
      %sub3A_1915 = arith.constant 1.000000e+00 : f32
      %sub3A_1916 = vector.broadcast %sub3A_1915 : f32 to vector<16xf32>
      %sub3A_1917 = arith.subf %sub3A_1916, %mul3A_1914 : vector<16xf32>
      %mul3A_1918 = arith.constant 4.800000e+01 : f32
      %mul3A_1919 = vector.broadcast %mul3A_1918 : f32 to vector<16xf32>
      %mul3A_1920 = arith.mulf %mul3A_1919, %mul3A_1910 : vector<16xf32>
      %add3A_1921 = arith.addf %sub3A_1917, %mul3A_1920 : vector<16xf32>
      %mul3A_1922 = arith.constant 2.100000e+01 : f32
      %mul3A_1923 = vector.broadcast %mul3A_1922 : f32 to vector<16xf32>
      %mul3A_1924 = arith.mulf %mul3A_1923, %mul3A_1911 : vector<16xf32>
      %sub3A_1925 = arith.subf %add3A_1921, %mul3A_1924 : vector<16xf32>
      %mul3A_1926 = arith.constant 0.632455527 : f32
      %mul3A_1927 = vector.broadcast %mul3A_1926 : f32 to vector<16xf32>
      %mul3A_1928 = arith.mulf %mul3A_1927, %sub3A_1925 : vector<16xf32>
      %mul3A_1929 = arith.mulf %mul3A_1928, %mul3A_1824 : vector<16xf32>
      %lt3A_1930 = arith.constant 1.000000e+00 : f32
      %lt3A_1931 = vector.broadcast %lt3A_1930 : f32 to vector<16xf32>
      %lt3A_1932 = arith.cmpf olt, %mul3A_1828, %lt3A_1931 : vector<16xf32>
      %jit3A_1933 = arith.constant 0.000000e+00 : f32
      %broadcast_in_dim3A_1934 = vector.broadcast %jit3A_1933 : f32 to vector<16xf32>
      %select_n3A_1935 = arith.select %lt3A_1932, %mul3A_1929, %broadcast_in_dim3A_1934 : vector<16xi1>, vector<16xf32>
      %mul3A_1936 = arith.constant 5 : i32
      %mul3A_1937 = arith.muli %mul3A_1936, %arg0 : i32
      %sub3A_1938 = vector.broadcast %mul3A_1937 : i32 to vector<16xi32>
      %sub3A_1939 = arith.subi %gather3A_1742, %sub3A_1938 : vector<16xi32>
      %ge3A_1940 = arith.constant 0 : i32
      %ge3A_1941 = vector.broadcast %ge3A_1940 : i32 to vector<16xi32>
      %ge3A_1942 = arith.cmpi sge, %sub3A_1939, %ge3A_1941 : vector<16xi32>
      %lt3A_1943 = arith.constant 5 : i32
      %lt3A_1944 = vector.broadcast %lt3A_1943 : i32 to vector<16xi32>
      %lt3A_1945 = arith.cmpi slt, %sub3A_1939, %lt3A_1944 : vector<16xi32>
      %and3A_1946 = arith.andi %ge3A_1942, %lt3A_1945 : vector<16xi1>
      %mul3A_1947 = arith.constant 5 : i32
      %mul3A_1948 = vector.broadcast %mul3A_1947 : i32 to vector<16xi32>
      %mul3A_1949 = arith.muli %shift_right_logical3A_1672, %mul3A_1948 : vector<16xi32>
      %add3A_1950 = arith.addi %mul3A_1949, %sub3A_1939 : vector<16xi32>
      %mul3A_1951 = arith.constant 8 : i32
      %mul3A_1952 = vector.broadcast %mul3A_1951 : i32 to vector<16xi32>
      %mul3A_1953 = arith.muli %add3A_1950, %mul3A_1952 : vector<16xi32>
      %jit3A_1954 = arith.constant 400000 : i32
      %broadcast_in_dim3A_1955 = vector.broadcast %jit3A_1954 : i32 to vector<16xi32>
      %select_n3A_1956 = arith.select %and3A_1946, %mul3A_1953, %broadcast_in_dim3A_1955 : vector<16xi1>, vector<16xi32>
      %mul3A_1957 = arith.mulf %add3A_1864, %select_n3A_1935 : vector<16xf32>
      %mul3A_1958 = arith.mulf %mul3A_1894, %select_n3A_1935 : vector<16xf32>
      %mul3A_1959 = arith.mulf %sub3A_1896, %select_n3A_1935 : vector<16xf32>
      %mul3A_1960 = arith.mulf %sub3A_1898, %select_n3A_1935 : vector<16xf32>
      %mul3A_1961 = arith.mulf %sub3A_1900, %select_n3A_1935 : vector<16xf32>
      %mul3A_1962 = arith.mulf %sub3A_1902, %select_n3A_1935 : vector<16xf32>
      %mul3A_1963 = arith.mulf %sub3A_1904, %select_n3A_1935 : vector<16xf32>
      %mul3A_1964 = arith.mulf %sub3A_1906, %select_n3A_1935 : vector<16xf32>
      %add3A_1965 = arith.constant 0 : i32
      %add3A_1966 = vector.broadcast %add3A_1965 : i32 to vector<16xi32>
      %add3A_1967 = arith.addi %select_n3A_1956, %add3A_1966 : vector<16xi32>
      %swap3A_1968 = arith.constant 0 : i32
      %swap3A_1969 = arith.index_cast %swap3A_1968 : i32 to index
      %swap3A_1970 = arith.constant 32 : index
      %swap3A_1971 = tpu.vector_load %arg13[%swap3A_1969, %swap3A_1970] {strides = array<i32>} : memref<8x128xi32, #tpu.memory_space<vmem>>, vector<16xi32>,
      tpu.vector_store %arg13[%swap3A_1969, %swap3A_1970], %add3A_1967 {strides = array<i32>} : memref<8x128xi32, #tpu.memory_space<vmem>>, vector<16xi32>,
      %swap3A_1972 = arith.constant 0 : i32
      %swap3A_1973 = arith.index_cast %swap3A_1972 : i32 to index
      %swap3A_1974 = arith.constant 32 : index
      %swap3A_1975 = tpu.vector_load %arg14[%swap3A_1973, %swap3A_1974] {strides = array<i32>} : memref<8x128xf32, #tpu.memory_space<vmem>>, vector<16xf32>,
      tpu.vector_store %arg14[%swap3A_1973, %swap3A_1974], %mul3A_1957 {strides = array<i32>} : memref<8x128xf32, #tpu.memory_space<vmem>>, vector<16xf32>,
      %add3A_1976 = arith.constant 1 : i32
      %add3A_1977 = vector.broadcast %add3A_1976 : i32 to vector<16xi32>
      %add3A_1978 = arith.addi %select_n3A_1956, %add3A_1977 : vector<16xi32>
      %swap3A_1979 = arith.constant 1 : i32
      %swap3A_1980 = arith.index_cast %swap3A_1979 : i32 to index
      %swap3A_1981 = arith.constant 32 : index
      %swap3A_1982 = tpu.vector_load %arg13[%swap3A_1980, %swap3A_1981] {strides = array<i32>} : memref<8x128xi32, #tpu.memory_space<vmem>>, vector<16xi32>,
      tpu.vector_store %arg13[%swap3A_1980, %swap3A_1981], %add3A_1978 {strides = array<i32>} : memref<8x128xi32, #tpu.memory_space<vmem>>, vector<16xi32>,
      %swap3A_1983 = arith.constant 1 : i32
      %swap3A_1984 = arith.index_cast %swap3A_1983 : i32 to index
      %swap3A_1985 = arith.constant 32 : index
      %swap3A_1986 = tpu.vector_load %arg14[%swap3A_1984, %swap3A_1985] {strides = array<i32>} : memref<8x128xf32, #tpu.memory_space<vmem>>, vector<16xf32>,
      tpu.vector_store %arg14[%swap3A_1984, %swap3A_1985], %mul3A_1958 {strides = array<i32>} : memref<8x128xf32, #tpu.memory_space<vmem>>, vector<16xf32>,
      %add3A_1987 = arith.constant 2 : i32
      %add3A_1988 = vector.broadcast %add3A_1987 : i32 to vector<16xi32>
      %add3A_1989 = arith.addi %select_n3A_1956, %add3A_1988 : vector<16xi32>
      %swap3A_1990 = arith.constant 2 : i32
      %swap3A_1991 = arith.index_cast %swap3A_1990 : i32 to index
      %swap3A_1992 = arith.constant 32 : index
      %swap3A_1993 = tpu.vector_load %arg13[%swap3A_1991, %swap3A_1992] {strides = array<i32>} : memref<8x128xi32, #tpu.memory_space<vmem>>, vector<16xi32>,
      tpu.vector_store %arg13[%swap3A_1991, %swap3A_1992], %add3A_1989 {strides = array<i32>} : memref<8x128xi32, #tpu.memory_space<vmem>>, vector<16xi32>,
      %swap3A_1994 = arith.constant 2 : i32
      %swap3A_1995 = arith.index_cast %swap3A_1994 : i32 to index
      %swap3A_1996 = arith.constant 32 : index
      %swap3A_1997 = tpu.vector_load %arg14[%swap3A_1995, %swap3A_1996] {strides = array<i32>} : memref<8x128xf32, #tpu.memory_space<vmem>>, vector<16xf32>,
      tpu.vector_store %arg14[%swap3A_1995, %swap3A_1996], %mul3A_1959 {strides = array<i32>} : memref<8x128xf32, #tpu.memory_space<vmem>>, vector<16xf32>,
      %add3A_1998 = arith.constant 3 : i32
      %add3A_1999 = vector.broadcast %add3A_1998 : i32 to vector<16xi32>
      %add3A_2000 = arith.addi %select_n3A_1956, %add3A_1999 : vector<16xi32>
      %swap3A_2001 = arith.constant 3 : i32
      %swap3A_2002 = arith.index_cast %swap3A_2001 : i32 to index
      %swap3A_2003 = arith.constant 32 : index
      %swap3A_2004 = tpu.vector_load %arg13[%swap3A_2002, %swap3A_2003] {strides = array<i32>} : memref<8x128xi32, #tpu.memory_space<vmem>>, vector<16xi32>,
      tpu.vector_store %arg13[%swap3A_2002, %swap3A_2003], %add3A_2000 {strides = array<i32>} : memref<8x128xi32, #tpu.memory_space<vmem>>, vector<16xi32>,
      %swap3A_2005 = arith.constant 3 : i32
      %swap3A_2006 = arith.index_cast %swap3A_2005 : i32 to index
      %swap3A_2007 = arith.constant 32 : index
      %swap3A_2008 = tpu.vector_load %arg14[%swap3A_2006, %swap3A_2007] {strides = array<i32>} : memref<8x128xf32, #tpu.memory_space<vmem>>, vector<16xf32>,
      tpu.vector_store %arg14[%swap3A_2006, %swap3A_2007], %mul3A_1960 {strides = array<i32>} : memref<8x128xf32, #tpu.memory_space<vmem>>, vector<16xf32>,
      %add3A_2009 = arith.constant 4 : i32
      %add3A_2010 = vector.broadcast %add3A_2009 : i32 to vector<16xi32>
      %add3A_2011 = arith.addi %select_n3A_1956, %add3A_2010 : vector<16xi32>
      %swap3A_2012 = arith.constant 4 : i32
      %swap3A_2013 = arith.index_cast %swap3A_2012 : i32 to index
      %swap3A_2014 = arith.constant 32 : index
      %swap3A_2015 = tpu.vector_load %arg13[%swap3A_2013, %swap3A_2014] {strides = array<i32>} : memref<8x128xi32, #tpu.memory_space<vmem>>, vector<16xi32>,
      tpu.vector_store %arg13[%swap3A_2013, %swap3A_2014], %add3A_2011 {strides = array<i32>} : memref<8x128xi32, #tpu.memory_space<vmem>>, vector<16xi32>,
      %swap3A_2016 = arith.constant 4 : i32
      %swap3A_2017 = arith.index_cast %swap3A_2016 : i32 to index
      %swap3A_2018 = arith.constant 32 : index
      %swap3A_2019 = tpu.vector_load %arg14[%swap3A_2017, %swap3A_2018] {strides = array<i32>} : memref<8x128xf32, #tpu.memory_space<vmem>>, vector<16xf32>,
      tpu.vector_store %arg14[%swap3A_2017, %swap3A_2018], %mul3A_1961 {strides = array<i32>} : memref<8x128xf32, #tpu.memory_space<vmem>>, vector<16xf32>,
      %add3A_2020 = arith.constant 5 : i32
      %add3A_2021 = vector.broadcast %add3A_2020 : i32 to vector<16xi32>
      %add3A_2022 = arith.addi %select_n3A_1956, %add3A_2021 : vector<16xi32>
      %swap3A_2023 = arith.constant 5 : i32
      %swap3A_2024 = arith.index_cast %swap3A_2023 : i32 to index
      %swap3A_2025 = arith.constant 32 : index
      %swap3A_2026 = tpu.vector_load %arg13[%swap3A_2024, %swap3A_2025] {strides = array<i32>} : memref<8x128xi32, #tpu.memory_space<vmem>>, vector<16xi32>,
      tpu.vector_store %arg13[%swap3A_2024, %swap3A_2025], %add3A_2022 {strides = array<i32>} : memref<8x128xi32, #tpu.memory_space<vmem>>, vector<16xi32>,
      %swap3A_2027 = arith.constant 5 : i32
      %swap3A_2028 = arith.index_cast %swap3A_2027 : i32 to index
      %swap3A_2029 = arith.constant 32 : index
      %swap3A_2030 = tpu.vector_load %arg14[%swap3A_2028, %swap3A_2029] {strides = array<i32>} : memref<8x128xf32, #tpu.memory_space<vmem>>, vector<16xf32>,
      tpu.vector_store %arg14[%swap3A_2028, %swap3A_2029], %mul3A_1962 {strides = array<i32>} : memref<8x128xf32, #tpu.memory_space<vmem>>, vector<16xf32>,
      %add3A_2031 = arith.constant 6 : i32
      %add3A_2032 = vector.broadcast %add3A_2031 : i32 to vector<16xi32>
      %add3A_2033 = arith.addi %select_n3A_1956, %add3A_2032 : vector<16xi32>
      %swap3A_2034 = arith.constant 6 : i32
      %swap3A_2035 = arith.index_cast %swap3A_2034 : i32 to index
      %swap3A_2036 = arith.constant 32 : index
      %swap3A_2037 = tpu.vector_load %arg13[%swap3A_2035, %swap3A_2036] {strides = array<i32>} : memref<8x128xi32, #tpu.memory_space<vmem>>, vector<16xi32>,
      tpu.vector_store %arg13[%swap3A_2035, %swap3A_2036], %add3A_2033 {strides = array<i32>} : memref<8x128xi32, #tpu.memory_space<vmem>>, vector<16xi32>,
      %swap3A_2038 = arith.constant 6 : i32
      %swap3A_2039 = arith.index_cast %swap3A_2038 : i32 to index
      %swap3A_2040 = arith.constant 32 : index
      %swap3A_2041 = tpu.vector_load %arg14[%swap3A_2039, %swap3A_2040] {strides = array<i32>} : memref<8x128xf32, #tpu.memory_space<vmem>>, vector<16xf32>,
      tpu.vector_store %arg14[%swap3A_2039, %swap3A_2040], %mul3A_1963 {strides = array<i32>} : memref<8x128xf32, #tpu.memory_space<vmem>>, vector<16xf32>,
      %add3A_2042 = arith.constant 7 : i32
      %add3A_2043 = vector.broadcast %add3A_2042 : i32 to vector<16xi32>
      %add3A_2044 = arith.addi %select_n3A_1956, %add3A_2043 : vector<16xi32>
      %swap3A_2045 = arith.constant 7 : i32
      %swap3A_2046 = arith.index_cast %swap3A_2045 : i32 to index
      %swap3A_2047 = arith.constant 32 : index
      %swap3A_2048 = tpu.vector_load %arg13[%swap3A_2046, %swap3A_2047] {strides = array<i32>} : memref<8x128xi32, #tpu.memory_space<vmem>>, vector<16xi32>,
      tpu.vector_store %arg13[%swap3A_2046, %swap3A_2047], %add3A_2044 {strides = array<i32>} : memref<8x128xi32, #tpu.memory_space<vmem>>, vector<16xi32>,
      %swap3A_2049 = arith.constant 7 : i32
      %swap3A_2050 = arith.index_cast %swap3A_2049 : i32 to index
      %swap3A_2051 = arith.constant 32 : index
      %swap3A_2052 = tpu.vector_load %arg14[%swap3A_2050, %swap3A_2051] {strides = array<i32>} : memref<8x128xf32, #tpu.memory_space<vmem>>, vector<16xf32>,
      tpu.vector_store %arg14[%swap3A_2050, %swap3A_2051], %mul3A_1964 {strides = array<i32>} : memref<8x128xf32, #tpu.memory_space<vmem>>, vector<16xf32>,
      %add3A_2053 = arith.constant 48 : i32
      %add3A_2054 = arith.addi %mul3A_879, %add3A_2053 : i32
      %iota3A_2055 = tpu.iota {dimensions = array<i32: 0>} : vector<16xi32>
      %get3A_2056 = arith.index_cast %add3A_2054 : i32 to index
      %get3A_2057 = tpu.vector_load %arg11[%get3A_2056] {strides = array<i32>} : memref<20000xi32, #tpu.memory_space<vmem>>, vector<16xi32>,
      %and3A_2058 = arith.constant 65535 : i32
      %and3A_2059 = vector.broadcast %and3A_2058 : i32 to vector<16xi32>
      %and3A_2060 = arith.andi %get3A_2057, %and3A_2059 : vector<16xi32>
      %shift_right_logical3A_2061 = arith.constant 16 : i32
      %shift_right_logical3A_2062 = vector.broadcast %shift_right_logical3A_2061 : i32 to vector<16xi32>
      %shift_right_logical3A_2063 = arith.shrui %get3A_2057, %shift_right_logical3A_2062 : vector<16xi32>
      %add3A_2064 = vector.broadcast %add3A_2054 : i32 to vector<16xi32>
      %add3A_2065 = arith.addi %add3A_2064, %iota3A_2055 : vector<16xi32>
      %shift_right_logical3A_2066 = arith.constant 1 : i32
      %shift_right_logical3A_2067 = vector.broadcast %shift_right_logical3A_2066 : i32 to vector<16xi32>
      %shift_right_logical3A_2068 = arith.shrui %add3A_2065, %shift_right_logical3A_2067 : vector<16xi32>
      %gather3A_2069 = tpu.vector_load_idx %arg12[%shift_right_logical3A_2068] : memref<10000xi32, #tpu.memory_space<vmem>>[vector<16xi32>], vector<16xi32>,
      %and3A_2070 = arith.constant 1 : i32
      %and3A_2071 = vector.broadcast %and3A_2070 : i32 to vector<16xi32>
      %and3A_2072 = arith.andi %add3A_2065, %and3A_2071 : vector<16xi32>
      %mul3A_2073 = arith.constant 5 : i32
      %mul3A_2074 = vector.broadcast %mul3A_2073 : i32 to vector<16xi32>
      %mul3A_2075 = arith.muli %and3A_2072, %mul3A_2074 : vector<16xi32>
      %shift_right_logical3A_2076 = arith.shrui %gather3A_2069, %mul3A_2075 : vector<16xi32>
      %and3A_2077 = arith.constant 31 : i32
      %and3A_2078 = vector.broadcast %and3A_2077 : i32 to vector<16xi32>
      %and3A_2079 = arith.andi %shift_right_logical3A_2076, %and3A_2078 : vector<16xi32>
      %mul3A_2080 = arith.constant 21846 : i32
      %mul3A_2081 = vector.broadcast %mul3A_2080 : i32 to vector<16xi32>
      %mul3A_2082 = arith.muli %and3A_2079, %mul3A_2081 : vector<16xi32>
      %shift_right_logical3A_2083 = arith.constant 16 : i32
      %shift_right_logical3A_2084 = vector.broadcast %shift_right_logical3A_2083 : i32 to vector<16xi32>
      %shift_right_logical3A_2085 = arith.shrui %mul3A_2082, %shift_right_logical3A_2084 : vector<16xi32>
      %mul3A_2086 = arith.constant 7282 : i32
      %mul3A_2087 = vector.broadcast %mul3A_2086 : i32 to vector<16xi32>
      %mul3A_2088 = arith.muli %and3A_2079, %mul3A_2087 : vector<16xi32>
      %shift_right_logical3A_2089 = arith.constant 16 : i32
      %shift_right_logical3A_2090 = vector.broadcast %shift_right_logical3A_2089 : i32 to vector<16xi32>
      %shift_right_logical3A_2091 = arith.shrui %mul3A_2088, %shift_right_logical3A_2090 : vector<16xi32>
      %mul3A_2092 = arith.constant 3 : i32
      %mul3A_2093 = vector.broadcast %mul3A_2092 : i32 to vector<16xi32>
      %mul3A_2094 = arith.muli %mul3A_2093, %shift_right_logical3A_2085 : vector<16xi32>
      %sub3A_2095 = arith.subi %and3A_2079, %mul3A_2094 : vector<16xi32>
      %mul3A_2096 = arith.constant 3 : i32
      %mul3A_2097 = vector.broadcast %mul3A_2096 : i32 to vector<16xi32>
      %mul3A_2098 = arith.muli %mul3A_2097, %shift_right_logical3A_2091 : vector<16xi32>
      %sub3A_2099 = arith.subi %shift_right_logical3A_2085, %mul3A_2098 : vector<16xi32>
      %convert_element_type3A_2100 = arith.sitofp %sub3A_2095 : vector<16xi32> to vector<16xf32>
      %convert_element_type3A_2101 = arith.sitofp %sub3A_2099 : vector<16xi32> to vector<16xf32>
      %convert_element_type3A_2102 = arith.sitofp %shift_right_logical3A_2091 : vector<16xi32> to vector<16xf32>
      %mul3A_2103 = arith.constant 3 : i32
      %mul3A_2104 = vector.broadcast %mul3A_2103 : i32 to vector<16xi32>
      %mul3A_2105 = arith.muli %and3A_2060, %mul3A_2104 : vector<16xi32>
      %mul3A_2106 = arith.constant 3 : i32
      %mul3A_2107 = vector.broadcast %mul3A_2106 : i32 to vector<16xi32>
      %mul3A_2108 = arith.muli %shift_right_logical3A_2063, %mul3A_2107 : vector<16xi32>
      %add3A_2109 = arith.constant 0 : i32
      %add3A_2110 = vector.broadcast %add3A_2109 : i32 to vector<16xi32>
      %add3A_2111 = arith.addi %mul3A_2105, %add3A_2110 : vector<16xi32>
      %gather3A_2112 = tpu.vector_load_idx %arg9[%add3A_2111] : memref<30000xf32, #tpu.memory_space<vmem>>[vector<16xi32>], vector<16xf32>,
      %add3A_2113 = arith.constant 1 : i32
      %add3A_2114 = vector.broadcast %add3A_2113 : i32 to vector<16xi32>
      %add3A_2115 = arith.addi %mul3A_2105, %add3A_2114 : vector<16xi32>
      %gather3A_2116 = tpu.vector_load_idx %arg9[%add3A_2115] : memref<30000xf32, #tpu.memory_space<vmem>>[vector<16xi32>], vector<16xf32>,
      %add3A_2117 = arith.constant 2 : i32
      %add3A_2118 = vector.broadcast %add3A_2117 : i32 to vector<16xi32>
      %add3A_2119 = arith.addi %mul3A_2105, %add3A_2118 : vector<16xi32>
      %gather3A_2120 = tpu.vector_load_idx %arg9[%add3A_2119] : memref<30000xf32, #tpu.memory_space<vmem>>[vector<16xi32>], vector<16xf32>,
      %add3A_2121 = arith.constant 0 : i32
      %add3A_2122 = vector.broadcast %add3A_2121 : i32 to vector<16xi32>
      %add3A_2123 = arith.addi %mul3A_2108, %add3A_2122 : vector<16xi32>
      %gather3A_2124 = tpu.vector_load_idx %arg9[%add3A_2123] : memref<30000xf32, #tpu.memory_space<vmem>>[vector<16xi32>], vector<16xf32>,
      %add3A_2125 = arith.constant 1 : i32
      %add3A_2126 = vector.broadcast %add3A_2125 : i32 to vector<16xi32>
      %add3A_2127 = arith.addi %mul3A_2108, %add3A_2126 : vector<16xi32>
      %gather3A_2128 = tpu.vector_load_idx %arg9[%add3A_2127] : memref<30000xf32, #tpu.memory_space<vmem>>[vector<16xi32>], vector<16xf32>,
      %add3A_2129 = arith.constant 2 : i32
      %add3A_2130 = vector.broadcast %add3A_2129 : i32 to vector<16xi32>
      %add3A_2131 = arith.addi %mul3A_2108, %add3A_2130 : vector<16xi32>
      %gather3A_2132 = tpu.vector_load_idx %arg9[%add3A_2131] : memref<30000xf32, #tpu.memory_space<vmem>>[vector<16xi32>], vector<16xf32>,
      %gather3A_2133 = tpu.vector_load_idx %arg10[%and3A_2060] : memref<10000xi32, #tpu.memory_space<vmem>>[vector<16xi32>], vector<16xi32>,
      %sub3A_2134 = arith.subf %gather3A_2124, %gather3A_2112 : vector<16xf32>
      %mul3A_2135 = arith.constant 1.000000e+01 : f32
      %mul3A_2136 = vector.broadcast %mul3A_2135 : f32 to vector<16xf32>
      %mul3A_2137 = arith.mulf %sub3A_2134, %mul3A_2136 : vector<16xf32>
      %mul3A_2138 = vector.broadcast %mul3A_23 : f32 to vector<16xf32>
      %mul3A_2139 = arith.mulf %convert_element_type3A_2100, %mul3A_2138 : vector<16xf32>
      %add3A_2140 = arith.addf %mul3A_2137, %mul3A_2139 : vector<16xf32>
      %mul3A_2141 = vector.broadcast %mul3A_35 : f32 to vector<16xf32>
      %mul3A_2142 = arith.mulf %convert_element_type3A_2101, %mul3A_2141 : vector<16xf32>
      %add3A_2143 = arith.addf %add3A_2140, %mul3A_2142 : vector<16xf32>
      %mul3A_2144 = vector.broadcast %mul3A_47 : f32 to vector<16xf32>
      %mul3A_2145 = arith.mulf %convert_element_type3A_2102, %mul3A_2144 : vector<16xf32>
      %add3A_2146 = arith.addf %add3A_2143, %mul3A_2145 : vector<16xf32>
      %mul3A_2147 = arith.mulf %add3A_2146, %add3A_2146 : vector<16xf32>
      %add3A_2148 = arith.constant 9.99999971E-10 : f32
      %add3A_2149 = vector.broadcast %add3A_2148 : f32 to vector<16xf32>
      %add3A_2150 = arith.addf %add3A_2149, %mul3A_2147 : vector<16xf32>
      %sub3A_2151 = arith.subf %gather3A_2128, %gather3A_2116 : vector<16xf32>
      %mul3A_2152 = arith.constant 1.000000e+01 : f32
      %mul3A_2153 = vector.broadcast %mul3A_2152 : f32 to vector<16xf32>
      %mul3A_2154 = arith.mulf %sub3A_2151, %mul3A_2153 : vector<16xf32>
      %mul3A_2155 = vector.broadcast %mul3A_27 : f32 to vector<16xf32>
      %mul3A_2156 = arith.mulf %convert_element_type3A_2100, %mul3A_2155 : vector<16xf32>
      %add3A_2157 = arith.addf %mul3A_2154, %mul3A_2156 : vector<16xf32>
      %mul3A_2158 = vector.broadcast %mul3A_39 : f32 to vector<16xf32>
      %mul3A_2159 = arith.mulf %convert_element_type3A_2101, %mul3A_2158 : vector<16xf32>
      %add3A_2160 = arith.addf %add3A_2157, %mul3A_2159 : vector<16xf32>
      %mul3A_2161 = vector.broadcast %mul3A_51 : f32 to vector<16xf32>
      %mul3A_2162 = arith.mulf %convert_element_type3A_2102, %mul3A_2161 : vector<16xf32>
      %add3A_2163 = arith.addf %add3A_2160, %mul3A_2162 : vector<16xf32>
      %mul3A_2164 = arith.mulf %add3A_2163, %add3A_2163 : vector<16xf32>
      %add3A_2165 = arith.addf %add3A_2150, %mul3A_2164 : vector<16xf32>
      %sub3A_2166 = arith.subf %gather3A_2132, %gather3A_2120 : vector<16xf32>
      %mul3A_2167 = arith.constant 1.000000e+01 : f32
      %mul3A_2168 = vector.broadcast %mul3A_2167 : f32 to vector<16xf32>
      %mul3A_2169 = arith.mulf %sub3A_2166, %mul3A_2168 : vector<16xf32>
      %mul3A_2170 = vector.broadcast %mul3A_31 : f32 to vector<16xf32>
      %mul3A_2171 = arith.mulf %convert_element_type3A_2100, %mul3A_2170 : vector<16xf32>
      %add3A_2172 = arith.addf %mul3A_2169, %mul3A_2171 : vector<16xf32>
      %mul3A_2173 = vector.broadcast %mul3A_43 : f32 to vector<16xf32>
      %mul3A_2174 = arith.mulf %convert_element_type3A_2101, %mul3A_2173 : vector<16xf32>
      %add3A_2175 = arith.addf %add3A_2172, %mul3A_2174 : vector<16xf32>
      %mul3A_2176 = vector.broadcast %mul3A_55 : f32 to vector<16xf32>
      %mul3A_2177 = arith.mulf %convert_element_type3A_2102, %mul3A_2176 : vector<16xf32>
      %add3A_2178 = arith.addf %add3A_2175, %mul3A_2177 : vector<16xf32>
      %mul3A_2179 = arith.mulf %add3A_2178, %add3A_2178 : vector<16xf32>
      %add3A_2180 = arith.addf %add3A_2165, %mul3A_2179 : vector<16xf32>
      %bitcast3A_2181 = vector.bitcast %add3A_2180 : vector<16xf32> to vector<16xi32>
      %shift_right_logical3A_2182 = arith.constant 1 : i32
      %shift_right_logical3A_2183 = vector.broadcast %shift_right_logical3A_2182 : i32 to vector<16xi32>
      %shift_right_logical3A_2184 = arith.shrui %bitcast3A_2181, %shift_right_logical3A_2183 : vector<16xi32>
      %sub3A_2185 = arith.constant 1597463007 : i32
      %sub3A_2186 = vector.broadcast %sub3A_2185 : i32 to vector<16xi32>
      %sub3A_2187 = arith.subi %sub3A_2186, %shift_right_logical3A_2184 : vector<16xi32>
      %bitcast3A_2188 = vector.bitcast %sub3A_2187 : vector<16xi32> to vector<16xf32>
      %mul3A_2189 = arith.constant 5.000000e-01 : f32
      %mul3A_2190 = vector.broadcast %mul3A_2189 : f32 to vector<16xf32>
      %mul3A_2191 = arith.mulf %mul3A_2190, %add3A_2180 : vector<16xf32>
      %mul3A_2192 = arith.mulf %mul3A_2191, %bitcast3A_2188 : vector<16xf32>
      %mul3A_2193 = arith.mulf %mul3A_2192, %bitcast3A_2188 : vector<16xf32>
      %sub3A_2194 = arith.constant 1.500000e+00 : f32
      %sub3A_2195 = vector.broadcast %sub3A_2194 : f32 to vector<16xf32>
      %sub3A_2196 = arith.subf %sub3A_2195, %mul3A_2193 : vector<16xf32>
      %mul3A_2197 = arith.mulf %bitcast3A_2188, %sub3A_2196 : vector<16xf32>
      %mul3A_2198 = arith.constant 5.000000e-01 : f32
      %mul3A_2199 = vector.broadcast %mul3A_2198 : f32 to vector<16xf32>
      %mul3A_2200 = arith.mulf %mul3A_2199, %add3A_2180 : vector<16xf32>
      %mul3A_2201 = arith.mulf %mul3A_2200, %mul3A_2197 : vector<16xf32>
      %mul3A_2202 = arith.mulf %mul3A_2201, %mul3A_2197 : vector<16xf32>
      %sub3A_2203 = arith.constant 1.500000e+00 : f32
      %sub3A_2204 = vector.broadcast %sub3A_2203 : f32 to vector<16xf32>
      %sub3A_2205 = arith.subf %sub3A_2204, %mul3A_2202 : vector<16xf32>
      %mul3A_2206 = arith.mulf %mul3A_2197, %sub3A_2205 : vector<16xf32>
      %mul3A_2207 = arith.constant 5.000000e-01 : f32
      %mul3A_2208 = vector.broadcast %mul3A_2207 : f32 to vector<16xf32>
      %mul3A_2209 = arith.mulf %mul3A_2208, %add3A_2180 : vector<16xf32>
      %mul3A_2210 = arith.mulf %mul3A_2209, %mul3A_2206 : vector<16xf32>
      %mul3A_2211 = arith.mulf %mul3A_2210, %mul3A_2206 : vector<16xf32>
      %sub3A_2212 = arith.constant 1.500000e+00 : f32
      %sub3A_2213 = vector.broadcast %sub3A_2212 : f32 to vector<16xf32>
      %sub3A_2214 = arith.subf %sub3A_2213, %mul3A_2211 : vector<16xf32>
      %mul3A_2215 = arith.mulf %mul3A_2206, %sub3A_2214 : vector<16xf32>
      %mul3A_2216 = arith.mulf %add3A_2180, %mul3A_2215 : vector<16xf32>
      %mul3A_2217 = arith.constant 2.000000e-01 : f32
      %mul3A_2218 = vector.broadcast %mul3A_2217 : f32 to vector<16xf32>
      %mul3A_2219 = arith.mulf %mul3A_2216, %mul3A_2218 : vector<16xf32>
      %min3A_2220 = arith.constant 1.000000e+00 : f32
      %min3A_2221 = vector.broadcast %min3A_2220 : f32 to vector<16xf32>
      %min3A_2222 = arith.minimumf %mul3A_2219, %min3A_2221 : vector<16xf32>
      %mul3A_2223 = arith.constant 3.14159274 : f32
      %mul3A_2224 = vector.broadcast %mul3A_2223 : f32 to vector<16xf32>
      %mul3A_2225 = arith.mulf %mul3A_2224, %min3A_2222 : vector<16xf32>
      %sub3A_2226 = arith.constant 1.57079637 : f32
      %sub3A_2227 = vector.broadcast %sub3A_2226 : f32 to vector<16xf32>
      %sub3A_2228 = arith.subf %mul3A_2225, %sub3A_2227 : vector<16xf32>
      %mul3A_2229 = arith.mulf %sub3A_2228, %sub3A_2228 : vector<16xf32>
      %mul3A_2230 = arith.constant 2.08767559E-9 : f32
      %mul3A_2231 = vector.broadcast %mul3A_2230 : f32 to vector<16xf32>
      %mul3A_2232 = arith.mulf %mul3A_2231, %mul3A_2229 : vector<16xf32>
      %add3A_2233 = arith.constant -2.755732E-7 : f32
      %add3A_2234 = vector.broadcast %add3A_2233 : f32 to vector<16xf32>
      %add3A_2235 = arith.addf %mul3A_2232, %add3A_2234 : vector<16xf32>
      %mul3A_2236 = arith.mulf %add3A_2235, %mul3A_2229 : vector<16xf32>
      %add3A_2237 = arith.constant 2.48015876E-5 : f32
      %add3A_2238 = vector.broadcast %add3A_2237 : f32 to vector<16xf32>
      %add3A_2239 = arith.addf %mul3A_2236, %add3A_2238 : vector<16xf32>
      %mul3A_2240 = arith.mulf %add3A_2239, %mul3A_2229 : vector<16xf32>
      %add3A_2241 = arith.constant -0.00138888892 : f32
      %add3A_2242 = vector.broadcast %add3A_2241 : f32 to vector<16xf32>
      %add3A_2243 = arith.addf %mul3A_2240, %add3A_2242 : vector<16xf32>
      %mul3A_2244 = arith.mulf %add3A_2243, %mul3A_2229 : vector<16xf32>
      %add3A_2245 = arith.constant 0.0416666679 : f32
      %add3A_2246 = vector.broadcast %add3A_2245 : f32 to vector<16xf32>
      %add3A_2247 = arith.addf %mul3A_2244, %add3A_2246 : vector<16xf32>
      %mul3A_2248 = arith.mulf %add3A_2247, %mul3A_2229 : vector<16xf32>
      %add3A_2249 = arith.constant -5.000000e-01 : f32
      %add3A_2250 = vector.broadcast %add3A_2249 : f32 to vector<16xf32>
      %add3A_2251 = arith.addf %mul3A_2248, %add3A_2250 : vector<16xf32>
      %mul3A_2252 = arith.mulf %add3A_2251, %mul3A_2229 : vector<16xf32>
      %add3A_2253 = arith.constant 1.000000e+00 : f32
      %add3A_2254 = vector.broadcast %add3A_2253 : f32 to vector<16xf32>
      %add3A_2255 = arith.addf %mul3A_2252, %add3A_2254 : vector<16xf32>
      %mul3A_2256 = arith.constant -2.50521079E-8 : f32
      %mul3A_2257 = vector.broadcast %mul3A_2256 : f32 to vector<16xf32>
      %mul3A_2258 = arith.mulf %mul3A_2257, %mul3A_2229 : vector<16xf32>
      %add3A_2259 = arith.constant 2.75573188E-6 : f32
      %add3A_2260 = vector.broadcast %add3A_2259 : f32 to vector<16xf32>
      %add3A_2261 = arith.addf %mul3A_2258, %add3A_2260 : vector<16xf32>
      %mul3A_2262 = arith.mulf %add3A_2261, %mul3A_2229 : vector<16xf32>
      %add3A_2263 = arith.constant -1.98412701E-4 : f32
      %add3A_2264 = vector.broadcast %add3A_2263 : f32 to vector<16xf32>
      %add3A_2265 = arith.addf %mul3A_2262, %add3A_2264 : vector<16xf32>
      %mul3A_2266 = arith.mulf %add3A_2265, %mul3A_2229 : vector<16xf32>
      %add3A_2267 = arith.constant 0.00833333377 : f32
      %add3A_2268 = vector.broadcast %add3A_2267 : f32 to vector<16xf32>
      %add3A_2269 = arith.addf %mul3A_2266, %add3A_2268 : vector<16xf32>
      %mul3A_2270 = arith.mulf %add3A_2269, %mul3A_2229 : vector<16xf32>
      %add3A_2271 = arith.constant -0.166666672 : f32
      %add3A_2272 = vector.broadcast %add3A_2271 : f32 to vector<16xf32>
      %add3A_2273 = arith.addf %mul3A_2270, %add3A_2272 : vector<16xf32>
      %mul3A_2274 = arith.mulf %add3A_2273, %mul3A_2229 : vector<16xf32>
      %add3A_2275 = arith.constant 1.000000e+00 : f32
      %add3A_2276 = vector.broadcast %add3A_2275 : f32 to vector<16xf32>
      %add3A_2277 = arith.addf %mul3A_2274, %add3A_2276 : vector<16xf32>
      %mul3A_2278 = arith.mulf %add3A_2277, %sub3A_2228 : vector<16xf32>
      %neg3A_2279 = arith.constant 0.000000e+00 : f32
      %neg3A_2280 = vector.broadcast %neg3A_2279 : f32 to vector<16xf32>
      %neg3A_2281 = arith.subf %neg3A_2280, %mul3A_2278 : vector<16xf32>
      %mul3A_2282 = arith.constant 2.000000e+00 : f32
      %mul3A_2283 = vector.broadcast %mul3A_2282 : f32 to vector<16xf32>
      %mul3A_2284 = arith.mulf %mul3A_2283, %neg3A_2281 : vector<16xf32>
      %mul3A_2285 = arith.mulf %mul3A_2284, %add3A_2255 : vector<16xf32>
      %mul3A_2286 = arith.mulf %mul3A_2284, %mul3A_2285 : vector<16xf32>
      %sub3A_2287 = arith.subf %mul3A_2286, %add3A_2255 : vector<16xf32>
      %mul3A_2288 = arith.mulf %mul3A_2284, %sub3A_2287 : vector<16xf32>
      %sub3A_2289 = arith.subf %mul3A_2288, %mul3A_2285 : vector<16xf32>
      %mul3A_2290 = arith.mulf %mul3A_2284, %sub3A_2289 : vector<16xf32>
      %sub3A_2291 = arith.subf %mul3A_2290, %sub3A_2287 : vector<16xf32>
      %mul3A_2292 = arith.mulf %mul3A_2284, %sub3A_2291 : vector<16xf32>
      %sub3A_2293 = arith.subf %mul3A_2292, %sub3A_2289 : vector<16xf32>
      %mul3A_2294 = arith.mulf %mul3A_2284, %sub3A_2293 : vector<16xf32>
      %sub3A_2295 = arith.subf %mul3A_2294, %sub3A_2291 : vector<16xf32>
      %mul3A_2296 = arith.mulf %mul3A_2284, %sub3A_2295 : vector<16xf32>
      %sub3A_2297 = arith.subf %mul3A_2296, %sub3A_2293 : vector<16xf32>
      %mul3A_2298 = arith.mulf %min3A_2222, %min3A_2222 : vector<16xf32>
      %mul3A_2299 = arith.mulf %mul3A_2298, %min3A_2222 : vector<16xf32>
      %mul3A_2300 = arith.mulf %mul3A_2299, %mul3A_2299 : vector<16xf32>
      %mul3A_2301 = arith.mulf %mul3A_2300, %min3A_2222 : vector<16xf32>
      %mul3A_2302 = arith.mulf %mul3A_2301, %min3A_2222 : vector<16xf32>
      %mul3A_2303 = arith.constant 2.800000e+01 : f32
      %mul3A_2304 = vector.broadcast %mul3A_2303 : f32 to vector<16xf32>
      %mul3A_2305 = arith.mulf %mul3A_2304, %mul3A_2300 : vector<16xf32>
      %sub3A_2306 = arith.constant 1.000000e+00 : f32
      %sub3A_2307 = vector.broadcast %sub3A_2306 : f32 to vector<16xf32>
      %sub3A_2308 = arith.subf %sub3A_2307, %mul3A_2305 : vector<16xf32>
      %mul3A_2309 = arith.constant 4.800000e+01 : f32
      %mul3A_2310 = vector.broadcast %mul3A_2309 : f32 to vector<16xf32>
      %mul3A_2311 = arith.mulf %mul3A_2310, %mul3A_2301 : vector<16xf32>
      %add3A_2312 = arith.addf %sub3A_2308, %mul3A_2311 : vector<16xf32>
      %mul3A_2313 = arith.constant 2.100000e+01 : f32
      %mul3A_2314 = vector.broadcast %mul3A_2313 : f32 to vector<16xf32>
      %mul3A_2315 = arith.mulf %mul3A_2314, %mul3A_2302 : vector<16xf32>
      %sub3A_2316 = arith.subf %add3A_2312, %mul3A_2315 : vector<16xf32>
      %mul3A_2317 = arith.constant 0.632455527 : f32
      %mul3A_2318 = vector.broadcast %mul3A_2317 : f32 to vector<16xf32>
      %mul3A_2319 = arith.mulf %mul3A_2318, %sub3A_2316 : vector<16xf32>
      %mul3A_2320 = arith.mulf %mul3A_2319, %mul3A_2215 : vector<16xf32>
      %lt3A_2321 = arith.constant 1.000000e+00 : f32
      %lt3A_2322 = vector.broadcast %lt3A_2321 : f32 to vector<16xf32>
      %lt3A_2323 = arith.cmpf olt, %mul3A_2219, %lt3A_2322 : vector<16xf32>
      %jit3A_2324 = arith.constant 0.000000e+00 : f32
      %broadcast_in_dim3A_2325 = vector.broadcast %jit3A_2324 : f32 to vector<16xf32>
      %select_n3A_2326 = arith.select %lt3A_2323, %mul3A_2320, %broadcast_in_dim3A_2325 : vector<16xi1>, vector<16xf32>
      %mul3A_2327 = arith.constant 5 : i32
      %mul3A_2328 = arith.muli %mul3A_2327, %arg0 : i32
      %sub3A_2329 = vector.broadcast %mul3A_2328 : i32 to vector<16xi32>
      %sub3A_2330 = arith.subi %gather3A_2133, %sub3A_2329 : vector<16xi32>
      %ge3A_2331 = arith.constant 0 : i32
      %ge3A_2332 = vector.broadcast %ge3A_2331 : i32 to vector<16xi32>
      %ge3A_2333 = arith.cmpi sge, %sub3A_2330, %ge3A_2332 : vector<16xi32>
      %lt3A_2334 = arith.constant 5 : i32
      %lt3A_2335 = vector.broadcast %lt3A_2334 : i32 to vector<16xi32>
      %lt3A_2336 = arith.cmpi slt, %sub3A_2330, %lt3A_2335 : vector<16xi32>
      %and3A_2337 = arith.andi %ge3A_2333, %lt3A_2336 : vector<16xi1>
      %mul3A_2338 = arith.constant 5 : i32
      %mul3A_2339 = vector.broadcast %mul3A_2338 : i32 to vector<16xi32>
      %mul3A_2340 = arith.muli %shift_right_logical3A_2063, %mul3A_2339 : vector<16xi32>
      %add3A_2341 = arith.addi %mul3A_2340, %sub3A_2330 : vector<16xi32>
      %mul3A_2342 = arith.constant 8 : i32
      %mul3A_2343 = vector.broadcast %mul3A_2342 : i32 to vector<16xi32>
      %mul3A_2344 = arith.muli %add3A_2341, %mul3A_2343 : vector<16xi32>
      %jit3A_2345 = arith.constant 400000 : i32
      %broadcast_in_dim3A_2346 = vector.broadcast %jit3A_2345 : i32 to vector<16xi32>
      %select_n3A_2347 = arith.select %and3A_2337, %mul3A_2344, %broadcast_in_dim3A_2346 : vector<16xi1>, vector<16xi32>
      %mul3A_2348 = arith.mulf %add3A_2255, %select_n3A_2326 : vector<16xf32>
      %mul3A_2349 = arith.mulf %mul3A_2285, %select_n3A_2326 : vector<16xf32>
      %mul3A_2350 = arith.mulf %sub3A_2287, %select_n3A_2326 : vector<16xf32>
      %mul3A_2351 = arith.mulf %sub3A_2289, %select_n3A_2326 : vector<16xf32>
      %mul3A_2352 = arith.mulf %sub3A_2291, %select_n3A_2326 : vector<16xf32>
      %mul3A_2353 = arith.mulf %sub3A_2293, %select_n3A_2326 : vector<16xf32>
      %mul3A_2354 = arith.mulf %sub3A_2295, %select_n3A_2326 : vector<16xf32>
      %mul3A_2355 = arith.mulf %sub3A_2297, %select_n3A_2326 : vector<16xf32>
      %add3A_2356 = arith.constant 0 : i32
      %add3A_2357 = vector.broadcast %add3A_2356 : i32 to vector<16xi32>
      %add3A_2358 = arith.addi %select_n3A_2347, %add3A_2357 : vector<16xi32>
      %swap3A_2359 = arith.constant 0 : i32
      %swap3A_2360 = arith.index_cast %swap3A_2359 : i32 to index
      %swap3A_2361 = arith.constant 48 : index
      %swap3A_2362 = tpu.vector_load %arg13[%swap3A_2360, %swap3A_2361] {strides = array<i32>} : memref<8x128xi32, #tpu.memory_space<vmem>>, vector<16xi32>,
      tpu.vector_store %arg13[%swap3A_2360, %swap3A_2361], %add3A_2358 {strides = array<i32>} : memref<8x128xi32, #tpu.memory_space<vmem>>, vector<16xi32>,
      %swap3A_2363 = arith.constant 0 : i32
      %swap3A_2364 = arith.index_cast %swap3A_2363 : i32 to index
      %swap3A_2365 = arith.constant 48 : index
      %swap3A_2366 = tpu.vector_load %arg14[%swap3A_2364, %swap3A_2365] {strides = array<i32>} : memref<8x128xf32, #tpu.memory_space<vmem>>, vector<16xf32>,
      tpu.vector_store %arg14[%swap3A_2364, %swap3A_2365], %mul3A_2348 {strides = array<i32>} : memref<8x128xf32, #tpu.memory_space<vmem>>, vector<16xf32>,
      %add3A_2367 = arith.constant 1 : i32
      %add3A_2368 = vector.broadcast %add3A_2367 : i32 to vector<16xi32>
      %add3A_2369 = arith.addi %select_n3A_2347, %add3A_2368 : vector<16xi32>
      %swap3A_2370 = arith.constant 1 : i32
      %swap3A_2371 = arith.index_cast %swap3A_2370 : i32 to index
      %swap3A_2372 = arith.constant 48 : index
      %swap3A_2373 = tpu.vector_load %arg13[%swap3A_2371, %swap3A_2372] {strides = array<i32>} : memref<8x128xi32, #tpu.memory_space<vmem>>, vector<16xi32>,
      tpu.vector_store %arg13[%swap3A_2371, %swap3A_2372], %add3A_2369 {strides = array<i32>} : memref<8x128xi32, #tpu.memory_space<vmem>>, vector<16xi32>,
      %swap3A_2374 = arith.constant 1 : i32
      %swap3A_2375 = arith.index_cast %swap3A_2374 : i32 to index
      %swap3A_2376 = arith.constant 48 : index
      %swap3A_2377 = tpu.vector_load %arg14[%swap3A_2375, %swap3A_2376] {strides = array<i32>} : memref<8x128xf32, #tpu.memory_space<vmem>>, vector<16xf32>,
      tpu.vector_store %arg14[%swap3A_2375, %swap3A_2376], %mul3A_2349 {strides = array<i32>} : memref<8x128xf32, #tpu.memory_space<vmem>>, vector<16xf32>,
      %add3A_2378 = arith.constant 2 : i32
      %add3A_2379 = vector.broadcast %add3A_2378 : i32 to vector<16xi32>
      %add3A_2380 = arith.addi %select_n3A_2347, %add3A_2379 : vector<16xi32>
      %swap3A_2381 = arith.constant 2 : i32
      %swap3A_2382 = arith.index_cast %swap3A_2381 : i32 to index
      %swap3A_2383 = arith.constant 48 : index
      %swap3A_2384 = tpu.vector_load %arg13[%swap3A_2382, %swap3A_2383] {strides = array<i32>} : memref<8x128xi32, #tpu.memory_space<vmem>>, vector<16xi32>,
      tpu.vector_store %arg13[%swap3A_2382, %swap3A_2383], %add3A_2380 {strides = array<i32>} : memref<8x128xi32, #tpu.memory_space<vmem>>, vector<16xi32>,
      %swap3A_2385 = arith.constant 2 : i32
      %swap3A_2386 = arith.index_cast %swap3A_2385 : i32 to index
      %swap3A_2387 = arith.constant 48 : index
      %swap3A_2388 = tpu.vector_load %arg14[%swap3A_2386, %swap3A_2387] {strides = array<i32>} : memref<8x128xf32, #tpu.memory_space<vmem>>, vector<16xf32>,
      tpu.vector_store %arg14[%swap3A_2386, %swap3A_2387], %mul3A_2350 {strides = array<i32>} : memref<8x128xf32, #tpu.memory_space<vmem>>, vector<16xf32>,
      %add3A_2389 = arith.constant 3 : i32
      %add3A_2390 = vector.broadcast %add3A_2389 : i32 to vector<16xi32>
      %add3A_2391 = arith.addi %select_n3A_2347, %add3A_2390 : vector<16xi32>
      %swap3A_2392 = arith.constant 3 : i32
      %swap3A_2393 = arith.index_cast %swap3A_2392 : i32 to index
      %swap3A_2394 = arith.constant 48 : index
      %swap3A_2395 = tpu.vector_load %arg13[%swap3A_2393, %swap3A_2394] {strides = array<i32>} : memref<8x128xi32, #tpu.memory_space<vmem>>, vector<16xi32>,
      tpu.vector_store %arg13[%swap3A_2393, %swap3A_2394], %add3A_2391 {strides = array<i32>} : memref<8x128xi32, #tpu.memory_space<vmem>>, vector<16xi32>,
      %swap3A_2396 = arith.constant 3 : i32
      %swap3A_2397 = arith.index_cast %swap3A_2396 : i32 to index
      %swap3A_2398 = arith.constant 48 : index
      %swap3A_2399 = tpu.vector_load %arg14[%swap3A_2397, %swap3A_2398] {strides = array<i32>} : memref<8x128xf32, #tpu.memory_space<vmem>>, vector<16xf32>,
      tpu.vector_store %arg14[%swap3A_2397, %swap3A_2398], %mul3A_2351 {strides = array<i32>} : memref<8x128xf32, #tpu.memory_space<vmem>>, vector<16xf32>,
      %add3A_2400 = arith.constant 4 : i32
      %add3A_2401 = vector.broadcast %add3A_2400 : i32 to vector<16xi32>
      %add3A_2402 = arith.addi %select_n3A_2347, %add3A_2401 : vector<16xi32>
      %swap3A_2403 = arith.constant 4 : i32
      %swap3A_2404 = arith.index_cast %swap3A_2403 : i32 to index
      %swap3A_2405 = arith.constant 48 : index
      %swap3A_2406 = tpu.vector_load %arg13[%swap3A_2404, %swap3A_2405] {strides = array<i32>} : memref<8x128xi32, #tpu.memory_space<vmem>>, vector<16xi32>,
      tpu.vector_store %arg13[%swap3A_2404, %swap3A_2405], %add3A_2402 {strides = array<i32>} : memref<8x128xi32, #tpu.memory_space<vmem>>, vector<16xi32>,
      %swap3A_2407 = arith.constant 4 : i32
      %swap3A_2408 = arith.index_cast %swap3A_2407 : i32 to index
      %swap3A_2409 = arith.constant 48 : index
      %swap3A_2410 = tpu.vector_load %arg14[%swap3A_2408, %swap3A_2409] {strides = array<i32>} : memref<8x128xf32, #tpu.memory_space<vmem>>, vector<16xf32>,
      tpu.vector_store %arg14[%swap3A_2408, %swap3A_2409], %mul3A_2352 {strides = array<i32>} : memref<8x128xf32, #tpu.memory_space<vmem>>, vector<16xf32>,
      %add3A_2411 = arith.constant 5 : i32
      %add3A_2412 = vector.broadcast %add3A_2411 : i32 to vector<16xi32>
      %add3A_2413 = arith.addi %select_n3A_2347, %add3A_2412 : vector<16xi32>
      %swap3A_2414 = arith.constant 5 : i32
      %swap3A_2415 = arith.index_cast %swap3A_2414 : i32 to index
      %swap3A_2416 = arith.constant 48 : index
      %swap3A_2417 = tpu.vector_load %arg13[%swap3A_2415, %swap3A_2416] {strides = array<i32>} : memref<8x128xi32, #tpu.memory_space<vmem>>, vector<16xi32>,
      tpu.vector_store %arg13[%swap3A_2415, %swap3A_2416], %add3A_2413 {strides = array<i32>} : memref<8x128xi32, #tpu.memory_space<vmem>>, vector<16xi32>,
      %swap3A_2418 = arith.constant 5 : i32
      %swap3A_2419 = arith.index_cast %swap3A_2418 : i32 to index
      %swap3A_2420 = arith.constant 48 : index
      %swap3A_2421 = tpu.vector_load %arg14[%swap3A_2419, %swap3A_2420] {strides = array<i32>} : memref<8x128xf32, #tpu.memory_space<vmem>>, vector<16xf32>,
      tpu.vector_store %arg14[%swap3A_2419, %swap3A_2420], %mul3A_2353 {strides = array<i32>} : memref<8x128xf32, #tpu.memory_space<vmem>>, vector<16xf32>,
      %add3A_2422 = arith.constant 6 : i32
      %add3A_2423 = vector.broadcast %add3A_2422 : i32 to vector<16xi32>
      %add3A_2424 = arith.addi %select_n3A_2347, %add3A_2423 : vector<16xi32>
      %swap3A_2425 = arith.constant 6 : i32
      %swap3A_2426 = arith.index_cast %swap3A_2425 : i32 to index
      %swap3A_2427 = arith.constant 48 : index
      %swap3A_2428 = tpu.vector_load %arg13[%swap3A_2426, %swap3A_2427] {strides = array<i32>} : memref<8x128xi32, #tpu.memory_space<vmem>>, vector<16xi32>,
      tpu.vector_store %arg13[%swap3A_2426, %swap3A_2427], %add3A_2424 {strides = array<i32>} : memref<8x128xi32, #tpu.memory_space<vmem>>, vector<16xi32>,
      %swap3A_2429 = arith.constant 6 : i32
      %swap3A_2430 = arith.index_cast %swap3A_2429 : i32 to index
      %swap3A_2431 = arith.constant 48 : index
      %swap3A_2432 = tpu.vector_load %arg14[%swap3A_2430, %swap3A_2431] {strides = array<i32>} : memref<8x128xf32, #tpu.memory_space<vmem>>, vector<16xf32>,
      tpu.vector_store %arg14[%swap3A_2430, %swap3A_2431], %mul3A_2354 {strides = array<i32>} : memref<8x128xf32, #tpu.memory_space<vmem>>, vector<16xf32>,
      %add3A_2433 = arith.constant 7 : i32
      %add3A_2434 = vector.broadcast %add3A_2433 : i32 to vector<16xi32>
      %add3A_2435 = arith.addi %select_n3A_2347, %add3A_2434 : vector<16xi32>
      %swap3A_2436 = arith.constant 7 : i32
      %swap3A_2437 = arith.index_cast %swap3A_2436 : i32 to index
      %swap3A_2438 = arith.constant 48 : index
      %swap3A_2439 = tpu.vector_load %arg13[%swap3A_2437, %swap3A_2438] {strides = array<i32>} : memref<8x128xi32, #tpu.memory_space<vmem>>, vector<16xi32>,
      tpu.vector_store %arg13[%swap3A_2437, %swap3A_2438], %add3A_2435 {strides = array<i32>} : memref<8x128xi32, #tpu.memory_space<vmem>>, vector<16xi32>,
      %swap3A_2440 = arith.constant 7 : i32
      %swap3A_2441 = arith.index_cast %swap3A_2440 : i32 to index
      %swap3A_2442 = arith.constant 48 : index
      %swap3A_2443 = tpu.vector_load %arg14[%swap3A_2441, %swap3A_2442] {strides = array<i32>} : memref<8x128xf32, #tpu.memory_space<vmem>>, vector<16xf32>,
      tpu.vector_store %arg14[%swap3A_2441, %swap3A_2442], %mul3A_2355 {strides = array<i32>} : memref<8x128xf32, #tpu.memory_space<vmem>>, vector<16xf32>,
      %add3A_2444 = arith.constant 64 : i32
      %add3A_2445 = arith.addi %mul3A_879, %add3A_2444 : i32
      %iota3A_2446 = tpu.iota {dimensions = array<i32: 0>} : vector<16xi32>
      %get3A_2447 = arith.index_cast %add3A_2445 : i32 to index
      %get3A_2448 = tpu.vector_load %arg11[%get3A_2447] {strides = array<i32>} : memref<20000xi32, #tpu.memory_space<vmem>>, vector<16xi32>,
      %and3A_2449 = arith.constant 65535 : i32
      %and3A_2450 = vector.broadcast %and3A_2449 : i32 to vector<16xi32>
      %and3A_2451 = arith.andi %get3A_2448, %and3A_2450 : vector<16xi32>
      %shift_right_logical3A_2452 = arith.constant 16 : i32
      %shift_right_logical3A_2453 = vector.broadcast %shift_right_logical3A_2452 : i32 to vector<16xi32>
      %shift_right_logical3A_2454 = arith.shrui %get3A_2448, %shift_right_logical3A_2453 : vector<16xi32>
      %add3A_2455 = vector.broadcast %add3A_2445 : i32 to vector<16xi32>
      %add3A_2456 = arith.addi %add3A_2455, %iota3A_2446 : vector<16xi32>
      %shift_right_logical3A_2457 = arith.constant 1 : i32
      %shift_right_logical3A_2458 = vector.broadcast %shift_right_logical3A_2457 : i32 to vector<16xi32>
      %shift_right_logical3A_2459 = arith.shrui %add3A_2456, %shift_right_logical3A_2458 : vector<16xi32>
      %gather3A_2460 = tpu.vector_load_idx %arg12[%shift_right_logical3A_2459] : memref<10000xi32, #tpu.memory_space<vmem>>[vector<16xi32>], vector<16xi32>,
      %and3A_2461 = arith.constant 1 : i32
      %and3A_2462 = vector.broadcast %and3A_2461 : i32 to vector<16xi32>
      %and3A_2463 = arith.andi %add3A_2456, %and3A_2462 : vector<16xi32>
      %mul3A_2464 = arith.constant 5 : i32
      %mul3A_2465 = vector.broadcast %mul3A_2464 : i32 to vector<16xi32>
      %mul3A_2466 = arith.muli %and3A_2463, %mul3A_2465 : vector<16xi32>
      %shift_right_logical3A_2467 = arith.shrui %gather3A_2460, %mul3A_2466 : vector<16xi32>
      %and3A_2468 = arith.constant 31 : i32
      %and3A_2469 = vector.broadcast %and3A_2468 : i32 to vector<16xi32>
      %and3A_2470 = arith.andi %shift_right_logical3A_2467, %and3A_2469 : vector<16xi32>
      %mul3A_2471 = arith.constant 21846 : i32
      %mul3A_2472 = vector.broadcast %mul3A_2471 : i32 to vector<16xi32>
      %mul3A_2473 = arith.muli %and3A_2470, %mul3A_2472 : vector<16xi32>
      %shift_right_logical3A_2474 = arith.constant 16 : i32
      %shift_right_logical3A_2475 = vector.broadcast %shift_right_logical3A_2474 : i32 to vector<16xi32>
      %shift_right_logical3A_2476 = arith.shrui %mul3A_2473, %shift_right_logical3A_2475 : vector<16xi32>
      %mul3A_2477 = arith.constant 7282 : i32
      %mul3A_2478 = vector.broadcast %mul3A_2477 : i32 to vector<16xi32>
      %mul3A_2479 = arith.muli %and3A_2470, %mul3A_2478 : vector<16xi32>
      %shift_right_logical3A_2480 = arith.constant 16 : i32
      %shift_right_logical3A_2481 = vector.broadcast %shift_right_logical3A_2480 : i32 to vector<16xi32>
      %shift_right_logical3A_2482 = arith.shrui %mul3A_2479, %shift_right_logical3A_2481 : vector<16xi32>
      %mul3A_2483 = arith.constant 3 : i32
      %mul3A_2484 = vector.broadcast %mul3A_2483 : i32 to vector<16xi32>
      %mul3A_2485 = arith.muli %mul3A_2484, %shift_right_logical3A_2476 : vector<16xi32>
      %sub3A_2486 = arith.subi %and3A_2470, %mul3A_2485 : vector<16xi32>
      %mul3A_2487 = arith.constant 3 : i32
      %mul3A_2488 = vector.broadcast %mul3A_2487 : i32 to vector<16xi32>
      %mul3A_2489 = arith.muli %mul3A_2488, %shift_right_logical3A_2482 : vector<16xi32>
      %sub3A_2490 = arith.subi %shift_right_logical3A_2476, %mul3A_2489 : vector<16xi32>
      %convert_element_type3A_2491 = arith.sitofp %sub3A_2486 : vector<16xi32> to vector<16xf32>
      %convert_element_type3A_2492 = arith.sitofp %sub3A_2490 : vector<16xi32> to vector<16xf32>
      %convert_element_type3A_2493 = arith.sitofp %shift_right_logical3A_2482 : vector<16xi32> to vector<16xf32>
      %mul3A_2494 = arith.constant 3 : i32
      %mul3A_2495 = vector.broadcast %mul3A_2494 : i32 to vector<16xi32>
      %mul3A_2496 = arith.muli %and3A_2451, %mul3A_2495 : vector<16xi32>
      %mul3A_2497 = arith.constant 3 : i32
      %mul3A_2498 = vector.broadcast %mul3A_2497 : i32 to vector<16xi32>
      %mul3A_2499 = arith.muli %shift_right_logical3A_2454, %mul3A_2498 : vector<16xi32>
      %add3A_2500 = arith.constant 0 : i32
      %add3A_2501 = vector.broadcast %add3A_2500 : i32 to vector<16xi32>
      %add3A_2502 = arith.addi %mul3A_2496, %add3A_2501 : vector<16xi32>
      %gather3A_2503 = tpu.vector_load_idx %arg9[%add3A_2502] : memref<30000xf32, #tpu.memory_space<vmem>>[vector<16xi32>], vector<16xf32>,
      %add3A_2504 = arith.constant 1 : i32
      %add3A_2505 = vector.broadcast %add3A_2504 : i32 to vector<16xi32>
      %add3A_2506 = arith.addi %mul3A_2496, %add3A_2505 : vector<16xi32>
      %gather3A_2507 = tpu.vector_load_idx %arg9[%add3A_2506] : memref<30000xf32, #tpu.memory_space<vmem>>[vector<16xi32>], vector<16xf32>,
      %add3A_2508 = arith.constant 2 : i32
      %add3A_2509 = vector.broadcast %add3A_2508 : i32 to vector<16xi32>
      %add3A_2510 = arith.addi %mul3A_2496, %add3A_2509 : vector<16xi32>
      %gather3A_2511 = tpu.vector_load_idx %arg9[%add3A_2510] : memref<30000xf32, #tpu.memory_space<vmem>>[vector<16xi32>], vector<16xf32>,
      %add3A_2512 = arith.constant 0 : i32
      %add3A_2513 = vector.broadcast %add3A_2512 : i32 to vector<16xi32>
      %add3A_2514 = arith.addi %mul3A_2499, %add3A_2513 : vector<16xi32>
      %gather3A_2515 = tpu.vector_load_idx %arg9[%add3A_2514] : memref<30000xf32, #tpu.memory_space<vmem>>[vector<16xi32>], vector<16xf32>,
      %add3A_2516 = arith.constant 1 : i32
      %add3A_2517 = vector.broadcast %add3A_2516 : i32 to vector<16xi32>
      %add3A_2518 = arith.addi %mul3A_2499, %add3A_2517 : vector<16xi32>
      %gather3A_2519 = tpu.vector_load_idx %arg9[%add3A_2518] : memref<30000xf32, #tpu.memory_space<vmem>>[vector<16xi32>], vector<16xf32>,
      %add3A_2520 = arith.constant 2 : i32
      %add3A_2521 = vector.broadcast %add3A_2520 : i32 to vector<16xi32>
      %add3A_2522 = arith.addi %mul3A_2499, %add3A_2521 : vector<16xi32>
      %gather3A_2523 = tpu.vector_load_idx %arg9[%add3A_2522] : memref<30000xf32, #tpu.memory_space<vmem>>[vector<16xi32>], vector<16xf32>,
      %gather3A_2524 = tpu.vector_load_idx %arg10[%and3A_2451] : memref<10000xi32, #tpu.memory_space<vmem>>[vector<16xi32>], vector<16xi32>,
      %sub3A_2525 = arith.subf %gather3A_2515, %gather3A_2503 : vector<16xf32>
      %mul3A_2526 = arith.constant 1.000000e+01 : f32
      %mul3A_2527 = vector.broadcast %mul3A_2526 : f32 to vector<16xf32>
      %mul3A_2528 = arith.mulf %sub3A_2525, %mul3A_2527 : vector<16xf32>
      %mul3A_2529 = vector.broadcast %mul3A_23 : f32 to vector<16xf32>
      %mul3A_2530 = arith.mulf %convert_element_type3A_2491, %mul3A_2529 : vector<16xf32>
      %add3A_2531 = arith.addf %mul3A_2528, %mul3A_2530 : vector<16xf32>
      %mul3A_2532 = vector.broadcast %mul3A_35 : f32 to vector<16xf32>
      %mul3A_2533 = arith.mulf %convert_element_type3A_2492, %mul3A_2532 : vector<16xf32>
      %add3A_2534 = arith.addf %add3A_2531, %mul3A_2533 : vector<16xf32>
      %mul3A_2535 = vector.broadcast %mul3A_47 : f32 to vector<16xf32>
      %mul3A_2536 = arith.mulf %convert_element_type3A_2493, %mul3A_2535 : vector<16xf32>
      %add3A_2537 = arith.addf %add3A_2534, %mul3A_2536 : vector<16xf32>
      %mul3A_2538 = arith.mulf %add3A_2537, %add3A_2537 : vector<16xf32>
      %add3A_2539 = arith.constant 9.99999971E-10 : f32
      %add3A_2540 = vector.broadcast %add3A_2539 : f32 to vector<16xf32>
      %add3A_2541 = arith.addf %add3A_2540, %mul3A_2538 : vector<16xf32>
      %sub3A_2542 = arith.subf %gather3A_2519, %gather3A_2507 : vector<16xf32>
      %mul3A_2543 = arith.constant 1.000000e+01 : f32
      %mul3A_2544 = vector.broadcast %mul3A_2543 : f32 to vector<16xf32>
      %mul3A_2545 = arith.mulf %sub3A_2542, %mul3A_2544 : vector<16xf32>
      %mul3A_2546 = vector.broadcast %mul3A_27 : f32 to vector<16xf32>
      %mul3A_2547 = arith.mulf %convert_element_type3A_2491, %mul3A_2546 : vector<16xf32>
      %add3A_2548 = arith.addf %mul3A_2545, %mul3A_2547 : vector<16xf32>
      %mul3A_2549 = vector.broadcast %mul3A_39 : f32 to vector<16xf32>
      %mul3A_2550 = arith.mulf %convert_element_type3A_2492, %mul3A_2549 : vector<16xf32>
      %add3A_2551 = arith.addf %add3A_2548, %mul3A_2550 : vector<16xf32>
      %mul3A_2552 = vector.broadcast %mul3A_51 : f32 to vector<16xf32>
      %mul3A_2553 = arith.mulf %convert_element_type3A_2493, %mul3A_2552 : vector<16xf32>
      %add3A_2554 = arith.addf %add3A_2551, %mul3A_2553 : vector<16xf32>
      %mul3A_2555 = arith.mulf %add3A_2554, %add3A_2554 : vector<16xf32>
      %add3A_2556 = arith.addf %add3A_2541, %mul3A_2555 : vector<16xf32>
      %sub3A_2557 = arith.subf %gather3A_2523, %gather3A_2511 : vector<16xf32>
      %mul3A_2558 = arith.constant 1.000000e+01 : f32
      %mul3A_2559 = vector.broadcast %mul3A_2558 : f32 to vector<16xf32>
      %mul3A_2560 = arith.mulf %sub3A_2557, %mul3A_2559 : vector<16xf32>
      %mul3A_2561 = vector.broadcast %mul3A_31 : f32 to vector<16xf32>
      %mul3A_2562 = arith.mulf %convert_element_type3A_2491, %mul3A_2561 : vector<16xf32>
      %add3A_2563 = arith.addf %mul3A_2560, %mul3A_2562 : vector<16xf32>
      %mul3A_2564 = vector.broadcast %mul3A_43 : f32 to vector<16xf32>
      %mul3A_2565 = arith.mulf %convert_element_type3A_2492, %mul3A_2564 : vector<16xf32>
      %add3A_2566 = arith.addf %add3A_2563, %mul3A_2565 : vector<16xf32>
      %mul3A_2567 = vector.broadcast %mul3A_55 : f32 to vector<16xf32>
      %mul3A_2568 = arith.mulf %convert_element_type3A_2493, %mul3A_2567 : vector<16xf32>
      %add3A_2569 = arith.addf %add3A_2566, %mul3A_2568 : vector<16xf32>
      %mul3A_2570 = arith.mulf %add3A_2569, %add3A_2569 : vector<16xf32>
      %add3A_2571 = arith.addf %add3A_2556, %mul3A_2570 : vector<16xf32>
      %bitcast3A_2572 = vector.bitcast %add3A_2571 : vector<16xf32> to vector<16xi32>
      %shift_right_logical3A_2573 = arith.constant 1 : i32
      %shift_right_logical3A_2574 = vector.broadcast %shift_right_logical3A_2573 : i32 to vector<16xi32>
      %shift_right_logical3A_2575 = arith.shrui %bitcast3A_2572, %shift_right_logical3A_2574 : vector<16xi32>
      %sub3A_2576 = arith.constant 1597463007 : i32
      %sub3A_2577 = vector.broadcast %sub3A_2576 : i32 to vector<16xi32>
      %sub3A_2578 = arith.subi %sub3A_2577, %shift_right_logical3A_2575 : vector<16xi32>
      %bitcast3A_2579 = vector.bitcast %sub3A_2578 : vector<16xi32> to vector<16xf32>
      %mul3A_2580 = arith.constant 5.000000e-01 : f32
      %mul3A_2581 = vector.broadcast %mul3A_2580 : f32 to vector<16xf32>
      %mul3A_2582 = arith.mulf %mul3A_2581, %add3A_2571 : vector<16xf32>
      %mul3A_2583 = arith.mulf %mul3A_2582, %bitcast3A_2579 : vector<16xf32>
      %mul3A_2584 = arith.mulf %mul3A_2583, %bitcast3A_2579 : vector<16xf32>
      %sub3A_2585 = arith.constant 1.500000e+00 : f32
      %sub3A_2586 = vector.broadcast %sub3A_2585 : f32 to vector<16xf32>
      %sub3A_2587 = arith.subf %sub3A_2586, %mul3A_2584 : vector<16xf32>
      %mul3A_2588 = arith.mulf %bitcast3A_2579, %sub3A_2587 : vector<16xf32>
      %mul3A_2589 = arith.constant 5.000000e-01 : f32
      %mul3A_2590 = vector.broadcast %mul3A_2589 : f32 to vector<16xf32>
      %mul3A_2591 = arith.mulf %mul3A_2590, %add3A_2571 : vector<16xf32>
      %mul3A_2592 = arith.mulf %mul3A_2591, %mul3A_2588 : vector<16xf32>
      %mul3A_2593 = arith.mulf %mul3A_2592, %mul3A_2588 : vector<16xf32>
      %sub3A_2594 = arith.constant 1.500000e+00 : f32
      %sub3A_2595 = vector.broadcast %sub3A_2594 : f32 to vector<16xf32>
      %sub3A_2596 = arith.subf %sub3A_2595, %mul3A_2593 : vector<16xf32>
      %mul3A_2597 = arith.mulf %mul3A_2588, %sub3A_2596 : vector<16xf32>
      %mul3A_2598 = arith.constant 5.000000e-01 : f32
      %mul3A_2599 = vector.broadcast %mul3A_2598 : f32 to vector<16xf32>
      %mul3A_2600 = arith.mulf %mul3A_2599, %add3A_2571 : vector<16xf32>
      %mul3A_2601 = arith.mulf %mul3A_2600, %mul3A_2597 : vector<16xf32>
      %mul3A_2602 = arith.mulf %mul3A_2601, %mul3A_2597 : vector<16xf32>
      %sub3A_2603 = arith.constant 1.500000e+00 : f32
      %sub3A_2604 = vector.broadcast %sub3A_2603 : f32 to vector<16xf32>
      %sub3A_2605 = arith.subf %sub3A_2604, %mul3A_2602 : vector<16xf32>
      %mul3A_2606 = arith.mulf %mul3A_2597, %sub3A_2605 : vector<16xf32>
      %mul3A_2607 = arith.mulf %add3A_2571, %mul3A_2606 : vector<16xf32>
      %mul3A_2608 = arith.constant 2.000000e-01 : f32
      %mul3A_2609 = vector.broadcast %mul3A_2608 : f32 to vector<16xf32>
      %mul3A_2610 = arith.mulf %mul3A_2607, %mul3A_2609 : vector<16xf32>
      %min3A_2611 = arith.constant 1.000000e+00 : f32
      %min3A_2612 = vector.broadcast %min3A_2611 : f32 to vector<16xf32>
      %min3A_2613 = arith.minimumf %mul3A_2610, %min3A_2612 : vector<16xf32>
      %mul3A_2614 = arith.constant 3.14159274 : f32
      %mul3A_2615 = vector.broadcast %mul3A_2614 : f32 to vector<16xf32>
      %mul3A_2616 = arith.mulf %mul3A_2615, %min3A_2613 : vector<16xf32>
      %sub3A_2617 = arith.constant 1.57079637 : f32
      %sub3A_2618 = vector.broadcast %sub3A_2617 : f32 to vector<16xf32>
      %sub3A_2619 = arith.subf %mul3A_2616, %sub3A_2618 : vector<16xf32>
      %mul3A_2620 = arith.mulf %sub3A_2619, %sub3A_2619 : vector<16xf32>
      %mul3A_2621 = arith.constant 2.08767559E-9 : f32
      %mul3A_2622 = vector.broadcast %mul3A_2621 : f32 to vector<16xf32>
      %mul3A_2623 = arith.mulf %mul3A_2622, %mul3A_2620 : vector<16xf32>
      %add3A_2624 = arith.constant -2.755732E-7 : f32
      %add3A_2625 = vector.broadcast %add3A_2624 : f32 to vector<16xf32>
      %add3A_2626 = arith.addf %mul3A_2623, %add3A_2625 : vector<16xf32>
      %mul3A_2627 = arith.mulf %add3A_2626, %mul3A_2620 : vector<16xf32>
      %add3A_2628 = arith.constant 2.48015876E-5 : f32
      %add3A_2629 = vector.broadcast %add3A_2628 : f32 to vector<16xf32>
      %add3A_2630 = arith.addf %mul3A_2627, %add3A_2629 : vector<16xf32>
      %mul3A_2631 = arith.mulf %add3A_2630, %mul3A_2620 : vector<16xf32>
      %add3A_2632 = arith.constant -0.00138888892 : f32
      %add3A_2633 = vector.broadcast %add3A_2632 : f32 to vector<16xf32>
      %add3A_2634 = arith.addf %mul3A_2631, %add3A_2633 : vector<16xf32>
      %mul3A_2635 = arith.mulf %add3A_2634, %mul3A_2620 : vector<16xf32>
      %add3A_2636 = arith.constant 0.0416666679 : f32
      %add3A_2637 = vector.broadcast %add3A_2636 : f32 to vector<16xf32>
      %add3A_2638 = arith.addf %mul3A_2635, %add3A_2637 : vector<16xf32>
      %mul3A_2639 = arith.mulf %add3A_2638, %mul3A_2620 : vector<16xf32>
      %add3A_2640 = arith.constant -5.000000e-01 : f32
      %add3A_2641 = vector.broadcast %add3A_2640 : f32 to vector<16xf32>
      %add3A_2642 = arith.addf %mul3A_2639, %add3A_2641 : vector<16xf32>
      %mul3A_2643 = arith.mulf %add3A_2642, %mul3A_2620 : vector<16xf32>
      %add3A_2644 = arith.constant 1.000000e+00 : f32
      %add3A_2645 = vector.broadcast %add3A_2644 : f32 to vector<16xf32>
      %add3A_2646 = arith.addf %mul3A_2643, %add3A_2645 : vector<16xf32>
      %mul3A_2647 = arith.constant -2.50521079E-8 : f32
      %mul3A_2648 = vector.broadcast %mul3A_2647 : f32 to vector<16xf32>
      %mul3A_2649 = arith.mulf %mul3A_2648, %mul3A_2620 : vector<16xf32>
      %add3A_2650 = arith.constant 2.75573188E-6 : f32
      %add3A_2651 = vector.broadcast %add3A_2650 : f32 to vector<16xf32>
      %add3A_2652 = arith.addf %mul3A_2649, %add3A_2651 : vector<16xf32>
      %mul3A_2653 = arith.mulf %add3A_2652, %mul3A_2620 : vector<16xf32>
      %add3A_2654 = arith.constant -1.98412701E-4 : f32
      %add3A_2655 = vector.broadcast %add3A_2654 : f32 to vector<16xf32>
      %add3A_2656 = arith.addf %mul3A_2653, %add3A_2655 : vector<16xf32>
      %mul3A_2657 = arith.mulf %add3A_2656, %mul3A_2620 : vector<16xf32>
      %add3A_2658 = arith.constant 0.00833333377 : f32
      %add3A_2659 = vector.broadcast %add3A_2658 : f32 to vector<16xf32>
      %add3A_2660 = arith.addf %mul3A_2657, %add3A_2659 : vector<16xf32>
      %mul3A_2661 = arith.mulf %add3A_2660, %mul3A_2620 : vector<16xf32>
      %add3A_2662 = arith.constant -0.166666672 : f32
      %add3A_2663 = vector.broadcast %add3A_2662 : f32 to vector<16xf32>
      %add3A_2664 = arith.addf %mul3A_2661, %add3A_2663 : vector<16xf32>
      %mul3A_2665 = arith.mulf %add3A_2664, %mul3A_2620 : vector<16xf32>
      %add3A_2666 = arith.constant 1.000000e+00 : f32
      %add3A_2667 = vector.broadcast %add3A_2666 : f32 to vector<16xf32>
      %add3A_2668 = arith.addf %mul3A_2665, %add3A_2667 : vector<16xf32>
      %mul3A_2669 = arith.mulf %add3A_2668, %sub3A_2619 : vector<16xf32>
      %neg3A_2670 = arith.constant 0.000000e+00 : f32
      %neg3A_2671 = vector.broadcast %neg3A_2670 : f32 to vector<16xf32>
      %neg3A_2672 = arith.subf %neg3A_2671, %mul3A_2669 : vector<16xf32>
      %mul3A_2673 = arith.constant 2.000000e+00 : f32
      %mul3A_2674 = vector.broadcast %mul3A_2673 : f32 to vector<16xf32>
      %mul3A_2675 = arith.mulf %mul3A_2674, %neg3A_2672 : vector<16xf32>
      %mul3A_2676 = arith.mulf %mul3A_2675, %add3A_2646 : vector<16xf32>
      %mul3A_2677 = arith.mulf %mul3A_2675, %mul3A_2676 : vector<16xf32>
      %sub3A_2678 = arith.subf %mul3A_2677, %add3A_2646 : vector<16xf32>
      %mul3A_2679 = arith.mulf %mul3A_2675, %sub3A_2678 : vector<16xf32>
      %sub3A_2680 = arith.subf %mul3A_2679, %mul3A_2676 : vector<16xf32>
      %mul3A_2681 = arith.mulf %mul3A_2675, %sub3A_2680 : vector<16xf32>
      %sub3A_2682 = arith.subf %mul3A_2681, %sub3A_2678 : vector<16xf32>
      %mul3A_2683 = arith.mulf %mul3A_2675, %sub3A_2682 : vector<16xf32>
      %sub3A_2684 = arith.subf %mul3A_2683, %sub3A_2680 : vector<16xf32>
      %mul3A_2685 = arith.mulf %mul3A_2675, %sub3A_2684 : vector<16xf32>
      %sub3A_2686 = arith.subf %mul3A_2685, %sub3A_2682 : vector<16xf32>
      %mul3A_2687 = arith.mulf %mul3A_2675, %sub3A_2686 : vector<16xf32>
      %sub3A_2688 = arith.subf %mul3A_2687, %sub3A_2684 : vector<16xf32>
      %mul3A_2689 = arith.mulf %min3A_2613, %min3A_2613 : vector<16xf32>
      %mul3A_2690 = arith.mulf %mul3A_2689, %min3A_2613 : vector<16xf32>
      %mul3A_2691 = arith.mulf %mul3A_2690, %mul3A_2690 : vector<16xf32>
      %mul3A_2692 = arith.mulf %mul3A_2691, %min3A_2613 : vector<16xf32>
      %mul3A_2693 = arith.mulf %mul3A_2692, %min3A_2613 : vector<16xf32>
      %mul3A_2694 = arith.constant 2.800000e+01 : f32
      %mul3A_2695 = vector.broadcast %mul3A_2694 : f32 to vector<16xf32>
      %mul3A_2696 = arith.mulf %mul3A_2695, %mul3A_2691 : vector<16xf32>
      %sub3A_2697 = arith.constant 1.000000e+00 : f32
      %sub3A_2698 = vector.broadcast %sub3A_2697 : f32 to vector<16xf32>
      %sub3A_2699 = arith.subf %sub3A_2698, %mul3A_2696 : vector<16xf32>
      %mul3A_2700 = arith.constant 4.800000e+01 : f32
      %mul3A_2701 = vector.broadcast %mul3A_2700 : f32 to vector<16xf32>
      %mul3A_2702 = arith.mulf %mul3A_2701, %mul3A_2692 : vector<16xf32>
      %add3A_2703 = arith.addf %sub3A_2699, %mul3A_2702 : vector<16xf32>
      %mul3A_2704 = arith.constant 2.100000e+01 : f32
      %mul3A_2705 = vector.broadcast %mul3A_2704 : f32 to vector<16xf32>
      %mul3A_2706 = arith.mulf %mul3A_2705, %mul3A_2693 : vector<16xf32>
      %sub3A_2707 = arith.subf %add3A_2703, %mul3A_2706 : vector<16xf32>
      %mul3A_2708 = arith.constant 0.632455527 : f32
      %mul3A_2709 = vector.broadcast %mul3A_2708 : f32 to vector<16xf32>
      %mul3A_2710 = arith.mulf %mul3A_2709, %sub3A_2707 : vector<16xf32>
      %mul3A_2711 = arith.mulf %mul3A_2710, %mul3A_2606 : vector<16xf32>
      %lt3A_2712 = arith.constant 1.000000e+00 : f32
      %lt3A_2713 = vector.broadcast %lt3A_2712 : f32 to vector<16xf32>
      %lt3A_2714 = arith.cmpf olt, %mul3A_2610, %lt3A_2713 : vector<16xf32>
      %jit3A_2715 = arith.constant 0.000000e+00 : f32
      %broadcast_in_dim3A_2716 = vector.broadcast %jit3A_2715 : f32 to vector<16xf32>
      %select_n3A_2717 = arith.select %lt3A_2714, %mul3A_2711, %broadcast_in_dim3A_2716 : vector<16xi1>, vector<16xf32>
      %mul3A_2718 = arith.constant 5 : i32
      %mul3A_2719 = arith.muli %mul3A_2718, %arg0 : i32
      %sub3A_2720 = vector.broadcast %mul3A_2719 : i32 to vector<16xi32>
      %sub3A_2721 = arith.subi %gather3A_2524, %sub3A_2720 : vector<16xi32>
      %ge3A_2722 = arith.constant 0 : i32
      %ge3A_2723 = vector.broadcast %ge3A_2722 : i32 to vector<16xi32>
      %ge3A_2724 = arith.cmpi sge, %sub3A_2721, %ge3A_2723 : vector<16xi32>
      %lt3A_2725 = arith.constant 5 : i32
      %lt3A_2726 = vector.broadcast %lt3A_2725 : i32 to vector<16xi32>
      %lt3A_2727 = arith.cmpi slt, %sub3A_2721, %lt3A_2726 : vector<16xi32>
      %and3A_2728 = arith.andi %ge3A_2724, %lt3A_2727 : vector<16xi1>
      %mul3A_2729 = arith.constant 5 : i32
      %mul3A_2730 = vector.broadcast %mul3A_2729 : i32 to vector<16xi32>
      %mul3A_2731 = arith.muli %shift_right_logical3A_2454, %mul3A_2730 : vector<16xi32>
      %add3A_2732 = arith.addi %mul3A_2731, %sub3A_2721 : vector<16xi32>
      %mul3A_2733 = arith.constant 8 : i32
      %mul3A_2734 = vector.broadcast %mul3A_2733 : i32 to vector<16xi32>
      %mul3A_2735 = arith.muli %add3A_2732, %mul3A_2734 : vector<16xi32>
      %jit3A_2736 = arith.constant 400000 : i32
      %broadcast_in_dim3A_2737 = vector.broadcast %jit3A_2736 : i32 to vector<16xi32>
      %select_n3A_2738 = arith.select %and3A_2728, %mul3A_2735, %broadcast_in_dim3A_2737 : vector<16xi1>, vector<16xi32>
      %mul3A_2739 = arith.mulf %add3A_2646, %select_n3A_2717 : vector<16xf32>
      %mul3A_2740 = arith.mulf %mul3A_2676, %select_n3A_2717 : vector<16xf32>
      %mul3A_2741 = arith.mulf %sub3A_2678, %select_n3A_2717 : vector<16xf32>
      %mul3A_2742 = arith.mulf %sub3A_2680, %select_n3A_2717 : vector<16xf32>
      %mul3A_2743 = arith.mulf %sub3A_2682, %select_n3A_2717 : vector<16xf32>
      %mul3A_2744 = arith.mulf %sub3A_2684, %select_n3A_2717 : vector<16xf32>
      %mul3A_2745 = arith.mulf %sub3A_2686, %select_n3A_2717 : vector<16xf32>
      %mul3A_2746 = arith.mulf %sub3A_2688, %select_n3A_2717 : vector<16xf32>
      %add3A_2747 = arith.constant 0 : i32
      %add3A_2748 = vector.broadcast %add3A_2747 : i32 to vector<16xi32>
      %add3A_2749 = arith.addi %select_n3A_2738, %add3A_2748 : vector<16xi32>
      %swap3A_2750 = arith.constant 0 : i32
      %swap3A_2751 = arith.index_cast %swap3A_2750 : i32 to index
      %swap3A_2752 = arith.constant 64 : index
      %swap3A_2753 = tpu.vector_load %arg13[%swap3A_2751, %swap3A_2752] {strides = array<i32>} : memref<8x128xi32, #tpu.memory_space<vmem>>, vector<16xi32>,
      tpu.vector_store %arg13[%swap3A_2751, %swap3A_2752], %add3A_2749 {strides = array<i32>} : memref<8x128xi32, #tpu.memory_space<vmem>>, vector<16xi32>,
      %swap3A_2754 = arith.constant 0 : i32
      %swap3A_2755 = arith.index_cast %swap3A_2754 : i32 to index
      %swap3A_2756 = arith.constant 64 : index
      %swap3A_2757 = tpu.vector_load %arg14[%swap3A_2755, %swap3A_2756] {strides = array<i32>} : memref<8x128xf32, #tpu.memory_space<vmem>>, vector<16xf32>,
      tpu.vector_store %arg14[%swap3A_2755, %swap3A_2756], %mul3A_2739 {strides = array<i32>} : memref<8x128xf32, #tpu.memory_space<vmem>>, vector<16xf32>,
      %add3A_2758 = arith.constant 1 : i32
      %add3A_2759 = vector.broadcast %add3A_2758 : i32 to vector<16xi32>
      %add3A_2760 = arith.addi %select_n3A_2738, %add3A_2759 : vector<16xi32>
      %swap3A_2761 = arith.constant 1 : i32
      %swap3A_2762 = arith.index_cast %swap3A_2761 : i32 to index
      %swap3A_2763 = arith.constant 64 : index
      %swap3A_2764 = tpu.vector_load %arg13[%swap3A_2762, %swap3A_2763] {strides = array<i32>} : memref<8x128xi32, #tpu.memory_space<vmem>>, vector<16xi32>,
      tpu.vector_store %arg13[%swap3A_2762, %swap3A_2763], %add3A_2760 {strides = array<i32>} : memref<8x128xi32, #tpu.memory_space<vmem>>, vector<16xi32>,
      %swap3A_2765 = arith.constant 1 : i32
      %swap3A_2766 = arith.index_cast %swap3A_2765 : i32 to index
      %swap3A_2767 = arith.constant 64 : index
      %swap3A_2768 = tpu.vector_load %arg14[%swap3A_2766, %swap3A_2767] {strides = array<i32>} : memref<8x128xf32, #tpu.memory_space<vmem>>, vector<16xf32>,
      tpu.vector_store %arg14[%swap3A_2766, %swap3A_2767], %mul3A_2740 {strides = array<i32>} : memref<8x128xf32, #tpu.memory_space<vmem>>, vector<16xf32>,
      %add3A_2769 = arith.constant 2 : i32
      %add3A_2770 = vector.broadcast %add3A_2769 : i32 to vector<16xi32>
      %add3A_2771 = arith.addi %select_n3A_2738, %add3A_2770 : vector<16xi32>
      %swap3A_2772 = arith.constant 2 : i32
      %swap3A_2773 = arith.index_cast %swap3A_2772 : i32 to index
      %swap3A_2774 = arith.constant 64 : index
      %swap3A_2775 = tpu.vector_load %arg13[%swap3A_2773, %swap3A_2774] {strides = array<i32>} : memref<8x128xi32, #tpu.memory_space<vmem>>, vector<16xi32>,
      tpu.vector_store %arg13[%swap3A_2773, %swap3A_2774], %add3A_2771 {strides = array<i32>} : memref<8x128xi32, #tpu.memory_space<vmem>>, vector<16xi32>,
      %swap3A_2776 = arith.constant 2 : i32
      %swap3A_2777 = arith.index_cast %swap3A_2776 : i32 to index
      %swap3A_2778 = arith.constant 64 : index
      %swap3A_2779 = tpu.vector_load %arg14[%swap3A_2777, %swap3A_2778] {strides = array<i32>} : memref<8x128xf32, #tpu.memory_space<vmem>>, vector<16xf32>,
      tpu.vector_store %arg14[%swap3A_2777, %swap3A_2778], %mul3A_2741 {strides = array<i32>} : memref<8x128xf32, #tpu.memory_space<vmem>>, vector<16xf32>,
      %add3A_2780 = arith.constant 3 : i32
      %add3A_2781 = vector.broadcast %add3A_2780 : i32 to vector<16xi32>
      %add3A_2782 = arith.addi %select_n3A_2738, %add3A_2781 : vector<16xi32>
      %swap3A_2783 = arith.constant 3 : i32
      %swap3A_2784 = arith.index_cast %swap3A_2783 : i32 to index
      %swap3A_2785 = arith.constant 64 : index
      %swap3A_2786 = tpu.vector_load %arg13[%swap3A_2784, %swap3A_2785] {strides = array<i32>} : memref<8x128xi32, #tpu.memory_space<vmem>>, vector<16xi32>,
      tpu.vector_store %arg13[%swap3A_2784, %swap3A_2785], %add3A_2782 {strides = array<i32>} : memref<8x128xi32, #tpu.memory_space<vmem>>, vector<16xi32>,
      %swap3A_2787 = arith.constant 3 : i32
      %swap3A_2788 = arith.index_cast %swap3A_2787 : i32 to index
      %swap3A_2789 = arith.constant 64 : index
      %swap3A_2790 = tpu.vector_load %arg14[%swap3A_2788, %swap3A_2789] {strides = array<i32>} : memref<8x128xf32, #tpu.memory_space<vmem>>, vector<16xf32>,
      tpu.vector_store %arg14[%swap3A_2788, %swap3A_2789], %mul3A_2742 {strides = array<i32>} : memref<8x128xf32, #tpu.memory_space<vmem>>, vector<16xf32>,
      %add3A_2791 = arith.constant 4 : i32
      %add3A_2792 = vector.broadcast %add3A_2791 : i32 to vector<16xi32>
      %add3A_2793 = arith.addi %select_n3A_2738, %add3A_2792 : vector<16xi32>
      %swap3A_2794 = arith.constant 4 : i32
      %swap3A_2795 = arith.index_cast %swap3A_2794 : i32 to index
      %swap3A_2796 = arith.constant 64 : index
      %swap3A_2797 = tpu.vector_load %arg13[%swap3A_2795, %swap3A_2796] {strides = array<i32>} : memref<8x128xi32, #tpu.memory_space<vmem>>, vector<16xi32>,
      tpu.vector_store %arg13[%swap3A_2795, %swap3A_2796], %add3A_2793 {strides = array<i32>} : memref<8x128xi32, #tpu.memory_space<vmem>>, vector<16xi32>,
      %swap3A_2798 = arith.constant 4 : i32
      %swap3A_2799 = arith.index_cast %swap3A_2798 : i32 to index
      %swap3A_2800 = arith.constant 64 : index
      %swap3A_2801 = tpu.vector_load %arg14[%swap3A_2799, %swap3A_2800] {strides = array<i32>} : memref<8x128xf32, #tpu.memory_space<vmem>>, vector<16xf32>,
      tpu.vector_store %arg14[%swap3A_2799, %swap3A_2800], %mul3A_2743 {strides = array<i32>} : memref<8x128xf32, #tpu.memory_space<vmem>>, vector<16xf32>,
      %add3A_2802 = arith.constant 5 : i32
      %add3A_2803 = vector.broadcast %add3A_2802 : i32 to vector<16xi32>
      %add3A_2804 = arith.addi %select_n3A_2738, %add3A_2803 : vector<16xi32>
      %swap3A_2805 = arith.constant 5 : i32
      %swap3A_2806 = arith.index_cast %swap3A_2805 : i32 to index
      %swap3A_2807 = arith.constant 64 : index
      %swap3A_2808 = tpu.vector_load %arg13[%swap3A_2806, %swap3A_2807] {strides = array<i32>} : memref<8x128xi32, #tpu.memory_space<vmem>>, vector<16xi32>,
      tpu.vector_store %arg13[%swap3A_2806, %swap3A_2807], %add3A_2804 {strides = array<i32>} : memref<8x128xi32, #tpu.memory_space<vmem>>, vector<16xi32>,
      %swap3A_2809 = arith.constant 5 : i32
      %swap3A_2810 = arith.index_cast %swap3A_2809 : i32 to index
      %swap3A_2811 = arith.constant 64 : index
      %swap3A_2812 = tpu.vector_load %arg14[%swap3A_2810, %swap3A_2811] {strides = array<i32>} : memref<8x128xf32, #tpu.memory_space<vmem>>, vector<16xf32>,
      tpu.vector_store %arg14[%swap3A_2810, %swap3A_2811], %mul3A_2744 {strides = array<i32>} : memref<8x128xf32, #tpu.memory_space<vmem>>, vector<16xf32>,
      %add3A_2813 = arith.constant 6 : i32
      %add3A_2814 = vector.broadcast %add3A_2813 : i32 to vector<16xi32>
      %add3A_2815 = arith.addi %select_n3A_2738, %add3A_2814 : vector<16xi32>
      %swap3A_2816 = arith.constant 6 : i32
      %swap3A_2817 = arith.index_cast %swap3A_2816 : i32 to index
      %swap3A_2818 = arith.constant 64 : index
      %swap3A_2819 = tpu.vector_load %arg13[%swap3A_2817, %swap3A_2818] {strides = array<i32>} : memref<8x128xi32, #tpu.memory_space<vmem>>, vector<16xi32>,
      tpu.vector_store %arg13[%swap3A_2817, %swap3A_2818], %add3A_2815 {strides = array<i32>} : memref<8x128xi32, #tpu.memory_space<vmem>>, vector<16xi32>,
      %swap3A_2820 = arith.constant 6 : i32
      %swap3A_2821 = arith.index_cast %swap3A_2820 : i32 to index
      %swap3A_2822 = arith.constant 64 : index
      %swap3A_2823 = tpu.vector_load %arg14[%swap3A_2821, %swap3A_2822] {strides = array<i32>} : memref<8x128xf32, #tpu.memory_space<vmem>>, vector<16xf32>,
      tpu.vector_store %arg14[%swap3A_2821, %swap3A_2822], %mul3A_2745 {strides = array<i32>} : memref<8x128xf32, #tpu.memory_space<vmem>>, vector<16xf32>,
      %add3A_2824 = arith.constant 7 : i32
      %add3A_2825 = vector.broadcast %add3A_2824 : i32 to vector<16xi32>
      %add3A_2826 = arith.addi %select_n3A_2738, %add3A_2825 : vector<16xi32>
      %swap3A_2827 = arith.constant 7 : i32
      %swap3A_2828 = arith.index_cast %swap3A_2827 : i32 to index
      %swap3A_2829 = arith.constant 64 : index
      %swap3A_2830 = tpu.vector_load %arg13[%swap3A_2828, %swap3A_2829] {strides = array<i32>} : memref<8x128xi32, #tpu.memory_space<vmem>>, vector<16xi32>,
      tpu.vector_store %arg13[%swap3A_2828, %swap3A_2829], %add3A_2826 {strides = array<i32>} : memref<8x128xi32, #tpu.memory_space<vmem>>, vector<16xi32>,
      %swap3A_2831 = arith.constant 7 : i32
      %swap3A_2832 = arith.index_cast %swap3A_2831 : i32 to index
      %swap3A_2833 = arith.constant 64 : index
      %swap3A_2834 = tpu.vector_load %arg14[%swap3A_2832, %swap3A_2833] {strides = array<i32>} : memref<8x128xf32, #tpu.memory_space<vmem>>, vector<16xf32>,
      tpu.vector_store %arg14[%swap3A_2832, %swap3A_2833], %mul3A_2746 {strides = array<i32>} : memref<8x128xf32, #tpu.memory_space<vmem>>, vector<16xf32>,
      %add3A_2835 = arith.constant 80 : i32
      %add3A_2836 = arith.addi %mul3A_879, %add3A_2835 : i32
      %iota3A_2837 = tpu.iota {dimensions = array<i32: 0>} : vector<16xi32>
      %get3A_2838 = arith.index_cast %add3A_2836 : i32 to index
      %get3A_2839 = tpu.vector_load %arg11[%get3A_2838] {strides = array<i32>} : memref<20000xi32, #tpu.memory_space<vmem>>, vector<16xi32>,
      %and3A_2840 = arith.constant 65535 : i32
      %and3A_2841 = vector.broadcast %and3A_2840 : i32 to vector<16xi32>
      %and3A_2842 = arith.andi %get3A_2839, %and3A_2841 : vector<16xi32>
      %shift_right_logical3A_2843 = arith.constant 16 : i32
      %shift_right_logical3A_2844 = vector.broadcast %shift_right_logical3A_2843 : i32 to vector<16xi32>
      %shift_right_logical3A_2845 = arith.shrui %get3A_2839, %shift_right_logical3A_2844 : vector<16xi32>
      %add3A_2846 = vector.broadcast %add3A_2836 : i32 to vector<16xi32>
      %add3A_2847 = arith.addi %add3A_2846, %iota3A_2837 : vector<16xi32>
      %shift_right_logical3A_2848 = arith.constant 1 : i32
      %shift_right_logical3A_2849 = vector.broadcast %shift_right_logical3A_2848 : i32 to vector<16xi32>
      %shift_right_logical3A_2850 = arith.shrui %add3A_2847, %shift_right_logical3A_2849 : vector<16xi32>
      %gather3A_2851 = tpu.vector_load_idx %arg12[%shift_right_logical3A_2850] : memref<10000xi32, #tpu.memory_space<vmem>>[vector<16xi32>], vector<16xi32>,
      %and3A_2852 = arith.constant 1 : i32
      %and3A_2853 = vector.broadcast %and3A_2852 : i32 to vector<16xi32>
      %and3A_2854 = arith.andi %add3A_2847, %and3A_2853 : vector<16xi32>
      %mul3A_2855 = arith.constant 5 : i32
      %mul3A_2856 = vector.broadcast %mul3A_2855 : i32 to vector<16xi32>
      %mul3A_2857 = arith.muli %and3A_2854, %mul3A_2856 : vector<16xi32>
      %shift_right_logical3A_2858 = arith.shrui %gather3A_2851, %mul3A_2857 : vector<16xi32>
      %and3A_2859 = arith.constant 31 : i32
      %and3A_2860 = vector.broadcast %and3A_2859 : i32 to vector<16xi32>
      %and3A_2861 = arith.andi %shift_right_logical3A_2858, %and3A_2860 : vector<16xi32>
      %mul3A_2862 = arith.constant 21846 : i32
      %mul3A_2863 = vector.broadcast %mul3A_2862 : i32 to vector<16xi32>
      %mul3A_2864 = arith.muli %and3A_2861, %mul3A_2863 : vector<16xi32>
      %shift_right_logical3A_2865 = arith.constant 16 : i32
      %shift_right_logical3A_2866 = vector.broadcast %shift_right_logical3A_2865 : i32 to vector<16xi32>
      %shift_right_logical3A_2867 = arith.shrui %mul3A_2864, %shift_right_logical3A_2866 : vector<16xi32>
      %mul3A_2868 = arith.constant 7282 : i32
      %mul3A_2869 = vector.broadcast %mul3A_2868 : i32 to vector<16xi32>
      %mul3A_2870 = arith.muli %and3A_2861, %mul3A_2869 : vector<16xi32>
      %shift_right_logical3A_2871 = arith.constant 16 : i32
      %shift_right_logical3A_2872 = vector.broadcast %shift_right_logical3A_2871 : i32 to vector<16xi32>
      %shift_right_logical3A_2873 = arith.shrui %mul3A_2870, %shift_right_logical3A_2872 : vector<16xi32>
      %mul3A_2874 = arith.constant 3 : i32
      %mul3A_2875 = vector.broadcast %mul3A_2874 : i32 to vector<16xi32>
      %mul3A_2876 = arith.muli %mul3A_2875, %shift_right_logical3A_2867 : vector<16xi32>
      %sub3A_2877 = arith.subi %and3A_2861, %mul3A_2876 : vector<16xi32>
      %mul3A_2878 = arith.constant 3 : i32
      %mul3A_2879 = vector.broadcast %mul3A_2878 : i32 to vector<16xi32>
      %mul3A_2880 = arith.muli %mul3A_2879, %shift_right_logical3A_2873 : vector<16xi32>
      %sub3A_2881 = arith.subi %shift_right_logical3A_2867, %mul3A_2880 : vector<16xi32>
      %convert_element_type3A_2882 = arith.sitofp %sub3A_2877 : vector<16xi32> to vector<16xf32>
      %convert_element_type3A_2883 = arith.sitofp %sub3A_2881 : vector<16xi32> to vector<16xf32>
      %convert_element_type3A_2884 = arith.sitofp %shift_right_logical3A_2873 : vector<16xi32> to vector<16xf32>
      %mul3A_2885 = arith.constant 3 : i32
      %mul3A_2886 = vector.broadcast %mul3A_2885 : i32 to vector<16xi32>
      %mul3A_2887 = arith.muli %and3A_2842, %mul3A_2886 : vector<16xi32>
      %mul3A_2888 = arith.constant 3 : i32
      %mul3A_2889 = vector.broadcast %mul3A_2888 : i32 to vector<16xi32>
      %mul3A_2890 = arith.muli %shift_right_logical3A_2845, %mul3A_2889 : vector<16xi32>
      %add3A_2891 = arith.constant 0 : i32
      %add3A_2892 = vector.broadcast %add3A_2891 : i32 to vector<16xi32>
      %add3A_2893 = arith.addi %mul3A_2887, %add3A_2892 : vector<16xi32>
      %gather3A_2894 = tpu.vector_load_idx %arg9[%add3A_2893] : memref<30000xf32, #tpu.memory_space<vmem>>[vector<16xi32>], vector<16xf32>,
      %add3A_2895 = arith.constant 1 : i32
      %add3A_2896 = vector.broadcast %add3A_2895 : i32 to vector<16xi32>
      %add3A_2897 = arith.addi %mul3A_2887, %add3A_2896 : vector<16xi32>
      %gather3A_2898 = tpu.vector_load_idx %arg9[%add3A_2897] : memref<30000xf32, #tpu.memory_space<vmem>>[vector<16xi32>], vector<16xf32>,
      %add3A_2899 = arith.constant 2 : i32
      %add3A_2900 = vector.broadcast %add3A_2899 : i32 to vector<16xi32>
      %add3A_2901 = arith.addi %mul3A_2887, %add3A_2900 : vector<16xi32>
      %gather3A_2902 = tpu.vector_load_idx %arg9[%add3A_2901] : memref<30000xf32, #tpu.memory_space<vmem>>[vector<16xi32>], vector<16xf32>,
      %add3A_2903 = arith.constant 0 : i32
      %add3A_2904 = vector.broadcast %add3A_2903 : i32 to vector<16xi32>
      %add3A_2905 = arith.addi %mul3A_2890, %add3A_2904 : vector<16xi32>
      %gather3A_2906 = tpu.vector_load_idx %arg9[%add3A_2905] : memref<30000xf32, #tpu.memory_space<vmem>>[vector<16xi32>], vector<16xf32>,
      %add3A_2907 = arith.constant 1 : i32
      %add3A_2908 = vector.broadcast %add3A_2907 : i32 to vector<16xi32>
      %add3A_2909 = arith.addi %mul3A_2890, %add3A_2908 : vector<16xi32>
      %gather3A_2910 = tpu.vector_load_idx %arg9[%add3A_2909] : memref<30000xf32, #tpu.memory_space<vmem>>[vector<16xi32>], vector<16xf32>,
      %add3A_2911 = arith.constant 2 : i32
      %add3A_2912 = vector.broadcast %add3A_2911 : i32 to vector<16xi32>
      %add3A_2913 = arith.addi %mul3A_2890, %add3A_2912 : vector<16xi32>
      %gather3A_2914 = tpu.vector_load_idx %arg9[%add3A_2913] : memref<30000xf32, #tpu.memory_space<vmem>>[vector<16xi32>], vector<16xf32>,
      %gather3A_2915 = tpu.vector_load_idx %arg10[%and3A_2842] : memref<10000xi32, #tpu.memory_space<vmem>>[vector<16xi32>], vector<16xi32>,
      %sub3A_2916 = arith.subf %gather3A_2906, %gather3A_2894 : vector<16xf32>
      %mul3A_2917 = arith.constant 1.000000e+01 : f32
      %mul3A_2918 = vector.broadcast %mul3A_2917 : f32 to vector<16xf32>
      %mul3A_2919 = arith.mulf %sub3A_2916, %mul3A_2918 : vector<16xf32>
      %mul3A_2920 = vector.broadcast %mul3A_23 : f32 to vector<16xf32>
      %mul3A_2921 = arith.mulf %convert_element_type3A_2882, %mul3A_2920 : vector<16xf32>
      %add3A_2922 = arith.addf %mul3A_2919, %mul3A_2921 : vector<16xf32>
      %mul3A_2923 = vector.broadcast %mul3A_35 : f32 to vector<16xf32>
      %mul3A_2924 = arith.mulf %convert_element_type3A_2883, %mul3A_2923 : vector<16xf32>
      %add3A_2925 = arith.addf %add3A_2922, %mul3A_2924 : vector<16xf32>
      %mul3A_2926 = vector.broadcast %mul3A_47 : f32 to vector<16xf32>
      %mul3A_2927 = arith.mulf %convert_element_type3A_2884, %mul3A_2926 : vector<16xf32>
      %add3A_2928 = arith.addf %add3A_2925, %mul3A_2927 : vector<16xf32>
      %mul3A_2929 = arith.mulf %add3A_2928, %add3A_2928 : vector<16xf32>
      %add3A_2930 = arith.constant 9.99999971E-10 : f32
      %add3A_2931 = vector.broadcast %add3A_2930 : f32 to vector<16xf32>
      %add3A_2932 = arith.addf %add3A_2931, %mul3A_2929 : vector<16xf32>
      %sub3A_2933 = arith.subf %gather3A_2910, %gather3A_2898 : vector<16xf32>
      %mul3A_2934 = arith.constant 1.000000e+01 : f32
      %mul3A_2935 = vector.broadcast %mul3A_2934 : f32 to vector<16xf32>
      %mul3A_2936 = arith.mulf %sub3A_2933, %mul3A_2935 : vector<16xf32>
      %mul3A_2937 = vector.broadcast %mul3A_27 : f32 to vector<16xf32>
      %mul3A_2938 = arith.mulf %convert_element_type3A_2882, %mul3A_2937 : vector<16xf32>
      %add3A_2939 = arith.addf %mul3A_2936, %mul3A_2938 : vector<16xf32>
      %mul3A_2940 = vector.broadcast %mul3A_39 : f32 to vector<16xf32>
      %mul3A_2941 = arith.mulf %convert_element_type3A_2883, %mul3A_2940 : vector<16xf32>
      %add3A_2942 = arith.addf %add3A_2939, %mul3A_2941 : vector<16xf32>
      %mul3A_2943 = vector.broadcast %mul3A_51 : f32 to vector<16xf32>
      %mul3A_2944 = arith.mulf %convert_element_type3A_2884, %mul3A_2943 : vector<16xf32>
      %add3A_2945 = arith.addf %add3A_2942, %mul3A_2944 : vector<16xf32>
      %mul3A_2946 = arith.mulf %add3A_2945, %add3A_2945 : vector<16xf32>
      %add3A_2947 = arith.addf %add3A_2932, %mul3A_2946 : vector<16xf32>
      %sub3A_2948 = arith.subf %gather3A_2914, %gather3A_2902 : vector<16xf32>
      %mul3A_2949 = arith.constant 1.000000e+01 : f32
      %mul3A_2950 = vector.broadcast %mul3A_2949 : f32 to vector<16xf32>
      %mul3A_2951 = arith.mulf %sub3A_2948, %mul3A_2950 : vector<16xf32>
      %mul3A_2952 = vector.broadcast %mul3A_31 : f32 to vector<16xf32>
      %mul3A_2953 = arith.mulf %convert_element_type3A_2882, %mul3A_2952 : vector<16xf32>
      %add3A_2954 = arith.addf %mul3A_2951, %mul3A_2953 : vector<16xf32>
      %mul3A_2955 = vector.broadcast %mul3A_43 : f32 to vector<16xf32>
      %mul3A_2956 = arith.mulf %convert_element_type3A_2883, %mul3A_2955 : vector<16xf32>
      %add3A_2957 = arith.addf %add3A_2954, %mul3A_2956 : vector<16xf32>
      %mul3A_2958 = vector.broadcast %mul3A_55 : f32 to vector<16xf32>
      %mul3A_2959 = arith.mulf %convert_element_type3A_2884, %mul3A_2958 : vector<16xf32>
      %add3A_2960 = arith.addf %add3A_2957, %mul3A_2959 : vector<16xf32>
      %mul3A_2961 = arith.mulf %add3A_2960, %add3A_2960 : vector<16xf32>
      %add3A_2962 = arith.addf %add3A_2947, %mul3A_2961 : vector<16xf32>
      %bitcast3A_2963 = vector.bitcast %add3A_2962 : vector<16xf32> to vector<16xi32>
      %shift_right_logical3A_2964 = arith.constant 1 : i32
      %shift_right_logical3A_2965 = vector.broadcast %shift_right_logical3A_2964 : i32 to vector<16xi32>
      %shift_right_logical3A_2966 = arith.shrui %bitcast3A_2963, %shift_right_logical3A_2965 : vector<16xi32>
      %sub3A_2967 = arith.constant 1597463007 : i32
      %sub3A_2968 = vector.broadcast %sub3A_2967 : i32 to vector<16xi32>
      %sub3A_2969 = arith.subi %sub3A_2968, %shift_right_logical3A_2966 : vector<16xi32>
      %bitcast3A_2970 = vector.bitcast %sub3A_2969 : vector<16xi32> to vector<16xf32>
      %mul3A_2971 = arith.constant 5.000000e-01 : f32
      %mul3A_2972 = vector.broadcast %mul3A_2971 : f32 to vector<16xf32>
      %mul3A_2973 = arith.mulf %mul3A_2972, %add3A_2962 : vector<16xf32>
      %mul3A_2974 = arith.mulf %mul3A_2973, %bitcast3A_2970 : vector<16xf32>
      %mul3A_2975 = arith.mulf %mul3A_2974, %bitcast3A_2970 : vector<16xf32>
      %sub3A_2976 = arith.constant 1.500000e+00 : f32
      %sub3A_2977 = vector.broadcast %sub3A_2976 : f32 to vector<16xf32>
      %sub3A_2978 = arith.subf %sub3A_2977, %mul3A_2975 : vector<16xf32>
      %mul3A_2979 = arith.mulf %bitcast3A_2970, %sub3A_2978 : vector<16xf32>
      %mul3A_2980 = arith.constant 5.000000e-01 : f32
      %mul3A_2981 = vector.broadcast %mul3A_2980 : f32 to vector<16xf32>
      %mul3A_2982 = arith.mulf %mul3A_2981, %add3A_2962 : vector<16xf32>
      %mul3A_2983 = arith.mulf %mul3A_2982, %mul3A_2979 : vector<16xf32>
      %mul3A_2984 = arith.mulf %mul3A_2983, %mul3A_2979 : vector<16xf32>
      %sub3A_2985 = arith.constant 1.500000e+00 : f32
      %sub3A_2986 = vector.broadcast %sub3A_2985 : f32 to vector<16xf32>
      %sub3A_2987 = arith.subf %sub3A_2986, %mul3A_2984 : vector<16xf32>
      %mul3A_2988 = arith.mulf %mul3A_2979, %sub3A_2987 : vector<16xf32>
      %mul3A_2989 = arith.constant 5.000000e-01 : f32
      %mul3A_2990 = vector.broadcast %mul3A_2989 : f32 to vector<16xf32>
      %mul3A_2991 = arith.mulf %mul3A_2990, %add3A_2962 : vector<16xf32>
      %mul3A_2992 = arith.mulf %mul3A_2991, %mul3A_2988 : vector<16xf32>
      %mul3A_2993 = arith.mulf %mul3A_2992, %mul3A_2988 : vector<16xf32>
      %sub3A_2994 = arith.constant 1.500000e+00 : f32
      %sub3A_2995 = vector.broadcast %sub3A_2994 : f32 to vector<16xf32>
      %sub3A_2996 = arith.subf %sub3A_2995, %mul3A_2993 : vector<16xf32>
      %mul3A_2997 = arith.mulf %mul3A_2988, %sub3A_2996 : vector<16xf32>
      %mul3A_2998 = arith.mulf %add3A_2962, %mul3A_2997 : vector<16xf32>
      %mul3A_2999 = arith.constant 2.000000e-01 : f32
      %mul3A_3000 = vector.broadcast %mul3A_2999 : f32 to vector<16xf32>
      %mul3A_3001 = arith.mulf %mul3A_2998, %mul3A_3000 : vector<16xf32>
      %min3A_3002 = arith.constant 1.000000e+00 : f32
      %min3A_3003 = vector.broadcast %min3A_3002 : f32 to vector<16xf32>
      %min3A_3004 = arith.minimumf %mul3A_3001, %min3A_3003 : vector<16xf32>
      %mul3A_3005 = arith.constant 3.14159274 : f32
      %mul3A_3006 = vector.broadcast %mul3A_3005 : f32 to vector<16xf32>
      %mul3A_3007 = arith.mulf %mul3A_3006, %min3A_3004 : vector<16xf32>
      %sub3A_3008 = arith.constant 1.57079637 : f32
      %sub3A_3009 = vector.broadcast %sub3A_3008 : f32 to vector<16xf32>
      %sub3A_3010 = arith.subf %mul3A_3007, %sub3A_3009 : vector<16xf32>
      %mul3A_3011 = arith.mulf %sub3A_3010, %sub3A_3010 : vector<16xf32>
      %mul3A_3012 = arith.constant 2.08767559E-9 : f32
      %mul3A_3013 = vector.broadcast %mul3A_3012 : f32 to vector<16xf32>
      %mul3A_3014 = arith.mulf %mul3A_3013, %mul3A_3011 : vector<16xf32>
      %add3A_3015 = arith.constant -2.755732E-7 : f32
      %add3A_3016 = vector.broadcast %add3A_3015 : f32 to vector<16xf32>
      %add3A_3017 = arith.addf %mul3A_3014, %add3A_3016 : vector<16xf32>
      %mul3A_3018 = arith.mulf %add3A_3017, %mul3A_3011 : vector<16xf32>
      %add3A_3019 = arith.constant 2.48015876E-5 : f32
      %add3A_3020 = vector.broadcast %add3A_3019 : f32 to vector<16xf32>
      %add3A_3021 = arith.addf %mul3A_3018, %add3A_3020 : vector<16xf32>
      %mul3A_3022 = arith.mulf %add3A_3021, %mul3A_3011 : vector<16xf32>
      %add3A_3023 = arith.constant -0.00138888892 : f32
      %add3A_3024 = vector.broadcast %add3A_3023 : f32 to vector<16xf32>
      %add3A_3025 = arith.addf %mul3A_3022, %add3A_3024 : vector<16xf32>
      %mul3A_3026 = arith.mulf %add3A_3025, %mul3A_3011 : vector<16xf32>
      %add3A_3027 = arith.constant 0.0416666679 : f32
      %add3A_3028 = vector.broadcast %add3A_3027 : f32 to vector<16xf32>
      %add3A_3029 = arith.addf %mul3A_3026, %add3A_3028 : vector<16xf32>
      %mul3A_3030 = arith.mulf %add3A_3029, %mul3A_3011 : vector<16xf32>
      %add3A_3031 = arith.constant -5.000000e-01 : f32
      %add3A_3032 = vector.broadcast %add3A_3031 : f32 to vector<16xf32>
      %add3A_3033 = arith.addf %mul3A_3030, %add3A_3032 : vector<16xf32>
      %mul3A_3034 = arith.mulf %add3A_3033, %mul3A_3011 : vector<16xf32>
      %add3A_3035 = arith.constant 1.000000e+00 : f32
      %add3A_3036 = vector.broadcast %add3A_3035 : f32 to vector<16xf32>
      %add3A_3037 = arith.addf %mul3A_3034, %add3A_3036 : vector<16xf32>
      %mul3A_3038 = arith.constant -2.50521079E-8 : f32
      %mul3A_3039 = vector.broadcast %mul3A_3038 : f32 to vector<16xf32>
      %mul3A_3040 = arith.mulf %mul3A_3039, %mul3A_3011 : vector<16xf32>
      %add3A_3041 = arith.constant 2.75573188E-6 : f32
      %add3A_3042 = vector.broadcast %add3A_3041 : f32 to vector<16xf32>
      %add3A_3043 = arith.addf %mul3A_3040, %add3A_3042 : vector<16xf32>
      %mul3A_3044 = arith.mulf %add3A_3043, %mul3A_3011 : vector<16xf32>
      %add3A_3045 = arith.constant -1.98412701E-4 : f32
      %add3A_3046 = vector.broadcast %add3A_3045 : f32 to vector<16xf32>
      %add3A_3047 = arith.addf %mul3A_3044, %add3A_3046 : vector<16xf32>
      %mul3A_3048 = arith.mulf %add3A_3047, %mul3A_3011 : vector<16xf32>
      %add3A_3049 = arith.constant 0.00833333377 : f32
      %add3A_3050 = vector.broadcast %add3A_3049 : f32 to vector<16xf32>
      %add3A_3051 = arith.addf %mul3A_3048, %add3A_3050 : vector<16xf32>
      %mul3A_3052 = arith.mulf %add3A_3051, %mul3A_3011 : vector<16xf32>
      %add3A_3053 = arith.constant -0.166666672 : f32
      %add3A_3054 = vector.broadcast %add3A_3053 : f32 to vector<16xf32>
      %add3A_3055 = arith.addf %mul3A_3052, %add3A_3054 : vector<16xf32>
      %mul3A_3056 = arith.mulf %add3A_3055, %mul3A_3011 : vector<16xf32>
      %add3A_3057 = arith.constant 1.000000e+00 : f32
      %add3A_3058 = vector.broadcast %add3A_3057 : f32 to vector<16xf32>
      %add3A_3059 = arith.addf %mul3A_3056, %add3A_3058 : vector<16xf32>
      %mul3A_3060 = arith.mulf %add3A_3059, %sub3A_3010 : vector<16xf32>
      %neg3A_3061 = arith.constant 0.000000e+00 : f32
      %neg3A_3062 = vector.broadcast %neg3A_3061 : f32 to vector<16xf32>
      %neg3A_3063 = arith.subf %neg3A_3062, %mul3A_3060 : vector<16xf32>
      %mul3A_3064 = arith.constant 2.000000e+00 : f32
      %mul3A_3065 = vector.broadcast %mul3A_3064 : f32 to vector<16xf32>
      %mul3A_3066 = arith.mulf %mul3A_3065, %neg3A_3063 : vector<16xf32>
      %mul3A_3067 = arith.mulf %mul3A_3066, %add3A_3037 : vector<16xf32>
      %mul3A_3068 = arith.mulf %mul3A_3066, %mul3A_3067 : vector<16xf32>
      %sub3A_3069 = arith.subf %mul3A_3068, %add3A_3037 : vector<16xf32>
      %mul3A_3070 = arith.mulf %mul3A_3066, %sub3A_3069 : vector<16xf32>
      %sub3A_3071 = arith.subf %mul3A_3070, %mul3A_3067 : vector<16xf32>
      %mul3A_3072 = arith.mulf %mul3A_3066, %sub3A_3071 : vector<16xf32>
      %sub3A_3073 = arith.subf %mul3A_3072, %sub3A_3069 : vector<16xf32>
      %mul3A_3074 = arith.mulf %mul3A_3066, %sub3A_3073 : vector<16xf32>
      %sub3A_3075 = arith.subf %mul3A_3074, %sub3A_3071 : vector<16xf32>
      %mul3A_3076 = arith.mulf %mul3A_3066, %sub3A_3075 : vector<16xf32>
      %sub3A_3077 = arith.subf %mul3A_3076, %sub3A_3073 : vector<16xf32>
      %mul3A_3078 = arith.mulf %mul3A_3066, %sub3A_3077 : vector<16xf32>
      %sub3A_3079 = arith.subf %mul3A_3078, %sub3A_3075 : vector<16xf32>
      %mul3A_3080 = arith.mulf %min3A_3004, %min3A_3004 : vector<16xf32>
      %mul3A_3081 = arith.mulf %mul3A_3080, %min3A_3004 : vector<16xf32>
      %mul3A_3082 = arith.mulf %mul3A_3081, %mul3A_3081 : vector<16xf32>
      %mul3A_3083 = arith.mulf %mul3A_3082, %min3A_3004 : vector<16xf32>
      %mul3A_3084 = arith.mulf %mul3A_3083, %min3A_3004 : vector<16xf32>
      %mul3A_3085 = arith.constant 2.800000e+01 : f32
      %mul3A_3086 = vector.broadcast %mul3A_3085 : f32 to vector<16xf32>
      %mul3A_3087 = arith.mulf %mul3A_3086, %mul3A_3082 : vector<16xf32>
      %sub3A_3088 = arith.constant 1.000000e+00 : f32
      %sub3A_3089 = vector.broadcast %sub3A_3088 : f32 to vector<16xf32>
      %sub3A_3090 = arith.subf %sub3A_3089, %mul3A_3087 : vector<16xf32>
      %mul3A_3091 = arith.constant 4.800000e+01 : f32
      %mul3A_3092 = vector.broadcast %mul3A_3091 : f32 to vector<16xf32>
      %mul3A_3093 = arith.mulf %mul3A_3092, %mul3A_3083 : vector<16xf32>
      %add3A_3094 = arith.addf %sub3A_3090, %mul3A_3093 : vector<16xf32>
      %mul3A_3095 = arith.constant 2.100000e+01 : f32
      %mul3A_3096 = vector.broadcast %mul3A_3095 : f32 to vector<16xf32>
      %mul3A_3097 = arith.mulf %mul3A_3096, %mul3A_3084 : vector<16xf32>
      %sub3A_3098 = arith.subf %add3A_3094, %mul3A_3097 : vector<16xf32>
      %mul3A_3099 = arith.constant 0.632455527 : f32
      %mul3A_3100 = vector.broadcast %mul3A_3099 : f32 to vector<16xf32>
      %mul3A_3101 = arith.mulf %mul3A_3100, %sub3A_3098 : vector<16xf32>
      %mul3A_3102 = arith.mulf %mul3A_3101, %mul3A_2997 : vector<16xf32>
      %lt3A_3103 = arith.constant 1.000000e+00 : f32
      %lt3A_3104 = vector.broadcast %lt3A_3103 : f32 to vector<16xf32>
      %lt3A_3105 = arith.cmpf olt, %mul3A_3001, %lt3A_3104 : vector<16xf32>
      %jit3A_3106 = arith.constant 0.000000e+00 : f32
      %broadcast_in_dim3A_3107 = vector.broadcast %jit3A_3106 : f32 to vector<16xf32>
      %select_n3A_3108 = arith.select %lt3A_3105, %mul3A_3102, %broadcast_in_dim3A_3107 : vector<16xi1>, vector<16xf32>
      %mul3A_3109 = arith.constant 5 : i32
      %mul3A_3110 = arith.muli %mul3A_3109, %arg0 : i32
      %sub3A_3111 = vector.broadcast %mul3A_3110 : i32 to vector<16xi32>
      %sub3A_3112 = arith.subi %gather3A_2915, %sub3A_3111 : vector<16xi32>
      %ge3A_3113 = arith.constant 0 : i32
      %ge3A_3114 = vector.broadcast %ge3A_3113 : i32 to vector<16xi32>
      %ge3A_3115 = arith.cmpi sge, %sub3A_3112, %ge3A_3114 : vector<16xi32>
      %lt3A_3116 = arith.constant 5 : i32
      %lt3A_3117 = vector.broadcast %lt3A_3116 : i32 to vector<16xi32>
      %lt3A_3118 = arith.cmpi slt, %sub3A_3112, %lt3A_3117 : vector<16xi32>
      %and3A_3119 = arith.andi %ge3A_3115, %lt3A_3118 : vector<16xi1>
      %mul3A_3120 = arith.constant 5 : i32
      %mul3A_3121 = vector.broadcast %mul3A_3120 : i32 to vector<16xi32>
      %mul3A_3122 = arith.muli %shift_right_logical3A_2845, %mul3A_3121 : vector<16xi32>
      %add3A_3123 = arith.addi %mul3A_3122, %sub3A_3112 : vector<16xi32>
      %mul3A_3124 = arith.constant 8 : i32
      %mul3A_3125 = vector.broadcast %mul3A_3124 : i32 to vector<16xi32>
      %mul3A_3126 = arith.muli %add3A_3123, %mul3A_3125 : vector<16xi32>
      %jit3A_3127 = arith.constant 400000 : i32
      %broadcast_in_dim3A_3128 = vector.broadcast %jit3A_3127 : i32 to vector<16xi32>
      %select_n3A_3129 = arith.select %and3A_3119, %mul3A_3126, %broadcast_in_dim3A_3128 : vector<16xi1>, vector<16xi32>
      %mul3A_3130 = arith.mulf %add3A_3037, %select_n3A_3108 : vector<16xf32>
      %mul3A_3131 = arith.mulf %mul3A_3067, %select_n3A_3108 : vector<16xf32>
      %mul3A_3132 = arith.mulf %sub3A_3069, %select_n3A_3108 : vector<16xf32>
      %mul3A_3133 = arith.mulf %sub3A_3071, %select_n3A_3108 : vector<16xf32>
      %mul3A_3134 = arith.mulf %sub3A_3073, %select_n3A_3108 : vector<16xf32>
      %mul3A_3135 = arith.mulf %sub3A_3075, %select_n3A_3108 : vector<16xf32>
      %mul3A_3136 = arith.mulf %sub3A_3077, %select_n3A_3108 : vector<16xf32>
      %mul3A_3137 = arith.mulf %sub3A_3079, %select_n3A_3108 : vector<16xf32>
      %add3A_3138 = arith.constant 0 : i32
      %add3A_3139 = vector.broadcast %add3A_3138 : i32 to vector<16xi32>
      %add3A_3140 = arith.addi %select_n3A_3129, %add3A_3139 : vector<16xi32>
      %swap3A_3141 = arith.constant 0 : i32
      %swap3A_3142 = arith.index_cast %swap3A_3141 : i32 to index
      %swap3A_3143 = arith.constant 80 : index
      %swap3A_3144 = tpu.vector_load %arg13[%swap3A_3142, %swap3A_3143] {strides = array<i32>} : memref<8x128xi32, #tpu.memory_space<vmem>>, vector<16xi32>,
      tpu.vector_store %arg13[%swap3A_3142, %swap3A_3143], %add3A_3140 {strides = array<i32>} : memref<8x128xi32, #tpu.memory_space<vmem>>, vector<16xi32>,
      %swap3A_3145 = arith.constant 0 : i32
      %swap3A_3146 = arith.index_cast %swap3A_3145 : i32 to index
      %swap3A_3147 = arith.constant 80 : index
      %swap3A_3148 = tpu.vector_load %arg14[%swap3A_3146, %swap3A_3147] {strides = array<i32>} : memref<8x128xf32, #tpu.memory_space<vmem>>, vector<16xf32>,
      tpu.vector_store %arg14[%swap3A_3146, %swap3A_3147], %mul3A_3130 {strides = array<i32>} : memref<8x128xf32, #tpu.memory_space<vmem>>, vector<16xf32>,
      %add3A_3149 = arith.constant 1 : i32
      %add3A_3150 = vector.broadcast %add3A_3149 : i32 to vector<16xi32>
      %add3A_3151 = arith.addi %select_n3A_3129, %add3A_3150 : vector<16xi32>
      %swap3A_3152 = arith.constant 1 : i32
      %swap3A_3153 = arith.index_cast %swap3A_3152 : i32 to index
      %swap3A_3154 = arith.constant 80 : index
      %swap3A_3155 = tpu.vector_load %arg13[%swap3A_3153, %swap3A_3154] {strides = array<i32>} : memref<8x128xi32, #tpu.memory_space<vmem>>, vector<16xi32>,
      tpu.vector_store %arg13[%swap3A_3153, %swap3A_3154], %add3A_3151 {strides = array<i32>} : memref<8x128xi32, #tpu.memory_space<vmem>>, vector<16xi32>,
      %swap3A_3156 = arith.constant 1 : i32
      %swap3A_3157 = arith.index_cast %swap3A_3156 : i32 to index
      %swap3A_3158 = arith.constant 80 : index
      %swap3A_3159 = tpu.vector_load %arg14[%swap3A_3157, %swap3A_3158] {strides = array<i32>} : memref<8x128xf32, #tpu.memory_space<vmem>>, vector<16xf32>,
      tpu.vector_store %arg14[%swap3A_3157, %swap3A_3158], %mul3A_3131 {strides = array<i32>} : memref<8x128xf32, #tpu.memory_space<vmem>>, vector<16xf32>,
      %add3A_3160 = arith.constant 2 : i32
      %add3A_3161 = vector.broadcast %add3A_3160 : i32 to vector<16xi32>
      %add3A_3162 = arith.addi %select_n3A_3129, %add3A_3161 : vector<16xi32>
      %swap3A_3163 = arith.constant 2 : i32
      %swap3A_3164 = arith.index_cast %swap3A_3163 : i32 to index
      %swap3A_3165 = arith.constant 80 : index
      %swap3A_3166 = tpu.vector_load %arg13[%swap3A_3164, %swap3A_3165] {strides = array<i32>} : memref<8x128xi32, #tpu.memory_space<vmem>>, vector<16xi32>,
      tpu.vector_store %arg13[%swap3A_3164, %swap3A_3165], %add3A_3162 {strides = array<i32>} : memref<8x128xi32, #tpu.memory_space<vmem>>, vector<16xi32>,
      %swap3A_3167 = arith.constant 2 : i32
      %swap3A_3168 = arith.index_cast %swap3A_3167 : i32 to index
      %swap3A_3169 = arith.constant 80 : index
      %swap3A_3170 = tpu.vector_load %arg14[%swap3A_3168, %swap3A_3169] {strides = array<i32>} : memref<8x128xf32, #tpu.memory_space<vmem>>, vector<16xf32>,
      tpu.vector_store %arg14[%swap3A_3168, %swap3A_3169], %mul3A_3132 {strides = array<i32>} : memref<8x128xf32, #tpu.memory_space<vmem>>, vector<16xf32>,
      %add3A_3171 = arith.constant 3 : i32
      %add3A_3172 = vector.broadcast %add3A_3171 : i32 to vector<16xi32>
      %add3A_3173 = arith.addi %select_n3A_3129, %add3A_3172 : vector<16xi32>
      %swap3A_3174 = arith.constant 3 : i32
      %swap3A_3175 = arith.index_cast %swap3A_3174 : i32 to index
      %swap3A_3176 = arith.constant 80 : index
      %swap3A_3177 = tpu.vector_load %arg13[%swap3A_3175, %swap3A_3176] {strides = array<i32>} : memref<8x128xi32, #tpu.memory_space<vmem>>, vector<16xi32>,
      tpu.vector_store %arg13[%swap3A_3175, %swap3A_3176], %add3A_3173 {strides = array<i32>} : memref<8x128xi32, #tpu.memory_space<vmem>>, vector<16xi32>,
      %swap3A_3178 = arith.constant 3 : i32
      %swap3A_3179 = arith.index_cast %swap3A_3178 : i32 to index
      %swap3A_3180 = arith.constant 80 : index
      %swap3A_3181 = tpu.vector_load %arg14[%swap3A_3179, %swap3A_3180] {strides = array<i32>} : memref<8x128xf32, #tpu.memory_space<vmem>>, vector<16xf32>,
      tpu.vector_store %arg14[%swap3A_3179, %swap3A_3180], %mul3A_3133 {strides = array<i32>} : memref<8x128xf32, #tpu.memory_space<vmem>>, vector<16xf32>,
      %add3A_3182 = arith.constant 4 : i32
      %add3A_3183 = vector.broadcast %add3A_3182 : i32 to vector<16xi32>
      %add3A_3184 = arith.addi %select_n3A_3129, %add3A_3183 : vector<16xi32>
      %swap3A_3185 = arith.constant 4 : i32
      %swap3A_3186 = arith.index_cast %swap3A_3185 : i32 to index
      %swap3A_3187 = arith.constant 80 : index
      %swap3A_3188 = tpu.vector_load %arg13[%swap3A_3186, %swap3A_3187] {strides = array<i32>} : memref<8x128xi32, #tpu.memory_space<vmem>>, vector<16xi32>,
      tpu.vector_store %arg13[%swap3A_3186, %swap3A_3187], %add3A_3184 {strides = array<i32>} : memref<8x128xi32, #tpu.memory_space<vmem>>, vector<16xi32>,
      %swap3A_3189 = arith.constant 4 : i32
      %swap3A_3190 = arith.index_cast %swap3A_3189 : i32 to index
      %swap3A_3191 = arith.constant 80 : index
      %swap3A_3192 = tpu.vector_load %arg14[%swap3A_3190, %swap3A_3191] {strides = array<i32>} : memref<8x128xf32, #tpu.memory_space<vmem>>, vector<16xf32>,
      tpu.vector_store %arg14[%swap3A_3190, %swap3A_3191], %mul3A_3134 {strides = array<i32>} : memref<8x128xf32, #tpu.memory_space<vmem>>, vector<16xf32>,
      %add3A_3193 = arith.constant 5 : i32
      %add3A_3194 = vector.broadcast %add3A_3193 : i32 to vector<16xi32>
      %add3A_3195 = arith.addi %select_n3A_3129, %add3A_3194 : vector<16xi32>
      %swap3A_3196 = arith.constant 5 : i32
      %swap3A_3197 = arith.index_cast %swap3A_3196 : i32 to index
      %swap3A_3198 = arith.constant 80 : index
      %swap3A_3199 = tpu.vector_load %arg13[%swap3A_3197, %swap3A_3198] {strides = array<i32>} : memref<8x128xi32, #tpu.memory_space<vmem>>, vector<16xi32>,
      tpu.vector_store %arg13[%swap3A_3197, %swap3A_3198], %add3A_3195 {strides = array<i32>} : memref<8x128xi32, #tpu.memory_space<vmem>>, vector<16xi32>,
      %swap3A_3200 = arith.constant 5 : i32
      %swap3A_3201 = arith.index_cast %swap3A_3200 : i32 to index
      %swap3A_3202 = arith.constant 80 : index
      %swap3A_3203 = tpu.vector_load %arg14[%swap3A_3201, %swap3A_3202] {strides = array<i32>} : memref<8x128xf32, #tpu.memory_space<vmem>>, vector<16xf32>,
      tpu.vector_store %arg14[%swap3A_3201, %swap3A_3202], %mul3A_3135 {strides = array<i32>} : memref<8x128xf32, #tpu.memory_space<vmem>>, vector<16xf32>,
      %add3A_3204 = arith.constant 6 : i32
      %add3A_3205 = vector.broadcast %add3A_3204 : i32 to vector<16xi32>
      %add3A_3206 = arith.addi %select_n3A_3129, %add3A_3205 : vector<16xi32>
      %swap3A_3207 = arith.constant 6 : i32
      %swap3A_3208 = arith.index_cast %swap3A_3207 : i32 to index
      %swap3A_3209 = arith.constant 80 : index
      %swap3A_3210 = tpu.vector_load %arg13[%swap3A_3208, %swap3A_3209] {strides = array<i32>} : memref<8x128xi32, #tpu.memory_space<vmem>>, vector<16xi32>,
      tpu.vector_store %arg13[%swap3A_3208, %swap3A_3209], %add3A_3206 {strides = array<i32>} : memref<8x128xi32, #tpu.memory_space<vmem>>, vector<16xi32>,
      %swap3A_3211 = arith.constant 6 : i32
      %swap3A_3212 = arith.index_cast %swap3A_3211 : i32 to index
      %swap3A_3213 = arith.constant 80 : index
      %swap3A_3214 = tpu.vector_load %arg14[%swap3A_3212, %swap3A_3213] {strides = array<i32>} : memref<8x128xf32, #tpu.memory_space<vmem>>, vector<16xf32>,
      tpu.vector_store %arg14[%swap3A_3212, %swap3A_3213], %mul3A_3136 {strides = array<i32>} : memref<8x128xf32, #tpu.memory_space<vmem>>, vector<16xf32>,
      %add3A_3215 = arith.constant 7 : i32
      %add3A_3216 = vector.broadcast %add3A_3215 : i32 to vector<16xi32>
      %add3A_3217 = arith.addi %select_n3A_3129, %add3A_3216 : vector<16xi32>
      %swap3A_3218 = arith.constant 7 : i32
      %swap3A_3219 = arith.index_cast %swap3A_3218 : i32 to index
      %swap3A_3220 = arith.constant 80 : index
      %swap3A_3221 = tpu.vector_load %arg13[%swap3A_3219, %swap3A_3220] {strides = array<i32>} : memref<8x128xi32, #tpu.memory_space<vmem>>, vector<16xi32>,
      tpu.vector_store %arg13[%swap3A_3219, %swap3A_3220], %add3A_3217 {strides = array<i32>} : memref<8x128xi32, #tpu.memory_space<vmem>>, vector<16xi32>,
      %swap3A_3222 = arith.constant 7 : i32
      %swap3A_3223 = arith.index_cast %swap3A_3222 : i32 to index
      %swap3A_3224 = arith.constant 80 : index
      %swap3A_3225 = tpu.vector_load %arg14[%swap3A_3223, %swap3A_3224] {strides = array<i32>} : memref<8x128xf32, #tpu.memory_space<vmem>>, vector<16xf32>,
      tpu.vector_store %arg14[%swap3A_3223, %swap3A_3224], %mul3A_3137 {strides = array<i32>} : memref<8x128xf32, #tpu.memory_space<vmem>>, vector<16xf32>,
      %add3A_3226 = arith.constant 96 : i32
      %add3A_3227 = arith.addi %mul3A_879, %add3A_3226 : i32
      %iota3A_3228 = tpu.iota {dimensions = array<i32: 0>} : vector<16xi32>
      %get3A_3229 = arith.index_cast %add3A_3227 : i32 to index
      %get3A_3230 = tpu.vector_load %arg11[%get3A_3229] {strides = array<i32>} : memref<20000xi32, #tpu.memory_space<vmem>>, vector<16xi32>,
      %and3A_3231 = arith.constant 65535 : i32
      %and3A_3232 = vector.broadcast %and3A_3231 : i32 to vector<16xi32>
      %and3A_3233 = arith.andi %get3A_3230, %and3A_3232 : vector<16xi32>
      %shift_right_logical3A_3234 = arith.constant 16 : i32
      %shift_right_logical3A_3235 = vector.broadcast %shift_right_logical3A_3234 : i32 to vector<16xi32>
      %shift_right_logical3A_3236 = arith.shrui %get3A_3230, %shift_right_logical3A_3235 : vector<16xi32>
      %add3A_3237 = vector.broadcast %add3A_3227 : i32 to vector<16xi32>
      %add3A_3238 = arith.addi %add3A_3237, %iota3A_3228 : vector<16xi32>
      %shift_right_logical3A_3239 = arith.constant 1 : i32
      %shift_right_logical3A_3240 = vector.broadcast %shift_right_logical3A_3239 : i32 to vector<16xi32>
      %shift_right_logical3A_3241 = arith.shrui %add3A_3238, %shift_right_logical3A_3240 : vector<16xi32>
      %gather3A_3242 = tpu.vector_load_idx %arg12[%shift_right_logical3A_3241] : memref<10000xi32, #tpu.memory_space<vmem>>[vector<16xi32>], vector<16xi32>,
      %and3A_3243 = arith.constant 1 : i32
      %and3A_3244 = vector.broadcast %and3A_3243 : i32 to vector<16xi32>
      %and3A_3245 = arith.andi %add3A_3238, %and3A_3244 : vector<16xi32>
      %mul3A_3246 = arith.constant 5 : i32
      %mul3A_3247 = vector.broadcast %mul3A_3246 : i32 to vector<16xi32>
      %mul3A_3248 = arith.muli %and3A_3245, %mul3A_3247 : vector<16xi32>
      %shift_right_logical3A_3249 = arith.shrui %gather3A_3242, %mul3A_3248 : vector<16xi32>
      %and3A_3250 = arith.constant 31 : i32
      %and3A_3251 = vector.broadcast %and3A_3250 : i32 to vector<16xi32>
      %and3A_3252 = arith.andi %shift_right_logical3A_3249, %and3A_3251 : vector<16xi32>
      %mul3A_3253 = arith.constant 21846 : i32
      %mul3A_3254 = vector.broadcast %mul3A_3253 : i32 to vector<16xi32>
      %mul3A_3255 = arith.muli %and3A_3252, %mul3A_3254 : vector<16xi32>
      %shift_right_logical3A_3256 = arith.constant 16 : i32
      %shift_right_logical3A_3257 = vector.broadcast %shift_right_logical3A_3256 : i32 to vector<16xi32>
      %shift_right_logical3A_3258 = arith.shrui %mul3A_3255, %shift_right_logical3A_3257 : vector<16xi32>
      %mul3A_3259 = arith.constant 7282 : i32
      %mul3A_3260 = vector.broadcast %mul3A_3259 : i32 to vector<16xi32>
      %mul3A_3261 = arith.muli %and3A_3252, %mul3A_3260 : vector<16xi32>
      %shift_right_logical3A_3262 = arith.constant 16 : i32
      %shift_right_logical3A_3263 = vector.broadcast %shift_right_logical3A_3262 : i32 to vector<16xi32>
      %shift_right_logical3A_3264 = arith.shrui %mul3A_3261, %shift_right_logical3A_3263 : vector<16xi32>
      %mul3A_3265 = arith.constant 3 : i32
      %mul3A_3266 = vector.broadcast %mul3A_3265 : i32 to vector<16xi32>
      %mul3A_3267 = arith.muli %mul3A_3266, %shift_right_logical3A_3258 : vector<16xi32>
      %sub3A_3268 = arith.subi %and3A_3252, %mul3A_3267 : vector<16xi32>
      %mul3A_3269 = arith.constant 3 : i32
      %mul3A_3270 = vector.broadcast %mul3A_3269 : i32 to vector<16xi32>
      %mul3A_3271 = arith.muli %mul3A_3270, %shift_right_logical3A_3264 : vector<16xi32>
      %sub3A_3272 = arith.subi %shift_right_logical3A_3258, %mul3A_3271 : vector<16xi32>
      %convert_element_type3A_3273 = arith.sitofp %sub3A_3268 : vector<16xi32> to vector<16xf32>
      %convert_element_type3A_3274 = arith.sitofp %sub3A_3272 : vector<16xi32> to vector<16xf32>
      %convert_element_type3A_3275 = arith.sitofp %shift_right_logical3A_3264 : vector<16xi32> to vector<16xf32>
      %mul3A_3276 = arith.constant 3 : i32
      %mul3A_3277 = vector.broadcast %mul3A_3276 : i32 to vector<16xi32>
      %mul3A_3278 = arith.muli %and3A_3233, %mul3A_3277 : vector<16xi32>
      %mul3A_3279 = arith.constant 3 : i32
      %mul3A_3280 = vector.broadcast %mul3A_3279 : i32 to vector<16xi32>
      %mul3A_3281 = arith.muli %shift_right_logical3A_3236, %mul3A_3280 : vector<16xi32>
      %add3A_3282 = arith.constant 0 : i32
      %add3A_3283 = vector.broadcast %add3A_3282 : i32 to vector<16xi32>
      %add3A_3284 = arith.addi %mul3A_3278, %add3A_3283 : vector<16xi32>
      %gather3A_3285 = tpu.vector_load_idx %arg9[%add3A_3284] : memref<30000xf32, #tpu.memory_space<vmem>>[vector<16xi32>], vector<16xf32>,
      %add3A_3286 = arith.constant 1 : i32
      %add3A_3287 = vector.broadcast %add3A_3286 : i32 to vector<16xi32>
      %add3A_3288 = arith.addi %mul3A_3278, %add3A_3287 : vector<16xi32>
      %gather3A_3289 = tpu.vector_load_idx %arg9[%add3A_3288] : memref<30000xf32, #tpu.memory_space<vmem>>[vector<16xi32>], vector<16xf32>,
      %add3A_3290 = arith.constant 2 : i32
      %add3A_3291 = vector.broadcast %add3A_3290 : i32 to vector<16xi32>
      %add3A_3292 = arith.addi %mul3A_3278, %add3A_3291 : vector<16xi32>
      %gather3A_3293 = tpu.vector_load_idx %arg9[%add3A_3292] : memref<30000xf32, #tpu.memory_space<vmem>>[vector<16xi32>], vector<16xf32>,
      %add3A_3294 = arith.constant 0 : i32
      %add3A_3295 = vector.broadcast %add3A_3294 : i32 to vector<16xi32>
      %add3A_3296 = arith.addi %mul3A_3281, %add3A_3295 : vector<16xi32>
      %gather3A_3297 = tpu.vector_load_idx %arg9[%add3A_3296] : memref<30000xf32, #tpu.memory_space<vmem>>[vector<16xi32>], vector<16xf32>,
      %add3A_3298 = arith.constant 1 : i32
      %add3A_3299 = vector.broadcast %add3A_3298 : i32 to vector<16xi32>
      %add3A_3300 = arith.addi %mul3A_3281, %add3A_3299 : vector<16xi32>
      %gather3A_3301 = tpu.vector_load_idx %arg9[%add3A_3300] : memref<30000xf32, #tpu.memory_space<vmem>>[vector<16xi32>], vector<16xf32>,
      %add3A_3302 = arith.constant 2 : i32
      %add3A_3303 = vector.broadcast %add3A_3302 : i32 to vector<16xi32>
      %add3A_3304 = arith.addi %mul3A_3281, %add3A_3303 : vector<16xi32>
      %gather3A_3305 = tpu.vector_load_idx %arg9[%add3A_3304] : memref<30000xf32, #tpu.memory_space<vmem>>[vector<16xi32>], vector<16xf32>,
      %gather3A_3306 = tpu.vector_load_idx %arg10[%and3A_3233] : memref<10000xi32, #tpu.memory_space<vmem>>[vector<16xi32>], vector<16xi32>,
      %sub3A_3307 = arith.subf %gather3A_3297, %gather3A_3285 : vector<16xf32>
      %mul3A_3308 = arith.constant 1.000000e+01 : f32
      %mul3A_3309 = vector.broadcast %mul3A_3308 : f32 to vector<16xf32>
      %mul3A_3310 = arith.mulf %sub3A_3307, %mul3A_3309 : vector<16xf32>
      %mul3A_3311 = vector.broadcast %mul3A_23 : f32 to vector<16xf32>
      %mul3A_3312 = arith.mulf %convert_element_type3A_3273, %mul3A_3311 : vector<16xf32>
      %add3A_3313 = arith.addf %mul3A_3310, %mul3A_3312 : vector<16xf32>
      %mul3A_3314 = vector.broadcast %mul3A_35 : f32 to vector<16xf32>
      %mul3A_3315 = arith.mulf %convert_element_type3A_3274, %mul3A_3314 : vector<16xf32>
      %add3A_3316 = arith.addf %add3A_3313, %mul3A_3315 : vector<16xf32>
      %mul3A_3317 = vector.broadcast %mul3A_47 : f32 to vector<16xf32>
      %mul3A_3318 = arith.mulf %convert_element_type3A_3275, %mul3A_3317 : vector<16xf32>
      %add3A_3319 = arith.addf %add3A_3316, %mul3A_3318 : vector<16xf32>
      %mul3A_3320 = arith.mulf %add3A_3319, %add3A_3319 : vector<16xf32>
      %add3A_3321 = arith.constant 9.99999971E-10 : f32
      %add3A_3322 = vector.broadcast %add3A_3321 : f32 to vector<16xf32>
      %add3A_3323 = arith.addf %add3A_3322, %mul3A_3320 : vector<16xf32>
      %sub3A_3324 = arith.subf %gather3A_3301, %gather3A_3289 : vector<16xf32>
      %mul3A_3325 = arith.constant 1.000000e+01 : f32
      %mul3A_3326 = vector.broadcast %mul3A_3325 : f32 to vector<16xf32>
      %mul3A_3327 = arith.mulf %sub3A_3324, %mul3A_3326 : vector<16xf32>
      %mul3A_3328 = vector.broadcast %mul3A_27 : f32 to vector<16xf32>
      %mul3A_3329 = arith.mulf %convert_element_type3A_3273, %mul3A_3328 : vector<16xf32>
      %add3A_3330 = arith.addf %mul3A_3327, %mul3A_3329 : vector<16xf32>
      %mul3A_3331 = vector.broadcast %mul3A_39 : f32 to vector<16xf32>
      %mul3A_3332 = arith.mulf %convert_element_type3A_3274, %mul3A_3331 : vector<16xf32>
      %add3A_3333 = arith.addf %add3A_3330, %mul3A_3332 : vector<16xf32>
      %mul3A_3334 = vector.broadcast %mul3A_51 : f32 to vector<16xf32>
      %mul3A_3335 = arith.mulf %convert_element_type3A_3275, %mul3A_3334 : vector<16xf32>
      %add3A_3336 = arith.addf %add3A_3333, %mul3A_3335 : vector<16xf32>
      %mul3A_3337 = arith.mulf %add3A_3336, %add3A_3336 : vector<16xf32>
      %add3A_3338 = arith.addf %add3A_3323, %mul3A_3337 : vector<16xf32>
      %sub3A_3339 = arith.subf %gather3A_3305, %gather3A_3293 : vector<16xf32>
      %mul3A_3340 = arith.constant 1.000000e+01 : f32
      %mul3A_3341 = vector.broadcast %mul3A_3340 : f32 to vector<16xf32>
      %mul3A_3342 = arith.mulf %sub3A_3339, %mul3A_3341 : vector<16xf32>
      %mul3A_3343 = vector.broadcast %mul3A_31 : f32 to vector<16xf32>
      %mul3A_3344 = arith.mulf %convert_element_type3A_3273, %mul3A_3343 : vector<16xf32>
      %add3A_3345 = arith.addf %mul3A_3342, %mul3A_3344 : vector<16xf32>
      %mul3A_3346 = vector.broadcast %mul3A_43 : f32 to vector<16xf32>
      %mul3A_3347 = arith.mulf %convert_element_type3A_3274, %mul3A_3346 : vector<16xf32>
      %add3A_3348 = arith.addf %add3A_3345, %mul3A_3347 : vector<16xf32>
      %mul3A_3349 = vector.broadcast %mul3A_55 : f32 to vector<16xf32>
      %mul3A_3350 = arith.mulf %convert_element_type3A_3275, %mul3A_3349 : vector<16xf32>
      %add3A_3351 = arith.addf %add3A_3348, %mul3A_3350 : vector<16xf32>
      %mul3A_3352 = arith.mulf %add3A_3351, %add3A_3351 : vector<16xf32>
      %add3A_3353 = arith.addf %add3A_3338, %mul3A_3352 : vector<16xf32>
      %bitcast3A_3354 = vector.bitcast %add3A_3353 : vector<16xf32> to vector<16xi32>
      %shift_right_logical3A_3355 = arith.constant 1 : i32
      %shift_right_logical3A_3356 = vector.broadcast %shift_right_logical3A_3355 : i32 to vector<16xi32>
      %shift_right_logical3A_3357 = arith.shrui %bitcast3A_3354, %shift_right_logical3A_3356 : vector<16xi32>
      %sub3A_3358 = arith.constant 1597463007 : i32
      %sub3A_3359 = vector.broadcast %sub3A_3358 : i32 to vector<16xi32>
      %sub3A_3360 = arith.subi %sub3A_3359, %shift_right_logical3A_3357 : vector<16xi32>
      %bitcast3A_3361 = vector.bitcast %sub3A_3360 : vector<16xi32> to vector<16xf32>
      %mul3A_3362 = arith.constant 5.000000e-01 : f32
      %mul3A_3363 = vector.broadcast %mul3A_3362 : f32 to vector<16xf32>
      %mul3A_3364 = arith.mulf %mul3A_3363, %add3A_3353 : vector<16xf32>
      %mul3A_3365 = arith.mulf %mul3A_3364, %bitcast3A_3361 : vector<16xf32>
      %mul3A_3366 = arith.mulf %mul3A_3365, %bitcast3A_3361 : vector<16xf32>
      %sub3A_3367 = arith.constant 1.500000e+00 : f32
      %sub3A_3368 = vector.broadcast %sub3A_3367 : f32 to vector<16xf32>
      %sub3A_3369 = arith.subf %sub3A_3368, %mul3A_3366 : vector<16xf32>
      %mul3A_3370 = arith.mulf %bitcast3A_3361, %sub3A_3369 : vector<16xf32>
      %mul3A_3371 = arith.constant 5.000000e-01 : f32
      %mul3A_3372 = vector.broadcast %mul3A_3371 : f32 to vector<16xf32>
      %mul3A_3373 = arith.mulf %mul3A_3372, %add3A_3353 : vector<16xf32>
      %mul3A_3374 = arith.mulf %mul3A_3373, %mul3A_3370 : vector<16xf32>
      %mul3A_3375 = arith.mulf %mul3A_3374, %mul3A_3370 : vector<16xf32>
      %sub3A_3376 = arith.constant 1.500000e+00 : f32
      %sub3A_3377 = vector.broadcast %sub3A_3376 : f32 to vector<16xf32>
      %sub3A_3378 = arith.subf %sub3A_3377, %mul3A_3375 : vector<16xf32>
      %mul3A_3379 = arith.mulf %mul3A_3370, %sub3A_3378 : vector<16xf32>
      %mul3A_3380 = arith.constant 5.000000e-01 : f32
      %mul3A_3381 = vector.broadcast %mul3A_3380 : f32 to vector<16xf32>
      %mul3A_3382 = arith.mulf %mul3A_3381, %add3A_3353 : vector<16xf32>
      %mul3A_3383 = arith.mulf %mul3A_3382, %mul3A_3379 : vector<16xf32>
      %mul3A_3384 = arith.mulf %mul3A_3383, %mul3A_3379 : vector<16xf32>
      %sub3A_3385 = arith.constant 1.500000e+00 : f32
      %sub3A_3386 = vector.broadcast %sub3A_3385 : f32 to vector<16xf32>
      %sub3A_3387 = arith.subf %sub3A_3386, %mul3A_3384 : vector<16xf32>
      %mul3A_3388 = arith.mulf %mul3A_3379, %sub3A_3387 : vector<16xf32>
      %mul3A_3389 = arith.mulf %add3A_3353, %mul3A_3388 : vector<16xf32>
      %mul3A_3390 = arith.constant 2.000000e-01 : f32
      %mul3A_3391 = vector.broadcast %mul3A_3390 : f32 to vector<16xf32>
      %mul3A_3392 = arith.mulf %mul3A_3389, %mul3A_3391 : vector<16xf32>
      %min3A_3393 = arith.constant 1.000000e+00 : f32
      %min3A_3394 = vector.broadcast %min3A_3393 : f32 to vector<16xf32>
      %min3A_3395 = arith.minimumf %mul3A_3392, %min3A_3394 : vector<16xf32>
      %mul3A_3396 = arith.constant 3.14159274 : f32
      %mul3A_3397 = vector.broadcast %mul3A_3396 : f32 to vector<16xf32>
      %mul3A_3398 = arith.mulf %mul3A_3397, %min3A_3395 : vector<16xf32>
      %sub3A_3399 = arith.constant 1.57079637 : f32
      %sub3A_3400 = vector.broadcast %sub3A_3399 : f32 to vector<16xf32>
      %sub3A_3401 = arith.subf %mul3A_3398, %sub3A_3400 : vector<16xf32>
      %mul3A_3402 = arith.mulf %sub3A_3401, %sub3A_3401 : vector<16xf32>
      %mul3A_3403 = arith.constant 2.08767559E-9 : f32
      %mul3A_3404 = vector.broadcast %mul3A_3403 : f32 to vector<16xf32>
      %mul3A_3405 = arith.mulf %mul3A_3404, %mul3A_3402 : vector<16xf32>
      %add3A_3406 = arith.constant -2.755732E-7 : f32
      %add3A_3407 = vector.broadcast %add3A_3406 : f32 to vector<16xf32>
      %add3A_3408 = arith.addf %mul3A_3405, %add3A_3407 : vector<16xf32>
      %mul3A_3409 = arith.mulf %add3A_3408, %mul3A_3402 : vector<16xf32>
      %add3A_3410 = arith.constant 2.48015876E-5 : f32
      %add3A_3411 = vector.broadcast %add3A_3410 : f32 to vector<16xf32>
      %add3A_3412 = arith.addf %mul3A_3409, %add3A_3411 : vector<16xf32>
      %mul3A_3413 = arith.mulf %add3A_3412, %mul3A_3402 : vector<16xf32>
      %add3A_3414 = arith.constant -0.00138888892 : f32
      %add3A_3415 = vector.broadcast %add3A_3414 : f32 to vector<16xf32>
      %add3A_3416 = arith.addf %mul3A_3413, %add3A_3415 : vector<16xf32>
      %mul3A_3417 = arith.mulf %add3A_3416, %mul3A_3402 : vector<16xf32>
      %add3A_3418 = arith.constant 0.0416666679 : f32
      %add3A_3419 = vector.broadcast %add3A_3418 : f32 to vector<16xf32>
      %add3A_3420 = arith.addf %mul3A_3417, %add3A_3419 : vector<16xf32>
      %mul3A_3421 = arith.mulf %add3A_3420, %mul3A_3402 : vector<16xf32>
      %add3A_3422 = arith.constant -5.000000e-01 : f32
      %add3A_3423 = vector.broadcast %add3A_3422 : f32 to vector<16xf32>
      %add3A_3424 = arith.addf %mul3A_3421, %add3A_3423 : vector<16xf32>
      %mul3A_3425 = arith.mulf %add3A_3424, %mul3A_3402 : vector<16xf32>
      %add3A_3426 = arith.constant 1.000000e+00 : f32
      %add3A_3427 = vector.broadcast %add3A_3426 : f32 to vector<16xf32>
      %add3A_3428 = arith.addf %mul3A_3425, %add3A_3427 : vector<16xf32>
      %mul3A_3429 = arith.constant -2.50521079E-8 : f32
      %mul3A_3430 = vector.broadcast %mul3A_3429 : f32 to vector<16xf32>
      %mul3A_3431 = arith.mulf %mul3A_3430, %mul3A_3402 : vector<16xf32>
      %add3A_3432 = arith.constant 2.75573188E-6 : f32
      %add3A_3433 = vector.broadcast %add3A_3432 : f32 to vector<16xf32>
      %add3A_3434 = arith.addf %mul3A_3431, %add3A_3433 : vector<16xf32>
      %mul3A_3435 = arith.mulf %add3A_3434, %mul3A_3402 : vector<16xf32>
      %add3A_3436 = arith.constant -1.98412701E-4 : f32
      %add3A_3437 = vector.broadcast %add3A_3436 : f32 to vector<16xf32>
      %add3A_3438 = arith.addf %mul3A_3435, %add3A_3437 : vector<16xf32>
      %mul3A_3439 = arith.mulf %add3A_3438, %mul3A_3402 : vector<16xf32>
      %add3A_3440 = arith.constant 0.00833333377 : f32
      %add3A_3441 = vector.broadcast %add3A_3440 : f32 to vector<16xf32>
      %add3A_3442 = arith.addf %mul3A_3439, %add3A_3441 : vector<16xf32>
      %mul3A_3443 = arith.mulf %add3A_3442, %mul3A_3402 : vector<16xf32>
      %add3A_3444 = arith.constant -0.166666672 : f32
      %add3A_3445 = vector.broadcast %add3A_3444 : f32 to vector<16xf32>
      %add3A_3446 = arith.addf %mul3A_3443, %add3A_3445 : vector<16xf32>
      %mul3A_3447 = arith.mulf %add3A_3446, %mul3A_3402 : vector<16xf32>
      %add3A_3448 = arith.constant 1.000000e+00 : f32
      %add3A_3449 = vector.broadcast %add3A_3448 : f32 to vector<16xf32>
      %add3A_3450 = arith.addf %mul3A_3447, %add3A_3449 : vector<16xf32>
      %mul3A_3451 = arith.mulf %add3A_3450, %sub3A_3401 : vector<16xf32>
      %neg3A_3452 = arith.constant 0.000000e+00 : f32
      %neg3A_3453 = vector.broadcast %neg3A_3452 : f32 to vector<16xf32>
      %neg3A_3454 = arith.subf %neg3A_3453, %mul3A_3451 : vector<16xf32>
      %mul3A_3455 = arith.constant 2.000000e+00 : f32
      %mul3A_3456 = vector.broadcast %mul3A_3455 : f32 to vector<16xf32>
      %mul3A_3457 = arith.mulf %mul3A_3456, %neg3A_3454 : vector<16xf32>
      %mul3A_3458 = arith.mulf %mul3A_3457, %add3A_3428 : vector<16xf32>
      %mul3A_3459 = arith.mulf %mul3A_3457, %mul3A_3458 : vector<16xf32>
      %sub3A_3460 = arith.subf %mul3A_3459, %add3A_3428 : vector<16xf32>
      %mul3A_3461 = arith.mulf %mul3A_3457, %sub3A_3460 : vector<16xf32>
      %sub3A_3462 = arith.subf %mul3A_3461, %mul3A_3458 : vector<16xf32>
      %mul3A_3463 = arith.mulf %mul3A_3457, %sub3A_3462 : vector<16xf32>
      %sub3A_3464 = arith.subf %mul3A_3463, %sub3A_3460 : vector<16xf32>
      %mul3A_3465 = arith.mulf %mul3A_3457, %sub3A_3464 : vector<16xf32>
      %sub3A_3466 = arith.subf %mul3A_3465, %sub3A_3462 : vector<16xf32>
      %mul3A_3467 = arith.mulf %mul3A_3457, %sub3A_3466 : vector<16xf32>
      %sub3A_3468 = arith.subf %mul3A_3467, %sub3A_3464 : vector<16xf32>
      %mul3A_3469 = arith.mulf %mul3A_3457, %sub3A_3468 : vector<16xf32>
      %sub3A_3470 = arith.subf %mul3A_3469, %sub3A_3466 : vector<16xf32>
      %mul3A_3471 = arith.mulf %min3A_3395, %min3A_3395 : vector<16xf32>
      %mul3A_3472 = arith.mulf %mul3A_3471, %min3A_3395 : vector<16xf32>
      %mul3A_3473 = arith.mulf %mul3A_3472, %mul3A_3472 : vector<16xf32>
      %mul3A_3474 = arith.mulf %mul3A_3473, %min3A_3395 : vector<16xf32>
      %mul3A_3475 = arith.mulf %mul3A_3474, %min3A_3395 : vector<16xf32>
      %mul3A_3476 = arith.constant 2.800000e+01 : f32
      %mul3A_3477 = vector.broadcast %mul3A_3476 : f32 to vector<16xf32>
      %mul3A_3478 = arith.mulf %mul3A_3477, %mul3A_3473 : vector<16xf32>
      %sub3A_3479 = arith.constant 1.000000e+00 : f32
      %sub3A_3480 = vector.broadcast %sub3A_3479 : f32 to vector<16xf32>
      %sub3A_3481 = arith.subf %sub3A_3480, %mul3A_3478 : vector<16xf32>
      %mul3A_3482 = arith.constant 4.800000e+01 : f32
      %mul3A_3483 = vector.broadcast %mul3A_3482 : f32 to vector<16xf32>
      %mul3A_3484 = arith.mulf %mul3A_3483, %mul3A_3474 : vector<16xf32>
      %add3A_3485 = arith.addf %sub3A_3481, %mul3A_3484 : vector<16xf32>
      %mul3A_3486 = arith.constant 2.100000e+01 : f32
      %mul3A_3487 = vector.broadcast %mul3A_3486 : f32 to vector<16xf32>
      %mul3A_3488 = arith.mulf %mul3A_3487, %mul3A_3475 : vector<16xf32>
      %sub3A_3489 = arith.subf %add3A_3485, %mul3A_3488 : vector<16xf32>
      %mul3A_3490 = arith.constant 0.632455527 : f32
      %mul3A_3491 = vector.broadcast %mul3A_3490 : f32 to vector<16xf32>
      %mul3A_3492 = arith.mulf %mul3A_3491, %sub3A_3489 : vector<16xf32>
      %mul3A_3493 = arith.mulf %mul3A_3492, %mul3A_3388 : vector<16xf32>
      %lt3A_3494 = arith.constant 1.000000e+00 : f32
      %lt3A_3495 = vector.broadcast %lt3A_3494 : f32 to vector<16xf32>
      %lt3A_3496 = arith.cmpf olt, %mul3A_3392, %lt3A_3495 : vector<16xf32>
      %jit3A_3497 = arith.constant 0.000000e+00 : f32
      %broadcast_in_dim3A_3498 = vector.broadcast %jit3A_3497 : f32 to vector<16xf32>
      %select_n3A_3499 = arith.select %lt3A_3496, %mul3A_3493, %broadcast_in_dim3A_3498 : vector<16xi1>, vector<16xf32>
      %mul3A_3500 = arith.constant 5 : i32
      %mul3A_3501 = arith.muli %mul3A_3500, %arg0 : i32
      %sub3A_3502 = vector.broadcast %mul3A_3501 : i32 to vector<16xi32>
      %sub3A_3503 = arith.subi %gather3A_3306, %sub3A_3502 : vector<16xi32>
      %ge3A_3504 = arith.constant 0 : i32
      %ge3A_3505 = vector.broadcast %ge3A_3504 : i32 to vector<16xi32>
      %ge3A_3506 = arith.cmpi sge, %sub3A_3503, %ge3A_3505 : vector<16xi32>
      %lt3A_3507 = arith.constant 5 : i32
      %lt3A_3508 = vector.broadcast %lt3A_3507 : i32 to vector<16xi32>
      %lt3A_3509 = arith.cmpi slt, %sub3A_3503, %lt3A_3508 : vector<16xi32>
      %and3A_3510 = arith.andi %ge3A_3506, %lt3A_3509 : vector<16xi1>
      %mul3A_3511 = arith.constant 5 : i32
      %mul3A_3512 = vector.broadcast %mul3A_3511 : i32 to vector<16xi32>
      %mul3A_3513 = arith.muli %shift_right_logical3A_3236, %mul3A_3512 : vector<16xi32>
      %add3A_3514 = arith.addi %mul3A_3513, %sub3A_3503 : vector<16xi32>
      %mul3A_3515 = arith.constant 8 : i32
      %mul3A_3516 = vector.broadcast %mul3A_3515 : i32 to vector<16xi32>
      %mul3A_3517 = arith.muli %add3A_3514, %mul3A_3516 : vector<16xi32>
      %jit3A_3518 = arith.constant 400000 : i32
      %broadcast_in_dim3A_3519 = vector.broadcast %jit3A_3518 : i32 to vector<16xi32>
      %select_n3A_3520 = arith.select %and3A_3510, %mul3A_3517, %broadcast_in_dim3A_3519 : vector<16xi1>, vector<16xi32>
      %mul3A_3521 = arith.mulf %add3A_3428, %select_n3A_3499 : vector<16xf32>
      %mul3A_3522 = arith.mulf %mul3A_3458, %select_n3A_3499 : vector<16xf32>
      %mul3A_3523 = arith.mulf %sub3A_3460, %select_n3A_3499 : vector<16xf32>
      %mul3A_3524 = arith.mulf %sub3A_3462, %select_n3A_3499 : vector<16xf32>
      %mul3A_3525 = arith.mulf %sub3A_3464, %select_n3A_3499 : vector<16xf32>
      %mul3A_3526 = arith.mulf %sub3A_3466, %select_n3A_3499 : vector<16xf32>
      %mul3A_3527 = arith.mulf %sub3A_3468, %select_n3A_3499 : vector<16xf32>
      %mul3A_3528 = arith.mulf %sub3A_3470, %select_n3A_3499 : vector<16xf32>
      %add3A_3529 = arith.constant 0 : i32
      %add3A_3530 = vector.broadcast %add3A_3529 : i32 to vector<16xi32>
      %add3A_3531 = arith.addi %select_n3A_3520, %add3A_3530 : vector<16xi32>
      %swap3A_3532 = arith.constant 0 : i32
      %swap3A_3533 = arith.index_cast %swap3A_3532 : i32 to index
      %swap3A_3534 = arith.constant 96 : index
      %swap3A_3535 = tpu.vector_load %arg13[%swap3A_3533, %swap3A_3534] {strides = array<i32>} : memref<8x128xi32, #tpu.memory_space<vmem>>, vector<16xi32>,
      tpu.vector_store %arg13[%swap3A_3533, %swap3A_3534], %add3A_3531 {strides = array<i32>} : memref<8x128xi32, #tpu.memory_space<vmem>>, vector<16xi32>,
      %swap3A_3536 = arith.constant 0 : i32
      %swap3A_3537 = arith.index_cast %swap3A_3536 : i32 to index
      %swap3A_3538 = arith.constant 96 : index
      %swap3A_3539 = tpu.vector_load %arg14[%swap3A_3537, %swap3A_3538] {strides = array<i32>} : memref<8x128xf32, #tpu.memory_space<vmem>>, vector<16xf32>,
      tpu.vector_store %arg14[%swap3A_3537, %swap3A_3538], %mul3A_3521 {strides = array<i32>} : memref<8x128xf32, #tpu.memory_space<vmem>>, vector<16xf32>,
      %add3A_3540 = arith.constant 1 : i32
      %add3A_3541 = vector.broadcast %add3A_3540 : i32 to vector<16xi32>
      %add3A_3542 = arith.addi %select_n3A_3520, %add3A_3541 : vector<16xi32>
      %swap3A_3543 = arith.constant 1 : i32
      %swap3A_3544 = arith.index_cast %swap3A_3543 : i32 to index
      %swap3A_3545 = arith.constant 96 : index
      %swap3A_3546 = tpu.vector_load %arg13[%swap3A_3544, %swap3A_3545] {strides = array<i32>} : memref<8x128xi32, #tpu.memory_space<vmem>>, vector<16xi32>,
      tpu.vector_store %arg13[%swap3A_3544, %swap3A_3545], %add3A_3542 {strides = array<i32>} : memref<8x128xi32, #tpu.memory_space<vmem>>, vector<16xi32>,
      %swap3A_3547 = arith.constant 1 : i32
      %swap3A_3548 = arith.index_cast %swap3A_3547 : i32 to index
      %swap3A_3549 = arith.constant 96 : index
      %swap3A_3550 = tpu.vector_load %arg14[%swap3A_3548, %swap3A_3549] {strides = array<i32>} : memref<8x128xf32, #tpu.memory_space<vmem>>, vector<16xf32>,
      tpu.vector_store %arg14[%swap3A_3548, %swap3A_3549], %mul3A_3522 {strides = array<i32>} : memref<8x128xf32, #tpu.memory_space<vmem>>, vector<16xf32>,
      %add3A_3551 = arith.constant 2 : i32
      %add3A_3552 = vector.broadcast %add3A_3551 : i32 to vector<16xi32>
      %add3A_3553 = arith.addi %select_n3A_3520, %add3A_3552 : vector<16xi32>
      %swap3A_3554 = arith.constant 2 : i32
      %swap3A_3555 = arith.index_cast %swap3A_3554 : i32 to index
      %swap3A_3556 = arith.constant 96 : index
      %swap3A_3557 = tpu.vector_load %arg13[%swap3A_3555, %swap3A_3556] {strides = array<i32>} : memref<8x128xi32, #tpu.memory_space<vmem>>, vector<16xi32>,
      tpu.vector_store %arg13[%swap3A_3555, %swap3A_3556], %add3A_3553 {strides = array<i32>} : memref<8x128xi32, #tpu.memory_space<vmem>>, vector<16xi32>,
      %swap3A_3558 = arith.constant 2 : i32
      %swap3A_3559 = arith.index_cast %swap3A_3558 : i32 to index
      %swap3A_3560 = arith.constant 96 : index
      %swap3A_3561 = tpu.vector_load %arg14[%swap3A_3559, %swap3A_3560] {strides = array<i32>} : memref<8x128xf32, #tpu.memory_space<vmem>>, vector<16xf32>,
      tpu.vector_store %arg14[%swap3A_3559, %swap3A_3560], %mul3A_3523 {strides = array<i32>} : memref<8x128xf32, #tpu.memory_space<vmem>>, vector<16xf32>,
      %add3A_3562 = arith.constant 3 : i32
      %add3A_3563 = vector.broadcast %add3A_3562 : i32 to vector<16xi32>
      %add3A_3564 = arith.addi %select_n3A_3520, %add3A_3563 : vector<16xi32>
      %swap3A_3565 = arith.constant 3 : i32
      %swap3A_3566 = arith.index_cast %swap3A_3565 : i32 to index
      %swap3A_3567 = arith.constant 96 : index
      %swap3A_3568 = tpu.vector_load %arg13[%swap3A_3566, %swap3A_3567] {strides = array<i32>} : memref<8x128xi32, #tpu.memory_space<vmem>>, vector<16xi32>,
      tpu.vector_store %arg13[%swap3A_3566, %swap3A_3567], %add3A_3564 {strides = array<i32>} : memref<8x128xi32, #tpu.memory_space<vmem>>, vector<16xi32>,
      %swap3A_3569 = arith.constant 3 : i32
      %swap3A_3570 = arith.index_cast %swap3A_3569 : i32 to index
      %swap3A_3571 = arith.constant 96 : index
      %swap3A_3572 = tpu.vector_load %arg14[%swap3A_3570, %swap3A_3571] {strides = array<i32>} : memref<8x128xf32, #tpu.memory_space<vmem>>, vector<16xf32>,
      tpu.vector_store %arg14[%swap3A_3570, %swap3A_3571], %mul3A_3524 {strides = array<i32>} : memref<8x128xf32, #tpu.memory_space<vmem>>, vector<16xf32>,
      %add3A_3573 = arith.constant 4 : i32
      %add3A_3574 = vector.broadcast %add3A_3573 : i32 to vector<16xi32>
      %add3A_3575 = arith.addi %select_n3A_3520, %add3A_3574 : vector<16xi32>
      %swap3A_3576 = arith.constant 4 : i32
      %swap3A_3577 = arith.index_cast %swap3A_3576 : i32 to index
      %swap3A_3578 = arith.constant 96 : index
      %swap3A_3579 = tpu.vector_load %arg13[%swap3A_3577, %swap3A_3578] {strides = array<i32>} : memref<8x128xi32, #tpu.memory_space<vmem>>, vector<16xi32>,
      tpu.vector_store %arg13[%swap3A_3577, %swap3A_3578], %add3A_3575 {strides = array<i32>} : memref<8x128xi32, #tpu.memory_space<vmem>>, vector<16xi32>,
      %swap3A_3580 = arith.constant 4 : i32
      %swap3A_3581 = arith.index_cast %swap3A_3580 : i32 to index
      %swap3A_3582 = arith.constant 96 : index
      %swap3A_3583 = tpu.vector_load %arg14[%swap3A_3581, %swap3A_3582] {strides = array<i32>} : memref<8x128xf32, #tpu.memory_space<vmem>>, vector<16xf32>,
      tpu.vector_store %arg14[%swap3A_3581, %swap3A_3582], %mul3A_3525 {strides = array<i32>} : memref<8x128xf32, #tpu.memory_space<vmem>>, vector<16xf32>,
      %add3A_3584 = arith.constant 5 : i32
      %add3A_3585 = vector.broadcast %add3A_3584 : i32 to vector<16xi32>
      %add3A_3586 = arith.addi %select_n3A_3520, %add3A_3585 : vector<16xi32>
      %swap3A_3587 = arith.constant 5 : i32
      %swap3A_3588 = arith.index_cast %swap3A_3587 : i32 to index
      %swap3A_3589 = arith.constant 96 : index
      %swap3A_3590 = tpu.vector_load %arg13[%swap3A_3588, %swap3A_3589] {strides = array<i32>} : memref<8x128xi32, #tpu.memory_space<vmem>>, vector<16xi32>,
      tpu.vector_store %arg13[%swap3A_3588, %swap3A_3589], %add3A_3586 {strides = array<i32>} : memref<8x128xi32, #tpu.memory_space<vmem>>, vector<16xi32>,
      %swap3A_3591 = arith.constant 5 : i32
      %swap3A_3592 = arith.index_cast %swap3A_3591 : i32 to index
      %swap3A_3593 = arith.constant 96 : index
      %swap3A_3594 = tpu.vector_load %arg14[%swap3A_3592, %swap3A_3593] {strides = array<i32>} : memref<8x128xf32, #tpu.memory_space<vmem>>, vector<16xf32>,
      tpu.vector_store %arg14[%swap3A_3592, %swap3A_3593], %mul3A_3526 {strides = array<i32>} : memref<8x128xf32, #tpu.memory_space<vmem>>, vector<16xf32>,
      %add3A_3595 = arith.constant 6 : i32
      %add3A_3596 = vector.broadcast %add3A_3595 : i32 to vector<16xi32>
      %add3A_3597 = arith.addi %select_n3A_3520, %add3A_3596 : vector<16xi32>
      %swap3A_3598 = arith.constant 6 : i32
      %swap3A_3599 = arith.index_cast %swap3A_3598 : i32 to index
      %swap3A_3600 = arith.constant 96 : index
      %swap3A_3601 = tpu.vector_load %arg13[%swap3A_3599, %swap3A_3600] {strides = array<i32>} : memref<8x128xi32, #tpu.memory_space<vmem>>, vector<16xi32>,
      tpu.vector_store %arg13[%swap3A_3599, %swap3A_3600], %add3A_3597 {strides = array<i32>} : memref<8x128xi32, #tpu.memory_space<vmem>>, vector<16xi32>,
      %swap3A_3602 = arith.constant 6 : i32
      %swap3A_3603 = arith.index_cast %swap3A_3602 : i32 to index
      %swap3A_3604 = arith.constant 96 : index
      %swap3A_3605 = tpu.vector_load %arg14[%swap3A_3603, %swap3A_3604] {strides = array<i32>} : memref<8x128xf32, #tpu.memory_space<vmem>>, vector<16xf32>,
      tpu.vector_store %arg14[%swap3A_3603, %swap3A_3604], %mul3A_3527 {strides = array<i32>} : memref<8x128xf32, #tpu.memory_space<vmem>>, vector<16xf32>,
      %add3A_3606 = arith.constant 7 : i32
      %add3A_3607 = vector.broadcast %add3A_3606 : i32 to vector<16xi32>
      %add3A_3608 = arith.addi %select_n3A_3520, %add3A_3607 : vector<16xi32>
      %swap3A_3609 = arith.constant 7 : i32
      %swap3A_3610 = arith.index_cast %swap3A_3609 : i32 to index
      %swap3A_3611 = arith.constant 96 : index
      %swap3A_3612 = tpu.vector_load %arg13[%swap3A_3610, %swap3A_3611] {strides = array<i32>} : memref<8x128xi32, #tpu.memory_space<vmem>>, vector<16xi32>,
      tpu.vector_store %arg13[%swap3A_3610, %swap3A_3611], %add3A_3608 {strides = array<i32>} : memref<8x128xi32, #tpu.memory_space<vmem>>, vector<16xi32>,
      %swap3A_3613 = arith.constant 7 : i32
      %swap3A_3614 = arith.index_cast %swap3A_3613 : i32 to index
      %swap3A_3615 = arith.constant 96 : index
      %swap3A_3616 = tpu.vector_load %arg14[%swap3A_3614, %swap3A_3615] {strides = array<i32>} : memref<8x128xf32, #tpu.memory_space<vmem>>, vector<16xf32>,
      tpu.vector_store %arg14[%swap3A_3614, %swap3A_3615], %mul3A_3528 {strides = array<i32>} : memref<8x128xf32, #tpu.memory_space<vmem>>, vector<16xf32>,
      %add3A_3617 = arith.constant 112 : i32
      %add3A_3618 = arith.addi %mul3A_879, %add3A_3617 : i32
      %iota3A_3619 = tpu.iota {dimensions = array<i32: 0>} : vector<16xi32>
      %get3A_3620 = arith.index_cast %add3A_3618 : i32 to index
      %get3A_3621 = tpu.vector_load %arg11[%get3A_3620] {strides = array<i32>} : memref<20000xi32, #tpu.memory_space<vmem>>, vector<16xi32>,
      %and3A_3622 = arith.constant 65535 : i32
      %and3A_3623 = vector.broadcast %and3A_3622 : i32 to vector<16xi32>
      %and3A_3624 = arith.andi %get3A_3621, %and3A_3623 : vector<16xi32>
      %shift_right_logical3A_3625 = arith.constant 16 : i32
      %shift_right_logical3A_3626 = vector.broadcast %shift_right_logical3A_3625 : i32 to vector<16xi32>
      %shift_right_logical3A_3627 = arith.shrui %get3A_3621, %shift_right_logical3A_3626 : vector<16xi32>
      %add3A_3628 = vector.broadcast %add3A_3618 : i32 to vector<16xi32>
      %add3A_3629 = arith.addi %add3A_3628, %iota3A_3619 : vector<16xi32>
      %shift_right_logical3A_3630 = arith.constant 1 : i32
      %shift_right_logical3A_3631 = vector.broadcast %shift_right_logical3A_3630 : i32 to vector<16xi32>
      %shift_right_logical3A_3632 = arith.shrui %add3A_3629, %shift_right_logical3A_3631 : vector<16xi32>
      %gather3A_3633 = tpu.vector_load_idx %arg12[%shift_right_logical3A_3632] : memref<10000xi32, #tpu.memory_space<vmem>>[vector<16xi32>], vector<16xi32>,
      %and3A_3634 = arith.constant 1 : i32
      %and3A_3635 = vector.broadcast %and3A_3634 : i32 to vector<16xi32>
      %and3A_3636 = arith.andi %add3A_3629, %and3A_3635 : vector<16xi32>
      %mul3A_3637 = arith.constant 5 : i32
      %mul3A_3638 = vector.broadcast %mul3A_3637 : i32 to vector<16xi32>
      %mul3A_3639 = arith.muli %and3A_3636, %mul3A_3638 : vector<16xi32>
      %shift_right_logical3A_3640 = arith.shrui %gather3A_3633, %mul3A_3639 : vector<16xi32>
      %and3A_3641 = arith.constant 31 : i32
      %and3A_3642 = vector.broadcast %and3A_3641 : i32 to vector<16xi32>
      %and3A_3643 = arith.andi %shift_right_logical3A_3640, %and3A_3642 : vector<16xi32>
      %mul3A_3644 = arith.constant 21846 : i32
      %mul3A_3645 = vector.broadcast %mul3A_3644 : i32 to vector<16xi32>
      %mul3A_3646 = arith.muli %and3A_3643, %mul3A_3645 : vector<16xi32>
      %shift_right_logical3A_3647 = arith.constant 16 : i32
      %shift_right_logical3A_3648 = vector.broadcast %shift_right_logical3A_3647 : i32 to vector<16xi32>
      %shift_right_logical3A_3649 = arith.shrui %mul3A_3646, %shift_right_logical3A_3648 : vector<16xi32>
      %mul3A_3650 = arith.constant 7282 : i32
      %mul3A_3651 = vector.broadcast %mul3A_3650 : i32 to vector<16xi32>
      %mul3A_3652 = arith.muli %and3A_3643, %mul3A_3651 : vector<16xi32>
      %shift_right_logical3A_3653 = arith.constant 16 : i32
      %shift_right_logical3A_3654 = vector.broadcast %shift_right_logical3A_3653 : i32 to vector<16xi32>
      %shift_right_logical3A_3655 = arith.shrui %mul3A_3652, %shift_right_logical3A_3654 : vector<16xi32>
      %mul3A_3656 = arith.constant 3 : i32
      %mul3A_3657 = vector.broadcast %mul3A_3656 : i32 to vector<16xi32>
      %mul3A_3658 = arith.muli %mul3A_3657, %shift_right_logical3A_3649 : vector<16xi32>
      %sub3A_3659 = arith.subi %and3A_3643, %mul3A_3658 : vector<16xi32>
      %mul3A_3660 = arith.constant 3 : i32
      %mul3A_3661 = vector.broadcast %mul3A_3660 : i32 to vector<16xi32>
      %mul3A_3662 = arith.muli %mul3A_3661, %shift_right_logical3A_3655 : vector<16xi32>
      %sub3A_3663 = arith.subi %shift_right_logical3A_3649, %mul3A_3662 : vector<16xi32>
      %convert_element_type3A_3664 = arith.sitofp %sub3A_3659 : vector<16xi32> to vector<16xf32>
      %convert_element_type3A_3665 = arith.sitofp %sub3A_3663 : vector<16xi32> to vector<16xf32>
      %convert_element_type3A_3666 = arith.sitofp %shift_right_logical3A_3655 : vector<16xi32> to vector<16xf32>
      %mul3A_3667 = arith.constant 3 : i32
      %mul3A_3668 = vector.broadcast %mul3A_3667 : i32 to vector<16xi32>
      %mul3A_3669 = arith.muli %and3A_3624, %mul3A_3668 : vector<16xi32>
      %mul3A_3670 = arith.constant 3 : i32
      %mul3A_3671 = vector.broadcast %mul3A_3670 : i32 to vector<16xi32>
      %mul3A_3672 = arith.muli %shift_right_logical3A_3627, %mul3A_3671 : vector<16xi32>
      %add3A_3673 = arith.constant 0 : i32
      %add3A_3674 = vector.broadcast %add3A_3673 : i32 to vector<16xi32>
      %add3A_3675 = arith.addi %mul3A_3669, %add3A_3674 : vector<16xi32>
      %gather3A_3676 = tpu.vector_load_idx %arg9[%add3A_3675] : memref<30000xf32, #tpu.memory_space<vmem>>[vector<16xi32>], vector<16xf32>,
      %add3A_3677 = arith.constant 1 : i32
      %add3A_3678 = vector.broadcast %add3A_3677 : i32 to vector<16xi32>
      %add3A_3679 = arith.addi %mul3A_3669, %add3A_3678 : vector<16xi32>
      %gather3A_3680 = tpu.vector_load_idx %arg9[%add3A_3679] : memref<30000xf32, #tpu.memory_space<vmem>>[vector<16xi32>], vector<16xf32>,
      %add3A_3681 = arith.constant 2 : i32
      %add3A_3682 = vector.broadcast %add3A_3681 : i32 to vector<16xi32>
      %add3A_3683 = arith.addi %mul3A_3669, %add3A_3682 : vector<16xi32>
      %gather3A_3684 = tpu.vector_load_idx %arg9[%add3A_3683] : memref<30000xf32, #tpu.memory_space<vmem>>[vector<16xi32>], vector<16xf32>,
      %add3A_3685 = arith.constant 0 : i32
      %add3A_3686 = vector.broadcast %add3A_3685 : i32 to vector<16xi32>
      %add3A_3687 = arith.addi %mul3A_3672, %add3A_3686 : vector<16xi32>
      %gather3A_3688 = tpu.vector_load_idx %arg9[%add3A_3687] : memref<30000xf32, #tpu.memory_space<vmem>>[vector<16xi32>], vector<16xf32>,
      %add3A_3689 = arith.constant 1 : i32
      %add3A_3690 = vector.broadcast %add3A_3689 : i32 to vector<16xi32>
      %add3A_3691 = arith.addi %mul3A_3672, %add3A_3690 : vector<16xi32>
      %gather3A_3692 = tpu.vector_load_idx %arg9[%add3A_3691] : memref<30000xf32, #tpu.memory_space<vmem>>[vector<16xi32>], vector<16xf32>,
      %add3A_3693 = arith.constant 2 : i32
      %add3A_3694 = vector.broadcast %add3A_3693 : i32 to vector<16xi32>
      %add3A_3695 = arith.addi %mul3A_3672, %add3A_3694 : vector<16xi32>
      %gather3A_3696 = tpu.vector_load_idx %arg9[%add3A_3695] : memref<30000xf32, #tpu.memory_space<vmem>>[vector<16xi32>], vector<16xf32>,
      %gather3A_3697 = tpu.vector_load_idx %arg10[%and3A_3624] : memref<10000xi32, #tpu.memory_space<vmem>>[vector<16xi32>], vector<16xi32>,
      %sub3A_3698 = arith.subf %gather3A_3688, %gather3A_3676 : vector<16xf32>
      %mul3A_3699 = arith.constant 1.000000e+01 : f32
      %mul3A_3700 = vector.broadcast %mul3A_3699 : f32 to vector<16xf32>
      %mul3A_3701 = arith.mulf %sub3A_3698, %mul3A_3700 : vector<16xf32>
      %mul3A_3702 = vector.broadcast %mul3A_23 : f32 to vector<16xf32>
      %mul3A_3703 = arith.mulf %convert_element_type3A_3664, %mul3A_3702 : vector<16xf32>
      %add3A_3704 = arith.addf %mul3A_3701, %mul3A_3703 : vector<16xf32>
      %mul3A_3705 = vector.broadcast %mul3A_35 : f32 to vector<16xf32>
      %mul3A_3706 = arith.mulf %convert_element_type3A_3665, %mul3A_3705 : vector<16xf32>
      %add3A_3707 = arith.addf %add3A_3704, %mul3A_3706 : vector<16xf32>
      %mul3A_3708 = vector.broadcast %mul3A_47 : f32 to vector<16xf32>
      %mul3A_3709 = arith.mulf %convert_element_type3A_3666, %mul3A_3708 : vector<16xf32>
      %add3A_3710 = arith.addf %add3A_3707, %mul3A_3709 : vector<16xf32>
      %mul3A_3711 = arith.mulf %add3A_3710, %add3A_3710 : vector<16xf32>
      %add3A_3712 = arith.constant 9.99999971E-10 : f32
      %add3A_3713 = vector.broadcast %add3A_3712 : f32 to vector<16xf32>
      %add3A_3714 = arith.addf %add3A_3713, %mul3A_3711 : vector<16xf32>
      %sub3A_3715 = arith.subf %gather3A_3692, %gather3A_3680 : vector<16xf32>
      %mul3A_3716 = arith.constant 1.000000e+01 : f32
      %mul3A_3717 = vector.broadcast %mul3A_3716 : f32 to vector<16xf32>
      %mul3A_3718 = arith.mulf %sub3A_3715, %mul3A_3717 : vector<16xf32>
      %mul3A_3719 = vector.broadcast %mul3A_27 : f32 to vector<16xf32>
      %mul3A_3720 = arith.mulf %convert_element_type3A_3664, %mul3A_3719 : vector<16xf32>
      %add3A_3721 = arith.addf %mul3A_3718, %mul3A_3720 : vector<16xf32>
      %mul3A_3722 = vector.broadcast %mul3A_39 : f32 to vector<16xf32>
      %mul3A_3723 = arith.mulf %convert_element_type3A_3665, %mul3A_3722 : vector<16xf32>
      %add3A_3724 = arith.addf %add3A_3721, %mul3A_3723 : vector<16xf32>
      %mul3A_3725 = vector.broadcast %mul3A_51 : f32 to vector<16xf32>
      %mul3A_3726 = arith.mulf %convert_element_type3A_3666, %mul3A_3725 : vector<16xf32>
      %add3A_3727 = arith.addf %add3A_3724, %mul3A_3726 : vector<16xf32>
      %mul3A_3728 = arith.mulf %add3A_3727, %add3A_3727 : vector<16xf32>
      %add3A_3729 = arith.addf %add3A_3714, %mul3A_3728 : vector<16xf32>
      %sub3A_3730 = arith.subf %gather3A_3696, %gather3A_3684 : vector<16xf32>
      %mul3A_3731 = arith.constant 1.000000e+01 : f32
      %mul3A_3732 = vector.broadcast %mul3A_3731 : f32 to vector<16xf32>
      %mul3A_3733 = arith.mulf %sub3A_3730, %mul3A_3732 : vector<16xf32>
      %mul3A_3734 = vector.broadcast %mul3A_31 : f32 to vector<16xf32>
      %mul3A_3735 = arith.mulf %convert_element_type3A_3664, %mul3A_3734 : vector<16xf32>
      %add3A_3736 = arith.addf %mul3A_3733, %mul3A_3735 : vector<16xf32>
      %mul3A_3737 = vector.broadcast %mul3A_43 : f32 to vector<16xf32>
      %mul3A_3738 = arith.mulf %convert_element_type3A_3665, %mul3A_3737 : vector<16xf32>
      %add3A_3739 = arith.addf %add3A_3736, %mul3A_3738 : vector<16xf32>
      %mul3A_3740 = vector.broadcast %mul3A_55 : f32 to vector<16xf32>
      %mul3A_3741 = arith.mulf %convert_element_type3A_3666, %mul3A_3740 : vector<16xf32>
      %add3A_3742 = arith.addf %add3A_3739, %mul3A_3741 : vector<16xf32>
      %mul3A_3743 = arith.mulf %add3A_3742, %add3A_3742 : vector<16xf32>
      %add3A_3744 = arith.addf %add3A_3729, %mul3A_3743 : vector<16xf32>
      %bitcast3A_3745 = vector.bitcast %add3A_3744 : vector<16xf32> to vector<16xi32>
      %shift_right_logical3A_3746 = arith.constant 1 : i32
      %shift_right_logical3A_3747 = vector.broadcast %shift_right_logical3A_3746 : i32 to vector<16xi32>
      %shift_right_logical3A_3748 = arith.shrui %bitcast3A_3745, %shift_right_logical3A_3747 : vector<16xi32>
      %sub3A_3749 = arith.constant 1597463007 : i32
      %sub3A_3750 = vector.broadcast %sub3A_3749 : i32 to vector<16xi32>
      %sub3A_3751 = arith.subi %sub3A_3750, %shift_right_logical3A_3748 : vector<16xi32>
      %bitcast3A_3752 = vector.bitcast %sub3A_3751 : vector<16xi32> to vector<16xf32>
      %mul3A_3753 = arith.constant 5.000000e-01 : f32
      %mul3A_3754 = vector.broadcast %mul3A_3753 : f32 to vector<16xf32>
      %mul3A_3755 = arith.mulf %mul3A_3754, %add3A_3744 : vector<16xf32>
      %mul3A_3756 = arith.mulf %mul3A_3755, %bitcast3A_3752 : vector<16xf32>
      %mul3A_3757 = arith.mulf %mul3A_3756, %bitcast3A_3752 : vector<16xf32>
      %sub3A_3758 = arith.constant 1.500000e+00 : f32
      %sub3A_3759 = vector.broadcast %sub3A_3758 : f32 to vector<16xf32>
      %sub3A_3760 = arith.subf %sub3A_3759, %mul3A_3757 : vector<16xf32>
      %mul3A_3761 = arith.mulf %bitcast3A_3752, %sub3A_3760 : vector<16xf32>
      %mul3A_3762 = arith.constant 5.000000e-01 : f32
      %mul3A_3763 = vector.broadcast %mul3A_3762 : f32 to vector<16xf32>
      %mul3A_3764 = arith.mulf %mul3A_3763, %add3A_3744 : vector<16xf32>
      %mul3A_3765 = arith.mulf %mul3A_3764, %mul3A_3761 : vector<16xf32>
      %mul3A_3766 = arith.mulf %mul3A_3765, %mul3A_3761 : vector<16xf32>
      %sub3A_3767 = arith.constant 1.500000e+00 : f32
      %sub3A_3768 = vector.broadcast %sub3A_3767 : f32 to vector<16xf32>
      %sub3A_3769 = arith.subf %sub3A_3768, %mul3A_3766 : vector<16xf32>
      %mul3A_3770 = arith.mulf %mul3A_3761, %sub3A_3769 : vector<16xf32>
      %mul3A_3771 = arith.constant 5.000000e-01 : f32
      %mul3A_3772 = vector.broadcast %mul3A_3771 : f32 to vector<16xf32>
      %mul3A_3773 = arith.mulf %mul3A_3772, %add3A_3744 : vector<16xf32>
      %mul3A_3774 = arith.mulf %mul3A_3773, %mul3A_3770 : vector<16xf32>
      %mul3A_3775 = arith.mulf %mul3A_3774, %mul3A_3770 : vector<16xf32>
      %sub3A_3776 = arith.constant 1.500000e+00 : f32
      %sub3A_3777 = vector.broadcast %sub3A_3776 : f32 to vector<16xf32>
      %sub3A_3778 = arith.subf %sub3A_3777, %mul3A_3775 : vector<16xf32>
      %mul3A_3779 = arith.mulf %mul3A_3770, %sub3A_3778 : vector<16xf32>
      %mul3A_3780 = arith.mulf %add3A_3744, %mul3A_3779 : vector<16xf32>
      %mul3A_3781 = arith.constant 2.000000e-01 : f32
      %mul3A_3782 = vector.broadcast %mul3A_3781 : f32 to vector<16xf32>
      %mul3A_3783 = arith.mulf %mul3A_3780, %mul3A_3782 : vector<16xf32>
      %min3A_3784 = arith.constant 1.000000e+00 : f32
      %min3A_3785 = vector.broadcast %min3A_3784 : f32 to vector<16xf32>
      %min3A_3786 = arith.minimumf %mul3A_3783, %min3A_3785 : vector<16xf32>
      %mul3A_3787 = arith.constant 3.14159274 : f32
      %mul3A_3788 = vector.broadcast %mul3A_3787 : f32 to vector<16xf32>
      %mul3A_3789 = arith.mulf %mul3A_3788, %min3A_3786 : vector<16xf32>
      %sub3A_3790 = arith.constant 1.57079637 : f32
      %sub3A_3791 = vector.broadcast %sub3A_3790 : f32 to vector<16xf32>
      %sub3A_3792 = arith.subf %mul3A_3789, %sub3A_3791 : vector<16xf32>
      %mul3A_3793 = arith.mulf %sub3A_3792, %sub3A_3792 : vector<16xf32>
      %mul3A_3794 = arith.constant 2.08767559E-9 : f32
      %mul3A_3795 = vector.broadcast %mul3A_3794 : f32 to vector<16xf32>
      %mul3A_3796 = arith.mulf %mul3A_3795, %mul3A_3793 : vector<16xf32>
      %add3A_3797 = arith.constant -2.755732E-7 : f32
      %add3A_3798 = vector.broadcast %add3A_3797 : f32 to vector<16xf32>
      %add3A_3799 = arith.addf %mul3A_3796, %add3A_3798 : vector<16xf32>
      %mul3A_3800 = arith.mulf %add3A_3799, %mul3A_3793 : vector<16xf32>
      %add3A_3801 = arith.constant 2.48015876E-5 : f32
      %add3A_3802 = vector.broadcast %add3A_3801 : f32 to vector<16xf32>
      %add3A_3803 = arith.addf %mul3A_3800, %add3A_3802 : vector<16xf32>
      %mul3A_3804 = arith.mulf %add3A_3803, %mul3A_3793 : vector<16xf32>
      %add3A_3805 = arith.constant -0.00138888892 : f32
      %add3A_3806 = vector.broadcast %add3A_3805 : f32 to vector<16xf32>
      %add3A_3807 = arith.addf %mul3A_3804, %add3A_3806 : vector<16xf32>
      %mul3A_3808 = arith.mulf %add3A_3807, %mul3A_3793 : vector<16xf32>
      %add3A_3809 = arith.constant 0.0416666679 : f32
      %add3A_3810 = vector.broadcast %add3A_3809 : f32 to vector<16xf32>
      %add3A_3811 = arith.addf %mul3A_3808, %add3A_3810 : vector<16xf32>
      %mul3A_3812 = arith.mulf %add3A_3811, %mul3A_3793 : vector<16xf32>
      %add3A_3813 = arith.constant -5.000000e-01 : f32
      %add3A_3814 = vector.broadcast %add3A_3813 : f32 to vector<16xf32>
      %add3A_3815 = arith.addf %mul3A_3812, %add3A_3814 : vector<16xf32>
      %mul3A_3816 = arith.mulf %add3A_3815, %mul3A_3793 : vector<16xf32>
      %add3A_3817 = arith.constant 1.000000e+00 : f32
      %add3A_3818 = vector.broadcast %add3A_3817 : f32 to vector<16xf32>
      %add3A_3819 = arith.addf %mul3A_3816, %add3A_3818 : vector<16xf32>
      %mul3A_3820 = arith.constant -2.50521079E-8 : f32
      %mul3A_3821 = vector.broadcast %mul3A_3820 : f32 to vector<16xf32>
      %mul3A_3822 = arith.mulf %mul3A_3821, %mul3A_3793 : vector<16xf32>
      %add3A_3823 = arith.constant 2.75573188E-6 : f32
      %add3A_3824 = vector.broadcast %add3A_3823 : f32 to vector<16xf32>
      %add3A_3825 = arith.addf %mul3A_3822, %add3A_3824 : vector<16xf32>
      %mul3A_3826 = arith.mulf %add3A_3825, %mul3A_3793 : vector<16xf32>
      %add3A_3827 = arith.constant -1.98412701E-4 : f32
      %add3A_3828 = vector.broadcast %add3A_3827 : f32 to vector<16xf32>
      %add3A_3829 = arith.addf %mul3A_3826, %add3A_3828 : vector<16xf32>
      %mul3A_3830 = arith.mulf %add3A_3829, %mul3A_3793 : vector<16xf32>
      %add3A_3831 = arith.constant 0.00833333377 : f32
      %add3A_3832 = vector.broadcast %add3A_3831 : f32 to vector<16xf32>
      %add3A_3833 = arith.addf %mul3A_3830, %add3A_3832 : vector<16xf32>
      %mul3A_3834 = arith.mulf %add3A_3833, %mul3A_3793 : vector<16xf32>
      %add3A_3835 = arith.constant -0.166666672 : f32
      %add3A_3836 = vector.broadcast %add3A_3835 : f32 to vector<16xf32>
      %add3A_3837 = arith.addf %mul3A_3834, %add3A_3836 : vector<16xf32>
      %mul3A_3838 = arith.mulf %add3A_3837, %mul3A_3793 : vector<16xf32>
      %add3A_3839 = arith.constant 1.000000e+00 : f32
      %add3A_3840 = vector.broadcast %add3A_3839 : f32 to vector<16xf32>
      %add3A_3841 = arith.addf %mul3A_3838, %add3A_3840 : vector<16xf32>
      %mul3A_3842 = arith.mulf %add3A_3841, %sub3A_3792 : vector<16xf32>
      %neg3A_3843 = arith.constant 0.000000e+00 : f32
      %neg3A_3844 = vector.broadcast %neg3A_3843 : f32 to vector<16xf32>
      %neg3A_3845 = arith.subf %neg3A_3844, %mul3A_3842 : vector<16xf32>
      %mul3A_3846 = arith.constant 2.000000e+00 : f32
      %mul3A_3847 = vector.broadcast %mul3A_3846 : f32 to vector<16xf32>
      %mul3A_3848 = arith.mulf %mul3A_3847, %neg3A_3845 : vector<16xf32>
      %mul3A_3849 = arith.mulf %mul3A_3848, %add3A_3819 : vector<16xf32>
      %mul3A_3850 = arith.mulf %mul3A_3848, %mul3A_3849 : vector<16xf32>
      %sub3A_3851 = arith.subf %mul3A_3850, %add3A_3819 : vector<16xf32>
      %mul3A_3852 = arith.mulf %mul3A_3848, %sub3A_3851 : vector<16xf32>
      %sub3A_3853 = arith.subf %mul3A_3852, %mul3A_3849 : vector<16xf32>
      %mul3A_3854 = arith.mulf %mul3A_3848, %sub3A_3853 : vector<16xf32>
      %sub3A_3855 = arith.subf %mul3A_3854, %sub3A_3851 : vector<16xf32>
      %mul3A_3856 = arith.mulf %mul3A_3848, %sub3A_3855 : vector<16xf32>
      %sub3A_3857 = arith.subf %mul3A_3856, %sub3A_3853 : vector<16xf32>
      %mul3A_3858 = arith.mulf %mul3A_3848, %sub3A_3857 : vector<16xf32>
      %sub3A_3859 = arith.subf %mul3A_3858, %sub3A_3855 : vector<16xf32>
      %mul3A_3860 = arith.mulf %mul3A_3848, %sub3A_3859 : vector<16xf32>
      %sub3A_3861 = arith.subf %mul3A_3860, %sub3A_3857 : vector<16xf32>
      %mul3A_3862 = arith.mulf %min3A_3786, %min3A_3786 : vector<16xf32>
      %mul3A_3863 = arith.mulf %mul3A_3862, %min3A_3786 : vector<16xf32>
      %mul3A_3864 = arith.mulf %mul3A_3863, %mul3A_3863 : vector<16xf32>
      %mul3A_3865 = arith.mulf %mul3A_3864, %min3A_3786 : vector<16xf32>
      %mul3A_3866 = arith.mulf %mul3A_3865, %min3A_3786 : vector<16xf32>
      %mul3A_3867 = arith.constant 2.800000e+01 : f32
      %mul3A_3868 = vector.broadcast %mul3A_3867 : f32 to vector<16xf32>
      %mul3A_3869 = arith.mulf %mul3A_3868, %mul3A_3864 : vector<16xf32>
      %sub3A_3870 = arith.constant 1.000000e+00 : f32
      %sub3A_3871 = vector.broadcast %sub3A_3870 : f32 to vector<16xf32>
      %sub3A_3872 = arith.subf %sub3A_3871, %mul3A_3869 : vector<16xf32>
      %mul3A_3873 = arith.constant 4.800000e+01 : f32
      %mul3A_3874 = vector.broadcast %mul3A_3873 : f32 to vector<16xf32>
      %mul3A_3875 = arith.mulf %mul3A_3874, %mul3A_3865 : vector<16xf32>
      %add3A_3876 = arith.addf %sub3A_3872, %mul3A_3875 : vector<16xf32>
      %mul3A_3877 = arith.constant 2.100000e+01 : f32
      %mul3A_3878 = vector.broadcast %mul3A_3877 : f32 to vector<16xf32>
      %mul3A_3879 = arith.mulf %mul3A_3878, %mul3A_3866 : vector<16xf32>
      %sub3A_3880 = arith.subf %add3A_3876, %mul3A_3879 : vector<16xf32>
      %mul3A_3881 = arith.constant 0.632455527 : f32
      %mul3A_3882 = vector.broadcast %mul3A_3881 : f32 to vector<16xf32>
      %mul3A_3883 = arith.mulf %mul3A_3882, %sub3A_3880 : vector<16xf32>
      %mul3A_3884 = arith.mulf %mul3A_3883, %mul3A_3779 : vector<16xf32>
      %lt3A_3885 = arith.constant 1.000000e+00 : f32
      %lt3A_3886 = vector.broadcast %lt3A_3885 : f32 to vector<16xf32>
      %lt3A_3887 = arith.cmpf olt, %mul3A_3783, %lt3A_3886 : vector<16xf32>
      %jit3A_3888 = arith.constant 0.000000e+00 : f32
      %broadcast_in_dim3A_3889 = vector.broadcast %jit3A_3888 : f32 to vector<16xf32>
      %select_n3A_3890 = arith.select %lt3A_3887, %mul3A_3884, %broadcast_in_dim3A_3889 : vector<16xi1>, vector<16xf32>
      %mul3A_3891 = arith.constant 5 : i32
      %mul3A_3892 = arith.muli %mul3A_3891, %arg0 : i32
      %sub3A_3893 = vector.broadcast %mul3A_3892 : i32 to vector<16xi32>
      %sub3A_3894 = arith.subi %gather3A_3697, %sub3A_3893 : vector<16xi32>
      %ge3A_3895 = arith.constant 0 : i32
      %ge3A_3896 = vector.broadcast %ge3A_3895 : i32 to vector<16xi32>
      %ge3A_3897 = arith.cmpi sge, %sub3A_3894, %ge3A_3896 : vector<16xi32>
      %lt3A_3898 = arith.constant 5 : i32
      %lt3A_3899 = vector.broadcast %lt3A_3898 : i32 to vector<16xi32>
      %lt3A_3900 = arith.cmpi slt, %sub3A_3894, %lt3A_3899 : vector<16xi32>
      %and3A_3901 = arith.andi %ge3A_3897, %lt3A_3900 : vector<16xi1>
      %mul3A_3902 = arith.constant 5 : i32
      %mul3A_3903 = vector.broadcast %mul3A_3902 : i32 to vector<16xi32>
      %mul3A_3904 = arith.muli %shift_right_logical3A_3627, %mul3A_3903 : vector<16xi32>
      %add3A_3905 = arith.addi %mul3A_3904, %sub3A_3894 : vector<16xi32>
      %mul3A_3906 = arith.constant 8 : i32
      %mul3A_3907 = vector.broadcast %mul3A_3906 : i32 to vector<16xi32>
      %mul3A_3908 = arith.muli %add3A_3905, %mul3A_3907 : vector<16xi32>
      %jit3A_3909 = arith.constant 400000 : i32
      %broadcast_in_dim3A_3910 = vector.broadcast %jit3A_3909 : i32 to vector<16xi32>
      %select_n3A_3911 = arith.select %and3A_3901, %mul3A_3908, %broadcast_in_dim3A_3910 : vector<16xi1>, vector<16xi32>
      %mul3A_3912 = arith.mulf %add3A_3819, %select_n3A_3890 : vector<16xf32>
      %mul3A_3913 = arith.mulf %mul3A_3849, %select_n3A_3890 : vector<16xf32>
      %mul3A_3914 = arith.mulf %sub3A_3851, %select_n3A_3890 : vector<16xf32>
      %mul3A_3915 = arith.mulf %sub3A_3853, %select_n3A_3890 : vector<16xf32>
      %mul3A_3916 = arith.mulf %sub3A_3855, %select_n3A_3890 : vector<16xf32>
      %mul3A_3917 = arith.mulf %sub3A_3857, %select_n3A_3890 : vector<16xf32>
      %mul3A_3918 = arith.mulf %sub3A_3859, %select_n3A_3890 : vector<16xf32>
      %mul3A_3919 = arith.mulf %sub3A_3861, %select_n3A_3890 : vector<16xf32>
      %add3A_3920 = arith.constant 0 : i32
      %add3A_3921 = vector.broadcast %add3A_3920 : i32 to vector<16xi32>
      %add3A_3922 = arith.addi %select_n3A_3911, %add3A_3921 : vector<16xi32>
      %swap3A_3923 = arith.constant 0 : i32
      %swap3A_3924 = arith.index_cast %swap3A_3923 : i32 to index
      %swap3A_3925 = arith.constant 112 : index
      %swap3A_3926 = tpu.vector_load %arg13[%swap3A_3924, %swap3A_3925] {strides = array<i32>} : memref<8x128xi32, #tpu.memory_space<vmem>>, vector<16xi32>,
      tpu.vector_store %arg13[%swap3A_3924, %swap3A_3925], %add3A_3922 {strides = array<i32>} : memref<8x128xi32, #tpu.memory_space<vmem>>, vector<16xi32>,
      %swap3A_3927 = arith.constant 0 : i32
      %swap3A_3928 = arith.index_cast %swap3A_3927 : i32 to index
      %swap3A_3929 = arith.constant 112 : index
      %swap3A_3930 = tpu.vector_load %arg14[%swap3A_3928, %swap3A_3929] {strides = array<i32>} : memref<8x128xf32, #tpu.memory_space<vmem>>, vector<16xf32>,
      tpu.vector_store %arg14[%swap3A_3928, %swap3A_3929], %mul3A_3912 {strides = array<i32>} : memref<8x128xf32, #tpu.memory_space<vmem>>, vector<16xf32>,
      %add3A_3931 = arith.constant 1 : i32
      %add3A_3932 = vector.broadcast %add3A_3931 : i32 to vector<16xi32>
      %add3A_3933 = arith.addi %select_n3A_3911, %add3A_3932 : vector<16xi32>
      %swap3A_3934 = arith.constant 1 : i32
      %swap3A_3935 = arith.index_cast %swap3A_3934 : i32 to index
      %swap3A_3936 = arith.constant 112 : index
      %swap3A_3937 = tpu.vector_load %arg13[%swap3A_3935, %swap3A_3936] {strides = array<i32>} : memref<8x128xi32, #tpu.memory_space<vmem>>, vector<16xi32>,
      tpu.vector_store %arg13[%swap3A_3935, %swap3A_3936], %add3A_3933 {strides = array<i32>} : memref<8x128xi32, #tpu.memory_space<vmem>>, vector<16xi32>,
      %swap3A_3938 = arith.constant 1 : i32
      %swap3A_3939 = arith.index_cast %swap3A_3938 : i32 to index
      %swap3A_3940 = arith.constant 112 : index
      %swap3A_3941 = tpu.vector_load %arg14[%swap3A_3939, %swap3A_3940] {strides = array<i32>} : memref<8x128xf32, #tpu.memory_space<vmem>>, vector<16xf32>,
      tpu.vector_store %arg14[%swap3A_3939, %swap3A_3940], %mul3A_3913 {strides = array<i32>} : memref<8x128xf32, #tpu.memory_space<vmem>>, vector<16xf32>,
      %add3A_3942 = arith.constant 2 : i32
      %add3A_3943 = vector.broadcast %add3A_3942 : i32 to vector<16xi32>
      %add3A_3944 = arith.addi %select_n3A_3911, %add3A_3943 : vector<16xi32>
      %swap3A_3945 = arith.constant 2 : i32
      %swap3A_3946 = arith.index_cast %swap3A_3945 : i32 to index
      %swap3A_3947 = arith.constant 112 : index
      %swap3A_3948 = tpu.vector_load %arg13[%swap3A_3946, %swap3A_3947] {strides = array<i32>} : memref<8x128xi32, #tpu.memory_space<vmem>>, vector<16xi32>,
      tpu.vector_store %arg13[%swap3A_3946, %swap3A_3947], %add3A_3944 {strides = array<i32>} : memref<8x128xi32, #tpu.memory_space<vmem>>, vector<16xi32>,
      %swap3A_3949 = arith.constant 2 : i32
      %swap3A_3950 = arith.index_cast %swap3A_3949 : i32 to index
      %swap3A_3951 = arith.constant 112 : index
      %swap3A_3952 = tpu.vector_load %arg14[%swap3A_3950, %swap3A_3951] {strides = array<i32>} : memref<8x128xf32, #tpu.memory_space<vmem>>, vector<16xf32>,
      tpu.vector_store %arg14[%swap3A_3950, %swap3A_3951], %mul3A_3914 {strides = array<i32>} : memref<8x128xf32, #tpu.memory_space<vmem>>, vector<16xf32>,
      %add3A_3953 = arith.constant 3 : i32
      %add3A_3954 = vector.broadcast %add3A_3953 : i32 to vector<16xi32>
      %add3A_3955 = arith.addi %select_n3A_3911, %add3A_3954 : vector<16xi32>
      %swap3A_3956 = arith.constant 3 : i32
      %swap3A_3957 = arith.index_cast %swap3A_3956 : i32 to index
      %swap3A_3958 = arith.constant 112 : index
      %swap3A_3959 = tpu.vector_load %arg13[%swap3A_3957, %swap3A_3958] {strides = array<i32>} : memref<8x128xi32, #tpu.memory_space<vmem>>, vector<16xi32>,
      tpu.vector_store %arg13[%swap3A_3957, %swap3A_3958], %add3A_3955 {strides = array<i32>} : memref<8x128xi32, #tpu.memory_space<vmem>>, vector<16xi32>,
      %swap3A_3960 = arith.constant 3 : i32
      %swap3A_3961 = arith.index_cast %swap3A_3960 : i32 to index
      %swap3A_3962 = arith.constant 112 : index
      %swap3A_3963 = tpu.vector_load %arg14[%swap3A_3961, %swap3A_3962] {strides = array<i32>} : memref<8x128xf32, #tpu.memory_space<vmem>>, vector<16xf32>,
      tpu.vector_store %arg14[%swap3A_3961, %swap3A_3962], %mul3A_3915 {strides = array<i32>} : memref<8x128xf32, #tpu.memory_space<vmem>>, vector<16xf32>,
      %add3A_3964 = arith.constant 4 : i32
      %add3A_3965 = vector.broadcast %add3A_3964 : i32 to vector<16xi32>
      %add3A_3966 = arith.addi %select_n3A_3911, %add3A_3965 : vector<16xi32>
      %swap3A_3967 = arith.constant 4 : i32
      %swap3A_3968 = arith.index_cast %swap3A_3967 : i32 to index
      %swap3A_3969 = arith.constant 112 : index
      %swap3A_3970 = tpu.vector_load %arg13[%swap3A_3968, %swap3A_3969] {strides = array<i32>} : memref<8x128xi32, #tpu.memory_space<vmem>>, vector<16xi32>,
      tpu.vector_store %arg13[%swap3A_3968, %swap3A_3969], %add3A_3966 {strides = array<i32>} : memref<8x128xi32, #tpu.memory_space<vmem>>, vector<16xi32>,
      %swap3A_3971 = arith.constant 4 : i32
      %swap3A_3972 = arith.index_cast %swap3A_3971 : i32 to index
      %swap3A_3973 = arith.constant 112 : index
      %swap3A_3974 = tpu.vector_load %arg14[%swap3A_3972, %swap3A_3973] {strides = array<i32>} : memref<8x128xf32, #tpu.memory_space<vmem>>, vector<16xf32>,
      tpu.vector_store %arg14[%swap3A_3972, %swap3A_3973], %mul3A_3916 {strides = array<i32>} : memref<8x128xf32, #tpu.memory_space<vmem>>, vector<16xf32>,
      %add3A_3975 = arith.constant 5 : i32
      %add3A_3976 = vector.broadcast %add3A_3975 : i32 to vector<16xi32>
      %add3A_3977 = arith.addi %select_n3A_3911, %add3A_3976 : vector<16xi32>
      %swap3A_3978 = arith.constant 5 : i32
      %swap3A_3979 = arith.index_cast %swap3A_3978 : i32 to index
      %swap3A_3980 = arith.constant 112 : index
      %swap3A_3981 = tpu.vector_load %arg13[%swap3A_3979, %swap3A_3980] {strides = array<i32>} : memref<8x128xi32, #tpu.memory_space<vmem>>, vector<16xi32>,
      tpu.vector_store %arg13[%swap3A_3979, %swap3A_3980], %add3A_3977 {strides = array<i32>} : memref<8x128xi32, #tpu.memory_space<vmem>>, vector<16xi32>,
      %swap3A_3982 = arith.constant 5 : i32
      %swap3A_3983 = arith.index_cast %swap3A_3982 : i32 to index
      %swap3A_3984 = arith.constant 112 : index
      %swap3A_3985 = tpu.vector_load %arg14[%swap3A_3983, %swap3A_3984] {strides = array<i32>} : memref<8x128xf32, #tpu.memory_space<vmem>>, vector<16xf32>,
      tpu.vector_store %arg14[%swap3A_3983, %swap3A_3984], %mul3A_3917 {strides = array<i32>} : memref<8x128xf32, #tpu.memory_space<vmem>>, vector<16xf32>,
      %add3A_3986 = arith.constant 6 : i32
      %add3A_3987 = vector.broadcast %add3A_3986 : i32 to vector<16xi32>
      %add3A_3988 = arith.addi %select_n3A_3911, %add3A_3987 : vector<16xi32>
      %swap3A_3989 = arith.constant 6 : i32
      %swap3A_3990 = arith.index_cast %swap3A_3989 : i32 to index
      %swap3A_3991 = arith.constant 112 : index
      %swap3A_3992 = tpu.vector_load %arg13[%swap3A_3990, %swap3A_3991] {strides = array<i32>} : memref<8x128xi32, #tpu.memory_space<vmem>>, vector<16xi32>,
      tpu.vector_store %arg13[%swap3A_3990, %swap3A_3991], %add3A_3988 {strides = array<i32>} : memref<8x128xi32, #tpu.memory_space<vmem>>, vector<16xi32>,
      %swap3A_3993 = arith.constant 6 : i32
      %swap3A_3994 = arith.index_cast %swap3A_3993 : i32 to index
      %swap3A_3995 = arith.constant 112 : index
      %swap3A_3996 = tpu.vector_load %arg14[%swap3A_3994, %swap3A_3995] {strides = array<i32>} : memref<8x128xf32, #tpu.memory_space<vmem>>, vector<16xf32>,
      tpu.vector_store %arg14[%swap3A_3994, %swap3A_3995], %mul3A_3918 {strides = array<i32>} : memref<8x128xf32, #tpu.memory_space<vmem>>, vector<16xf32>,
      %add3A_3997 = arith.constant 7 : i32
      %add3A_3998 = vector.broadcast %add3A_3997 : i32 to vector<16xi32>
      %add3A_3999 = arith.addi %select_n3A_3911, %add3A_3998 : vector<16xi32>
      %swap3A_4000 = arith.constant 7 : i32
      %swap3A_4001 = arith.index_cast %swap3A_4000 : i32 to index
      %swap3A_4002 = arith.constant 112 : index
      %swap3A_4003 = tpu.vector_load %arg13[%swap3A_4001, %swap3A_4002] {strides = array<i32>} : memref<8x128xi32, #tpu.memory_space<vmem>>, vector<16xi32>,
      tpu.vector_store %arg13[%swap3A_4001, %swap3A_4002], %add3A_3999 {strides = array<i32>} : memref<8x128xi32, #tpu.memory_space<vmem>>, vector<16xi32>,
      %swap3A_4004 = arith.constant 7 : i32
      %swap3A_4005 = arith.index_cast %swap3A_4004 : i32 to index
      %swap3A_4006 = arith.constant 112 : index
      %swap3A_4007 = tpu.vector_load %arg14[%swap3A_4005, %swap3A_4006] {strides = array<i32>} : memref<8x128xf32, #tpu.memory_space<vmem>>, vector<16xf32>,
      tpu.vector_store %arg14[%swap3A_4005, %swap3A_4006], %mul3A_3919 {strides = array<i32>} : memref<8x128xf32, #tpu.memory_space<vmem>>, vector<16xf32>,
      %dma_start3A_4008 = arith.constant 0 : i32
      %dma_start3A_4009 = arith.constant 0 : i32
      %dma_start3A_4010 = arith.constant 0 : i32
      %dma_start3A_4011 = tpu.memref_slice %arg14[%dma_start3A_4008, %dma_start3A_4010] : memref<8x128xf32, #tpu.memory_space<vmem>> -> memref<1x128xf32, #tpu.memory_space<vmem>>
      %dma_start3A_4012 = tpu.memref_squeeze %dma_start3A_4011 : memref<1x128xf32, #tpu.memory_space<vmem>> -> memref<128xf32, #tpu.memory_space<vmem>>
      %dma_start3A_4013 = arith.constant 0 : i32
      %dma_start3A_4014 = tpu.memref_slice %arg13[%dma_start3A_4009, %dma_start3A_4013] : memref<8x128xi32, #tpu.memory_space<vmem>> -> memref<1x128xi32, #tpu.memory_space<vmem>>
      %dma_start3A_4015 = tpu.memref_squeeze %dma_start3A_4014 : memref<1x128xi32, #tpu.memory_space<vmem>> -> memref<128xi32, #tpu.memory_space<vmem>>
      %dma_start3A_4016 = arith.constant 0 : i32
      %dma_start3A_4017 = tpu.memref_slice %arg18[%dma_start3A_4016] : memref<409600xf32, #tpu.memory_space<vmem_shared>> -> memref<409600xf32, #tpu.memory_space<vmem_shared>>
      tpu.enqueue_indirect_dma source(%dma_start3A_4012 : memref<128xf32, #tpu.memory_space<vmem>>) target(%dma_start3A_4017 : memref<409600xf32, #tpu.memory_space<vmem_shared>>) offsets(%dma_start3A_4015 : memref<128xi32, #tpu.memory_space<vmem>>) semaphore(%arg19 : memref<!tpu.dma_semaphore, #tpu.memory_space<semaphore_mem>>) {add = true}
      %dma_start3A_4018 = arith.constant 1 : i32
      %dma_start3A_4019 = arith.constant 1 : i32
      %dma_start3A_4020 = arith.constant 0 : i32
      %dma_start3A_4021 = tpu.memref_slice %arg14[%dma_start3A_4018, %dma_start3A_4020] : memref<8x128xf32, #tpu.memory_space<vmem>> -> memref<1x128xf32, #tpu.memory_space<vmem>>
      %dma_start3A_4022 = tpu.memref_squeeze %dma_start3A_4021 : memref<1x128xf32, #tpu.memory_space<vmem>> -> memref<128xf32, #tpu.memory_space<vmem>>
      %dma_start3A_4023 = arith.constant 0 : i32
      %dma_start3A_4024 = tpu.memref_slice %arg13[%dma_start3A_4019, %dma_start3A_4023] : memref<8x128xi32, #tpu.memory_space<vmem>> -> memref<1x128xi32, #tpu.memory_space<vmem>>
      %dma_start3A_4025 = tpu.memref_squeeze %dma_start3A_4024 : memref<1x128xi32, #tpu.memory_space<vmem>> -> memref<128xi32, #tpu.memory_space<vmem>>
      %dma_start3A_4026 = arith.constant 0 : i32
      %dma_start3A_4027 = tpu.memref_slice %arg18[%dma_start3A_4026] : memref<409600xf32, #tpu.memory_space<vmem_shared>> -> memref<409600xf32, #tpu.memory_space<vmem_shared>>
      tpu.enqueue_indirect_dma source(%dma_start3A_4022 : memref<128xf32, #tpu.memory_space<vmem>>) target(%dma_start3A_4027 : memref<409600xf32, #tpu.memory_space<vmem_shared>>) offsets(%dma_start3A_4025 : memref<128xi32, #tpu.memory_space<vmem>>) semaphore(%arg19 : memref<!tpu.dma_semaphore, #tpu.memory_space<semaphore_mem>>) {add = true}
      %dma_start3A_4028 = arith.constant 2 : i32
      %dma_start3A_4029 = arith.constant 2 : i32
      %dma_start3A_4030 = arith.constant 0 : i32
      %dma_start3A_4031 = tpu.memref_slice %arg14[%dma_start3A_4028, %dma_start3A_4030] : memref<8x128xf32, #tpu.memory_space<vmem>> -> memref<1x128xf32, #tpu.memory_space<vmem>>
      %dma_start3A_4032 = tpu.memref_squeeze %dma_start3A_4031 : memref<1x128xf32, #tpu.memory_space<vmem>> -> memref<128xf32, #tpu.memory_space<vmem>>
      %dma_start3A_4033 = arith.constant 0 : i32
      %dma_start3A_4034 = tpu.memref_slice %arg13[%dma_start3A_4029, %dma_start3A_4033] : memref<8x128xi32, #tpu.memory_space<vmem>> -> memref<1x128xi32, #tpu.memory_space<vmem>>
      %dma_start3A_4035 = tpu.memref_squeeze %dma_start3A_4034 : memref<1x128xi32, #tpu.memory_space<vmem>> -> memref<128xi32, #tpu.memory_space<vmem>>
      %dma_start3A_4036 = arith.constant 0 : i32
      %dma_start3A_4037 = tpu.memref_slice %arg18[%dma_start3A_4036] : memref<409600xf32, #tpu.memory_space<vmem_shared>> -> memref<409600xf32, #tpu.memory_space<vmem_shared>>
      tpu.enqueue_indirect_dma source(%dma_start3A_4032 : memref<128xf32, #tpu.memory_space<vmem>>) target(%dma_start3A_4037 : memref<409600xf32, #tpu.memory_space<vmem_shared>>) offsets(%dma_start3A_4035 : memref<128xi32, #tpu.memory_space<vmem>>) semaphore(%arg19 : memref<!tpu.dma_semaphore, #tpu.memory_space<semaphore_mem>>) {add = true}
      %dma_start3A_4038 = arith.constant 3 : i32
      %dma_start3A_4039 = arith.constant 3 : i32
      %dma_start3A_4040 = arith.constant 0 : i32
      %dma_start3A_4041 = tpu.memref_slice %arg14[%dma_start3A_4038, %dma_start3A_4040] : memref<8x128xf32, #tpu.memory_space<vmem>> -> memref<1x128xf32, #tpu.memory_space<vmem>>
      %dma_start3A_4042 = tpu.memref_squeeze %dma_start3A_4041 : memref<1x128xf32, #tpu.memory_space<vmem>> -> memref<128xf32, #tpu.memory_space<vmem>>
      %dma_start3A_4043 = arith.constant 0 : i32
      %dma_start3A_4044 = tpu.memref_slice %arg13[%dma_start3A_4039, %dma_start3A_4043] : memref<8x128xi32, #tpu.memory_space<vmem>> -> memref<1x128xi32, #tpu.memory_space<vmem>>
      %dma_start3A_4045 = tpu.memref_squeeze %dma_start3A_4044 : memref<1x128xi32, #tpu.memory_space<vmem>> -> memref<128xi32, #tpu.memory_space<vmem>>
      %dma_start3A_4046 = arith.constant 0 : i32
      %dma_start3A_4047 = tpu.memref_slice %arg18[%dma_start3A_4046] : memref<409600xf32, #tpu.memory_space<vmem_shared>> -> memref<409600xf32, #tpu.memory_space<vmem_shared>>
      tpu.enqueue_indirect_dma source(%dma_start3A_4042 : memref<128xf32, #tpu.memory_space<vmem>>) target(%dma_start3A_4047 : memref<409600xf32, #tpu.memory_space<vmem_shared>>) offsets(%dma_start3A_4045 : memref<128xi32, #tpu.memory_space<vmem>>) semaphore(%arg19 : memref<!tpu.dma_semaphore, #tpu.memory_space<semaphore_mem>>) {add = true}
      %dma_start3A_4048 = arith.constant 4 : i32
      %dma_start3A_4049 = arith.constant 4 : i32
      %dma_start3A_4050 = arith.constant 0 : i32
      %dma_start3A_4051 = tpu.memref_slice %arg14[%dma_start3A_4048, %dma_start3A_4050] : memref<8x128xf32, #tpu.memory_space<vmem>> -> memref<1x128xf32, #tpu.memory_space<vmem>>
      %dma_start3A_4052 = tpu.memref_squeeze %dma_start3A_4051 : memref<1x128xf32, #tpu.memory_space<vmem>> -> memref<128xf32, #tpu.memory_space<vmem>>
      %dma_start3A_4053 = arith.constant 0 : i32
      %dma_start3A_4054 = tpu.memref_slice %arg13[%dma_start3A_4049, %dma_start3A_4053] : memref<8x128xi32, #tpu.memory_space<vmem>> -> memref<1x128xi32, #tpu.memory_space<vmem>>
      %dma_start3A_4055 = tpu.memref_squeeze %dma_start3A_4054 : memref<1x128xi32, #tpu.memory_space<vmem>> -> memref<128xi32, #tpu.memory_space<vmem>>
      %dma_start3A_4056 = arith.constant 0 : i32
      %dma_start3A_4057 = tpu.memref_slice %arg18[%dma_start3A_4056] : memref<409600xf32, #tpu.memory_space<vmem_shared>> -> memref<409600xf32, #tpu.memory_space<vmem_shared>>
      tpu.enqueue_indirect_dma source(%dma_start3A_4052 : memref<128xf32, #tpu.memory_space<vmem>>) target(%dma_start3A_4057 : memref<409600xf32, #tpu.memory_space<vmem_shared>>) offsets(%dma_start3A_4055 : memref<128xi32, #tpu.memory_space<vmem>>) semaphore(%arg19 : memref<!tpu.dma_semaphore, #tpu.memory_space<semaphore_mem>>) {add = true}
      %dma_start3A_4058 = arith.constant 5 : i32
      %dma_start3A_4059 = arith.constant 5 : i32
      %dma_start3A_4060 = arith.constant 0 : i32
      %dma_start3A_4061 = tpu.memref_slice %arg14[%dma_start3A_4058, %dma_start3A_4060] : memref<8x128xf32, #tpu.memory_space<vmem>> -> memref<1x128xf32, #tpu.memory_space<vmem>>
      %dma_start3A_4062 = tpu.memref_squeeze %dma_start3A_4061 : memref<1x128xf32, #tpu.memory_space<vmem>> -> memref<128xf32, #tpu.memory_space<vmem>>
      %dma_start3A_4063 = arith.constant 0 : i32
      %dma_start3A_4064 = tpu.memref_slice %arg13[%dma_start3A_4059, %dma_start3A_4063] : memref<8x128xi32, #tpu.memory_space<vmem>> -> memref<1x128xi32, #tpu.memory_space<vmem>>
      %dma_start3A_4065 = tpu.memref_squeeze %dma_start3A_4064 : memref<1x128xi32, #tpu.memory_space<vmem>> -> memref<128xi32, #tpu.memory_space<vmem>>
      %dma_start3A_4066 = arith.constant 0 : i32
      %dma_start3A_4067 = tpu.memref_slice %arg18[%dma_start3A_4066] : memref<409600xf32, #tpu.memory_space<vmem_shared>> -> memref<409600xf32, #tpu.memory_space<vmem_shared>>
      tpu.enqueue_indirect_dma source(%dma_start3A_4062 : memref<128xf32, #tpu.memory_space<vmem>>) target(%dma_start3A_4067 : memref<409600xf32, #tpu.memory_space<vmem_shared>>) offsets(%dma_start3A_4065 : memref<128xi32, #tpu.memory_space<vmem>>) semaphore(%arg19 : memref<!tpu.dma_semaphore, #tpu.memory_space<semaphore_mem>>) {add = true}
      %dma_start3A_4068 = arith.constant 6 : i32
      %dma_start3A_4069 = arith.constant 6 : i32
      %dma_start3A_4070 = arith.constant 0 : i32
      %dma_start3A_4071 = tpu.memref_slice %arg14[%dma_start3A_4068, %dma_start3A_4070] : memref<8x128xf32, #tpu.memory_space<vmem>> -> memref<1x128xf32, #tpu.memory_space<vmem>>
      %dma_start3A_4072 = tpu.memref_squeeze %dma_start3A_4071 : memref<1x128xf32, #tpu.memory_space<vmem>> -> memref<128xf32, #tpu.memory_space<vmem>>
      %dma_start3A_4073 = arith.constant 0 : i32
      %dma_start3A_4074 = tpu.memref_slice %arg13[%dma_start3A_4069, %dma_start3A_4073] : memref<8x128xi32, #tpu.memory_space<vmem>> -> memref<1x128xi32, #tpu.memory_space<vmem>>
      %dma_start3A_4075 = tpu.memref_squeeze %dma_start3A_4074 : memref<1x128xi32, #tpu.memory_space<vmem>> -> memref<128xi32, #tpu.memory_space<vmem>>
      %dma_start3A_4076 = arith.constant 0 : i32
      %dma_start3A_4077 = tpu.memref_slice %arg18[%dma_start3A_4076] : memref<409600xf32, #tpu.memory_space<vmem_shared>> -> memref<409600xf32, #tpu.memory_space<vmem_shared>>
      tpu.enqueue_indirect_dma source(%dma_start3A_4072 : memref<128xf32, #tpu.memory_space<vmem>>) target(%dma_start3A_4077 : memref<409600xf32, #tpu.memory_space<vmem_shared>>) offsets(%dma_start3A_4075 : memref<128xi32, #tpu.memory_space<vmem>>) semaphore(%arg19 : memref<!tpu.dma_semaphore, #tpu.memory_space<semaphore_mem>>) {add = true}
      %dma_start3A_4078 = arith.constant 7 : i32
      %dma_start3A_4079 = arith.constant 7 : i32
      %dma_start3A_4080 = arith.constant 0 : i32
      %dma_start3A_4081 = tpu.memref_slice %arg14[%dma_start3A_4078, %dma_start3A_4080] : memref<8x128xf32, #tpu.memory_space<vmem>> -> memref<1x128xf32, #tpu.memory_space<vmem>>
      %dma_start3A_4082 = tpu.memref_squeeze %dma_start3A_4081 : memref<1x128xf32, #tpu.memory_space<vmem>> -> memref<128xf32, #tpu.memory_space<vmem>>
      %dma_start3A_4083 = arith.constant 0 : i32
      %dma_start3A_4084 = tpu.memref_slice %arg13[%dma_start3A_4079, %dma_start3A_4083] : memref<8x128xi32, #tpu.memory_space<vmem>> -> memref<1x128xi32, #tpu.memory_space<vmem>>
      %dma_start3A_4085 = tpu.memref_squeeze %dma_start3A_4084 : memref<1x128xi32, #tpu.memory_space<vmem>> -> memref<128xi32, #tpu.memory_space<vmem>>
      %dma_start3A_4086 = arith.constant 0 : i32
      %dma_start3A_4087 = tpu.memref_slice %arg18[%dma_start3A_4086] : memref<409600xf32, #tpu.memory_space<vmem_shared>> -> memref<409600xf32, #tpu.memory_space<vmem_shared>>
      tpu.enqueue_indirect_dma source(%dma_start3A_4082 : memref<128xf32, #tpu.memory_space<vmem>>) target(%dma_start3A_4087 : memref<409600xf32, #tpu.memory_space<vmem_shared>>) offsets(%dma_start3A_4085 : memref<128xi32, #tpu.memory_space<vmem>>) semaphore(%arg19 : memref<!tpu.dma_semaphore, #tpu.memory_space<semaphore_mem>>) {add = true}
      %dma_wait3A_4088 = arith.constant 0 : i32
      %dma_wait3A_4089 = arith.constant 0 : i32
      %dma_wait3A_4090 = arith.constant 0 : i32
      %dma_wait3A_4091 = tpu.memref_slice %arg14[%dma_wait3A_4088, %dma_wait3A_4090] : memref<8x128xf32, #tpu.memory_space<vmem>> -> memref<1x128xf32, #tpu.memory_space<vmem>>
      %dma_wait3A_4092 = tpu.memref_squeeze %dma_wait3A_4091 : memref<1x128xf32, #tpu.memory_space<vmem>> -> memref<128xf32, #tpu.memory_space<vmem>>
      %dma_wait3A_4093 = arith.constant 0 : i32
      %dma_wait3A_4094 = tpu.memref_slice %arg13[%dma_wait3A_4089, %dma_wait3A_4093] : memref<8x128xi32, #tpu.memory_space<vmem>> -> memref<1x128xi32, #tpu.memory_space<vmem>>
      %dma_wait3A_4095 = tpu.memref_squeeze %dma_wait3A_4094 : memref<1x128xi32, #tpu.memory_space<vmem>> -> memref<128xi32, #tpu.memory_space<vmem>>
      %dma_wait3A_4096 = arith.constant 0 : i32
      %dma_wait3A_4097 = tpu.memref_slice %arg18[%dma_wait3A_4096] : memref<409600xf32, #tpu.memory_space<vmem_shared>> -> memref<409600xf32, #tpu.memory_space<vmem_shared>>
      tpu.wait_indirect_dma semaphore(%arg19 : memref<!tpu.dma_semaphore, #tpu.memory_space<semaphore_mem>>) src(%dma_wait3A_4092 : memref<128xf32, #tpu.memory_space<vmem>>) dst(%dma_wait3A_4097 : memref<409600xf32, #tpu.memory_space<vmem_shared>>)
      %dma_wait3A_4098 = arith.constant 1 : i32
      %dma_wait3A_4099 = arith.constant 1 : i32
      %dma_wait3A_4100 = arith.constant 0 : i32
      %dma_wait3A_4101 = tpu.memref_slice %arg14[%dma_wait3A_4098, %dma_wait3A_4100] : memref<8x128xf32, #tpu.memory_space<vmem>> -> memref<1x128xf32, #tpu.memory_space<vmem>>
      %dma_wait3A_4102 = tpu.memref_squeeze %dma_wait3A_4101 : memref<1x128xf32, #tpu.memory_space<vmem>> -> memref<128xf32, #tpu.memory_space<vmem>>
      %dma_wait3A_4103 = arith.constant 0 : i32
      %dma_wait3A_4104 = tpu.memref_slice %arg13[%dma_wait3A_4099, %dma_wait3A_4103] : memref<8x128xi32, #tpu.memory_space<vmem>> -> memref<1x128xi32, #tpu.memory_space<vmem>>
      %dma_wait3A_4105 = tpu.memref_squeeze %dma_wait3A_4104 : memref<1x128xi32, #tpu.memory_space<vmem>> -> memref<128xi32, #tpu.memory_space<vmem>>
      %dma_wait3A_4106 = arith.constant 0 : i32
      %dma_wait3A_4107 = tpu.memref_slice %arg18[%dma_wait3A_4106] : memref<409600xf32, #tpu.memory_space<vmem_shared>> -> memref<409600xf32, #tpu.memory_space<vmem_shared>>
      tpu.wait_indirect_dma semaphore(%arg19 : memref<!tpu.dma_semaphore, #tpu.memory_space<semaphore_mem>>) src(%dma_wait3A_4102 : memref<128xf32, #tpu.memory_space<vmem>>) dst(%dma_wait3A_4107 : memref<409600xf32, #tpu.memory_space<vmem_shared>>)
      %dma_wait3A_4108 = arith.constant 2 : i32
      %dma_wait3A_4109 = arith.constant 2 : i32
      %dma_wait3A_4110 = arith.constant 0 : i32
      %dma_wait3A_4111 = tpu.memref_slice %arg14[%dma_wait3A_4108, %dma_wait3A_4110] : memref<8x128xf32, #tpu.memory_space<vmem>> -> memref<1x128xf32, #tpu.memory_space<vmem>>
      %dma_wait3A_4112 = tpu.memref_squeeze %dma_wait3A_4111 : memref<1x128xf32, #tpu.memory_space<vmem>> -> memref<128xf32, #tpu.memory_space<vmem>>
      %dma_wait3A_4113 = arith.constant 0 : i32
      %dma_wait3A_4114 = tpu.memref_slice %arg13[%dma_wait3A_4109, %dma_wait3A_4113] : memref<8x128xi32, #tpu.memory_space<vmem>> -> memref<1x128xi32, #tpu.memory_space<vmem>>
      %dma_wait3A_4115 = tpu.memref_squeeze %dma_wait3A_4114 : memref<1x128xi32, #tpu.memory_space<vmem>> -> memref<128xi32, #tpu.memory_space<vmem>>
      %dma_wait3A_4116 = arith.constant 0 : i32
      %dma_wait3A_4117 = tpu.memref_slice %arg18[%dma_wait3A_4116] : memref<409600xf32, #tpu.memory_space<vmem_shared>> -> memref<409600xf32, #tpu.memory_space<vmem_shared>>
      tpu.wait_indirect_dma semaphore(%arg19 : memref<!tpu.dma_semaphore, #tpu.memory_space<semaphore_mem>>) src(%dma_wait3A_4112 : memref<128xf32, #tpu.memory_space<vmem>>) dst(%dma_wait3A_4117 : memref<409600xf32, #tpu.memory_space<vmem_shared>>)
      %dma_wait3A_4118 = arith.constant 3 : i32
      %dma_wait3A_4119 = arith.constant 3 : i32
      %dma_wait3A_4120 = arith.constant 0 : i32
      %dma_wait3A_4121 = tpu.memref_slice %arg14[%dma_wait3A_4118, %dma_wait3A_4120] : memref<8x128xf32, #tpu.memory_space<vmem>> -> memref<1x128xf32, #tpu.memory_space<vmem>>
      %dma_wait3A_4122 = tpu.memref_squeeze %dma_wait3A_4121 : memref<1x128xf32, #tpu.memory_space<vmem>> -> memref<128xf32, #tpu.memory_space<vmem>>
      %dma_wait3A_4123 = arith.constant 0 : i32
      %dma_wait3A_4124 = tpu.memref_slice %arg13[%dma_wait3A_4119, %dma_wait3A_4123] : memref<8x128xi32, #tpu.memory_space<vmem>> -> memref<1x128xi32, #tpu.memory_space<vmem>>
      %dma_wait3A_4125 = tpu.memref_squeeze %dma_wait3A_4124 : memref<1x128xi32, #tpu.memory_space<vmem>> -> memref<128xi32, #tpu.memory_space<vmem>>
      %dma_wait3A_4126 = arith.constant 0 : i32
      %dma_wait3A_4127 = tpu.memref_slice %arg18[%dma_wait3A_4126] : memref<409600xf32, #tpu.memory_space<vmem_shared>> -> memref<409600xf32, #tpu.memory_space<vmem_shared>>
      tpu.wait_indirect_dma semaphore(%arg19 : memref<!tpu.dma_semaphore, #tpu.memory_space<semaphore_mem>>) src(%dma_wait3A_4122 : memref<128xf32, #tpu.memory_space<vmem>>) dst(%dma_wait3A_4127 : memref<409600xf32, #tpu.memory_space<vmem_shared>>)
      %dma_wait3A_4128 = arith.constant 4 : i32
      %dma_wait3A_4129 = arith.constant 4 : i32
      %dma_wait3A_4130 = arith.constant 0 : i32
      %dma_wait3A_4131 = tpu.memref_slice %arg14[%dma_wait3A_4128, %dma_wait3A_4130] : memref<8x128xf32, #tpu.memory_space<vmem>> -> memref<1x128xf32, #tpu.memory_space<vmem>>
      %dma_wait3A_4132 = tpu.memref_squeeze %dma_wait3A_4131 : memref<1x128xf32, #tpu.memory_space<vmem>> -> memref<128xf32, #tpu.memory_space<vmem>>
      %dma_wait3A_4133 = arith.constant 0 : i32
      %dma_wait3A_4134 = tpu.memref_slice %arg13[%dma_wait3A_4129, %dma_wait3A_4133] : memref<8x128xi32, #tpu.memory_space<vmem>> -> memref<1x128xi32, #tpu.memory_space<vmem>>
      %dma_wait3A_4135 = tpu.memref_squeeze %dma_wait3A_4134 : memref<1x128xi32, #tpu.memory_space<vmem>> -> memref<128xi32, #tpu.memory_space<vmem>>
      %dma_wait3A_4136 = arith.constant 0 : i32
      %dma_wait3A_4137 = tpu.memref_slice %arg18[%dma_wait3A_4136] : memref<409600xf32, #tpu.memory_space<vmem_shared>> -> memref<409600xf32, #tpu.memory_space<vmem_shared>>
      tpu.wait_indirect_dma semaphore(%arg19 : memref<!tpu.dma_semaphore, #tpu.memory_space<semaphore_mem>>) src(%dma_wait3A_4132 : memref<128xf32, #tpu.memory_space<vmem>>) dst(%dma_wait3A_4137 : memref<409600xf32, #tpu.memory_space<vmem_shared>>)
      %dma_wait3A_4138 = arith.constant 5 : i32
      %dma_wait3A_4139 = arith.constant 5 : i32
      %dma_wait3A_4140 = arith.constant 0 : i32
      %dma_wait3A_4141 = tpu.memref_slice %arg14[%dma_wait3A_4138, %dma_wait3A_4140] : memref<8x128xf32, #tpu.memory_space<vmem>> -> memref<1x128xf32, #tpu.memory_space<vmem>>
      %dma_wait3A_4142 = tpu.memref_squeeze %dma_wait3A_4141 : memref<1x128xf32, #tpu.memory_space<vmem>> -> memref<128xf32, #tpu.memory_space<vmem>>
      %dma_wait3A_4143 = arith.constant 0 : i32
      %dma_wait3A_4144 = tpu.memref_slice %arg13[%dma_wait3A_4139, %dma_wait3A_4143] : memref<8x128xi32, #tpu.memory_space<vmem>> -> memref<1x128xi32, #tpu.memory_space<vmem>>
      %dma_wait3A_4145 = tpu.memref_squeeze %dma_wait3A_4144 : memref<1x128xi32, #tpu.memory_space<vmem>> -> memref<128xi32, #tpu.memory_space<vmem>>
      %dma_wait3A_4146 = arith.constant 0 : i32
      %dma_wait3A_4147 = tpu.memref_slice %arg18[%dma_wait3A_4146] : memref<409600xf32, #tpu.memory_space<vmem_shared>> -> memref<409600xf32, #tpu.memory_space<vmem_shared>>
      tpu.wait_indirect_dma semaphore(%arg19 : memref<!tpu.dma_semaphore, #tpu.memory_space<semaphore_mem>>) src(%dma_wait3A_4142 : memref<128xf32, #tpu.memory_space<vmem>>) dst(%dma_wait3A_4147 : memref<409600xf32, #tpu.memory_space<vmem_shared>>)
      %dma_wait3A_4148 = arith.constant 6 : i32
      %dma_wait3A_4149 = arith.constant 6 : i32
      %dma_wait3A_4150 = arith.constant 0 : i32
      %dma_wait3A_4151 = tpu.memref_slice %arg14[%dma_wait3A_4148, %dma_wait3A_4150] : memref<8x128xf32, #tpu.memory_space<vmem>> -> memref<1x128xf32, #tpu.memory_space<vmem>>
      %dma_wait3A_4152 = tpu.memref_squeeze %dma_wait3A_4151 : memref<1x128xf32, #tpu.memory_space<vmem>> -> memref<128xf32, #tpu.memory_space<vmem>>
      %dma_wait3A_4153 = arith.constant 0 : i32
      %dma_wait3A_4154 = tpu.memref_slice %arg13[%dma_wait3A_4149, %dma_wait3A_4153] : memref<8x128xi32, #tpu.memory_space<vmem>> -> memref<1x128xi32, #tpu.memory_space<vmem>>
      %dma_wait3A_4155 = tpu.memref_squeeze %dma_wait3A_4154 : memref<1x128xi32, #tpu.memory_space<vmem>> -> memref<128xi32, #tpu.memory_space<vmem>>
      %dma_wait3A_4156 = arith.constant 0 : i32
      %dma_wait3A_4157 = tpu.memref_slice %arg18[%dma_wait3A_4156] : memref<409600xf32, #tpu.memory_space<vmem_shared>> -> memref<409600xf32, #tpu.memory_space<vmem_shared>>
      tpu.wait_indirect_dma semaphore(%arg19 : memref<!tpu.dma_semaphore, #tpu.memory_space<semaphore_mem>>) src(%dma_wait3A_4152 : memref<128xf32, #tpu.memory_space<vmem>>) dst(%dma_wait3A_4157 : memref<409600xf32, #tpu.memory_space<vmem_shared>>)
      %dma_wait3A_4158 = arith.constant 7 : i32
      %dma_wait3A_4159 = arith.constant 7 : i32
      %dma_wait3A_4160 = arith.constant 0 : i32
      %dma_wait3A_4161 = tpu.memref_slice %arg14[%dma_wait3A_4158, %dma_wait3A_4160] : memref<8x128xf32, #tpu.memory_space<vmem>> -> memref<1x128xf32, #tpu.memory_space<vmem>>
      %dma_wait3A_4162 = tpu.memref_squeeze %dma_wait3A_4161 : memref<1x128xf32, #tpu.memory_space<vmem>> -> memref<128xf32, #tpu.memory_space<vmem>>
      %dma_wait3A_4163 = arith.constant 0 : i32
      %dma_wait3A_4164 = tpu.memref_slice %arg13[%dma_wait3A_4159, %dma_wait3A_4163] : memref<8x128xi32, #tpu.memory_space<vmem>> -> memref<1x128xi32, #tpu.memory_space<vmem>>
      %dma_wait3A_4165 = tpu.memref_squeeze %dma_wait3A_4164 : memref<1x128xi32, #tpu.memory_space<vmem>> -> memref<128xi32, #tpu.memory_space<vmem>>
      %dma_wait3A_4166 = arith.constant 0 : i32
      %dma_wait3A_4167 = tpu.memref_slice %arg18[%dma_wait3A_4166] : memref<409600xf32, #tpu.memory_space<vmem_shared>> -> memref<409600xf32, #tpu.memory_space<vmem_shared>>
      tpu.wait_indirect_dma semaphore(%arg19 : memref<!tpu.dma_semaphore, #tpu.memory_space<semaphore_mem>>) src(%dma_wait3A_4162 : memref<128xf32, #tpu.memory_space<vmem>>) dst(%dma_wait3A_4167 : memref<409600xf32, #tpu.memory_space<vmem_shared>>)
    }
    %scan3A_60 = arith.constant 156 : i32
    %iota3A = tpu.iota {dimensions = array<i32: 0>} : vector<16xi32>
    %get3A_61 = arith.constant 19968 : index
    %get3A_62 = tpu.vector_load %arg11[%get3A_61] {strides = array<i32>} : memref<20000xi32, #tpu.memory_space<vmem>>, vector<16xi32>,
    %and3A_63 = arith.constant 65535 : i32
    %and3A_64 = vector.broadcast %and3A_63 : i32 to vector<16xi32>
    %and3A_65 = arith.andi %get3A_62, %and3A_64 : vector<16xi32>
    %shift_right_logical3A = arith.constant 16 : i32
    %shift_right_logical3A_66 = vector.broadcast %shift_right_logical3A : i32 to vector<16xi32>
    %shift_right_logical3A_67 = arith.shrui %get3A_62, %shift_right_logical3A_66 : vector<16xi32>
    %add3A = arith.constant 19968 : i32
    %add3A_68 = vector.broadcast %add3A : i32 to vector<16xi32>
    %add3A_69 = arith.addi %add3A_68, %iota3A : vector<16xi32>
    %shift_right_logical3A_70 = arith.constant 1 : i32
    %shift_right_logical3A_71 = vector.broadcast %shift_right_logical3A_70 : i32 to vector<16xi32>
    %shift_right_logical3A_72 = arith.shrui %add3A_69, %shift_right_logical3A_71 : vector<16xi32>
    %gather3A = tpu.vector_load_idx %arg12[%shift_right_logical3A_72] : memref<10000xi32, #tpu.memory_space<vmem>>[vector<16xi32>], vector<16xi32>,
    %and3A_73 = arith.constant 1 : i32
    %and3A_74 = vector.broadcast %and3A_73 : i32 to vector<16xi32>
    %and3A_75 = arith.andi %add3A_69, %and3A_74 : vector<16xi32>
    %mul3A_76 = arith.constant 5 : i32
    %mul3A_77 = vector.broadcast %mul3A_76 : i32 to vector<16xi32>
    %mul3A_78 = arith.muli %and3A_75, %mul3A_77 : vector<16xi32>
    %shift_right_logical3A_79 = arith.shrui %gather3A, %mul3A_78 : vector<16xi32>
    %and3A_80 = arith.constant 31 : i32
    %and3A_81 = vector.broadcast %and3A_80 : i32 to vector<16xi32>
    %and3A_82 = arith.andi %shift_right_logical3A_79, %and3A_81 : vector<16xi32>
    %mul3A_83 = arith.constant 21846 : i32
    %mul3A_84 = vector.broadcast %mul3A_83 : i32 to vector<16xi32>
    %mul3A_85 = arith.muli %and3A_82, %mul3A_84 : vector<16xi32>
    %shift_right_logical3A_86 = arith.constant 16 : i32
    %shift_right_logical3A_87 = vector.broadcast %shift_right_logical3A_86 : i32 to vector<16xi32>
    %shift_right_logical3A_88 = arith.shrui %mul3A_85, %shift_right_logical3A_87 : vector<16xi32>
    %mul3A_89 = arith.constant 7282 : i32
    %mul3A_90 = vector.broadcast %mul3A_89 : i32 to vector<16xi32>
    %mul3A_91 = arith.muli %and3A_82, %mul3A_90 : vector<16xi32>
    %shift_right_logical3A_92 = arith.constant 16 : i32
    %shift_right_logical3A_93 = vector.broadcast %shift_right_logical3A_92 : i32 to vector<16xi32>
    %shift_right_logical3A_94 = arith.shrui %mul3A_91, %shift_right_logical3A_93 : vector<16xi32>
    %mul3A_95 = arith.constant 3 : i32
    %mul3A_96 = vector.broadcast %mul3A_95 : i32 to vector<16xi32>
    %mul3A_97 = arith.muli %mul3A_96, %shift_right_logical3A_88 : vector<16xi32>
    %sub3A_98 = arith.subi %and3A_82, %mul3A_97 : vector<16xi32>
    %mul3A_99 = arith.constant 3 : i32
    %mul3A_100 = vector.broadcast %mul3A_99 : i32 to vector<16xi32>
    %mul3A_101 = arith.muli %mul3A_100, %shift_right_logical3A_94 : vector<16xi32>
    %sub3A_102 = arith.subi %shift_right_logical3A_88, %mul3A_101 : vector<16xi32>
    %convert_element_type3A = arith.sitofp %sub3A_98 : vector<16xi32> to vector<16xf32>
    %convert_element_type3A_103 = arith.sitofp %sub3A_102 : vector<16xi32> to vector<16xf32>
    %convert_element_type3A_104 = arith.sitofp %shift_right_logical3A_94 : vector<16xi32> to vector<16xf32>
    %mul3A_105 = arith.constant 3 : i32
    %mul3A_106 = vector.broadcast %mul3A_105 : i32 to vector<16xi32>
    %mul3A_107 = arith.muli %and3A_65, %mul3A_106 : vector<16xi32>
    %mul3A_108 = arith.constant 3 : i32
    %mul3A_109 = vector.broadcast %mul3A_108 : i32 to vector<16xi32>
    %mul3A_110 = arith.muli %shift_right_logical3A_67, %mul3A_109 : vector<16xi32>
    %add3A_111 = arith.constant 0 : i32
    %add3A_112 = vector.broadcast %add3A_111 : i32 to vector<16xi32>
    %add3A_113 = arith.addi %mul3A_107, %add3A_112 : vector<16xi32>
    %gather3A_114 = tpu.vector_load_idx %arg9[%add3A_113] : memref<30000xf32, #tpu.memory_space<vmem>>[vector<16xi32>], vector<16xf32>,
    %add3A_115 = arith.constant 1 : i32
    %add3A_116 = vector.broadcast %add3A_115 : i32 to vector<16xi32>
    %add3A_117 = arith.addi %mul3A_107, %add3A_116 : vector<16xi32>
    %gather3A_118 = tpu.vector_load_idx %arg9[%add3A_117] : memref<30000xf32, #tpu.memory_space<vmem>>[vector<16xi32>], vector<16xf32>,
    %add3A_119 = arith.constant 2 : i32
    %add3A_120 = vector.broadcast %add3A_119 : i32 to vector<16xi32>
    %add3A_121 = arith.addi %mul3A_107, %add3A_120 : vector<16xi32>
    %gather3A_122 = tpu.vector_load_idx %arg9[%add3A_121] : memref<30000xf32, #tpu.memory_space<vmem>>[vector<16xi32>], vector<16xf32>,
    %add3A_123 = arith.constant 0 : i32
    %add3A_124 = vector.broadcast %add3A_123 : i32 to vector<16xi32>
    %add3A_125 = arith.addi %mul3A_110, %add3A_124 : vector<16xi32>
    %gather3A_126 = tpu.vector_load_idx %arg9[%add3A_125] : memref<30000xf32, #tpu.memory_space<vmem>>[vector<16xi32>], vector<16xf32>,
    %add3A_127 = arith.constant 1 : i32
    %add3A_128 = vector.broadcast %add3A_127 : i32 to vector<16xi32>
    %add3A_129 = arith.addi %mul3A_110, %add3A_128 : vector<16xi32>
    %gather3A_130 = tpu.vector_load_idx %arg9[%add3A_129] : memref<30000xf32, #tpu.memory_space<vmem>>[vector<16xi32>], vector<16xf32>,
    %add3A_131 = arith.constant 2 : i32
    %add3A_132 = vector.broadcast %add3A_131 : i32 to vector<16xi32>
    %add3A_133 = arith.addi %mul3A_110, %add3A_132 : vector<16xi32>
    %gather3A_134 = tpu.vector_load_idx %arg9[%add3A_133] : memref<30000xf32, #tpu.memory_space<vmem>>[vector<16xi32>], vector<16xf32>,
    %gather3A_135 = tpu.vector_load_idx %arg10[%and3A_65] : memref<10000xi32, #tpu.memory_space<vmem>>[vector<16xi32>], vector<16xi32>,
    %sub3A_136 = arith.subf %gather3A_126, %gather3A_114 : vector<16xf32>
    %mul3A_137 = arith.constant 1.000000e+01 : f32
    %mul3A_138 = vector.broadcast %mul3A_137 : f32 to vector<16xf32>
    %mul3A_139 = arith.mulf %sub3A_136, %mul3A_138 : vector<16xf32>
    %mul3A_140 = vector.broadcast %mul3A_23 : f32 to vector<16xf32>
    %mul3A_141 = arith.mulf %convert_element_type3A, %mul3A_140 : vector<16xf32>
    %add3A_142 = arith.addf %mul3A_139, %mul3A_141 : vector<16xf32>
    %mul3A_143 = vector.broadcast %mul3A_35 : f32 to vector<16xf32>
    %mul3A_144 = arith.mulf %convert_element_type3A_103, %mul3A_143 : vector<16xf32>
    %add3A_145 = arith.addf %add3A_142, %mul3A_144 : vector<16xf32>
    %mul3A_146 = vector.broadcast %mul3A_47 : f32 to vector<16xf32>
    %mul3A_147 = arith.mulf %convert_element_type3A_104, %mul3A_146 : vector<16xf32>
    %add3A_148 = arith.addf %add3A_145, %mul3A_147 : vector<16xf32>
    %mul3A_149 = arith.mulf %add3A_148, %add3A_148 : vector<16xf32>
    %add3A_150 = arith.constant 9.99999971E-10 : f32
    %add3A_151 = vector.broadcast %add3A_150 : f32 to vector<16xf32>
    %add3A_152 = arith.addf %add3A_151, %mul3A_149 : vector<16xf32>
    %sub3A_153 = arith.subf %gather3A_130, %gather3A_118 : vector<16xf32>
    %mul3A_154 = arith.constant 1.000000e+01 : f32
    %mul3A_155 = vector.broadcast %mul3A_154 : f32 to vector<16xf32>
    %mul3A_156 = arith.mulf %sub3A_153, %mul3A_155 : vector<16xf32>
    %mul3A_157 = vector.broadcast %mul3A_27 : f32 to vector<16xf32>
    %mul3A_158 = arith.mulf %convert_element_type3A, %mul3A_157 : vector<16xf32>
    %add3A_159 = arith.addf %mul3A_156, %mul3A_158 : vector<16xf32>
    %mul3A_160 = vector.broadcast %mul3A_39 : f32 to vector<16xf32>
    %mul3A_161 = arith.mulf %convert_element_type3A_103, %mul3A_160 : vector<16xf32>
    %add3A_162 = arith.addf %add3A_159, %mul3A_161 : vector<16xf32>
    %mul3A_163 = vector.broadcast %mul3A_51 : f32 to vector<16xf32>
    %mul3A_164 = arith.mulf %convert_element_type3A_104, %mul3A_163 : vector<16xf32>
    %add3A_165 = arith.addf %add3A_162, %mul3A_164 : vector<16xf32>
    %mul3A_166 = arith.mulf %add3A_165, %add3A_165 : vector<16xf32>
    %add3A_167 = arith.addf %add3A_152, %mul3A_166 : vector<16xf32>
    %sub3A_168 = arith.subf %gather3A_134, %gather3A_122 : vector<16xf32>
    %mul3A_169 = arith.constant 1.000000e+01 : f32
    %mul3A_170 = vector.broadcast %mul3A_169 : f32 to vector<16xf32>
    %mul3A_171 = arith.mulf %sub3A_168, %mul3A_170 : vector<16xf32>
    %mul3A_172 = vector.broadcast %mul3A_31 : f32 to vector<16xf32>
    %mul3A_173 = arith.mulf %convert_element_type3A, %mul3A_172 : vector<16xf32>
    %add3A_174 = arith.addf %mul3A_171, %mul3A_173 : vector<16xf32>
    %mul3A_175 = vector.broadcast %mul3A_43 : f32 to vector<16xf32>
    %mul3A_176 = arith.mulf %convert_element_type3A_103, %mul3A_175 : vector<16xf32>
    %add3A_177 = arith.addf %add3A_174, %mul3A_176 : vector<16xf32>
    %mul3A_178 = vector.broadcast %mul3A_55 : f32 to vector<16xf32>
    %mul3A_179 = arith.mulf %convert_element_type3A_104, %mul3A_178 : vector<16xf32>
    %add3A_180 = arith.addf %add3A_177, %mul3A_179 : vector<16xf32>
    %mul3A_181 = arith.mulf %add3A_180, %add3A_180 : vector<16xf32>
    %add3A_182 = arith.addf %add3A_167, %mul3A_181 : vector<16xf32>
    %bitcast3A = vector.bitcast %add3A_182 : vector<16xf32> to vector<16xi32>
    %shift_right_logical3A_183 = arith.constant 1 : i32
    %shift_right_logical3A_184 = vector.broadcast %shift_right_logical3A_183 : i32 to vector<16xi32>
    %shift_right_logical3A_185 = arith.shrui %bitcast3A, %shift_right_logical3A_184 : vector<16xi32>
    %sub3A_186 = arith.constant 1597463007 : i32
    %sub3A_187 = vector.broadcast %sub3A_186 : i32 to vector<16xi32>
    %sub3A_188 = arith.subi %sub3A_187, %shift_right_logical3A_185 : vector<16xi32>
    %bitcast3A_189 = vector.bitcast %sub3A_188 : vector<16xi32> to vector<16xf32>
    %mul3A_190 = arith.constant 5.000000e-01 : f32
    %mul3A_191 = vector.broadcast %mul3A_190 : f32 to vector<16xf32>
    %mul3A_192 = arith.mulf %mul3A_191, %add3A_182 : vector<16xf32>
    %mul3A_193 = arith.mulf %mul3A_192, %bitcast3A_189 : vector<16xf32>
    %mul3A_194 = arith.mulf %mul3A_193, %bitcast3A_189 : vector<16xf32>
    %sub3A_195 = arith.constant 1.500000e+00 : f32
    %sub3A_196 = vector.broadcast %sub3A_195 : f32 to vector<16xf32>
    %sub3A_197 = arith.subf %sub3A_196, %mul3A_194 : vector<16xf32>
    %mul3A_198 = arith.mulf %bitcast3A_189, %sub3A_197 : vector<16xf32>
    %mul3A_199 = arith.constant 5.000000e-01 : f32
    %mul3A_200 = vector.broadcast %mul3A_199 : f32 to vector<16xf32>
    %mul3A_201 = arith.mulf %mul3A_200, %add3A_182 : vector<16xf32>
    %mul3A_202 = arith.mulf %mul3A_201, %mul3A_198 : vector<16xf32>
    %mul3A_203 = arith.mulf %mul3A_202, %mul3A_198 : vector<16xf32>
    %sub3A_204 = arith.constant 1.500000e+00 : f32
    %sub3A_205 = vector.broadcast %sub3A_204 : f32 to vector<16xf32>
    %sub3A_206 = arith.subf %sub3A_205, %mul3A_203 : vector<16xf32>
    %mul3A_207 = arith.mulf %mul3A_198, %sub3A_206 : vector<16xf32>
    %mul3A_208 = arith.constant 5.000000e-01 : f32
    %mul3A_209 = vector.broadcast %mul3A_208 : f32 to vector<16xf32>
    %mul3A_210 = arith.mulf %mul3A_209, %add3A_182 : vector<16xf32>
    %mul3A_211 = arith.mulf %mul3A_210, %mul3A_207 : vector<16xf32>
    %mul3A_212 = arith.mulf %mul3A_211, %mul3A_207 : vector<16xf32>
    %sub3A_213 = arith.constant 1.500000e+00 : f32
    %sub3A_214 = vector.broadcast %sub3A_213 : f32 to vector<16xf32>
    %sub3A_215 = arith.subf %sub3A_214, %mul3A_212 : vector<16xf32>
    %mul3A_216 = arith.mulf %mul3A_207, %sub3A_215 : vector<16xf32>
    %mul3A_217 = arith.mulf %add3A_182, %mul3A_216 : vector<16xf32>
    %mul3A_218 = arith.constant 2.000000e-01 : f32
    %mul3A_219 = vector.broadcast %mul3A_218 : f32 to vector<16xf32>
    %mul3A_220 = arith.mulf %mul3A_217, %mul3A_219 : vector<16xf32>
    %min3A = arith.constant 1.000000e+00 : f32
    %min3A_221 = vector.broadcast %min3A : f32 to vector<16xf32>
    %min3A_222 = arith.minimumf %mul3A_220, %min3A_221 : vector<16xf32>
    %mul3A_223 = arith.constant 3.14159274 : f32
    %mul3A_224 = vector.broadcast %mul3A_223 : f32 to vector<16xf32>
    %mul3A_225 = arith.mulf %mul3A_224, %min3A_222 : vector<16xf32>
    %sub3A_226 = arith.constant 1.57079637 : f32
    %sub3A_227 = vector.broadcast %sub3A_226 : f32 to vector<16xf32>
    %sub3A_228 = arith.subf %mul3A_225, %sub3A_227 : vector<16xf32>
    %mul3A_229 = arith.mulf %sub3A_228, %sub3A_228 : vector<16xf32>
    %mul3A_230 = arith.constant 2.08767559E-9 : f32
    %mul3A_231 = vector.broadcast %mul3A_230 : f32 to vector<16xf32>
    %mul3A_232 = arith.mulf %mul3A_231, %mul3A_229 : vector<16xf32>
    %add3A_233 = arith.constant -2.755732E-7 : f32
    %add3A_234 = vector.broadcast %add3A_233 : f32 to vector<16xf32>
    %add3A_235 = arith.addf %mul3A_232, %add3A_234 : vector<16xf32>
    %mul3A_236 = arith.mulf %add3A_235, %mul3A_229 : vector<16xf32>
    %add3A_237 = arith.constant 2.48015876E-5 : f32
    %add3A_238 = vector.broadcast %add3A_237 : f32 to vector<16xf32>
    %add3A_239 = arith.addf %mul3A_236, %add3A_238 : vector<16xf32>
    %mul3A_240 = arith.mulf %add3A_239, %mul3A_229 : vector<16xf32>
    %add3A_241 = arith.constant -0.00138888892 : f32
    %add3A_242 = vector.broadcast %add3A_241 : f32 to vector<16xf32>
    %add3A_243 = arith.addf %mul3A_240, %add3A_242 : vector<16xf32>
    %mul3A_244 = arith.mulf %add3A_243, %mul3A_229 : vector<16xf32>
    %add3A_245 = arith.constant 0.0416666679 : f32
    %add3A_246 = vector.broadcast %add3A_245 : f32 to vector<16xf32>
    %add3A_247 = arith.addf %mul3A_244, %add3A_246 : vector<16xf32>
    %mul3A_248 = arith.mulf %add3A_247, %mul3A_229 : vector<16xf32>
    %add3A_249 = arith.constant -5.000000e-01 : f32
    %add3A_250 = vector.broadcast %add3A_249 : f32 to vector<16xf32>
    %add3A_251 = arith.addf %mul3A_248, %add3A_250 : vector<16xf32>
    %mul3A_252 = arith.mulf %add3A_251, %mul3A_229 : vector<16xf32>
    %add3A_253 = arith.constant 1.000000e+00 : f32
    %add3A_254 = vector.broadcast %add3A_253 : f32 to vector<16xf32>
    %add3A_255 = arith.addf %mul3A_252, %add3A_254 : vector<16xf32>
    %mul3A_256 = arith.constant -2.50521079E-8 : f32
    %mul3A_257 = vector.broadcast %mul3A_256 : f32 to vector<16xf32>
    %mul3A_258 = arith.mulf %mul3A_257, %mul3A_229 : vector<16xf32>
    %add3A_259 = arith.constant 2.75573188E-6 : f32
    %add3A_260 = vector.broadcast %add3A_259 : f32 to vector<16xf32>
    %add3A_261 = arith.addf %mul3A_258, %add3A_260 : vector<16xf32>
    %mul3A_262 = arith.mulf %add3A_261, %mul3A_229 : vector<16xf32>
    %add3A_263 = arith.constant -1.98412701E-4 : f32
    %add3A_264 = vector.broadcast %add3A_263 : f32 to vector<16xf32>
    %add3A_265 = arith.addf %mul3A_262, %add3A_264 : vector<16xf32>
    %mul3A_266 = arith.mulf %add3A_265, %mul3A_229 : vector<16xf32>
    %add3A_267 = arith.constant 0.00833333377 : f32
    %add3A_268 = vector.broadcast %add3A_267 : f32 to vector<16xf32>
    %add3A_269 = arith.addf %mul3A_266, %add3A_268 : vector<16xf32>
    %mul3A_270 = arith.mulf %add3A_269, %mul3A_229 : vector<16xf32>
    %add3A_271 = arith.constant -0.166666672 : f32
    %add3A_272 = vector.broadcast %add3A_271 : f32 to vector<16xf32>
    %add3A_273 = arith.addf %mul3A_270, %add3A_272 : vector<16xf32>
    %mul3A_274 = arith.mulf %add3A_273, %mul3A_229 : vector<16xf32>
    %add3A_275 = arith.constant 1.000000e+00 : f32
    %add3A_276 = vector.broadcast %add3A_275 : f32 to vector<16xf32>
    %add3A_277 = arith.addf %mul3A_274, %add3A_276 : vector<16xf32>
    %mul3A_278 = arith.mulf %add3A_277, %sub3A_228 : vector<16xf32>
    %neg3A = arith.constant 0.000000e+00 : f32
    %neg3A_279 = vector.broadcast %neg3A : f32 to vector<16xf32>
    %neg3A_280 = arith.subf %neg3A_279, %mul3A_278 : vector<16xf32>
    %mul3A_281 = arith.constant 2.000000e+00 : f32
    %mul3A_282 = vector.broadcast %mul3A_281 : f32 to vector<16xf32>
    %mul3A_283 = arith.mulf %mul3A_282, %neg3A_280 : vector<16xf32>
    %mul3A_284 = arith.mulf %mul3A_283, %add3A_255 : vector<16xf32>
    %mul3A_285 = arith.mulf %mul3A_283, %mul3A_284 : vector<16xf32>
    %sub3A_286 = arith.subf %mul3A_285, %add3A_255 : vector<16xf32>
    %mul3A_287 = arith.mulf %mul3A_283, %sub3A_286 : vector<16xf32>
    %sub3A_288 = arith.subf %mul3A_287, %mul3A_284 : vector<16xf32>
    %mul3A_289 = arith.mulf %mul3A_283, %sub3A_288 : vector<16xf32>
    %sub3A_290 = arith.subf %mul3A_289, %sub3A_286 : vector<16xf32>
    %mul3A_291 = arith.mulf %mul3A_283, %sub3A_290 : vector<16xf32>
    %sub3A_292 = arith.subf %mul3A_291, %sub3A_288 : vector<16xf32>
    %mul3A_293 = arith.mulf %mul3A_283, %sub3A_292 : vector<16xf32>
    %sub3A_294 = arith.subf %mul3A_293, %sub3A_290 : vector<16xf32>
    %mul3A_295 = arith.mulf %mul3A_283, %sub3A_294 : vector<16xf32>
    %sub3A_296 = arith.subf %mul3A_295, %sub3A_292 : vector<16xf32>
    %mul3A_297 = arith.mulf %min3A_222, %min3A_222 : vector<16xf32>
    %mul3A_298 = arith.mulf %mul3A_297, %min3A_222 : vector<16xf32>
    %mul3A_299 = arith.mulf %mul3A_298, %mul3A_298 : vector<16xf32>
    %mul3A_300 = arith.mulf %mul3A_299, %min3A_222 : vector<16xf32>
    %mul3A_301 = arith.mulf %mul3A_300, %min3A_222 : vector<16xf32>
    %mul3A_302 = arith.constant 2.800000e+01 : f32
    %mul3A_303 = vector.broadcast %mul3A_302 : f32 to vector<16xf32>
    %mul3A_304 = arith.mulf %mul3A_303, %mul3A_299 : vector<16xf32>
    %sub3A_305 = arith.constant 1.000000e+00 : f32
    %sub3A_306 = vector.broadcast %sub3A_305 : f32 to vector<16xf32>
    %sub3A_307 = arith.subf %sub3A_306, %mul3A_304 : vector<16xf32>
    %mul3A_308 = arith.constant 4.800000e+01 : f32
    %mul3A_309 = vector.broadcast %mul3A_308 : f32 to vector<16xf32>
    %mul3A_310 = arith.mulf %mul3A_309, %mul3A_300 : vector<16xf32>
    %add3A_311 = arith.addf %sub3A_307, %mul3A_310 : vector<16xf32>
    %mul3A_312 = arith.constant 2.100000e+01 : f32
    %mul3A_313 = vector.broadcast %mul3A_312 : f32 to vector<16xf32>
    %mul3A_314 = arith.mulf %mul3A_313, %mul3A_301 : vector<16xf32>
    %sub3A_315 = arith.subf %add3A_311, %mul3A_314 : vector<16xf32>
    %mul3A_316 = arith.constant 0.632455527 : f32
    %mul3A_317 = vector.broadcast %mul3A_316 : f32 to vector<16xf32>
    %mul3A_318 = arith.mulf %mul3A_317, %sub3A_315 : vector<16xf32>
    %mul3A_319 = arith.mulf %mul3A_318, %mul3A_216 : vector<16xf32>
    %lt3A = arith.constant 1.000000e+00 : f32
    %lt3A_320 = vector.broadcast %lt3A : f32 to vector<16xf32>
    %lt3A_321 = arith.cmpf olt, %mul3A_220, %lt3A_320 : vector<16xf32>
    %jit3A_322 = arith.constant 0.000000e+00 : f32
    %broadcast_in_dim3A = vector.broadcast %jit3A_322 : f32 to vector<16xf32>
    %select_n3A_323 = arith.select %lt3A_321, %mul3A_319, %broadcast_in_dim3A : vector<16xi1>, vector<16xf32>
    %mul3A_324 = arith.constant 5 : i32
    %mul3A_325 = arith.muli %mul3A_324, %arg0 : i32
    %sub3A_326 = vector.broadcast %mul3A_325 : i32 to vector<16xi32>
    %sub3A_327 = arith.subi %gather3A_135, %sub3A_326 : vector<16xi32>
    %ge3A = arith.constant 0 : i32
    %ge3A_328 = vector.broadcast %ge3A : i32 to vector<16xi32>
    %ge3A_329 = arith.cmpi sge, %sub3A_327, %ge3A_328 : vector<16xi32>
    %lt3A_330 = arith.constant 5 : i32
    %lt3A_331 = vector.broadcast %lt3A_330 : i32 to vector<16xi32>
    %lt3A_332 = arith.cmpi slt, %sub3A_327, %lt3A_331 : vector<16xi32>
    %and3A_333 = arith.andi %ge3A_329, %lt3A_332 : vector<16xi1>
    %mul3A_334 = arith.constant 5 : i32
    %mul3A_335 = vector.broadcast %mul3A_334 : i32 to vector<16xi32>
    %mul3A_336 = arith.muli %shift_right_logical3A_67, %mul3A_335 : vector<16xi32>
    %add3A_337 = arith.addi %mul3A_336, %sub3A_327 : vector<16xi32>
    %mul3A_338 = arith.constant 8 : i32
    %mul3A_339 = vector.broadcast %mul3A_338 : i32 to vector<16xi32>
    %mul3A_340 = arith.muli %add3A_337, %mul3A_339 : vector<16xi32>
    %jit3A_341 = arith.constant 400000 : i32
    %broadcast_in_dim3A_342 = vector.broadcast %jit3A_341 : i32 to vector<16xi32>
    %select_n3A_343 = arith.select %and3A_333, %mul3A_340, %broadcast_in_dim3A_342 : vector<16xi1>, vector<16xi32>
    %mul3A_344 = arith.mulf %add3A_255, %select_n3A_323 : vector<16xf32>
    %mul3A_345 = arith.mulf %mul3A_284, %select_n3A_323 : vector<16xf32>
    %mul3A_346 = arith.mulf %sub3A_286, %select_n3A_323 : vector<16xf32>
    %mul3A_347 = arith.mulf %sub3A_288, %select_n3A_323 : vector<16xf32>
    %mul3A_348 = arith.mulf %sub3A_290, %select_n3A_323 : vector<16xf32>
    %mul3A_349 = arith.mulf %sub3A_292, %select_n3A_323 : vector<16xf32>
    %mul3A_350 = arith.mulf %sub3A_294, %select_n3A_323 : vector<16xf32>
    %mul3A_351 = arith.mulf %sub3A_296, %select_n3A_323 : vector<16xf32>
    %add3A_352 = arith.constant 0 : i32
    %add3A_353 = vector.broadcast %add3A_352 : i32 to vector<16xi32>
    %add3A_354 = arith.addi %select_n3A_343, %add3A_353 : vector<16xi32>
    %swap3A = arith.constant 0 : i32
    %swap3A_355 = arith.index_cast %swap3A : i32 to index
    %swap3A_356 = arith.constant 0 : index
    %swap3A_357 = tpu.vector_load %arg15[%swap3A_355, %swap3A_356] {strides = array<i32>} : memref<2x128xi32, #tpu.memory_space<vmem>>, vector<16xi32>,
    tpu.vector_store %arg15[%swap3A_355, %swap3A_356], %add3A_354 {strides = array<i32>} : memref<2x128xi32, #tpu.memory_space<vmem>>, vector<16xi32>,
    %swap3A_358 = arith.constant 0 : i32
    %swap3A_359 = arith.index_cast %swap3A_358 : i32 to index
    %swap3A_360 = arith.constant 0 : index
    %swap3A_361 = tpu.vector_load %arg16[%swap3A_359, %swap3A_360] {strides = array<i32>} : memref<2x128xf32, #tpu.memory_space<vmem>>, vector<16xf32>,
    tpu.vector_store %arg16[%swap3A_359, %swap3A_360], %mul3A_344 {strides = array<i32>} : memref<2x128xf32, #tpu.memory_space<vmem>>, vector<16xf32>,
    %add3A_362 = arith.constant 1 : i32
    %add3A_363 = vector.broadcast %add3A_362 : i32 to vector<16xi32>
    %add3A_364 = arith.addi %select_n3A_343, %add3A_363 : vector<16xi32>
    %swap3A_365 = arith.constant 0 : i32
    %swap3A_366 = arith.index_cast %swap3A_365 : i32 to index
    %swap3A_367 = arith.constant 32 : index
    %swap3A_368 = tpu.vector_load %arg15[%swap3A_366, %swap3A_367] {strides = array<i32>} : memref<2x128xi32, #tpu.memory_space<vmem>>, vector<16xi32>,
    tpu.vector_store %arg15[%swap3A_366, %swap3A_367], %add3A_364 {strides = array<i32>} : memref<2x128xi32, #tpu.memory_space<vmem>>, vector<16xi32>,
    %swap3A_369 = arith.constant 0 : i32
    %swap3A_370 = arith.index_cast %swap3A_369 : i32 to index
    %swap3A_371 = arith.constant 32 : index
    %swap3A_372 = tpu.vector_load %arg16[%swap3A_370, %swap3A_371] {strides = array<i32>} : memref<2x128xf32, #tpu.memory_space<vmem>>, vector<16xf32>,
    tpu.vector_store %arg16[%swap3A_370, %swap3A_371], %mul3A_345 {strides = array<i32>} : memref<2x128xf32, #tpu.memory_space<vmem>>, vector<16xf32>,
    %add3A_373 = arith.constant 2 : i32
    %add3A_374 = vector.broadcast %add3A_373 : i32 to vector<16xi32>
    %add3A_375 = arith.addi %select_n3A_343, %add3A_374 : vector<16xi32>
    %swap3A_376 = arith.constant 0 : i32
    %swap3A_377 = arith.index_cast %swap3A_376 : i32 to index
    %swap3A_378 = arith.constant 64 : index
    %swap3A_379 = tpu.vector_load %arg15[%swap3A_377, %swap3A_378] {strides = array<i32>} : memref<2x128xi32, #tpu.memory_space<vmem>>, vector<16xi32>,
    tpu.vector_store %arg15[%swap3A_377, %swap3A_378], %add3A_375 {strides = array<i32>} : memref<2x128xi32, #tpu.memory_space<vmem>>, vector<16xi32>,
    %swap3A_380 = arith.constant 0 : i32
    %swap3A_381 = arith.index_cast %swap3A_380 : i32 to index
    %swap3A_382 = arith.constant 64 : index
    %swap3A_383 = tpu.vector_load %arg16[%swap3A_381, %swap3A_382] {strides = array<i32>} : memref<2x128xf32, #tpu.memory_space<vmem>>, vector<16xf32>,
    tpu.vector_store %arg16[%swap3A_381, %swap3A_382], %mul3A_346 {strides = array<i32>} : memref<2x128xf32, #tpu.memory_space<vmem>>, vector<16xf32>,
    %add3A_384 = arith.constant 3 : i32
    %add3A_385 = vector.broadcast %add3A_384 : i32 to vector<16xi32>
    %add3A_386 = arith.addi %select_n3A_343, %add3A_385 : vector<16xi32>
    %swap3A_387 = arith.constant 0 : i32
    %swap3A_388 = arith.index_cast %swap3A_387 : i32 to index
    %swap3A_389 = arith.constant 96 : index
    %swap3A_390 = tpu.vector_load %arg15[%swap3A_388, %swap3A_389] {strides = array<i32>} : memref<2x128xi32, #tpu.memory_space<vmem>>, vector<16xi32>,
    tpu.vector_store %arg15[%swap3A_388, %swap3A_389], %add3A_386 {strides = array<i32>} : memref<2x128xi32, #tpu.memory_space<vmem>>, vector<16xi32>,
    %swap3A_391 = arith.constant 0 : i32
    %swap3A_392 = arith.index_cast %swap3A_391 : i32 to index
    %swap3A_393 = arith.constant 96 : index
    %swap3A_394 = tpu.vector_load %arg16[%swap3A_392, %swap3A_393] {strides = array<i32>} : memref<2x128xf32, #tpu.memory_space<vmem>>, vector<16xf32>,
    tpu.vector_store %arg16[%swap3A_392, %swap3A_393], %mul3A_347 {strides = array<i32>} : memref<2x128xf32, #tpu.memory_space<vmem>>, vector<16xf32>,
    %add3A_395 = arith.constant 4 : i32
    %add3A_396 = vector.broadcast %add3A_395 : i32 to vector<16xi32>
    %add3A_397 = arith.addi %select_n3A_343, %add3A_396 : vector<16xi32>
    %swap3A_398 = arith.constant 1 : i32
    %swap3A_399 = arith.index_cast %swap3A_398 : i32 to index
    %swap3A_400 = arith.constant 0 : index
    %swap3A_401 = tpu.vector_load %arg15[%swap3A_399, %swap3A_400] {strides = array<i32>} : memref<2x128xi32, #tpu.memory_space<vmem>>, vector<16xi32>,
    tpu.vector_store %arg15[%swap3A_399, %swap3A_400], %add3A_397 {strides = array<i32>} : memref<2x128xi32, #tpu.memory_space<vmem>>, vector<16xi32>,
    %swap3A_402 = arith.constant 1 : i32
    %swap3A_403 = arith.index_cast %swap3A_402 : i32 to index
    %swap3A_404 = arith.constant 0 : index
    %swap3A_405 = tpu.vector_load %arg16[%swap3A_403, %swap3A_404] {strides = array<i32>} : memref<2x128xf32, #tpu.memory_space<vmem>>, vector<16xf32>,
    tpu.vector_store %arg16[%swap3A_403, %swap3A_404], %mul3A_348 {strides = array<i32>} : memref<2x128xf32, #tpu.memory_space<vmem>>, vector<16xf32>,
    %add3A_406 = arith.constant 5 : i32
    %add3A_407 = vector.broadcast %add3A_406 : i32 to vector<16xi32>
    %add3A_408 = arith.addi %select_n3A_343, %add3A_407 : vector<16xi32>
    %swap3A_409 = arith.constant 1 : i32
    %swap3A_410 = arith.index_cast %swap3A_409 : i32 to index
    %swap3A_411 = arith.constant 32 : index
    %swap3A_412 = tpu.vector_load %arg15[%swap3A_410, %swap3A_411] {strides = array<i32>} : memref<2x128xi32, #tpu.memory_space<vmem>>, vector<16xi32>,
    tpu.vector_store %arg15[%swap3A_410, %swap3A_411], %add3A_408 {strides = array<i32>} : memref<2x128xi32, #tpu.memory_space<vmem>>, vector<16xi32>,
    %swap3A_413 = arith.constant 1 : i32
    %swap3A_414 = arith.index_cast %swap3A_413 : i32 to index
    %swap3A_415 = arith.constant 32 : index
    %swap3A_416 = tpu.vector_load %arg16[%swap3A_414, %swap3A_415] {strides = array<i32>} : memref<2x128xf32, #tpu.memory_space<vmem>>, vector<16xf32>,
    tpu.vector_store %arg16[%swap3A_414, %swap3A_415], %mul3A_349 {strides = array<i32>} : memref<2x128xf32, #tpu.memory_space<vmem>>, vector<16xf32>,
    %add3A_417 = arith.constant 6 : i32
    %add3A_418 = vector.broadcast %add3A_417 : i32 to vector<16xi32>
    %add3A_419 = arith.addi %select_n3A_343, %add3A_418 : vector<16xi32>
    %swap3A_420 = arith.constant 1 : i32
    %swap3A_421 = arith.index_cast %swap3A_420 : i32 to index
    %swap3A_422 = arith.constant 64 : index
    %swap3A_423 = tpu.vector_load %arg15[%swap3A_421, %swap3A_422] {strides = array<i32>} : memref<2x128xi32, #tpu.memory_space<vmem>>, vector<16xi32>,
    tpu.vector_store %arg15[%swap3A_421, %swap3A_422], %add3A_419 {strides = array<i32>} : memref<2x128xi32, #tpu.memory_space<vmem>>, vector<16xi32>,
    %swap3A_424 = arith.constant 1 : i32
    %swap3A_425 = arith.index_cast %swap3A_424 : i32 to index
    %swap3A_426 = arith.constant 64 : index
    %swap3A_427 = tpu.vector_load %arg16[%swap3A_425, %swap3A_426] {strides = array<i32>} : memref<2x128xf32, #tpu.memory_space<vmem>>, vector<16xf32>,
    tpu.vector_store %arg16[%swap3A_425, %swap3A_426], %mul3A_350 {strides = array<i32>} : memref<2x128xf32, #tpu.memory_space<vmem>>, vector<16xf32>,
    %add3A_428 = arith.constant 7 : i32
    %add3A_429 = vector.broadcast %add3A_428 : i32 to vector<16xi32>
    %add3A_430 = arith.addi %select_n3A_343, %add3A_429 : vector<16xi32>
    %swap3A_431 = arith.constant 1 : i32
    %swap3A_432 = arith.index_cast %swap3A_431 : i32 to index
    %swap3A_433 = arith.constant 96 : index
    %swap3A_434 = tpu.vector_load %arg15[%swap3A_432, %swap3A_433] {strides = array<i32>} : memref<2x128xi32, #tpu.memory_space<vmem>>, vector<16xi32>,
    tpu.vector_store %arg15[%swap3A_432, %swap3A_433], %add3A_430 {strides = array<i32>} : memref<2x128xi32, #tpu.memory_space<vmem>>, vector<16xi32>,
    %swap3A_435 = arith.constant 1 : i32
    %swap3A_436 = arith.index_cast %swap3A_435 : i32 to index
    %swap3A_437 = arith.constant 96 : index
    %swap3A_438 = tpu.vector_load %arg16[%swap3A_436, %swap3A_437] {strides = array<i32>} : memref<2x128xf32, #tpu.memory_space<vmem>>, vector<16xf32>,
    tpu.vector_store %arg16[%swap3A_436, %swap3A_437], %mul3A_351 {strides = array<i32>} : memref<2x128xf32, #tpu.memory_space<vmem>>, vector<16xf32>,
    %iota3A_439 = tpu.iota {dimensions = array<i32: 0>} : vector<16xi32>
    %get3A_440 = arith.constant 19984 : index
    %get3A_441 = tpu.vector_load %arg11[%get3A_440] {strides = array<i32>} : memref<20000xi32, #tpu.memory_space<vmem>>, vector<16xi32>,
    %and3A_442 = arith.constant 65535 : i32
    %and3A_443 = vector.broadcast %and3A_442 : i32 to vector<16xi32>
    %and3A_444 = arith.andi %get3A_441, %and3A_443 : vector<16xi32>
    %shift_right_logical3A_445 = arith.constant 16 : i32
    %shift_right_logical3A_446 = vector.broadcast %shift_right_logical3A_445 : i32 to vector<16xi32>
    %shift_right_logical3A_447 = arith.shrui %get3A_441, %shift_right_logical3A_446 : vector<16xi32>
    %add3A_448 = arith.constant 19984 : i32
    %add3A_449 = vector.broadcast %add3A_448 : i32 to vector<16xi32>
    %add3A_450 = arith.addi %add3A_449, %iota3A_439 : vector<16xi32>
    %shift_right_logical3A_451 = arith.constant 1 : i32
    %shift_right_logical3A_452 = vector.broadcast %shift_right_logical3A_451 : i32 to vector<16xi32>
    %shift_right_logical3A_453 = arith.shrui %add3A_450, %shift_right_logical3A_452 : vector<16xi32>
    %gather3A_454 = tpu.vector_load_idx %arg12[%shift_right_logical3A_453] : memref<10000xi32, #tpu.memory_space<vmem>>[vector<16xi32>], vector<16xi32>,
    %and3A_455 = arith.constant 1 : i32
    %and3A_456 = vector.broadcast %and3A_455 : i32 to vector<16xi32>
    %and3A_457 = arith.andi %add3A_450, %and3A_456 : vector<16xi32>
    %mul3A_458 = arith.constant 5 : i32
    %mul3A_459 = vector.broadcast %mul3A_458 : i32 to vector<16xi32>
    %mul3A_460 = arith.muli %and3A_457, %mul3A_459 : vector<16xi32>
    %shift_right_logical3A_461 = arith.shrui %gather3A_454, %mul3A_460 : vector<16xi32>
    %and3A_462 = arith.constant 31 : i32
    %and3A_463 = vector.broadcast %and3A_462 : i32 to vector<16xi32>
    %and3A_464 = arith.andi %shift_right_logical3A_461, %and3A_463 : vector<16xi32>
    %mul3A_465 = arith.constant 21846 : i32
    %mul3A_466 = vector.broadcast %mul3A_465 : i32 to vector<16xi32>
    %mul3A_467 = arith.muli %and3A_464, %mul3A_466 : vector<16xi32>
    %shift_right_logical3A_468 = arith.constant 16 : i32
    %shift_right_logical3A_469 = vector.broadcast %shift_right_logical3A_468 : i32 to vector<16xi32>
    %shift_right_logical3A_470 = arith.shrui %mul3A_467, %shift_right_logical3A_469 : vector<16xi32>
    %mul3A_471 = arith.constant 7282 : i32
    %mul3A_472 = vector.broadcast %mul3A_471 : i32 to vector<16xi32>
    %mul3A_473 = arith.muli %and3A_464, %mul3A_472 : vector<16xi32>
    %shift_right_logical3A_474 = arith.constant 16 : i32
    %shift_right_logical3A_475 = vector.broadcast %shift_right_logical3A_474 : i32 to vector<16xi32>
    %shift_right_logical3A_476 = arith.shrui %mul3A_473, %shift_right_logical3A_475 : vector<16xi32>
    %mul3A_477 = arith.constant 3 : i32
    %mul3A_478 = vector.broadcast %mul3A_477 : i32 to vector<16xi32>
    %mul3A_479 = arith.muli %mul3A_478, %shift_right_logical3A_470 : vector<16xi32>
    %sub3A_480 = arith.subi %and3A_464, %mul3A_479 : vector<16xi32>
    %mul3A_481 = arith.constant 3 : i32
    %mul3A_482 = vector.broadcast %mul3A_481 : i32 to vector<16xi32>
    %mul3A_483 = arith.muli %mul3A_482, %shift_right_logical3A_476 : vector<16xi32>
    %sub3A_484 = arith.subi %shift_right_logical3A_470, %mul3A_483 : vector<16xi32>
    %convert_element_type3A_485 = arith.sitofp %sub3A_480 : vector<16xi32> to vector<16xf32>
    %convert_element_type3A_486 = arith.sitofp %sub3A_484 : vector<16xi32> to vector<16xf32>
    %convert_element_type3A_487 = arith.sitofp %shift_right_logical3A_476 : vector<16xi32> to vector<16xf32>
    %mul3A_488 = arith.constant 3 : i32
    %mul3A_489 = vector.broadcast %mul3A_488 : i32 to vector<16xi32>
    %mul3A_490 = arith.muli %and3A_444, %mul3A_489 : vector<16xi32>
    %mul3A_491 = arith.constant 3 : i32
    %mul3A_492 = vector.broadcast %mul3A_491 : i32 to vector<16xi32>
    %mul3A_493 = arith.muli %shift_right_logical3A_447, %mul3A_492 : vector<16xi32>
    %add3A_494 = arith.constant 0 : i32
    %add3A_495 = vector.broadcast %add3A_494 : i32 to vector<16xi32>
    %add3A_496 = arith.addi %mul3A_490, %add3A_495 : vector<16xi32>
    %gather3A_497 = tpu.vector_load_idx %arg9[%add3A_496] : memref<30000xf32, #tpu.memory_space<vmem>>[vector<16xi32>], vector<16xf32>,
    %add3A_498 = arith.constant 1 : i32
    %add3A_499 = vector.broadcast %add3A_498 : i32 to vector<16xi32>
    %add3A_500 = arith.addi %mul3A_490, %add3A_499 : vector<16xi32>
    %gather3A_501 = tpu.vector_load_idx %arg9[%add3A_500] : memref<30000xf32, #tpu.memory_space<vmem>>[vector<16xi32>], vector<16xf32>,
    %add3A_502 = arith.constant 2 : i32
    %add3A_503 = vector.broadcast %add3A_502 : i32 to vector<16xi32>
    %add3A_504 = arith.addi %mul3A_490, %add3A_503 : vector<16xi32>
    %gather3A_505 = tpu.vector_load_idx %arg9[%add3A_504] : memref<30000xf32, #tpu.memory_space<vmem>>[vector<16xi32>], vector<16xf32>,
    %add3A_506 = arith.constant 0 : i32
    %add3A_507 = vector.broadcast %add3A_506 : i32 to vector<16xi32>
    %add3A_508 = arith.addi %mul3A_493, %add3A_507 : vector<16xi32>
    %gather3A_509 = tpu.vector_load_idx %arg9[%add3A_508] : memref<30000xf32, #tpu.memory_space<vmem>>[vector<16xi32>], vector<16xf32>,
    %add3A_510 = arith.constant 1 : i32
    %add3A_511 = vector.broadcast %add3A_510 : i32 to vector<16xi32>
    %add3A_512 = arith.addi %mul3A_493, %add3A_511 : vector<16xi32>
    %gather3A_513 = tpu.vector_load_idx %arg9[%add3A_512] : memref<30000xf32, #tpu.memory_space<vmem>>[vector<16xi32>], vector<16xf32>,
    %add3A_514 = arith.constant 2 : i32
    %add3A_515 = vector.broadcast %add3A_514 : i32 to vector<16xi32>
    %add3A_516 = arith.addi %mul3A_493, %add3A_515 : vector<16xi32>
    %gather3A_517 = tpu.vector_load_idx %arg9[%add3A_516] : memref<30000xf32, #tpu.memory_space<vmem>>[vector<16xi32>], vector<16xf32>,
    %gather3A_518 = tpu.vector_load_idx %arg10[%and3A_444] : memref<10000xi32, #tpu.memory_space<vmem>>[vector<16xi32>], vector<16xi32>,
    %sub3A_519 = arith.subf %gather3A_509, %gather3A_497 : vector<16xf32>
    %mul3A_520 = arith.constant 1.000000e+01 : f32
    %mul3A_521 = vector.broadcast %mul3A_520 : f32 to vector<16xf32>
    %mul3A_522 = arith.mulf %sub3A_519, %mul3A_521 : vector<16xf32>
    %mul3A_523 = vector.broadcast %mul3A_23 : f32 to vector<16xf32>
    %mul3A_524 = arith.mulf %convert_element_type3A_485, %mul3A_523 : vector<16xf32>
    %add3A_525 = arith.addf %mul3A_522, %mul3A_524 : vector<16xf32>
    %mul3A_526 = vector.broadcast %mul3A_35 : f32 to vector<16xf32>
    %mul3A_527 = arith.mulf %convert_element_type3A_486, %mul3A_526 : vector<16xf32>
    %add3A_528 = arith.addf %add3A_525, %mul3A_527 : vector<16xf32>
    %mul3A_529 = vector.broadcast %mul3A_47 : f32 to vector<16xf32>
    %mul3A_530 = arith.mulf %convert_element_type3A_487, %mul3A_529 : vector<16xf32>
    %add3A_531 = arith.addf %add3A_528, %mul3A_530 : vector<16xf32>
    %mul3A_532 = arith.mulf %add3A_531, %add3A_531 : vector<16xf32>
    %add3A_533 = arith.constant 9.99999971E-10 : f32
    %add3A_534 = vector.broadcast %add3A_533 : f32 to vector<16xf32>
    %add3A_535 = arith.addf %add3A_534, %mul3A_532 : vector<16xf32>
    %sub3A_536 = arith.subf %gather3A_513, %gather3A_501 : vector<16xf32>
    %mul3A_537 = arith.constant 1.000000e+01 : f32
    %mul3A_538 = vector.broadcast %mul3A_537 : f32 to vector<16xf32>
    %mul3A_539 = arith.mulf %sub3A_536, %mul3A_538 : vector<16xf32>
    %mul3A_540 = vector.broadcast %mul3A_27 : f32 to vector<16xf32>
    %mul3A_541 = arith.mulf %convert_element_type3A_485, %mul3A_540 : vector<16xf32>
    %add3A_542 = arith.addf %mul3A_539, %mul3A_541 : vector<16xf32>
    %mul3A_543 = vector.broadcast %mul3A_39 : f32 to vector<16xf32>
    %mul3A_544 = arith.mulf %convert_element_type3A_486, %mul3A_543 : vector<16xf32>
    %add3A_545 = arith.addf %add3A_542, %mul3A_544 : vector<16xf32>
    %mul3A_546 = vector.broadcast %mul3A_51 : f32 to vector<16xf32>
    %mul3A_547 = arith.mulf %convert_element_type3A_487, %mul3A_546 : vector<16xf32>
    %add3A_548 = arith.addf %add3A_545, %mul3A_547 : vector<16xf32>
    %mul3A_549 = arith.mulf %add3A_548, %add3A_548 : vector<16xf32>
    %add3A_550 = arith.addf %add3A_535, %mul3A_549 : vector<16xf32>
    %sub3A_551 = arith.subf %gather3A_517, %gather3A_505 : vector<16xf32>
    %mul3A_552 = arith.constant 1.000000e+01 : f32
    %mul3A_553 = vector.broadcast %mul3A_552 : f32 to vector<16xf32>
    %mul3A_554 = arith.mulf %sub3A_551, %mul3A_553 : vector<16xf32>
    %mul3A_555 = vector.broadcast %mul3A_31 : f32 to vector<16xf32>
    %mul3A_556 = arith.mulf %convert_element_type3A_485, %mul3A_555 : vector<16xf32>
    %add3A_557 = arith.addf %mul3A_554, %mul3A_556 : vector<16xf32>
    %mul3A_558 = vector.broadcast %mul3A_43 : f32 to vector<16xf32>
    %mul3A_559 = arith.mulf %convert_element_type3A_486, %mul3A_558 : vector<16xf32>
    %add3A_560 = arith.addf %add3A_557, %mul3A_559 : vector<16xf32>
    %mul3A_561 = vector.broadcast %mul3A_55 : f32 to vector<16xf32>
    %mul3A_562 = arith.mulf %convert_element_type3A_487, %mul3A_561 : vector<16xf32>
    %add3A_563 = arith.addf %add3A_560, %mul3A_562 : vector<16xf32>
    %mul3A_564 = arith.mulf %add3A_563, %add3A_563 : vector<16xf32>
    %add3A_565 = arith.addf %add3A_550, %mul3A_564 : vector<16xf32>
    %bitcast3A_566 = vector.bitcast %add3A_565 : vector<16xf32> to vector<16xi32>
    %shift_right_logical3A_567 = arith.constant 1 : i32
    %shift_right_logical3A_568 = vector.broadcast %shift_right_logical3A_567 : i32 to vector<16xi32>
    %shift_right_logical3A_569 = arith.shrui %bitcast3A_566, %shift_right_logical3A_568 : vector<16xi32>
    %sub3A_570 = arith.constant 1597463007 : i32
    %sub3A_571 = vector.broadcast %sub3A_570 : i32 to vector<16xi32>
    %sub3A_572 = arith.subi %sub3A_571, %shift_right_logical3A_569 : vector<16xi32>
    %bitcast3A_573 = vector.bitcast %sub3A_572 : vector<16xi32> to vector<16xf32>
    %mul3A_574 = arith.constant 5.000000e-01 : f32
    %mul3A_575 = vector.broadcast %mul3A_574 : f32 to vector<16xf32>
    %mul3A_576 = arith.mulf %mul3A_575, %add3A_565 : vector<16xf32>
    %mul3A_577 = arith.mulf %mul3A_576, %bitcast3A_573 : vector<16xf32>
    %mul3A_578 = arith.mulf %mul3A_577, %bitcast3A_573 : vector<16xf32>
    %sub3A_579 = arith.constant 1.500000e+00 : f32
    %sub3A_580 = vector.broadcast %sub3A_579 : f32 to vector<16xf32>
    %sub3A_581 = arith.subf %sub3A_580, %mul3A_578 : vector<16xf32>
    %mul3A_582 = arith.mulf %bitcast3A_573, %sub3A_581 : vector<16xf32>
    %mul3A_583 = arith.constant 5.000000e-01 : f32
    %mul3A_584 = vector.broadcast %mul3A_583 : f32 to vector<16xf32>
    %mul3A_585 = arith.mulf %mul3A_584, %add3A_565 : vector<16xf32>
    %mul3A_586 = arith.mulf %mul3A_585, %mul3A_582 : vector<16xf32>
    %mul3A_587 = arith.mulf %mul3A_586, %mul3A_582 : vector<16xf32>
    %sub3A_588 = arith.constant 1.500000e+00 : f32
    %sub3A_589 = vector.broadcast %sub3A_588 : f32 to vector<16xf32>
    %sub3A_590 = arith.subf %sub3A_589, %mul3A_587 : vector<16xf32>
    %mul3A_591 = arith.mulf %mul3A_582, %sub3A_590 : vector<16xf32>
    %mul3A_592 = arith.constant 5.000000e-01 : f32
    %mul3A_593 = vector.broadcast %mul3A_592 : f32 to vector<16xf32>
    %mul3A_594 = arith.mulf %mul3A_593, %add3A_565 : vector<16xf32>
    %mul3A_595 = arith.mulf %mul3A_594, %mul3A_591 : vector<16xf32>
    %mul3A_596 = arith.mulf %mul3A_595, %mul3A_591 : vector<16xf32>
    %sub3A_597 = arith.constant 1.500000e+00 : f32
    %sub3A_598 = vector.broadcast %sub3A_597 : f32 to vector<16xf32>
    %sub3A_599 = arith.subf %sub3A_598, %mul3A_596 : vector<16xf32>
    %mul3A_600 = arith.mulf %mul3A_591, %sub3A_599 : vector<16xf32>
    %mul3A_601 = arith.mulf %add3A_565, %mul3A_600 : vector<16xf32>
    %mul3A_602 = arith.constant 2.000000e-01 : f32
    %mul3A_603 = vector.broadcast %mul3A_602 : f32 to vector<16xf32>
    %mul3A_604 = arith.mulf %mul3A_601, %mul3A_603 : vector<16xf32>
    %min3A_605 = arith.constant 1.000000e+00 : f32
    %min3A_606 = vector.broadcast %min3A_605 : f32 to vector<16xf32>
    %min3A_607 = arith.minimumf %mul3A_604, %min3A_606 : vector<16xf32>
    %mul3A_608 = arith.constant 3.14159274 : f32
    %mul3A_609 = vector.broadcast %mul3A_608 : f32 to vector<16xf32>
    %mul3A_610 = arith.mulf %mul3A_609, %min3A_607 : vector<16xf32>
    %sub3A_611 = arith.constant 1.57079637 : f32
    %sub3A_612 = vector.broadcast %sub3A_611 : f32 to vector<16xf32>
    %sub3A_613 = arith.subf %mul3A_610, %sub3A_612 : vector<16xf32>
    %mul3A_614 = arith.mulf %sub3A_613, %sub3A_613 : vector<16xf32>
    %mul3A_615 = arith.constant 2.08767559E-9 : f32
    %mul3A_616 = vector.broadcast %mul3A_615 : f32 to vector<16xf32>
    %mul3A_617 = arith.mulf %mul3A_616, %mul3A_614 : vector<16xf32>
    %add3A_618 = arith.constant -2.755732E-7 : f32
    %add3A_619 = vector.broadcast %add3A_618 : f32 to vector<16xf32>
    %add3A_620 = arith.addf %mul3A_617, %add3A_619 : vector<16xf32>
    %mul3A_621 = arith.mulf %add3A_620, %mul3A_614 : vector<16xf32>
    %add3A_622 = arith.constant 2.48015876E-5 : f32
    %add3A_623 = vector.broadcast %add3A_622 : f32 to vector<16xf32>
    %add3A_624 = arith.addf %mul3A_621, %add3A_623 : vector<16xf32>
    %mul3A_625 = arith.mulf %add3A_624, %mul3A_614 : vector<16xf32>
    %add3A_626 = arith.constant -0.00138888892 : f32
    %add3A_627 = vector.broadcast %add3A_626 : f32 to vector<16xf32>
    %add3A_628 = arith.addf %mul3A_625, %add3A_627 : vector<16xf32>
    %mul3A_629 = arith.mulf %add3A_628, %mul3A_614 : vector<16xf32>
    %add3A_630 = arith.constant 0.0416666679 : f32
    %add3A_631 = vector.broadcast %add3A_630 : f32 to vector<16xf32>
    %add3A_632 = arith.addf %mul3A_629, %add3A_631 : vector<16xf32>
    %mul3A_633 = arith.mulf %add3A_632, %mul3A_614 : vector<16xf32>
    %add3A_634 = arith.constant -5.000000e-01 : f32
    %add3A_635 = vector.broadcast %add3A_634 : f32 to vector<16xf32>
    %add3A_636 = arith.addf %mul3A_633, %add3A_635 : vector<16xf32>
    %mul3A_637 = arith.mulf %add3A_636, %mul3A_614 : vector<16xf32>
    %add3A_638 = arith.constant 1.000000e+00 : f32
    %add3A_639 = vector.broadcast %add3A_638 : f32 to vector<16xf32>
    %add3A_640 = arith.addf %mul3A_637, %add3A_639 : vector<16xf32>
    %mul3A_641 = arith.constant -2.50521079E-8 : f32
    %mul3A_642 = vector.broadcast %mul3A_641 : f32 to vector<16xf32>
    %mul3A_643 = arith.mulf %mul3A_642, %mul3A_614 : vector<16xf32>
    %add3A_644 = arith.constant 2.75573188E-6 : f32
    %add3A_645 = vector.broadcast %add3A_644 : f32 to vector<16xf32>
    %add3A_646 = arith.addf %mul3A_643, %add3A_645 : vector<16xf32>
    %mul3A_647 = arith.mulf %add3A_646, %mul3A_614 : vector<16xf32>
    %add3A_648 = arith.constant -1.98412701E-4 : f32
    %add3A_649 = vector.broadcast %add3A_648 : f32 to vector<16xf32>
    %add3A_650 = arith.addf %mul3A_647, %add3A_649 : vector<16xf32>
    %mul3A_651 = arith.mulf %add3A_650, %mul3A_614 : vector<16xf32>
    %add3A_652 = arith.constant 0.00833333377 : f32
    %add3A_653 = vector.broadcast %add3A_652 : f32 to vector<16xf32>
    %add3A_654 = arith.addf %mul3A_651, %add3A_653 : vector<16xf32>
    %mul3A_655 = arith.mulf %add3A_654, %mul3A_614 : vector<16xf32>
    %add3A_656 = arith.constant -0.166666672 : f32
    %add3A_657 = vector.broadcast %add3A_656 : f32 to vector<16xf32>
    %add3A_658 = arith.addf %mul3A_655, %add3A_657 : vector<16xf32>
    %mul3A_659 = arith.mulf %add3A_658, %mul3A_614 : vector<16xf32>
    %add3A_660 = arith.constant 1.000000e+00 : f32
    %add3A_661 = vector.broadcast %add3A_660 : f32 to vector<16xf32>
    %add3A_662 = arith.addf %mul3A_659, %add3A_661 : vector<16xf32>
    %mul3A_663 = arith.mulf %add3A_662, %sub3A_613 : vector<16xf32>
    %neg3A_664 = arith.constant 0.000000e+00 : f32
    %neg3A_665 = vector.broadcast %neg3A_664 : f32 to vector<16xf32>
    %neg3A_666 = arith.subf %neg3A_665, %mul3A_663 : vector<16xf32>
    %mul3A_667 = arith.constant 2.000000e+00 : f32
    %mul3A_668 = vector.broadcast %mul3A_667 : f32 to vector<16xf32>
    %mul3A_669 = arith.mulf %mul3A_668, %neg3A_666 : vector<16xf32>
    %mul3A_670 = arith.mulf %mul3A_669, %add3A_640 : vector<16xf32>
    %mul3A_671 = arith.mulf %mul3A_669, %mul3A_670 : vector<16xf32>
    %sub3A_672 = arith.subf %mul3A_671, %add3A_640 : vector<16xf32>
    %mul3A_673 = arith.mulf %mul3A_669, %sub3A_672 : vector<16xf32>
    %sub3A_674 = arith.subf %mul3A_673, %mul3A_670 : vector<16xf32>
    %mul3A_675 = arith.mulf %mul3A_669, %sub3A_674 : vector<16xf32>
    %sub3A_676 = arith.subf %mul3A_675, %sub3A_672 : vector<16xf32>
    %mul3A_677 = arith.mulf %mul3A_669, %sub3A_676 : vector<16xf32>
    %sub3A_678 = arith.subf %mul3A_677, %sub3A_674 : vector<16xf32>
    %mul3A_679 = arith.mulf %mul3A_669, %sub3A_678 : vector<16xf32>
    %sub3A_680 = arith.subf %mul3A_679, %sub3A_676 : vector<16xf32>
    %mul3A_681 = arith.mulf %mul3A_669, %sub3A_680 : vector<16xf32>
    %sub3A_682 = arith.subf %mul3A_681, %sub3A_678 : vector<16xf32>
    %mul3A_683 = arith.mulf %min3A_607, %min3A_607 : vector<16xf32>
    %mul3A_684 = arith.mulf %mul3A_683, %min3A_607 : vector<16xf32>
    %mul3A_685 = arith.mulf %mul3A_684, %mul3A_684 : vector<16xf32>
    %mul3A_686 = arith.mulf %mul3A_685, %min3A_607 : vector<16xf32>
    %mul3A_687 = arith.mulf %mul3A_686, %min3A_607 : vector<16xf32>
    %mul3A_688 = arith.constant 2.800000e+01 : f32
    %mul3A_689 = vector.broadcast %mul3A_688 : f32 to vector<16xf32>
    %mul3A_690 = arith.mulf %mul3A_689, %mul3A_685 : vector<16xf32>
    %sub3A_691 = arith.constant 1.000000e+00 : f32
    %sub3A_692 = vector.broadcast %sub3A_691 : f32 to vector<16xf32>
    %sub3A_693 = arith.subf %sub3A_692, %mul3A_690 : vector<16xf32>
    %mul3A_694 = arith.constant 4.800000e+01 : f32
    %mul3A_695 = vector.broadcast %mul3A_694 : f32 to vector<16xf32>
    %mul3A_696 = arith.mulf %mul3A_695, %mul3A_686 : vector<16xf32>
    %add3A_697 = arith.addf %sub3A_693, %mul3A_696 : vector<16xf32>
    %mul3A_698 = arith.constant 2.100000e+01 : f32
    %mul3A_699 = vector.broadcast %mul3A_698 : f32 to vector<16xf32>
    %mul3A_700 = arith.mulf %mul3A_699, %mul3A_687 : vector<16xf32>
    %sub3A_701 = arith.subf %add3A_697, %mul3A_700 : vector<16xf32>
    %mul3A_702 = arith.constant 0.632455527 : f32
    %mul3A_703 = vector.broadcast %mul3A_702 : f32 to vector<16xf32>
    %mul3A_704 = arith.mulf %mul3A_703, %sub3A_701 : vector<16xf32>
    %mul3A_705 = arith.mulf %mul3A_704, %mul3A_600 : vector<16xf32>
    %lt3A_706 = arith.constant 1.000000e+00 : f32
    %lt3A_707 = vector.broadcast %lt3A_706 : f32 to vector<16xf32>
    %lt3A_708 = arith.cmpf olt, %mul3A_604, %lt3A_707 : vector<16xf32>
    %jit3A_709 = arith.constant 0.000000e+00 : f32
    %broadcast_in_dim3A_710 = vector.broadcast %jit3A_709 : f32 to vector<16xf32>
    %select_n3A_711 = arith.select %lt3A_708, %mul3A_705, %broadcast_in_dim3A_710 : vector<16xi1>, vector<16xf32>
    %mul3A_712 = arith.constant 5 : i32
    %mul3A_713 = arith.muli %mul3A_712, %arg0 : i32
    %sub3A_714 = vector.broadcast %mul3A_713 : i32 to vector<16xi32>
    %sub3A_715 = arith.subi %gather3A_518, %sub3A_714 : vector<16xi32>
    %ge3A_716 = arith.constant 0 : i32
    %ge3A_717 = vector.broadcast %ge3A_716 : i32 to vector<16xi32>
    %ge3A_718 = arith.cmpi sge, %sub3A_715, %ge3A_717 : vector<16xi32>
    %lt3A_719 = arith.constant 5 : i32
    %lt3A_720 = vector.broadcast %lt3A_719 : i32 to vector<16xi32>
    %lt3A_721 = arith.cmpi slt, %sub3A_715, %lt3A_720 : vector<16xi32>
    %and3A_722 = arith.andi %ge3A_718, %lt3A_721 : vector<16xi1>
    %mul3A_723 = arith.constant 5 : i32
    %mul3A_724 = vector.broadcast %mul3A_723 : i32 to vector<16xi32>
    %mul3A_725 = arith.muli %shift_right_logical3A_447, %mul3A_724 : vector<16xi32>
    %add3A_726 = arith.addi %mul3A_725, %sub3A_715 : vector<16xi32>
    %mul3A_727 = arith.constant 8 : i32
    %mul3A_728 = vector.broadcast %mul3A_727 : i32 to vector<16xi32>
    %mul3A_729 = arith.muli %add3A_726, %mul3A_728 : vector<16xi32>
    %jit3A_730 = arith.constant 400000 : i32
    %broadcast_in_dim3A_731 = vector.broadcast %jit3A_730 : i32 to vector<16xi32>
    %select_n3A_732 = arith.select %and3A_722, %mul3A_729, %broadcast_in_dim3A_731 : vector<16xi1>, vector<16xi32>
    %mul3A_733 = arith.mulf %add3A_640, %select_n3A_711 : vector<16xf32>
    %mul3A_734 = arith.mulf %mul3A_670, %select_n3A_711 : vector<16xf32>
    %mul3A_735 = arith.mulf %sub3A_672, %select_n3A_711 : vector<16xf32>
    %mul3A_736 = arith.mulf %sub3A_674, %select_n3A_711 : vector<16xf32>
    %mul3A_737 = arith.mulf %sub3A_676, %select_n3A_711 : vector<16xf32>
    %mul3A_738 = arith.mulf %sub3A_678, %select_n3A_711 : vector<16xf32>
    %mul3A_739 = arith.mulf %sub3A_680, %select_n3A_711 : vector<16xf32>
    %mul3A_740 = arith.mulf %sub3A_682, %select_n3A_711 : vector<16xf32>
    %add3A_741 = arith.constant 0 : i32
    %add3A_742 = vector.broadcast %add3A_741 : i32 to vector<16xi32>
    %add3A_743 = arith.addi %select_n3A_732, %add3A_742 : vector<16xi32>
    %swap3A_744 = arith.constant 0 : i32
    %swap3A_745 = arith.index_cast %swap3A_744 : i32 to index
    %swap3A_746 = arith.constant 16 : index
    %swap3A_747 = tpu.vector_load %arg15[%swap3A_745, %swap3A_746] {strides = array<i32>} : memref<2x128xi32, #tpu.memory_space<vmem>>, vector<16xi32>,
    tpu.vector_store %arg15[%swap3A_745, %swap3A_746], %add3A_743 {strides = array<i32>} : memref<2x128xi32, #tpu.memory_space<vmem>>, vector<16xi32>,
    %swap3A_748 = arith.constant 0 : i32
    %swap3A_749 = arith.index_cast %swap3A_748 : i32 to index
    %swap3A_750 = arith.constant 16 : index
    %swap3A_751 = tpu.vector_load %arg16[%swap3A_749, %swap3A_750] {strides = array<i32>} : memref<2x128xf32, #tpu.memory_space<vmem>>, vector<16xf32>,
    tpu.vector_store %arg16[%swap3A_749, %swap3A_750], %mul3A_733 {strides = array<i32>} : memref<2x128xf32, #tpu.memory_space<vmem>>, vector<16xf32>,
    %add3A_752 = arith.constant 1 : i32
    %add3A_753 = vector.broadcast %add3A_752 : i32 to vector<16xi32>
    %add3A_754 = arith.addi %select_n3A_732, %add3A_753 : vector<16xi32>
    %swap3A_755 = arith.constant 0 : i32
    %swap3A_756 = arith.index_cast %swap3A_755 : i32 to index
    %swap3A_757 = arith.constant 48 : index
    %swap3A_758 = tpu.vector_load %arg15[%swap3A_756, %swap3A_757] {strides = array<i32>} : memref<2x128xi32, #tpu.memory_space<vmem>>, vector<16xi32>,
    tpu.vector_store %arg15[%swap3A_756, %swap3A_757], %add3A_754 {strides = array<i32>} : memref<2x128xi32, #tpu.memory_space<vmem>>, vector<16xi32>,
    %swap3A_759 = arith.constant 0 : i32
    %swap3A_760 = arith.index_cast %swap3A_759 : i32 to index
    %swap3A_761 = arith.constant 48 : index
    %swap3A_762 = tpu.vector_load %arg16[%swap3A_760, %swap3A_761] {strides = array<i32>} : memref<2x128xf32, #tpu.memory_space<vmem>>, vector<16xf32>,
    tpu.vector_store %arg16[%swap3A_760, %swap3A_761], %mul3A_734 {strides = array<i32>} : memref<2x128xf32, #tpu.memory_space<vmem>>, vector<16xf32>,
    %add3A_763 = arith.constant 2 : i32
    %add3A_764 = vector.broadcast %add3A_763 : i32 to vector<16xi32>
    %add3A_765 = arith.addi %select_n3A_732, %add3A_764 : vector<16xi32>
    %swap3A_766 = arith.constant 0 : i32
    %swap3A_767 = arith.index_cast %swap3A_766 : i32 to index
    %swap3A_768 = arith.constant 80 : index
    %swap3A_769 = tpu.vector_load %arg15[%swap3A_767, %swap3A_768] {strides = array<i32>} : memref<2x128xi32, #tpu.memory_space<vmem>>, vector<16xi32>,
    tpu.vector_store %arg15[%swap3A_767, %swap3A_768], %add3A_765 {strides = array<i32>} : memref<2x128xi32, #tpu.memory_space<vmem>>, vector<16xi32>,
    %swap3A_770 = arith.constant 0 : i32
    %swap3A_771 = arith.index_cast %swap3A_770 : i32 to index
    %swap3A_772 = arith.constant 80 : index
    %swap3A_773 = tpu.vector_load %arg16[%swap3A_771, %swap3A_772] {strides = array<i32>} : memref<2x128xf32, #tpu.memory_space<vmem>>, vector<16xf32>,
    tpu.vector_store %arg16[%swap3A_771, %swap3A_772], %mul3A_735 {strides = array<i32>} : memref<2x128xf32, #tpu.memory_space<vmem>>, vector<16xf32>,
    %add3A_774 = arith.constant 3 : i32
    %add3A_775 = vector.broadcast %add3A_774 : i32 to vector<16xi32>
    %add3A_776 = arith.addi %select_n3A_732, %add3A_775 : vector<16xi32>
    %swap3A_777 = arith.constant 0 : i32
    %swap3A_778 = arith.index_cast %swap3A_777 : i32 to index
    %swap3A_779 = arith.constant 112 : index
    %swap3A_780 = tpu.vector_load %arg15[%swap3A_778, %swap3A_779] {strides = array<i32>} : memref<2x128xi32, #tpu.memory_space<vmem>>, vector<16xi32>,
    tpu.vector_store %arg15[%swap3A_778, %swap3A_779], %add3A_776 {strides = array<i32>} : memref<2x128xi32, #tpu.memory_space<vmem>>, vector<16xi32>,
    %swap3A_781 = arith.constant 0 : i32
    %swap3A_782 = arith.index_cast %swap3A_781 : i32 to index
    %swap3A_783 = arith.constant 112 : index
    %swap3A_784 = tpu.vector_load %arg16[%swap3A_782, %swap3A_783] {strides = array<i32>} : memref<2x128xf32, #tpu.memory_space<vmem>>, vector<16xf32>,
    tpu.vector_store %arg16[%swap3A_782, %swap3A_783], %mul3A_736 {strides = array<i32>} : memref<2x128xf32, #tpu.memory_space<vmem>>, vector<16xf32>,
    %add3A_785 = arith.constant 4 : i32
    %add3A_786 = vector.broadcast %add3A_785 : i32 to vector<16xi32>
    %add3A_787 = arith.addi %select_n3A_732, %add3A_786 : vector<16xi32>
    %swap3A_788 = arith.constant 1 : i32
    %swap3A_789 = arith.index_cast %swap3A_788 : i32 to index
    %swap3A_790 = arith.constant 16 : index
    %swap3A_791 = tpu.vector_load %arg15[%swap3A_789, %swap3A_790] {strides = array<i32>} : memref<2x128xi32, #tpu.memory_space<vmem>>, vector<16xi32>,
    tpu.vector_store %arg15[%swap3A_789, %swap3A_790], %add3A_787 {strides = array<i32>} : memref<2x128xi32, #tpu.memory_space<vmem>>, vector<16xi32>,
    %swap3A_792 = arith.constant 1 : i32
    %swap3A_793 = arith.index_cast %swap3A_792 : i32 to index
    %swap3A_794 = arith.constant 16 : index
    %swap3A_795 = tpu.vector_load %arg16[%swap3A_793, %swap3A_794] {strides = array<i32>} : memref<2x128xf32, #tpu.memory_space<vmem>>, vector<16xf32>,
    tpu.vector_store %arg16[%swap3A_793, %swap3A_794], %mul3A_737 {strides = array<i32>} : memref<2x128xf32, #tpu.memory_space<vmem>>, vector<16xf32>,
    %add3A_796 = arith.constant 5 : i32
    %add3A_797 = vector.broadcast %add3A_796 : i32 to vector<16xi32>
    %add3A_798 = arith.addi %select_n3A_732, %add3A_797 : vector<16xi32>
    %swap3A_799 = arith.constant 1 : i32
    %swap3A_800 = arith.index_cast %swap3A_799 : i32 to index
    %swap3A_801 = arith.constant 48 : index
    %swap3A_802 = tpu.vector_load %arg15[%swap3A_800, %swap3A_801] {strides = array<i32>} : memref<2x128xi32, #tpu.memory_space<vmem>>, vector<16xi32>,
    tpu.vector_store %arg15[%swap3A_800, %swap3A_801], %add3A_798 {strides = array<i32>} : memref<2x128xi32, #tpu.memory_space<vmem>>, vector<16xi32>,
    %swap3A_803 = arith.constant 1 : i32
    %swap3A_804 = arith.index_cast %swap3A_803 : i32 to index
    %swap3A_805 = arith.constant 48 : index
    %swap3A_806 = tpu.vector_load %arg16[%swap3A_804, %swap3A_805] {strides = array<i32>} : memref<2x128xf32, #tpu.memory_space<vmem>>, vector<16xf32>,
    tpu.vector_store %arg16[%swap3A_804, %swap3A_805], %mul3A_738 {strides = array<i32>} : memref<2x128xf32, #tpu.memory_space<vmem>>, vector<16xf32>,
    %add3A_807 = arith.constant 6 : i32
    %add3A_808 = vector.broadcast %add3A_807 : i32 to vector<16xi32>
    %add3A_809 = arith.addi %select_n3A_732, %add3A_808 : vector<16xi32>
    %swap3A_810 = arith.constant 1 : i32
    %swap3A_811 = arith.index_cast %swap3A_810 : i32 to index
    %swap3A_812 = arith.constant 80 : index
    %swap3A_813 = tpu.vector_load %arg15[%swap3A_811, %swap3A_812] {strides = array<i32>} : memref<2x128xi32, #tpu.memory_space<vmem>>, vector<16xi32>,
    tpu.vector_store %arg15[%swap3A_811, %swap3A_812], %add3A_809 {strides = array<i32>} : memref<2x128xi32, #tpu.memory_space<vmem>>, vector<16xi32>,
    %swap3A_814 = arith.constant 1 : i32
    %swap3A_815 = arith.index_cast %swap3A_814 : i32 to index
    %swap3A_816 = arith.constant 80 : index
    %swap3A_817 = tpu.vector_load %arg16[%swap3A_815, %swap3A_816] {strides = array<i32>} : memref<2x128xf32, #tpu.memory_space<vmem>>, vector<16xf32>,
    tpu.vector_store %arg16[%swap3A_815, %swap3A_816], %mul3A_739 {strides = array<i32>} : memref<2x128xf32, #tpu.memory_space<vmem>>, vector<16xf32>,
    %add3A_818 = arith.constant 7 : i32
    %add3A_819 = vector.broadcast %add3A_818 : i32 to vector<16xi32>
    %add3A_820 = arith.addi %select_n3A_732, %add3A_819 : vector<16xi32>
    %swap3A_821 = arith.constant 1 : i32
    %swap3A_822 = arith.index_cast %swap3A_821 : i32 to index
    %swap3A_823 = arith.constant 112 : index
    %swap3A_824 = tpu.vector_load %arg15[%swap3A_822, %swap3A_823] {strides = array<i32>} : memref<2x128xi32, #tpu.memory_space<vmem>>, vector<16xi32>,
    tpu.vector_store %arg15[%swap3A_822, %swap3A_823], %add3A_820 {strides = array<i32>} : memref<2x128xi32, #tpu.memory_space<vmem>>, vector<16xi32>,
    %swap3A_825 = arith.constant 1 : i32
    %swap3A_826 = arith.index_cast %swap3A_825 : i32 to index
    %swap3A_827 = arith.constant 112 : index
    %swap3A_828 = tpu.vector_load %arg16[%swap3A_826, %swap3A_827] {strides = array<i32>} : memref<2x128xf32, #tpu.memory_space<vmem>>, vector<16xf32>,
    tpu.vector_store %arg16[%swap3A_826, %swap3A_827], %mul3A_740 {strides = array<i32>} : memref<2x128xf32, #tpu.memory_space<vmem>>, vector<16xf32>,
    %dma_start3A = arith.constant 0 : i32
    %dma_start3A_829 = arith.constant 0 : i32
    %dma_start3A_830 = arith.constant 0 : i32
    %dma_start3A_831 = tpu.memref_slice %arg16[%dma_start3A, %dma_start3A_830] : memref<2x128xf32, #tpu.memory_space<vmem>> -> memref<1x128xf32, #tpu.memory_space<vmem>>
    %dma_start3A_832 = tpu.memref_squeeze %dma_start3A_831 : memref<1x128xf32, #tpu.memory_space<vmem>> -> memref<128xf32, #tpu.memory_space<vmem>>
    %dma_start3A_833 = arith.constant 0 : i32
    %dma_start3A_834 = tpu.memref_slice %arg15[%dma_start3A_829, %dma_start3A_833] : memref<2x128xi32, #tpu.memory_space<vmem>> -> memref<1x128xi32, #tpu.memory_space<vmem>>
    %dma_start3A_835 = tpu.memref_squeeze %dma_start3A_834 : memref<1x128xi32, #tpu.memory_space<vmem>> -> memref<128xi32, #tpu.memory_space<vmem>>
    %dma_start3A_836 = arith.constant 0 : i32
    %dma_start3A_837 = tpu.memref_slice %arg18[%dma_start3A_836] : memref<409600xf32, #tpu.memory_space<vmem_shared>> -> memref<409600xf32, #tpu.memory_space<vmem_shared>>
    tpu.enqueue_indirect_dma source(%dma_start3A_832 : memref<128xf32, #tpu.memory_space<vmem>>) target(%dma_start3A_837 : memref<409600xf32, #tpu.memory_space<vmem_shared>>) offsets(%dma_start3A_835 : memref<128xi32, #tpu.memory_space<vmem>>) semaphore(%arg19 : memref<!tpu.dma_semaphore, #tpu.memory_space<semaphore_mem>>) {add = true}
    %dma_start3A_838 = arith.constant 1 : i32
    %dma_start3A_839 = arith.constant 1 : i32
    %dma_start3A_840 = arith.constant 0 : i32
    %dma_start3A_841 = tpu.memref_slice %arg16[%dma_start3A_838, %dma_start3A_840] : memref<2x128xf32, #tpu.memory_space<vmem>> -> memref<1x128xf32, #tpu.memory_space<vmem>>
    %dma_start3A_842 = tpu.memref_squeeze %dma_start3A_841 : memref<1x128xf32, #tpu.memory_space<vmem>> -> memref<128xf32, #tpu.memory_space<vmem>>
    %dma_start3A_843 = arith.constant 0 : i32
    %dma_start3A_844 = tpu.memref_slice %arg15[%dma_start3A_839, %dma_start3A_843] : memref<2x128xi32, #tpu.memory_space<vmem>> -> memref<1x128xi32, #tpu.memory_space<vmem>>
    %dma_start3A_845 = tpu.memref_squeeze %dma_start3A_844 : memref<1x128xi32, #tpu.memory_space<vmem>> -> memref<128xi32, #tpu.memory_space<vmem>>
    %dma_start3A_846 = arith.constant 0 : i32
    %dma_start3A_847 = tpu.memref_slice %arg18[%dma_start3A_846] : memref<409600xf32, #tpu.memory_space<vmem_shared>> -> memref<409600xf32, #tpu.memory_space<vmem_shared>>
    tpu.enqueue_indirect_dma source(%dma_start3A_842 : memref<128xf32, #tpu.memory_space<vmem>>) target(%dma_start3A_847 : memref<409600xf32, #tpu.memory_space<vmem_shared>>) offsets(%dma_start3A_845 : memref<128xi32, #tpu.memory_space<vmem>>) semaphore(%arg19 : memref<!tpu.dma_semaphore, #tpu.memory_space<semaphore_mem>>) {add = true}
    %dma_wait3A = arith.constant 0 : i32
    %dma_wait3A_848 = arith.constant 0 : i32
    %dma_wait3A_849 = arith.constant 0 : i32
    %dma_wait3A_850 = tpu.memref_slice %arg16[%dma_wait3A, %dma_wait3A_849] : memref<2x128xf32, #tpu.memory_space<vmem>> -> memref<1x128xf32, #tpu.memory_space<vmem>>
    %dma_wait3A_851 = tpu.memref_squeeze %dma_wait3A_850 : memref<1x128xf32, #tpu.memory_space<vmem>> -> memref<128xf32, #tpu.memory_space<vmem>>
    %dma_wait3A_852 = arith.constant 0 : i32
    %dma_wait3A_853 = tpu.memref_slice %arg15[%dma_wait3A_848, %dma_wait3A_852] : memref<2x128xi32, #tpu.memory_space<vmem>> -> memref<1x128xi32, #tpu.memory_space<vmem>>
    %dma_wait3A_854 = tpu.memref_squeeze %dma_wait3A_853 : memref<1x128xi32, #tpu.memory_space<vmem>> -> memref<128xi32, #tpu.memory_space<vmem>>
    %dma_wait3A_855 = arith.constant 0 : i32
    %dma_wait3A_856 = tpu.memref_slice %arg18[%dma_wait3A_855] : memref<409600xf32, #tpu.memory_space<vmem_shared>> -> memref<409600xf32, #tpu.memory_space<vmem_shared>>
    tpu.wait_indirect_dma semaphore(%arg19 : memref<!tpu.dma_semaphore, #tpu.memory_space<semaphore_mem>>) src(%dma_wait3A_851 : memref<128xf32, #tpu.memory_space<vmem>>) dst(%dma_wait3A_856 : memref<409600xf32, #tpu.memory_space<vmem_shared>>)
    %dma_wait3A_857 = arith.constant 1 : i32
    %dma_wait3A_858 = arith.constant 1 : i32
    %dma_wait3A_859 = arith.constant 0 : i32
    %dma_wait3A_860 = tpu.memref_slice %arg16[%dma_wait3A_857, %dma_wait3A_859] : memref<2x128xf32, #tpu.memory_space<vmem>> -> memref<1x128xf32, #tpu.memory_space<vmem>>
    %dma_wait3A_861 = tpu.memref_squeeze %dma_wait3A_860 : memref<1x128xf32, #tpu.memory_space<vmem>> -> memref<128xf32, #tpu.memory_space<vmem>>
    %dma_wait3A_862 = arith.constant 0 : i32
    %dma_wait3A_863 = tpu.memref_slice %arg15[%dma_wait3A_858, %dma_wait3A_862] : memref<2x128xi32, #tpu.memory_space<vmem>> -> memref<1x128xi32, #tpu.memory_space<vmem>>
    %dma_wait3A_864 = tpu.memref_squeeze %dma_wait3A_863 : memref<1x128xi32, #tpu.memory_space<vmem>> -> memref<128xi32, #tpu.memory_space<vmem>>
    %dma_wait3A_865 = arith.constant 0 : i32
    %dma_wait3A_866 = tpu.memref_slice %arg18[%dma_wait3A_865] : memref<409600xf32, #tpu.memory_space<vmem_shared>> -> memref<409600xf32, #tpu.memory_space<vmem_shared>>
    tpu.wait_indirect_dma semaphore(%arg19 : memref<!tpu.dma_semaphore, #tpu.memory_space<semaphore_mem>>) src(%dma_wait3A_861 : memref<128xf32, #tpu.memory_space<vmem>>) dst(%dma_wait3A_866 : memref<409600xf32, #tpu.memory_space<vmem_shared>>)
    %barrier3A_867 = arith.constant 0 : index
    tpu.barrier barrier_id(%barrier3A_867)
    %mul3A_868 = arith.constant 25600 : i32
    %mul3A_869 = arith.muli %arg1, %mul3A_868 : i32
    %multiple_of3A_870 = tpu.assume_multiple %mul3A_869, 8 : i32
    %mul3A_871 = arith.constant 409600 : i32
    %mul3A_872 = arith.muli %arg0, %mul3A_871 : i32
    %mul3A_873 = arith.constant 25600 : i32
    %mul3A_874 = arith.muli %arg1, %mul3A_873 : i32
    %add3A_875 = arith.addi %mul3A_872, %mul3A_874 : i32
    %multiple_of3A_876 = tpu.assume_multiple %add3A_875, 8 : i32
    "tpu.region"() ({
      %run_scoped3A = tpu.sem_alloc : memref<!tpu.dma_semaphore, #tpu.memory_space<semaphore_mem>>
      %dma_start3A_877 = tpu.memref_slice %arg8[%multiple_of3A_876] : memref<819200xf32, #tpu.memory_space<hbm>> -> memref<25600xf32, #tpu.memory_space<hbm>>
      %dma_start3A_878 = tpu.memref_slice %arg18[%multiple_of3A_870] : memref<409600xf32, #tpu.memory_space<vmem_shared>> -> memref<25600xf32, #tpu.memory_space<vmem_shared>>
      tpu.enqueue_dma source(%dma_start3A_878 : memref<25600xf32, #tpu.memory_space<vmem_shared>>) target(%dma_start3A_877 : memref<25600xf32, #tpu.memory_space<hbm>>) target_semaphore(%run_scoped3A : memref<!tpu.dma_semaphore, #tpu.memory_space<semaphore_mem>>)
      %dma_wait3A_879 = tpu.memref_slice %arg8[%multiple_of3A_876] : memref<819200xf32, #tpu.memory_space<hbm>> -> memref<25600xf32, #tpu.memory_space<hbm>>
      %dma_wait3A_880 = tpu.memref_slice %arg18[%multiple_of3A_870] : memref<409600xf32, #tpu.memory_space<vmem_shared>> -> memref<25600xf32, #tpu.memory_space<vmem_shared>>
      tpu.wait_dma2 semaphore(%run_scoped3A : memref<!tpu.dma_semaphore, #tpu.memory_space<semaphore_mem>>) src(%dma_wait3A_880 : memref<25600xf32, #tpu.memory_space<vmem_shared>>) dst(%dma_wait3A_879 : memref<25600xf32, #tpu.memory_space<hbm>>)
      tpu.yield
    }) : () -> ()
    return
  }
}

module attributes {stable_mosaic.version = 14 : i64} {
  func.func @_tc_body(%arg0: memref<10000x80xf32, #tpu.memory_space<vmem>>, %arg1: memref<10x128xf32, #tpu.memory_space<vmem>>, %arg2: memref<128x128xf32, #tpu.memory_space<vmem>>, %arg3: memref<8x128xf32, #tpu.memory_space<vmem>>, %arg4: memref<1x128xf32, #tpu.memory_space<vmem>>, %arg5: memref<1x1xf32, #tpu.memory_space<vmem>>) attributes {dimension_semantics = [], scalar_prefetch = 0 : i64, scratch_operands = 0 : i64, tpu.core_type = #tpu.core_type<tc>} {
    %get3A = arith.constant 0 : index
    %get3A_0 = arith.constant 0 : index
    %get3A_1 = vector.load %arg1[%get3A, %get3A_0] : memref<10x128xf32, #tpu.memory_space<vmem>>, vector<10x128xf32>
    %get3A_2 = arith.constant 0 : index
    %get3A_3 = arith.constant 0 : index
    %get3A_4 = vector.load %arg2[%get3A_2, %get3A_3] : memref<128x128xf32, #tpu.memory_space<vmem>>, vector<128x128xf32>
    %dot_general3A = arith.constant dense<0.000000e+00> : vector<10x128xf32>
    %dot_general3A_5 = tpu.matmul %get3A_1, %get3A_4, %dot_general3A {dimension_numbers = #tpu.dot_dimension_numbers<[1], [0], [0], [1], [0, 0, 1, 1], [], []>, precision = #tpu.contract_precision<fp32>, transpose_lhs_hint = false} : vector<10x128xf32>, vector<128x128xf32>, vector<10x128xf32> -> vector<10x128xf32>
    %broadcast_in_dim3A = vector.shape_cast %dot_general3A_5 : vector<10x128xf32> to vector<10x1x128xf32>
    %get3A_6 = arith.constant 0 : index
    %get3A_7 = arith.constant 0 : index
    %get3A_8 = vector.load %arg3[%get3A_6, %get3A_7] : memref<8x128xf32, #tpu.memory_space<vmem>>, vector<8x128xf32>
    %broadcast_in_dim3A_9 = vector.shape_cast %get3A_8 : vector<8x128xf32> to vector<1x8x128xf32>
    %mul3A = vector.broadcast %broadcast_in_dim3A : vector<10x1x128xf32> to vector<10x8x128xf32>
    %mul3A_10 = vector.broadcast %broadcast_in_dim3A_9 : vector<1x8x128xf32> to vector<10x8x128xf32>
    %mul3A_11 = arith.mulf %mul3A, %mul3A_10 : vector<10x8x128xf32>
    %reshape3A = vector.shape_cast %mul3A_11 : vector<10x8x128xf32> to vector<80x128xf32>
    %get3A_12 = arith.constant 0 : index
    %get3A_13 = arith.constant 0 : index
    %get3A_14 = vector.load %arg0[%get3A_12, %get3A_13] : memref<10000x80xf32, #tpu.memory_space<vmem>>, vector<10000x80xf32>
    %dot_general3A_15 = arith.constant dense<0.000000e+00> : vector<10000x128xf32>
    %dot_general3A_16 = tpu.matmul %get3A_14, %reshape3A, %dot_general3A_15 {dimension_numbers = #tpu.dot_dimension_numbers<[1], [0], [0], [1], [0, 0, 1, 1], [], []>, precision = #tpu.contract_precision<fp32>, transpose_lhs_hint = false} : vector<10000x80xf32>, vector<80x128xf32>, vector<10000x128xf32> -> vector<10000x128xf32>
    %logistic3A = arith.negf %dot_general3A_16 : vector<10000x128xf32>
    %logistic3A_17 = math.exp %logistic3A : vector<10000x128xf32>
    %logistic3A_18 = arith.constant 1.000000e+00 : f32
    %logistic3A_19 = vector.broadcast %logistic3A_18 : f32 to vector<10000x128xf32>
    %logistic3A_20 = arith.addf %logistic3A_19, %logistic3A_17 : vector<10000x128xf32>
    %logistic3A_21 = arith.divf %logistic3A_19, %logistic3A_20 : vector<10000x128xf32>
    %mul3A_22 = arith.mulf %dot_general3A_16, %logistic3A_21 : vector<10000x128xf32>
    %get3A_23 = arith.constant 0 : index
    %get3A_24 = arith.constant 0 : index
    %get3A_25 = vector.load %arg4[%get3A_23, %get3A_24] : memref<1x128xf32, #tpu.memory_space<vmem>>, vector<1x128xf32>
    %mul3A_26 = vector.broadcast %get3A_25 : vector<1x128xf32> to vector<10000x128xf32>
    %mul3A_27 = arith.mulf %mul3A_22, %mul3A_26 : vector<10000x128xf32>
    %reduce_sum3A = vector.shape_cast %mul3A_27 : vector<10000x128xf32> to vector<1x10000x128xf32>
    %reduce_sum3A_28 = arith.constant dense<0.000000e+00> : vector<1xf32>
    %reduce_sum3A_29 = vector.multi_reduction <add>, %reduce_sum3A, %reduce_sum3A_28 [1, 2] : vector<1x10000x128xf32> to vector<1xf32>
    %reduce_sum3A_30 = vector.shape_cast %reduce_sum3A_29 : vector<1xf32> to vector<1x1x1xf32>
    %reduce_sum3A_31 = vector.extract %reduce_sum3A_30[0, 0, 0] : f32 from vector<1x1x1xf32>
    %mul3A_32 = arith.constant 96.4853286 : f32
    %mul3A_33 = arith.mulf %reduce_sum3A_31, %mul3A_32 : f32
    %reshape3A_34 = vector.broadcast %mul3A_33 : f32 to vector<1x1xf32>
    %swap3A = arith.constant 0 : index
    %swap3A_35 = arith.constant 0 : index
    %swap3A_36 = vector.load %arg5[%swap3A, %swap3A_35] : memref<1x1xf32, #tpu.memory_space<vmem>>, vector<1x1xf32>
    tpu.vector_store %arg5[%swap3A, %swap3A_35], %reshape3A_34 {strides = array<i32>} : memref<1x1xf32, #tpu.memory_space<vmem>>, vector<1x1xf32>,
    return
  }
}

</mosaic_0001>

<sc_bundles>
// kernel: kernel.4.cloned.1.call-start
scs
__scs_entry_jumppad:
0x0: {  	(pc) =	sbr.rel $0x88, $3  }
0x1: {  	(tag) =	ssettag $0x0;
	lr =	simm.s32 $0x1  }
0x2: {  	[smem:$0x3F98] =	sst lr;
	_ =	strace $0xD0000000  }
0x3: {  	_ = 	snop  }
0x4: {  	_ = 	snop  }
0x5: {  	_ = 	snop  }
0x6: {  	_ = 	snop  }
0x7: {  	_ = 	snop  }
__scs_overlays_trampoline_lowered:
0x8: {  	[smem:$0x3FA7] =	sst s0  }
0x9: {  	[smem:$0x3FA8] =	sst s1  }
0xa: {  	[smem:$0x3FA9] =	sst s2  }
0xb: {  	[smem:$0x3FAA] =	sst s3  }
0xc: {  	[smem:$0x3FAB] =	sst s4  }
0xd: {  	[smem:$0x3FAC] =	sst s5  }
0xe: {  	[smem:$0x3FAD] =	sst s6  }
0xf: {  	[smem:$0x3FAE] =	sst s7  }
0x10: {  	[smem:$0x3FAF] =	sst s8  }
0x11: {  	[smem:$0x3FB0] =	sst s9;
	s0 =	simm.s32 @!p0 $0x0  }
0x12: {  	s1 =	sld [smem:$0x3F96];
	s0 =	simm.s32 @p0 $0x1  }
0x13: {  	[smem:$0x3FB1] =	sst s0;
	s0 =	simm.s32 @!p1 $0x0  }
0x14: {  	s2 =	sld [smem:$0x3F95];
	s0 =	simm.s32 @p1 $0x1  }
0x15: {  	[smem:$0x3FB2] =	sst s0;
	s0 =	simm.s32 @!p2 $0x0  }
0x16: {  	s3 =	sld [smem:$0x3FDB];
	s0 =	simm.s32 @p2 $0x1  }
0x17: {  	s4 =	simm.s32 $0x1BF5;
	[smem:$0x3FB4] =	sst s0  }
0x18: {  	s0 =	sld [smem:$0x3F97];
	_ =	swait.ge [sflag:s4], $0x0  }
0x19: {  	s7 =	sld [smem:$0x3F98]  }
0x1a: {  	s8 =	sadd.s32 $0xFFFFE003, lr  }
0x1b: {  	s9 =	sadd.s32 $0xFFFFFEF7, lr;
	s5 =	simm.s32 $0xFFFFFFFF;
	p2 =	slt.u32 s8, $0xFFFFF086  }
0x1c: {  	p1 =	slt.u32 s9, $0xF7A;
	s5 =	simm.s32 @!p2 $0x0  }
0x1d: {  	s5 =	simm.s32 @p1 $0x1;
	p0 =	seq.s32 s7, s2  }
0x1e: {  	s7 =	smul.u32 @!p0 $0xF7A, s2;
	p2 =	seq.s32 @!p0 s5, $0x0  }
0x1f: {  	s9 =	smul.u32 $0xF7A, s1;
	s8 =	simm.s32 @!p0 $0x1BF5;
	p2 =	por !p2, p0  }
0x20: {  	[sflag:s8] =	ssyncset.s32 @!p0 $0xFFFFF086;
	s6 =	sadd.s32 @!p0 s3, s7;
	s7 =	simm.s32 @!p0 $0x108  }
0x21: {  	s3 =	sadd.s32 s3, s9;
	s6 =	sadd.s32 @!p0 $0x88, s6;
	s7 =	simm.s32 @p2 $0x1082  }
0x22: {  	[simem:s7], [sflag:s8] =	dma.local @!p0 [hbm:s6], $0xF7A  }
0x23: {  	s9 =	sor.u32 $0xD0000000, s2;
	s6 =	simm.s32 $0x108;
	_ =	swait.ge @!p0 [sflag:s8], $0x0  }
0x24: {  	s3 =	sadd.s32 $0x88, s3;
	s6 =	simm.s32 @!p1 $0x1082;
	[sflag:s4] =	ssyncset.s32 $0xFFFFF086  }
0x25: {  	[simem:s6], [sflag:s4] =	dma.local [hbm:s3], $0xF7A  }
0x26: {  	[smem:$0x3F98] =	sst s1;
	(tag) =	ssettag s2;
	_ =	strace s9  }
0x27: {  	s1 =	sld [smem:$0x3FA8]  }
0x28: {  	s2 =	sld [smem:$0x3FA9]  }
0x29: {  	s4 =	sld [smem:$0x3FAB]  }
0x2a: {  	p0 =	seq.s32 s5, $0x0;
	s5 =	sld [smem:$0x3FAC]  }
0x2b: {  	s6 =	sld [smem:$0x3FAD]  }
0x2c: {  	s7 =	sld [smem:$0x3FAE]  }
0x2d: {  	s3 =	simm.s32 $0x108;
	s8 =	sld [smem:$0x3FAF]  }
0x2e: {  	s3 =	simm.s32 @!p0 $0x1082;
	s9 =	sld [smem:$0x3FB0]  }
0x2f: {  	lr =	sadd.s32 s0, s3;
	s0 =	sld [smem:$0x3FA7]  }
0x30: {  	s3 =	sld [smem:$0x3FAA]  }
0x31: {  	[smem:$0x3FB3] =	sst s10  }
0x32: {  	s10 =	sld [smem:$0x3FB1];
	_ =	sdelay $0x3  }
0x33: {  	p0 =	seq.s32 s10, $0x1;
	s10 =	sld [smem:$0x3FB3];
	_ =	sdelay $0x3  }
0x34: {  	[smem:$0x3FB3] =	sst s10  }
0x35: {  	s10 =	sld [smem:$0x3FB2];
	_ =	sdelay $0x3  }
0x36: {  	p1 =	seq.s32 s10, $0x1;
	s10 =	sld [smem:$0x3FB3];
	_ =	sdelay $0x3  }
0x37: {  	[smem:$0x3FB3] =	sst s10  }
0x38: {  	s10 =	sld [smem:$0x3FB4]  }
0x39: {  	_ = 	snop;
	(pc) =	sbr.ind lr, $3  }
0x3a: {  	_ = 	snop  }
0x3b: {  	_ = 	snop  }
0x3c: {  	p2 =	seq.s32 s10, $0x1;
	s10 =	sld [smem:$0x3FB3]  }
0x3d: {  	_ =	shalt  }
0x3e: {  	_ =	shalt  }
0x3f: {  	_ =	shalt  }
0x40: {  	_ =	shalt  }
0x41: {  	_ =	shalt  }
0x42: {  	_ =	shalt  }
0x43: {  	_ =	shalt  }
0x44: {  	_ =	shalt  }
0x45: {  	_ =	shalt  }
0x46: {  	_ =	shalt  }
0x47: {  	_ =	shalt  }
0x48: {  	_ =	shalt  }
0x49: {  	_ =	shalt  }
0x4a: {  	_ =	shalt  }
0x4b: {  	_ =	shalt  }
0x4c: {  	_ =	shalt  }
0x4d: {  	_ =	shalt  }
0x4e: {  	_ =	shalt  }
0x4f: {  	_ =	shalt  }
0x50: {  	_ =	shalt  }
0x51: {  	_ =	shalt  }
0x52: {  	_ =	shalt  }
0x53: {  	_ =	shalt  }
0x54: {  	_ =	shalt  }
0x55: {  	_ =	shalt  }
0x56: {  	_ =	shalt  }
0x57: {  	_ =	shalt  }
0x58: {  	_ =	shalt  }
0x59: {  	_ =	shalt  }
0x5a: {  	_ =	shalt  }
0x5b: {  	_ =	shalt  }
0x5c: {  	_ =	shalt  }
0x5d: {  	_ =	shalt  }
0x5e: {  	_ =	shalt  }
0x5f: {  	_ =	shalt  }
0x60: {  	_ =	shalt  }
0x61: {  	_ =	shalt  }
0x62: {  	_ =	shalt  }
0x63: {  	_ =	shalt  }
0x64: {  	_ =	shalt  }
0x65: {  	_ =	shalt  }
0x66: {  	_ =	shalt  }
0x67: {  	_ =	shalt  }
0x68: {  	_ =	shalt  }
0x69: {  	_ =	shalt  }
0x6a: {  	_ =	shalt  }
0x6b: {  	_ =	shalt  }
0x6c: {  	_ =	shalt  }
0x6d: {  	_ =	shalt  }
0x6e: {  	_ =	shalt  }
0x6f: {  	_ =	shalt  }
0x70: {  	_ =	shalt  }
0x71: {  	_ =	shalt  }
0x72: {  	_ =	shalt  }
0x73: {  	_ =	shalt  }
0x74: {  	_ =	shalt  }
0x75: {  	_ =	shalt  }
0x76: {  	_ =	shalt  }
0x77: {  	_ =	shalt  }
0x78: {  	_ =	shalt  }
0x79: {  	_ =	shalt  }
0x7a: {  	_ =	shalt  }
0x7b: {  	_ =	shalt  }
0x7c: {  	_ =	shalt  }
0x7d: {  	_ =	shalt  }
0x7e: {  	_ =	shalt  }
0x7f: {  	_ =	shalt  }
0x80: {  	_ =	shalt  }
0x81: {  	_ =	shalt  }
0x82: {  	_ =	shalt  }
0x83: {  	_ =	shalt  }
0x84: {  	_ =	shalt  }
0x85: {  	_ =	shalt  }
0x86: {  	_ =	shalt  }
0x87: {  	_ =	shalt  }
.Lfunc_end0:
.L_simem_size_0:
called_computation_lowered:
.L_overlay_start_0:
0x88: {  	s2 =	sld [smem:$0x3FD9]  }
0x89: {  	s3 =	sld [smem:$0x3FFE];
	_ =	sdelay $0x1  }
0x8a: {  	s1 =	srdreg.scid  }
0x8b: {  	s0 =	sand.u32 $0x1, s1  }
0x8c: {  	s17 =	sshll.u32 s0, $0xA;
	s2 =	sadd.s32 s3, s2  }
0x8d: {  	s2 =	sadd.s32 s2, s17  }
0x8e: {  	[smem:$0x3FBF] =	sst s2  }
0x8f: {  	_ = 	snop  }
0x90: {  	s2 =	sld [smem:$0x3FC5]  }
0x91: {  	s18 =	sld [smem:$0x3FD0];
	(tm) =	ssettm $0x1  }
0x92: {  	s4 =	sld [smem:$0x3FFB];
	_ =	sdelay $0x3  }
0x93: {  	_ =	strace s4  }
0x94: {  	s4 =	sld [smem:$0x3FFC];
	_ =	sdelay $0x3  }
0x95: {  	_ =	strace s4  }
0x96: {  	s4 =	sld [smem:$0x3FFD];
	_ =	sdelay $0x3  }
0x97: {  	_ =	strace s4  }
0x98: {  	_ =	strace $0x8FFFFFFF  }
0x99: {  	s19 =	sld [smem:$0x3FDB];
	_ =	sdelay $0x1  }
0x9a: {  	s5 =	simm.s32 $_scs_section_size  }
0x9b: {  	s6 =	simm.s32 $_size__tile_overlayer_lowered;
	s7 =	simm.s32 $_tile_overlayer_lowered  }
0x9c: {  	s22 =	simm.s32 $0x1BFF;
	s21 =	sshll.u32 s7, $0x1;
	s4 =	sadd.s32 s5, s19  }
0x9d: {  	s8 =	simm.s32 $0x0;
	s20 =	sshll.u32 s6, $0x1;
	s6 =	sadd.s32 s21, s4  }
0x9e: {  	[timem:s8], [sflag:s22] =	dma.local [hbm:s6], s20  }
0x9f: {  	_ =	swait.ge [sflag:s22], s20  }
0xa0: {  	s5 =	ssub.s32 $0x0, s20;
	[sflag:s22] =	ssyncset.done $0x0  }
0xa1: {  	[sflag:s22] =	ssyncadd.s32 s5;
	_ =	sdelay $0x1  }
0xa2: {  	s23 =	simm.s32 $0x1B8B  }
0xa3: {  	_ =	swait.ge [sflag:s23], $0x1  }
0xa4: {  	[sflag:s23] =	ssyncset.done $0x0  }
0xa5: {  	s25 =	simm.s32 $0x1B8E;
	s24 =	sld [smem:$0x3FFE];
	[sflag:s23] =	ssyncadd.s32 $0xFFFFFFFF  }
0xa6: {  	s26 =	simm.s32 $execute0_lowered;
	[smem:$0x3FD2] =	sst s25  }
0xa7: {  	s6 =	sshll.u32 s26, $0x1;
	_ =	strace $0x80000046;
	[dreg:$0x1] =	wrdreg $0xFFFFFFFF  }
0xa8: {  	s28 =	simm.s32 $_size_execute0_lowered;
	s4 =	sadd.s32 s4, s6;
	[dreg:$0x0] =	wrdreg $0x0  }
0xa9: {  	s6 =	sshll.u32 s28, $0x1;
	[dreg:$0x2] =	wrdreg s4  }
0xaa: {  	[dreg:$0x3] =	wrdreg s6  }
0xab: {  	[dreg:$0x4] =	wrdreg $0xC0  }
0xac: {  	_ =	task [dreg:s8], $0x5FFFF  }
0xad: {  	[dreg:$0x1] =	wrdreg $0xFFFFFFFF  }
0xae: {  	[dreg:$0x0] =	wrdreg $0x60  }
0xaf: {  	[dreg:$0x2] =	wrdreg s24  }
0xb0: {  	[dreg:$0x3] =	wrdreg s2  }
0xb1: {  	[dreg:$0x4] =	wrdreg s18  }
0xb2: {  	[dreg:$0x5] =	wrdreg $0x11D800  }
0xb3: {  	[dreg:$0x6] =	wrdreg $0x9  }
0xb4: {  	_ =	task.clear_ibuf [dreg:s8], $0x7FFFF;
	_ =	strace $0x90000046  }
0xb5: {  	s29 =	simm.s32 $0x9;
	_ =	strace $0x80000048  }
0xb6: {  	_ =	swait.ge [sflag:s29], $0x1  }
0xb7: {  	[sflag:s29] =	ssyncadd.s32 $0xFFFFFFFF  }
0xb8: {  	_ =	strace $0x90000048  }
0xb9: {  	_ =	sfence  }
0xba: {  	s30 =	sld [smem:$0x0];
	_ =	sdelay $0x2  }
0xbb: {  	s31 =	sshll.u32 s1, $0xD;
	s1 =	sshrl.u32 s1, $0x2  }
0xbc: {  	s3 =	sand.u32 $0x4000, s31;
	s1 =	sadd.s32 s1, s30  }
0xbd: {  	s0 =	sor.u32 s3, s0;
	s1 =	sshll.u32 s1, $0x11  }
0xbe: {  	s0 =	sor.u32 s1, s0  }
0xbf: {  	s0 =	sadd.s32 $0x8F2B, s0  }
0xc0: {  	[sflag:s0] =	ssyncadd.remote.s32 $0x1  }
0xc1: {  	_ =	sfence.sel $0xFFFF  }
0xc2: {  	[dreg:$0x0] =	wrdreg $0xFFFFFFFF;
	(pc) =	sbr.abs _section_cstart, $3  }
0xc3: {  	[dreg:$0x1] =	wrdreg $0xFFFFFFFF  }
0xc4: {  	_ =	task.clear_ibuf [dreg:s8], $0x2FFFF;
	_ =	strace $0x9FFFFFFF  }
0xc5: {  	(tm) =	ssettm $0x7FFFFFFF  }
tec
execute0_lowered:
.L_overlay_start_1:
0x0: {  	(tag) =	ssettag $0x1  }
0x1: {  	s8 =	rddreg [dreg:$0x0]  }
0x2: {  	s5 =	rddreg [dreg:$0x3]  }
0x3: {  	s9 =	stileid.u32;
	s1 =	srdreg.scid  }
0x4: {  	s6 =	simm.s32 $0x0;
	s13 =	simm.s32 $0x2;
	s14 =	simm.s32 $0x7580  }
0x5: {  	s16 =	simm.s32 $0xEB80;
	s26 =	simm.s32 $0x11300;
	s19 =	simm.s32 $0x80  }
0x6: {  	s20 =	simm.s32 $0x11700;
	s28 =	simm.s32 $0x11500;
	s29 =	simm.s32 $0x11900  }
0x7: {  	s30 =	simm.s32 $0x11580;
	s31 =	simm.s32 $0x11980;
	s0 =	smul.u32 $0x4E20, s9  }
0x8: {  	s12 =	simm.s32 $0x1;
	s1 =	sand.u32 $0x1, s1;
	s2 =	smul.u32 $0x6400, s9  }
0x9: {  	[smem:$0x7FF] =	sst s6;
	s10 =	sadd.s32 $0xAE00, s8;
	s25 =	sshll.u32 s9, $0x6  }
0xa: {  	s3 =	smul.u32 $0x64000, s1;
	_ =	strace $0x80000047;
	[dreg:$0x6] =	wrdreg s10  }
0xb: {  	s7 =	ssub.s32 $0x2, s1;
	s1 =	smul.u32 $0x5, s1;
	[dreg:$0x5] =	wrdreg s26  }
0xc: {  	s26 =	simm.s32 $0x11880;
	s4 =	sshrl.u32 s0, $0x3;
	s0 =	sshrl.u32 s0, $0x4  }
0xd: {  	s21 =	sshrl.u32 s7, $0x1;
	s22 =	sadd.s32 s2, s5;
	s4 =	sadd.s32 s4, s8  }
0xe: {  	s3 =	sadd.s32 s2, s3;
	s0 =	sadd.s32 s0, s8;
	s7 =	ssub.s32 s7, s21  }
0xf: {  	s9 =	sshrl.u32 s22, $0x3;
	s21 =	simm.s32 $0x11380;
	s22 =	simm.s32 $0x11780  }
0x10: {  	s2 =	simm.s32 $0x11A00;
	s4 =	sadd.s32 $0x1000, s4;
	[dreg:$0xc] =	wrdreg s9  }
0x11: {  	s3 =	sshrl.u32 s3, $0x3;
	s0 =	sadd.s32 $0x271000, s0;
	[dreg:$0x7] =	wrdreg s4  }
0x12: {  	s24 =	smax.u32 s7, $0x1;
	s7 =	simm.s32 $0x0;
	[dreg:$0x8] =	wrdreg s0  }
0x13: {  	s3 =	sadd.s32 s3, s8;
	[dreg:$0xa] =	wrdreg s24;
	s8 =	sor.u32 $0x1C02, s25  }
0x14: {  	v0 =	vlaneseq.u32;
	s24 =	simm.s32 $0x11800;
	s25 =	simm.s32 $0x11480;
	s0 =	simm.s32 $0x11600  }
0x15: {  	v2 =	vand.u32 $0x1, v0;
	s4 =	simm.s32 $0x11A80;
	s23 =	sadd.s32 $0xBC00, s3;
	[dreg:$0xb] =	wrdreg s8  }
0x16: {  	v2 =	vmul.u32 $0x5, v2;
	v1 =	vmov s1;
	s3 =	simm.s32 $0x11680;
	[dreg:$0x9] =	wrdreg s23;
	s23 =	simm.s32 $0x11400  }
.LBB2_1:
0x17: {  	[dreg:$0xd] =	wrdreg s7  }
0x18: {  	s1 =	rddreg [dreg:$0x2];
	s10 =	simm.s32 $0x11D00  }
0x19: {  	[tilespmem:s10], [sflag:$0x2] =	stream.linear.gather [hbm4b:s1+s6], $0x80, $0x38;
	[tilespmem:$0x18180] =	vst v63  }
0x1a: {  	_ =	swait.ge [sflag:s13], $0x80  }
0x1b: {  	[sflag:s13] =	ssyncset.done $0x0  }
0x1c: {  	[sflag:s13] =	ssyncadd.s32 $0xFFFFFF80  }
0x1d: {  	s11 =	rddreg [dreg:$0x0]  }
0x1e: {  	[tilespmem:s6], [sflag:$0x2] =	stream.linear.gather [hbm4b:s11+s6], $0x7580, $0x38;
	[tilespmem:$0x18180] =	vst v63  }
0x1f: {  	_ =	swait.ge [sflag:s13], $0x7580  }
0x20: {  	[sflag:s13] =	ssyncset.done $0x0  }
0x21: {  	[sflag:s13] =	ssyncadd.s32 $0xFFFF8A80  }
0x22: {  	s15 =	rddreg [dreg:$0x1]  }
0x23: {  	[tilespmem:s14], [sflag:$0x2] =	stream.linear.gather [hbm4b:s15+s6], $0x2780, $0x38;
	[tilespmem:$0x18180] =	vst v63  }
0x24: {  	_ =	swait.ge [sflag:s13], $0x2780  }
0x25: {  	[sflag:s13] =	ssyncset.done $0x0  }
0x26: {  	s18 =	simm.s32 $0x9D00;
	s17 =	rddreg [dreg:$0x7];
	[sflag:s13] =	ssyncadd.s32 $0xFFFFD880  }
0x27: {  	[tilespmem:s18], [sflag:$0x2] =	stream.linear.gather [hbm4b:s17+s6], $0x4E20, $0x38;
	[tilespmem:$0x18180] =	vst v63  }
0x28: {  	_ =	swait.ge [sflag:s13], $0x4E20  }
0x29: {  	[sflag:s13] =	ssyncset.done $0x0  }
0x2a: {  	s7 =	rddreg [dreg:$0x8];
	[sflag:s13] =	ssyncadd.s32 $0xFFFFB1E0  }
0x2b: {  	[tilespmem:s16], [sflag:$0x2] =	stream.linear.gather [hbm4b:s7+s6], $0x2710, $0x38;
	[tilespmem:$0x18180] =	vst v63  }
0x2c: {  	_ =	swait.ge [sflag:s13], $0x2710  }
0x2d: {  	[sflag:s13] =	ssyncset.done $0x0  }
0x2e: {  	s10 =	rddreg [dreg:$0x6];
	[sflag:s13] =	ssyncadd.s32 $0xFFFFD8F0  }
0x2f: {  	[spmem:s9], [sflag:s8] =	dma.local [hbm:s10], $0xC80  }
0x30: {  	_ =	swait.ge [sflag:s13], $0xC80  }
0x31: {  	[sflag:s13] =	ssyncset.done $0x0  }
0x32: {  	[sflag:s13] =	ssyncadd.s32 $0xFFFFF380  }
0x33: {  	[bflag:$0x0] =	sbarrier.arrive $0xFFFF  }
0x34: {  	v3 =	vld [tilespmem:$0x11D00];
	_ =	sdelay $0x4  }
0x35: {  	(v2sf) =	vpush v3, $0x0  }
0x36: {  	(v2sf) =	vpush v3, $0x1  }
0x37: {  	(v2sf) =	vpush v3, $0x2  }
0x38: {  	(v2sf) =	vpush v3, $0x3  }
0x39: {  	(v2sf) =	vpush v3, $0x4  }
0x3a: {  	(v2sf) =	vpush v3, $0x5  }
0x3b: {  	(v2sf) =	vpush v3, $0x6  }
0x3c: {  	(v2sf) =	vpush v3, $0x7  }
0x3d: {  	(v2sf) =	vpush v3, $0x8;
	_ =	sdelay $0x6  }
0x3e: {  	s11 =	spop (v2sf)  }
0x3f: {  	s15 =	spop (v2sf);
	s1 =	smul.f32 $1.000000000e+01, s11  }
0x40: {  	s17 =	spop (v2sf);
	s7 =	smul.f32 $1.000000000e+01, s15  }
0x41: {  	s18 =	spop (v2sf);
	s8 =	smul.f32 $1.000000000e+01, s17  }
0x42: {  	s10 =	spop (v2sf);
	s9 =	smul.f32 $1.000000000e+01, s18  }
0x43: {  	s11 =	spop (v2sf);
	s10 =	smul.f32 $1.000000000e+01, s10  }
0x44: {  	s17 =	spop (v2sf);
	s11 =	smul.f32 $1.000000000e+01, s11  }
0x45: {  	s18 =	spop (v2sf);
	s17 =	smul.f32 $1.000000000e+01, s17  }
0x46: {  	s18 =	smul.f32 $1.000000000e+01, s18;
	s15 =	spop (v2sf)  }
0x47: {  	v11 =	vmov s1;
	v10 =	vmov s7;
	v8 =	vmov s8;
	s15 =	smul.f32 $1.000000000e+01, s15  }
0x48: {  	v9 =	vmov s9;
	v7 =	vmov s10;
	v5 =	vmov s11  }
0x49: {  	s1 =	simm.s32 $0x70;
	s7 =	simm.s32 $0x9D40;
	v6 =	vmov s17;
	v4 =	vmov s18;
	v3 =	vmov s15  }
.LBB2_2:
0x4a: {  	s8 =	sadd.s32 $0xFFFFFF90, s1  }
0x4b: {  	v12 =	vmov s8;
	v13 =	vor.u32 s8, v0  }
0x4c: {  	v14 =	vld [tilespmem:s7+$0xFFFFFFC0];
	v13 =	vshrl.u32 v13, $0x1;
	v12 =	vshrl.u32 v12, $0x1  }
0x4d: {  	v13 =	vand.u32 $0x47, v13;
	v12 =	vand.u32 $0x3F80, v12  }
0x4e: {  	v12 =	vor.u32 v12, v13;
	_ =	sdelay $0x2  }
0x4f: {  	v31 =	vand.u32 $0xFFFF, v14  }
0x50: {  	v14 =	vshrl.u32 v14, $0x10;
	v15 =	vmul.u32 $0x3, v31  }
0x51: {  	v16 =	vmul.u32 $0x3, v14;
	v12 =	vld.idx.msk [tilespmem:v12+s16+$0x0], $0xffff;
	_ =	sdelay $0x1  }
0x52: {  	v17 =	vadd.s32 $0x1, v15  }
0x53: {  	v18 =	vadd.s32 $0x1, v16;
	_ =	sdelay $0x1  }
0x54: {  	v20 =	vld.idx.msk [tilespmem:v15+s6+$0x0], $0xffff;
	v15 =	vadd.s32 $0x2, v15;
	v12 =	vshrl.u32 v12, v2  }
0x55: {  	v22 =	vld.idx.msk [tilespmem:v16+s6+$0x0], $0xffff;
	v16 =	vadd.s32 $0x2, v16;
	v12 =	vand.u32 $0x1F, v12  }
0x56: {  	v17 =	vld.idx.msk [tilespmem:v17+s6+$0x0], $0xffff;
	v19 =	vmul.u32 $0x5556, v12  }
0x57: {  	v18 =	vld.idx.msk [tilespmem:v18+s6+$0x0], $0xffff  }
0x58: {  	v21 =	vmul.u32 $0x1C72, v12;
	v19 =	vshrl.u32 v19, $0x10  }
0x59: {  	v15 =	vld.idx.msk [tilespmem:v15+s6+$0x0], $0xffff;
	v23 =	vmul.u32 $0xFFFFFFFD, v19  }
0x5a: {  	v16 =	vld.idx.msk [tilespmem:v16+s6+$0x0], $0xffff;
	v21 =	vshrl.u32 v21, $0x10  }
0x5b: {  	v20 =	vsub.f32 v22, v20;
	v24 =	vmul.u32 $0xFFFFFFFD, v21;
	v12 =	vadd.s32 v12, v23  }
0x5c: {  	v17 =	vsub.f32 v18, v17;
	v12 =	vcvt.s32.f32 v12  }
0x5d: {  	v20 =	vmul.f32 $1.000000000e+01, v20;
	v33 =	vcvt.s32.f32 v21;
	v19 =	vadd.s32 v19, v24  }
0x5e: {  	v19 =	vcvt.s32.f32 v19;
	v32 =	vmul.f32 v12, v11  }
0x5f: {  	v17 =	vmul.f32 $1.000000000e+01, v17;
	v36 =	vmul.f32 v33, v6;
	v15 =	vsub.f32 v16, v15  }
0x60: {  	v34 =	vmul.f32 v19, v9;
	v35 =	vmul.f32 v12, v10;
	v20 =	vadd.f32 v32, v20  }
0x61: {  	v15 =	vmul.f32 $1.000000000e+01, v15;
	v12 =	vmul.f32 v12, v8  }
0x62: {  	v37 =	vmul.f32 v19, v7;
	v17 =	vadd.f32 v35, v17;
	v20 =	vadd.f32 v20, v34  }
0x63: {  	v38 =	vmul.f32 v33, v4;
	v12 =	vadd.f32 v12, v15  }
0x64: {  	v39 =	vmul.f32 v19, v5;
	v17 =	vadd.f32 v17, v37;
	v16 =	vadd.f32 v20, v36  }
0x65: {  	v40 =	vmul.f32 v33, v3  }
0x66: {  	v12 =	vadd.f32 v12, v39;
	v17 =	vadd.f32 v17, v38;
	v16 =	vmul.f32 v16, v16;
	_ =	sdelay $0x1  }
0x67: {  	v12 =	vadd.f32 v12, v40;
	v17 =	vmul.f32 v17, v17;
	v16 =	vadd.f32 $9.999999710e-10, v16;
	_ =	sdelay $0x1  }
0x68: {  	v12 =	vmul.f32 v12, v12;
	v41 =	vadd.f32 v16, v17;
	_ =	sdelay $0x1  }
0x69: {  	v12 =	vadd.f32 v41, v12;
	_ =	sdelay $0x1  }
0x6a: {  	v15 =	vshrl.u32 v12, $0x1;
	v42 =	vmul.f32 $5.000000000e-01, v12  }
0x6b: {  	v15 =	vsub.s32 $0x5F3759DF, v15  }
0x6c: {  	v43 =	vmul.f32 v15, v42;
	_ =	sdelay $0x1  }
0x6d: {  	v17 =	vmul.f32 v15, v43;
	_ =	sdelay $0x1  }
0x6e: {  	v17 =	vsub.f32 $1.500000000e+00, v17;
	_ =	sdelay $0x1  }
0x6f: {  	v15 =	vmul.f32 v15, v17;
	_ =	sdelay $0x1  }
0x70: {  	v17 =	vmul.f32 v15, v42;
	_ =	sdelay $0x1  }
0x71: {  	v17 =	vmul.f32 v17, v15;
	_ =	sdelay $0x1  }
0x72: {  	v17 =	vsub.f32 $1.500000000e+00, v17;
	_ =	sdelay $0x1  }
0x73: {  	v15 =	vmul.f32 v17, v15;
	_ =	sdelay $0x1  }
0x74: {  	v16 =	vmul.f32 v15, v42;
	_ =	sdelay $0x1  }
0x75: {  	v16 =	vmul.f32 v16, v15;
	_ =	sdelay $0x1  }
0x76: {  	v16 =	vsub.f32 $1.500000000e+00, v16;
	_ =	sdelay $0x1  }
0x77: {  	v15 =	vmul.f32 v16, v15;
	_ =	sdelay $0x1  }
0x78: {  	v12 =	vmul.f32 v15, v12;
	_ =	sdelay $0x1  }
0x79: {  	v12 =	vmul.f32 $2.000000030e-01, v12;
	_ =	sdelay $0x1  }
0x7a: {  	v44 =	vmin.f32 v12, $1.000000000e+00  }
0x7b: {  	v45 =	vmul.f32 $3.141592740e+00, v44;
	_ =	sdelay $0x1  }
0x7c: {  	v17 =	vadd.f32 $-1.570796370e+00, v45;
	_ =	sdelay $0x1  }
0x7d: {  	v46 =	vmul.f32 v17, v17;
	_ =	sdelay $0x1  }
0x7e: {  	v47 =	vmul.f32 $2.505210790e-08, v46;
	_ =	sdelay $0x1  }
0x7f: {  	v48 =	vmul.f32 $2.087675590e-09, v46;
	v19 =	vsub.f32 $2.755731880e-06, v47;
	_ =	sdelay $0x1  }
0x80: {  	v20 =	vadd.f32 $-2.755732000e-07, v48;
	v19 =	vmul.f32 v19, v46;
	_ =	sdelay $0x1  }
0x81: {  	v20 =	vmul.f32 v20, v46;
	v19 =	vadd.f32 $-1.984127010e-04, v19;
	_ =	sdelay $0x1  }
0x82: {  	v20 =	vadd.f32 $2.480158760e-05, v20;
	v19 =	vmul.f32 v19, v46;
	_ =	sdelay $0x1  }
0x83: {  	v20 =	vmul.f32 v20, v46;
	v19 =	vadd.f32 $8.333333770e-03, v19;
	_ =	sdelay $0x1  }
0x84: {  	v20 =	vadd.f32 $-1.388888920e-03, v20;
	v19 =	vmul.f32 v19, v46;
	_ =	sdelay $0x1  }
0x85: {  	v20 =	vmul.f32 v20, v46;
	v19 =	vadd.f32 $-1.666666720e-01, v19;
	_ =	sdelay $0x1  }
0x86: {  	v20 =	vadd.f32 $4.166666790e-02, v20;
	v19 =	vmul.f32 v19, v46;
	_ =	sdelay $0x1  }
0x87: {  	v20 =	vmul.f32 v20, v46;
	v19 =	vadd.f32 $1.000000000e+00, v19;
	_ =	sdelay $0x1  }
0x88: {  	v20 =	vadd.f32 $-5.000000000e-01, v20;
	v17 =	vmul.f32 v19, v17;
	_ =	sdelay $0x1  }
0x89: {  	v18 =	vmul.f32 v20, v46;
	v17 =	vsub.f32 $0.0e+00, v17  }
0x8a: {  	v49 =	vmul.f32 v44, v44  }
0x8b: {  	v18 =	vadd.f32 $1.000000000e+00, v18;
	v17 =	vadd.f32 v17, v17  }
0x8c: {  	v19 =	vmul.f32 v49, v44  }
0x8d: {  	v50 =	vmul.f32 v17, v18  }
0x8e: {  	v19 =	vmul.f32 v19, v19  }
0x8f: {  	v52 =	vmul.f32 v50, v17  }
0x90: {  	v51 =	vmul.f32 v19, v44  }
0x91: {  	v13 =	vld.idx.msk [tilespmem:v31+s14+$0x0], $0xffff;
	v19 =	vmul.f32 $2.800000000e+01, v19;
	v22 =	vsub.f32 v52, v18  }
0x92: {  	v16 =	vmul.f32 v51, v44  }
0x93: {  	v19 =	vsub.f32 $1.000000000e+00, v19;
	v21 =	vmul.f32 $4.800000000e+01, v51;
	v53 =	vmul.f32 v22, v17  }
0x94: {  	v14 =	vmul.u32 $0x5, v14  }
0x95: {  	v19 =	vadd.f32 v21, v19;
	v16 =	vmul.f32 $2.100000000e+01, v16;
	v54 =	vsub.f32 v53, v50  }
0x96: {  	v13 =	vsub.s32 v13, v1  }
0x97: {  	v56 =	vadd.s32 v14, v13;
	v16 =	vsub.f32 v19, v16;
	v21 =	vmul.f32 v54, v17  }
0x98: {  	vm13 =	vlt.u32 v13, $0x5;
	vm0 =	vlt.f32 v12, $1.000000000e+00;
	v12 =	vshll.u32 v56, $0x3  }
0x99: {  	v12 =	vnsel vm13, $0x61A80, v12;
	v16 =	vmul.f32 $6.324555270e-01, v16;
	v55 =	vsub.f32 v21, v22  }
0x9a: {  	[tilespmem:$0x11300] =	vst v12;
	v61 =	vor.u32 $0x1, v12  }
0x9b: {  	v63 =	vor.u32 $0x2, v12;
	[tilespmem:$0x11380] =	vst v61;
	v15 =	vmul.f32 v16, v15;
	v59 =	vmul.f32 v55, v17  }
0x9c: {  	v26 =	vor.u32 $0x3, v12;
	[tilespmem:$0x11400] =	vst v63  }
0x9d: {  	v29 =	vor.u32 $0x4, v12;
	[tilespmem:$0x11480] =	vst v26;
	v57 =	vnsel vm0, $0x0, v15;
	v15 =	vsub.f32 v59, v54  }
0x9e: {  	v31 =	vor.u32 $0x5, v12;
	[tilespmem:$0x11500] =	vst v29  }
0x9f: {  	v33 =	vor.u32 $0x6, v12;
	[tilespmem:$0x11580] =	vst v31;
	v24 =	vmul.f32 v15, v17  }
0xa0: {  	v12 =	vor.u32 $0x7, v12;
	[tilespmem:$0x11600] =	vst v33;
	v58 =	vmul.f32 v18, v57  }
0xa1: {  	[tilespmem:$0x11680] =	vst v12;
	v60 =	vmul.f32 v50, v57;
	v27 =	vsub.f32 v24, v55  }
0xa2: {  	v62 =	vmul.f32 v22, v57;
	[tilespmem:$0x11700] =	vst v58  }
0xa3: {  	v25 =	vmul.f32 v54, v57;
	[tilespmem:$0x11780] =	vst v60;
	v17 =	vmul.f32 v27, v17  }
0xa4: {  	[tilespmem:$0x11800] =	vst v62;
	v28 =	vmul.f32 v55, v57  }
0xa5: {  	[tilespmem:$0x11880] =	vst v25;
	v30 =	vmul.f32 v15, v57;
	v15 =	vsub.f32 v17, v15  }
0xa6: {  	[tilespmem:$0x11900] =	vst v28;
	v32 =	vmul.f32 v27, v57  }
0xa7: {  	s18 =	sadd.s32 $0xFFFFFFA0, s1;
	[tilespmem:$0x11980] =	vst v30;
	v14 =	vmul.f32 v15, v57  }
0xa8: {  	v35 =	vor.u32 s18, v0;
	v34 =	vmov s18;
	[tilespmem:$0x11A00] =	vst v32  }
0xa9: {  	v13 =	vshrl.u32 v34, $0x1;
	v36 =	vshrl.u32 v35, $0x1;
	[tilespmem:$0x11A80] =	vst v14  }
0xaa: {  	v13 =	vand.u32 $0x3F80, v13;
	v12 =	vand.u32 $0x4F, v36;
	v14 =	vld [tilespmem:s7+$0xFFFFFFD0]  }
0xab: {  	v12 =	vor.u32 v13, v12;
	_ =	sdelay $0x3  }
0xac: {  	v37 =	vand.u32 $0xFFFF, v14  }
0xad: {  	v12 =	vld.idx.msk [tilespmem:v12+s16+$0x0], $0xffff;
	v14 =	vshrl.u32 v14, $0x10;
	v38 =	vmul.u32 $0x3, v37  }
0xae: {  	v39 =	vmul.u32 $0x3, v14;
	_ =	sdelay $0x1  }
0xaf: {  	v40 =	vadd.s32 $0x1, v38  }
0xb0: {  	v41 =	vadd.s32 $0x1, v39  }
0xb1: {  	v12 =	vshrl.u32 v12, v2;
	v15 =	vadd.s32 $0x2, v38  }
0xb2: {  	v12 =	vand.u32 $0x1F, v12;
	v16 =	vadd.s32 $0x2, v39;
	v43 =	vld.idx.msk [tilespmem:v38+s6+$0x0], $0xffff  }
0xb3: {  	v42 =	vmul.u32 $0x5556, v12;
	v45 =	vld.idx.msk [tilespmem:v39+s6+$0x0], $0xffff  }
0xb4: {  	v44 =	vmul.u32 $0x1C72, v12;
	v17 =	vld.idx.msk [tilespmem:v40+s6+$0x0], $0xffff  }
0xb5: {  	v19 =	vshrl.u32 v42, $0x10;
	v18 =	vld.idx.msk [tilespmem:v41+s6+$0x0], $0xffff  }
0xb6: {  	v21 =	vshrl.u32 v44, $0x10;
	v46 =	vmul.u32 $0xFFFFFFFD, v19;
	v15 =	vld.idx.msk [tilespmem:v15+s6+$0x0], $0xffff  }
0xb7: {  	v47 =	vmul.u32 $0xFFFFFFFD, v21;
	v16 =	vld.idx.msk [tilespmem:v16+s6+$0x0], $0xffff  }
0xb8: {  	v12 =	vadd.s32 v12, v46  }
0xb9: {  	v19 =	vadd.s32 v19, v47;
	v12 =	vcvt.s32.f32 v12;
	v20 =	vsub.f32 v45, v43  }
0xba: {  	v49 =	vcvt.s32.f32 v21;
	v19 =	vcvt.s32.f32 v19  }
0xbb: {  	v48 =	vmul.f32 v12, v11;
	v17 =	vsub.f32 v18, v17;
	v20 =	vmul.f32 $1.000000000e+01, v20  }
0xbc: {  	v52 =	vmul.f32 v49, v6;
	v50 =	vmul.f32 v19, v9;
	v15 =	vsub.f32 v16, v15  }
0xbd: {  	v51 =	vmul.f32 v12, v10;
	v17 =	vmul.f32 $1.000000000e+01, v17;
	v20 =	vadd.f32 v48, v20  }
0xbe: {  	v12 =	vmul.f32 v12, v8;
	v15 =	vmul.f32 $1.000000000e+01, v15  }
0xbf: {  	v53 =	vmul.f32 v19, v7;
	v17 =	vadd.f32 v51, v17;
	v20 =	vadd.f32 v20, v50  }
0xc0: {  	v54 =	vmul.f32 v49, v4;
	v12 =	vadd.f32 v12, v15  }
0xc1: {  	v55 =	vmul.f32 v19, v5;
	v17 =	vadd.f32 v17, v53;
	v16 =	vadd.f32 v20, v52  }
0xc2: {  	v56 =	vmul.f32 v49, v3  }
0xc3: {  	v12 =	vadd.f32 v12, v55;
	v17 =	vadd.f32 v17, v54;
	v16 =	vmul.f32 v16, v16;
	_ =	sdelay $0x1  }
0xc4: {  	v12 =	vadd.f32 v12, v56;
	v17 =	vmul.f32 v17, v17;
	v16 =	vadd.f32 $9.999999710e-10, v16;
	_ =	sdelay $0x1  }
0xc5: {  	v12 =	vmul.f32 v12, v12;
	v57 =	vadd.f32 v16, v17;
	_ =	sdelay $0x1  }
0xc6: {  	v12 =	vadd.f32 v57, v12;
	_ =	sdelay $0x1  }
0xc7: {  	v15 =	vshrl.u32 v12, $0x1;
	v58 =	vmul.f32 $5.000000000e-01, v12  }
0xc8: {  	v15 =	vsub.s32 $0x5F3759DF, v15  }
0xc9: {  	v59 =	vmul.f32 v15, v58;
	_ =	sdelay $0x1  }
0xca: {  	v17 =	vmul.f32 v15, v59;
	_ =	sdelay $0x1  }
0xcb: {  	v17 =	vsub.f32 $1.500000000e+00, v17;
	_ =	sdelay $0x1  }
0xcc: {  	v15 =	vmul.f32 v15, v17;
	_ =	sdelay $0x1  }
0xcd: {  	v17 =	vmul.f32 v15, v58;
	_ =	sdelay $0x1  }
0xce: {  	v17 =	vmul.f32 v17, v15;
	_ =	sdelay $0x1  }
0xcf: {  	v17 =	vsub.f32 $1.500000000e+00, v17;
	_ =	sdelay $0x1  }
0xd0: {  	v15 =	vmul.f32 v17, v15;
	_ =	sdelay $0x1  }
0xd1: {  	v16 =	vmul.f32 v15, v58;
	_ =	sdelay $0x1  }
0xd2: {  	v16 =	vmul.f32 v16, v15;
	_ =	sdelay $0x1  }
0xd3: {  	v16 =	vsub.f32 $1.500000000e+00, v16;
	_ =	sdelay $0x1  }
0xd4: {  	v15 =	vmul.f32 v16, v15;
	_ =	sdelay $0x1  }
0xd5: {  	v12 =	vmul.f32 v15, v12;
	_ =	sdelay $0x1  }
0xd6: {  	v12 =	vmul.f32 $2.000000030e-01, v12;
	_ =	sdelay $0x1  }
0xd7: {  	v60 =	vmin.f32 v12, $1.000000000e+00  }
0xd8: {  	v61 =	vmul.f32 $3.141592740e+00, v60;
	_ =	sdelay $0x1  }
0xd9: {  	v17 =	vadd.f32 $-1.570796370e+00, v61;
	_ =	sdelay $0x1  }
0xda: {  	v62 =	vmul.f32 v17, v17;
	_ =	sdelay $0x1  }
0xdb: {  	v63 =	vmul.f32 $2.505210790e-08, v62;
	_ =	sdelay $0x1  }
0xdc: {  	v24 =	vmul.f32 $2.087675590e-09, v62;
	v19 =	vsub.f32 $2.755731880e-06, v63;
	_ =	sdelay $0x1  }
0xdd: {  	v20 =	vadd.f32 $-2.755732000e-07, v24;
	v19 =	vmul.f32 v19, v62;
	_ =	sdelay $0x1  }
0xde: {  	v20 =	vmul.f32 v20, v62;
	v19 =	vadd.f32 $-1.984127010e-04, v19;
	_ =	sdelay $0x1  }
0xdf: {  	v20 =	vadd.f32 $2.480158760e-05, v20;
	v19 =	vmul.f32 v19, v62;
	_ =	sdelay $0x1  }
0xe0: {  	v20 =	vmul.f32 v20, v62;
	v19 =	vadd.f32 $8.333333770e-03, v19;
	_ =	sdelay $0x1  }
0xe1: {  	v20 =	vadd.f32 $-1.388888920e-03, v20;
	v19 =	vmul.f32 v19, v62;
	_ =	sdelay $0x1  }
0xe2: {  	v20 =	vmul.f32 v20, v62;
	v19 =	vadd.f32 $-1.666666720e-01, v19;
	_ =	sdelay $0x1  }
0xe3: {  	v20 =	vadd.f32 $4.166666790e-02, v20;
	v19 =	vmul.f32 v19, v62;
	_ =	sdelay $0x1  }
0xe4: {  	v20 =	vmul.f32 v20, v62;
	v19 =	vadd.f32 $1.000000000e+00, v19;
	_ =	sdelay $0x1  }
0xe5: {  	v20 =	vadd.f32 $-5.000000000e-01, v20;
	v17 =	vmul.f32 v19, v17;
	_ =	sdelay $0x1  }
0xe6: {  	v18 =	vmul.f32 v20, v62;
	v17 =	vsub.f32 $0.0e+00, v17  }
0xe7: {  	v25 =	vmul.f32 v60, v60  }
0xe8: {  	v18 =	vadd.f32 $1.000000000e+00, v18;
	v17 =	vadd.f32 v17, v17  }
0xe9: {  	v19 =	vmul.f32 v25, v60  }
0xea: {  	v26 =	vmul.f32 v17, v18  }
0xeb: {  	v19 =	vmul.f32 v19, v19  }
0xec: {  	v28 =	vmul.f32 v26, v17  }
0xed: {  	v27 =	vmul.f32 v19, v60  }
0xee: {  	v13 =	vld.idx.msk [tilespmem:v37+s14+$0x0], $0xffff;
	v19 =	vmul.f32 $2.800000000e+01, v19;
	v22 =	vsub.f32 v28, v18  }
0xef: {  	v16 =	vmul.f32 v27, v60  }
0xf0: {  	v19 =	vsub.f32 $1.000000000e+00, v19;
	v21 =	vmul.f32 $4.800000000e+01, v27;
	v29 =	vmul.f32 v22, v17  }
0xf1: {  	v14 =	vmul.u32 $0x5, v14  }
0xf2: {  	v19 =	vadd.f32 v21, v19;
	v16 =	vmul.f32 $2.100000000e+01, v16;
	v30 =	vsub.f32 v29, v26  }
0xf3: {  	v13 =	vsub.s32 v13, v1  }
0xf4: {  	v32 =	vadd.s32 v14, v13;
	v16 =	vsub.f32 v19, v16;
	v21 =	vmul.f32 v30, v17  }
0xf5: {  	vm15 =	vlt.u32 v13, $0x5;
	vm14 =	vlt.f32 v12, $1.000000000e+00;
	v12 =	vshll.u32 v32, $0x3  }
0xf6: {  	v12 =	vnsel vm15, $0x61A80, v12;
	v16 =	vmul.f32 $6.324555270e-01, v16;
	v31 =	vsub.f32 v21, v22  }
0xf7: {  	[tilespmem:$0x11310] =	vst v12;
	v37 =	vor.u32 $0x1, v12  }
0xf8: {  	v39 =	vor.u32 $0x2, v12;
	[tilespmem:$0x11390] =	vst v37;
	v15 =	vmul.f32 v16, v15;
	v35 =	vmul.f32 v31, v17  }
0xf9: {  	v42 =	vor.u32 $0x3, v12;
	[tilespmem:$0x11410] =	vst v39  }
0xfa: {  	v45 =	vor.u32 $0x4, v12;
	[tilespmem:$0x11490] =	vst v42;
	v33 =	vnsel vm14, $0x0, v15;
	v15 =	vsub.f32 v35, v30  }
0xfb: {  	v47 =	vor.u32 $0x5, v12;
	[tilespmem:$0x11510] =	vst v45  }
0xfc: {  	v49 =	vor.u32 $0x6, v12;
	[tilespmem:$0x11590] =	vst v47;
	v40 =	vmul.f32 v15, v17  }
0xfd: {  	v12 =	vor.u32 $0x7, v12;
	[tilespmem:$0x11610] =	vst v49;
	v34 =	vmul.f32 v18, v33  }
0xfe: {  	[tilespmem:$0x11690] =	vst v12;
	v36 =	vmul.f32 v26, v33;
	v43 =	vsub.f32 v40, v31  }
0xff: {  	v38 =	vmul.f32 v22, v33;
	[tilespmem:$0x11710] =	vst v34  }
0x100: {  	v41 =	vmul.f32 v30, v33;
	[tilespmem:$0x11790] =	vst v36;
	v17 =	vmul.f32 v43, v17  }
0x101: {  	[tilespmem:$0x11810] =	vst v38;
	v44 =	vmul.f32 v31, v33  }
0x102: {  	[tilespmem:$0x11890] =	vst v41;
	v46 =	vmul.f32 v15, v33;
	v15 =	vsub.f32 v17, v15  }
0x103: {  	[tilespmem:$0x11910] =	vst v44;
	v48 =	vmul.f32 v43, v33  }
0x104: {  	s9 =	sadd.s32 $0xFFFFFFB0, s1;
	[tilespmem:$0x11990] =	vst v46;
	v14 =	vmul.f32 v15, v33  }
0x105: {  	v51 =	vor.u32 s9, v0;
	v50 =	vmov s9;
	[tilespmem:$0x11A10] =	vst v48  }
0x106: {  	v13 =	vshrl.u32 v50, $0x1;
	v52 =	vshrl.u32 v51, $0x1;
	[tilespmem:$0x11A90] =	vst v14  }
0x107: {  	v13 =	vand.u32 $0x3F80, v13;
	v12 =	vand.u32 $0x57, v52;
	v14 =	vld [tilespmem:s7+$0xFFFFFFE0]  }
0x108: {  	v12 =	vor.u32 v13, v12;
	_ =	sdelay $0x3  }
0x109: {  	v53 =	vand.u32 $0xFFFF, v14  }
0x10a: {  	v12 =	vld.idx.msk [tilespmem:v12+s16+$0x0], $0xffff;
	v14 =	vshrl.u32 v14, $0x10;
	v54 =	vmul.u32 $0x3, v53  }
0x10b: {  	v55 =	vmul.u32 $0x3, v14;
	_ =	sdelay $0x1  }
0x10c: {  	v56 =	vadd.s32 $0x1, v54  }
0x10d: {  	v57 =	vadd.s32 $0x1, v55  }
0x10e: {  	v12 =	vshrl.u32 v12, v2;
	v15 =	vadd.s32 $0x2, v54  }
0x10f: {  	v12 =	vand.u32 $0x1F, v12;
	v16 =	vadd.s32 $0x2, v55;
	v59 =	vld.idx.msk [tilespmem:v54+s6+$0x0], $0xffff  }
0x110: {  	v58 =	vmul.u32 $0x5556, v12;
	v61 =	vld.idx.msk [tilespmem:v55+s6+$0x0], $0xffff  }
0x111: {  	v60 =	vmul.u32 $0x1C72, v12;
	v17 =	vld.idx.msk [tilespmem:v56+s6+$0x0], $0xffff  }
0x112: {  	v19 =	vshrl.u32 v58, $0x10;
	v18 =	vld.idx.msk [tilespmem:v57+s6+$0x0], $0xffff  }
0x113: {  	v21 =	vshrl.u32 v60, $0x10;
	v62 =	vmul.u32 $0xFFFFFFFD, v19;
	v15 =	vld.idx.msk [tilespmem:v15+s6+$0x0], $0xffff  }
0x114: {  	v63 =	vmul.u32 $0xFFFFFFFD, v21;
	v16 =	vld.idx.msk [tilespmem:v16+s6+$0x0], $0xffff  }
0x115: {  	v12 =	vadd.s32 v12, v62  }
0x116: {  	v19 =	vadd.s32 v19, v63;
	v12 =	vcvt.s32.f32 v12;
	v20 =	vsub.f32 v61, v59  }
0x117: {  	v29 =	vcvt.s32.f32 v21;
	v19 =	vcvt.s32.f32 v19  }
0x118: {  	v28 =	vmul.f32 v12, v11;
	v17 =	vsub.f32 v18, v17;
	v20 =	vmul.f32 $1.000000000e+01, v20  }
0x119: {  	v32 =	vmul.f32 v29, v6;
	v30 =	vmul.f32 v19, v9;
	v15 =	vsub.f32 v16, v15  }
0x11a: {  	v31 =	vmul.f32 v12, v10;
	v17 =	vmul.f32 $1.000000000e+01, v17;
	v20 =	vadd.f32 v28, v20  }
0x11b: {  	v12 =	vmul.f32 v12, v8;
	v15 =	vmul.f32 $1.000000000e+01, v15  }
0x11c: {  	v33 =	vmul.f32 v19, v7;
	v17 =	vadd.f32 v31, v17;
	v20 =	vadd.f32 v20, v30  }
0x11d: {  	v34 =	vmul.f32 v29, v4;
	v12 =	vadd.f32 v12, v15  }
0x11e: {  	v35 =	vmul.f32 v19, v5;
	v17 =	vadd.f32 v17, v33;
	v16 =	vadd.f32 v20, v32  }
0x11f: {  	v36 =	vmul.f32 v29, v3  }
0x120: {  	v12 =	vadd.f32 v12, v35;
	v17 =	vadd.f32 v17, v34;
	v16 =	vmul.f32 v16, v16;
	_ =	sdelay $0x1  }
0x121: {  	v12 =	vadd.f32 v12, v36;
	v17 =	vmul.f32 v17, v17;
	v16 =	vadd.f32 $9.999999710e-10, v16;
	_ =	sdelay $0x1  }
0x122: {  	v12 =	vmul.f32 v12, v12;
	v37 =	vadd.f32 v16, v17;
	_ =	sdelay $0x1  }
0x123: {  	v12 =	vadd.f32 v37, v12;
	_ =	sdelay $0x1  }
0x124: {  	v15 =	vshrl.u32 v12, $0x1;
	v38 =	vmul.f32 $5.000000000e-01, v12  }
0x125: {  	v15 =	vsub.s32 $0x5F3759DF, v15  }
0x126: {  	v39 =	vmul.f32 v15, v38;
	_ =	sdelay $0x1  }
0x127: {  	v17 =	vmul.f32 v15, v39;
	_ =	sdelay $0x1  }
0x128: {  	v17 =	vsub.f32 $1.500000000e+00, v17;
	_ =	sdelay $0x1  }
0x129: {  	v15 =	vmul.f32 v15, v17;
	_ =	sdelay $0x1  }
0x12a: {  	v17 =	vmul.f32 v15, v38;
	_ =	sdelay $0x1  }
0x12b: {  	v17 =	vmul.f32 v17, v15;
	_ =	sdelay $0x1  }
0x12c: {  	v17 =	vsub.f32 $1.500000000e+00, v17;
	_ =	sdelay $0x1  }
0x12d: {  	v15 =	vmul.f32 v17, v15;
	_ =	sdelay $0x1  }
0x12e: {  	v16 =	vmul.f32 v15, v38;
	_ =	sdelay $0x1  }
0x12f: {  	v16 =	vmul.f32 v16, v15;
	_ =	sdelay $0x1  }
0x130: {  	v16 =	vsub.f32 $1.500000000e+00, v16;
	_ =	sdelay $0x1  }
0x131: {  	v15 =	vmul.f32 v16, v15;
	_ =	sdelay $0x1  }
0x132: {  	v12 =	vmul.f32 v15, v12;
	_ =	sdelay $0x1  }
0x133: {  	v12 =	vmul.f32 $2.000000030e-01, v12;
	_ =	sdelay $0x1  }
0x134: {  	v40 =	vmin.f32 v12, $1.000000000e+00  }
0x135: {  	v41 =	vmul.f32 $3.141592740e+00, v40;
	_ =	sdelay $0x1  }
0x136: {  	v17 =	vadd.f32 $-1.570796370e+00, v41;
	_ =	sdelay $0x1  }
0x137: {  	v42 =	vmul.f32 v17, v17;
	_ =	sdelay $0x1  }
0x138: {  	v43 =	vmul.f32 $2.505210790e-08, v42;
	_ =	sdelay $0x1  }
0x139: {  	v44 =	vmul.f32 $2.087675590e-09, v42;
	v19 =	vsub.f32 $2.755731880e-06, v43;
	_ =	sdelay $0x1  }
0x13a: {  	v20 =	vadd.f32 $-2.755732000e-07, v44;
	v19 =	vmul.f32 v19, v42;
	_ =	sdelay $0x1  }
0x13b: {  	v20 =	vmul.f32 v20, v42;
	v19 =	vadd.f32 $-1.984127010e-04, v19;
	_ =	sdelay $0x1  }
0x13c: {  	v20 =	vadd.f32 $2.480158760e-05, v20;
	v19 =	vmul.f32 v19, v42;
	_ =	sdelay $0x1  }
0x13d: {  	v20 =	vmul.f32 v20, v42;
	v19 =	vadd.f32 $8.333333770e-03, v19;
	_ =	sdelay $0x1  }
0x13e: {  	v20 =	vadd.f32 $-1.388888920e-03, v20;
	v19 =	vmul.f32 v19, v42;
	_ =	sdelay $0x1  }
0x13f: {  	v20 =	vmul.f32 v20, v42;
	v19 =	vadd.f32 $-1.666666720e-01, v19;
	_ =	sdelay $0x1  }
0x140: {  	v20 =	vadd.f32 $4.166666790e-02, v20;
	v19 =	vmul.f32 v19, v42;
	_ =	sdelay $0x1  }
0x141: {  	v20 =	vmul.f32 v20, v42;
	v19 =	vadd.f32 $1.000000000e+00, v19;
	_ =	sdelay $0x1  }
0x142: {  	v20 =	vadd.f32 $-5.000000000e-01, v20;
	v17 =	vmul.f32 v19, v17;
	_ =	sdelay $0x1  }
0x143: {  	v18 =	vmul.f32 v20, v42;
	v17 =	vsub.f32 $0.0e+00, v17  }
0x144: {  	v45 =	vmul.f32 v40, v40  }
0x145: {  	v18 =	vadd.f32 $1.000000000e+00, v18;
	v17 =	vadd.f32 v17, v17  }
0x146: {  	v19 =	vmul.f32 v45, v40  }
0x147: {  	v46 =	vmul.f32 v17, v18  }
0x148: {  	v19 =	vmul.f32 v19, v19  }
0x149: {  	v48 =	vmul.f32 v46, v17  }
0x14a: {  	v47 =	vmul.f32 v19, v40  }
0x14b: {  	v13 =	vld.idx.msk [tilespmem:v53+s14+$0x0], $0xffff;
	v19 =	vmul.f32 $2.800000000e+01, v19;
	v22 =	vsub.f32 v48, v18  }
0x14c: {  	v16 =	vmul.f32 v47, v40  }
0x14d: {  	v19 =	vsub.f32 $1.000000000e+00, v19;
	v21 =	vmul.f32 $4.800000000e+01, v47;
	v49 =	vmul.f32 v22, v17  }
0x14e: {  	v14 =	vmul.u32 $0x5, v14  }
0x14f: {  	v19 =	vadd.f32 v21, v19;
	v16 =	vmul.f32 $2.100000000e+01, v16;
	v50 =	vsub.f32 v49, v46  }
0x150: {  	v13 =	vsub.s32 v13, v1  }
0x151: {  	v52 =	vadd.s32 v14, v13;
	v16 =	vsub.f32 v19, v16;
	v21 =	vmul.f32 v50, v17  }
0x152: {  	vm5 =	vlt.u32 v13, $0x5;
	vm4 =	vlt.f32 v12, $1.000000000e+00;
	v12 =	vshll.u32 v52, $0x3  }
0x153: {  	v12 =	vnsel vm5, $0x61A80, v12;
	v16 =	vmul.f32 $6.324555270e-01, v16;
	v51 =	vsub.f32 v21, v22  }
0x154: {  	[tilespmem:$0x11320] =	vst v12;
	v57 =	vor.u32 $0x1, v12  }
0x155: {  	v59 =	vor.u32 $0x2, v12;
	[tilespmem:$0x113A0] =	vst v57;
	v15 =	vmul.f32 v16, v15;
	v55 =	vmul.f32 v51, v17  }
0x156: {  	v62 =	vor.u32 $0x3, v12;
	[tilespmem:$0x11420] =	vst v59  }
0x157: {  	v23 =	vor.u32 $0x5, v12;
	[tilespmem:$0x114A0] =	vst v62;
	v53 =	vnsel vm4, $0x0, v15;
	v15 =	vsub.f32 v55, v50  }
0x158: {  	v25 =	vor.u32 $0x6, v12;
	[tilespmem:$0x115A0] =	vst v23;
	v54 =	vmul.f32 v18, v53  }
0x159: {  	[tilespmem:$0x11620] =	vst v25;
	v56 =	vmul.f32 v46, v53;
	v60 =	vmul.f32 v15, v17  }
0x15a: {  	v58 =	vmul.f32 v22, v53;
	[tilespmem:$0x11720] =	vst v54  }
0x15b: {  	v61 =	vmul.f32 v50, v53;
	[tilespmem:$0x117A0] =	vst v56;
	v63 =	vsub.f32 v60, v51  }
0x15c: {  	[tilespmem:$0x11820] =	vst v58  }
0x15d: {  	v21 =	vor.u32 $0x4, v12;
	[tilespmem:$0x118A0] =	vst v61;
	v17 =	vmul.f32 v63, v17  }
0x15e: {  	v12 =	vor.u32 $0x7, v12;
	[tilespmem:$0x11520] =	vst v21;
	v20 =	vmul.f32 v51, v53  }
0x15f: {  	[tilespmem:$0x116A0] =	vst v12;
	v22 =	vmul.f32 v15, v53;
	v15 =	vsub.f32 v17, v15  }
0x160: {  	[tilespmem:$0x11920] =	vst v20;
	v24 =	vmul.f32 v63, v53  }
0x161: {  	s10 =	sadd.s32 $0xFFFFFFC0, s1;
	[tilespmem:$0x119A0] =	vst v22;
	v14 =	vmul.f32 v15, v53  }
0x162: {  	v27 =	vor.u32 s10, v0;
	v26 =	vmov s10;
	[tilespmem:$0x11A20] =	vst v24  }
0x163: {  	v13 =	vshrl.u32 v26, $0x1;
	v28 =	vshrl.u32 v27, $0x1;
	[tilespmem:$0x11AA0] =	vst v14  }
0x164: {  	v13 =	vand.u32 $0x3F80, v13;
	v12 =	vand.u32 $0x5F, v28;
	v14 =	vld [tilespmem:s7+$0xFFFFFFF0]  }
0x165: {  	v12 =	vor.u32 v13, v12;
	_ =	sdelay $0x3  }
0x166: {  	v29 =	vand.u32 $0xFFFF, v14  }
0x167: {  	v12 =	vld.idx.msk [tilespmem:v12+s16+$0x0], $0xffff;
	v14 =	vshrl.u32 v14, $0x10;
	v30 =	vmul.u32 $0x3, v29  }
0x168: {  	v31 =	vmul.u32 $0x3, v14;
	_ =	sdelay $0x1  }
0x169: {  	v32 =	vadd.s32 $0x1, v30  }
0x16a: {  	v33 =	vadd.s32 $0x1, v31  }
0x16b: {  	v12 =	vshrl.u32 v12, v2;
	v15 =	vadd.s32 $0x2, v30  }
0x16c: {  	v12 =	vand.u32 $0x1F, v12;
	v16 =	vadd.s32 $0x2, v31;
	v35 =	vld.idx.msk [tilespmem:v30+s6+$0x0], $0xffff  }
0x16d: {  	v34 =	vmul.u32 $0x5556, v12;
	v37 =	vld.idx.msk [tilespmem:v31+s6+$0x0], $0xffff  }
0x16e: {  	v36 =	vmul.u32 $0x1C72, v12;
	v17 =	vld.idx.msk [tilespmem:v32+s6+$0x0], $0xffff  }
0x16f: {  	v19 =	vshrl.u32 v34, $0x10;
	v18 =	vld.idx.msk [tilespmem:v33+s6+$0x0], $0xffff  }
0x170: {  	v21 =	vshrl.u32 v36, $0x10;
	v38 =	vmul.u32 $0xFFFFFFFD, v19;
	v15 =	vld.idx.msk [tilespmem:v15+s6+$0x0], $0xffff  }
0x171: {  	v39 =	vmul.u32 $0xFFFFFFFD, v21;
	v16 =	vld.idx.msk [tilespmem:v16+s6+$0x0], $0xffff  }
0x172: {  	v12 =	vadd.s32 v12, v38  }
0x173: {  	v19 =	vadd.s32 v19, v39;
	v12 =	vcvt.s32.f32 v12;
	v20 =	vsub.f32 v37, v35  }
0x174: {  	v41 =	vcvt.s32.f32 v21;
	v19 =	vcvt.s32.f32 v19  }
0x175: {  	v40 =	vmul.f32 v12, v11;
	v17 =	vsub.f32 v18, v17;
	v20 =	vmul.f32 $1.000000000e+01, v20  }
0x176: {  	v44 =	vmul.f32 v41, v6;
	v42 =	vmul.f32 v19, v9;
	v15 =	vsub.f32 v16, v15  }
0x177: {  	v43 =	vmul.f32 v12, v10;
	v17 =	vmul.f32 $1.000000000e+01, v17;
	v20 =	vadd.f32 v40, v20  }
0x178: {  	v12 =	vmul.f32 v12, v8;
	v15 =	vmul.f32 $1.000000000e+01, v15  }
0x179: {  	v45 =	vmul.f32 v19, v7;
	v17 =	vadd.f32 v43, v17;
	v20 =	vadd.f32 v20, v42  }
0x17a: {  	v46 =	vmul.f32 v41, v4;
	v12 =	vadd.f32 v12, v15  }
0x17b: {  	v47 =	vmul.f32 v19, v5;
	v17 =	vadd.f32 v17, v45;
	v16 =	vadd.f32 v20, v44  }
0x17c: {  	v48 =	vmul.f32 v41, v3  }
0x17d: {  	v12 =	vadd.f32 v12, v47;
	v17 =	vadd.f32 v17, v46;
	v16 =	vmul.f32 v16, v16;
	_ =	sdelay $0x1  }
0x17e: {  	v12 =	vadd.f32 v12, v48;
	v17 =	vmul.f32 v17, v17;
	v16 =	vadd.f32 $9.999999710e-10, v16;
	_ =	sdelay $0x1  }
0x17f: {  	v12 =	vmul.f32 v12, v12;
	v49 =	vadd.f32 v16, v17;
	_ =	sdelay $0x1  }
0x180: {  	v12 =	vadd.f32 v49, v12;
	_ =	sdelay $0x1  }
0x181: {  	v15 =	vshrl.u32 v12, $0x1;
	v50 =	vmul.f32 $5.000000000e-01, v12  }
0x182: {  	v15 =	vsub.s32 $0x5F3759DF, v15  }
0x183: {  	v51 =	vmul.f32 v15, v50;
	_ =	sdelay $0x1  }
0x184: {  	v17 =	vmul.f32 v15, v51;
	_ =	sdelay $0x1  }
0x185: {  	v17 =	vsub.f32 $1.500000000e+00, v17;
	_ =	sdelay $0x1  }
0x186: {  	v15 =	vmul.f32 v15, v17;
	_ =	sdelay $0x1  }
0x187: {  	v17 =	vmul.f32 v15, v50;
	_ =	sdelay $0x1  }
0x188: {  	v17 =	vmul.f32 v17, v15;
	_ =	sdelay $0x1  }
0x189: {  	v17 =	vsub.f32 $1.500000000e+00, v17;
	_ =	sdelay $0x1  }
0x18a: {  	v15 =	vmul.f32 v17, v15;
	_ =	sdelay $0x1  }
0x18b: {  	v16 =	vmul.f32 v15, v50;
	_ =	sdelay $0x1  }
0x18c: {  	v16 =	vmul.f32 v16, v15;
	_ =	sdelay $0x1  }
0x18d: {  	v16 =	vsub.f32 $1.500000000e+00, v16;
	_ =	sdelay $0x1  }
0x18e: {  	v15 =	vmul.f32 v16, v15;
	_ =	sdelay $0x1  }
0x18f: {  	v12 =	vmul.f32 v15, v12;
	_ =	sdelay $0x1  }
0x190: {  	v12 =	vmul.f32 $2.000000030e-01, v12;
	_ =	sdelay $0x1  }
0x191: {  	v52 =	vmin.f32 v12, $1.000000000e+00  }
0x192: {  	v53 =	vmul.f32 $3.141592740e+00, v52;
	_ =	sdelay $0x1  }
0x193: {  	v17 =	vadd.f32 $-1.570796370e+00, v53;
	_ =	sdelay $0x1  }
0x194: {  	v54 =	vmul.f32 v17, v17;
	_ =	sdelay $0x1  }
0x195: {  	v55 =	vmul.f32 $2.505210790e-08, v54;
	_ =	sdelay $0x1  }
0x196: {  	v56 =	vmul.f32 $2.087675590e-09, v54;
	v19 =	vsub.f32 $2.755731880e-06, v55;
	_ =	sdelay $0x1  }
0x197: {  	v20 =	vadd.f32 $-2.755732000e-07, v56;
	v19 =	vmul.f32 v19, v54;
	_ =	sdelay $0x1  }
0x198: {  	v20 =	vmul.f32 v20, v54;
	v19 =	vadd.f32 $-1.984127010e-04, v19;
	_ =	sdelay $0x1  }
0x199: {  	v20 =	vadd.f32 $2.480158760e-05, v20;
	v19 =	vmul.f32 v19, v54;
	_ =	sdelay $0x1  }
0x19a: {  	v20 =	vmul.f32 v20, v54;
	v19 =	vadd.f32 $8.333333770e-03, v19;
	_ =	sdelay $0x1  }
0x19b: {  	v20 =	vadd.f32 $-1.388888920e-03, v20;
	v19 =	vmul.f32 v19, v54;
	_ =	sdelay $0x1  }
0x19c: {  	v20 =	vmul.f32 v20, v54;
	v19 =	vadd.f32 $-1.666666720e-01, v19;
	_ =	sdelay $0x1  }
0x19d: {  	v20 =	vadd.f32 $4.166666790e-02, v20;
	v19 =	vmul.f32 v19, v54;
	_ =	sdelay $0x1  }
0x19e: {  	v20 =	vmul.f32 v20, v54;
	v19 =	vadd.f32 $1.000000000e+00, v19;
	_ =	sdelay $0x1  }
0x19f: {  	v20 =	vadd.f32 $-5.000000000e-01, v20;
	v17 =	vmul.f32 v19, v17;
	_ =	sdelay $0x1  }
0x1a0: {  	v18 =	vmul.f32 v20, v54;
	v17 =	vsub.f32 $0.0e+00, v17  }
0x1a1: {  	v57 =	vmul.f32 v52, v52  }
0x1a2: {  	v18 =	vadd.f32 $1.000000000e+00, v18;
	v17 =	vadd.f32 v17, v17  }
0x1a3: {  	v19 =	vmul.f32 v57, v52  }
0x1a4: {  	v58 =	vmul.f32 v17, v18  }
0x1a5: {  	v19 =	vmul.f32 v19, v19  }
0x1a6: {  	v60 =	vmul.f32 v58, v17  }
0x1a7: {  	v59 =	vmul.f32 v19, v52  }
0x1a8: {  	v13 =	vld.idx.msk [tilespmem:v29+s14+$0x0], $0xffff;
	v19 =	vmul.f32 $2.800000000e+01, v19;
	v22 =	vsub.f32 v60, v18  }
0x1a9: {  	v16 =	vmul.f32 v59, v52  }
0x1aa: {  	v19 =	vsub.f32 $1.000000000e+00, v19;
	v21 =	vmul.f32 $4.800000000e+01, v59;
	v61 =	vmul.f32 v22, v17  }
0x1ab: {  	v14 =	vmul.u32 $0x5, v14  }
0x1ac: {  	v19 =	vadd.f32 v21, v19;
	v16 =	vmul.f32 $2.100000000e+01, v16;
	v62 =	vsub.f32 v61, v58  }
0x1ad: {  	v13 =	vsub.s32 v13, v1  }
0x1ae: {  	v24 =	vadd.s32 v14, v13;
	v16 =	vsub.f32 v19, v16;
	v21 =	vmul.f32 v62, v17  }
0x1af: {  	vm7 =	vlt.u32 v13, $0x5;
	vm6 =	vlt.f32 v12, $1.000000000e+00;
	v12 =	vshll.u32 v24, $0x3  }
0x1b0: {  	v12 =	vnsel vm7, $0x61A80, v12;
	v16 =	vmul.f32 $6.324555270e-01, v16;
	v63 =	vsub.f32 v21, v22  }
0x1b1: {  	[tilespmem:$0x11330] =	vst v12;
	v29 =	vor.u32 $0x1, v12  }
0x1b2: {  	v31 =	vor.u32 $0x2, v12;
	[tilespmem:$0x113B0] =	vst v29;
	v15 =	vmul.f32 v16, v15;
	v27 =	vmul.f32 v63, v17  }
0x1b3: {  	v34 =	vor.u32 $0x3, v12;
	[tilespmem:$0x11430] =	vst v31  }
0x1b4: {  	v37 =	vor.u32 $0x4, v12;
	[tilespmem:$0x114B0] =	vst v34;
	v25 =	vnsel vm6, $0x0, v15;
	v15 =	vsub.f32 v27, v62  }
0x1b5: {  	v39 =	vor.u32 $0x5, v12;
	[tilespmem:$0x11530] =	vst v37  }
0x1b6: {  	v41 =	vor.u32 $0x6, v12;
	[tilespmem:$0x115B0] =	vst v39;
	v32 =	vmul.f32 v15, v17  }
0x1b7: {  	v12 =	vor.u32 $0x7, v12;
	[tilespmem:$0x11630] =	vst v41;
	v26 =	vmul.f32 v18, v25  }
0x1b8: {  	[tilespmem:$0x116B0] =	vst v12;
	v28 =	vmul.f32 v58, v25;
	v35 =	vsub.f32 v32, v63  }
0x1b9: {  	v30 =	vmul.f32 v22, v25;
	[tilespmem:$0x11730] =	vst v26  }
0x1ba: {  	v33 =	vmul.f32 v62, v25;
	[tilespmem:$0x117B0] =	vst v28;
	v17 =	vmul.f32 v35, v17  }
0x1bb: {  	[tilespmem:$0x11830] =	vst v30;
	v36 =	vmul.f32 v63, v25  }
0x1bc: {  	[tilespmem:$0x118B0] =	vst v33;
	v38 =	vmul.f32 v15, v25;
	v15 =	vsub.f32 v17, v15  }
0x1bd: {  	[tilespmem:$0x11930] =	vst v36;
	v40 =	vmul.f32 v35, v25  }
0x1be: {  	s11 =	sadd.s32 $0xFFFFFFD0, s1;
	[tilespmem:$0x119B0] =	vst v38;
	v14 =	vmul.f32 v15, v25  }
0x1bf: {  	v43 =	vor.u32 s11, v0;
	v42 =	vmov s11;
	[tilespmem:$0x11A30] =	vst v40  }
0x1c0: {  	v13 =	vshrl.u32 v42, $0x1;
	v44 =	vshrl.u32 v43, $0x1;
	[tilespmem:$0x11AB0] =	vst v14  }
0x1c1: {  	v13 =	vand.u32 $0x3F80, v13;
	v12 =	vand.u32 $0x67, v44;
	v14 =	vld [tilespmem:s7+$0x0]  }
0x1c2: {  	v12 =	vor.u32 v13, v12;
	_ =	sdelay $0x3  }
0x1c3: {  	v45 =	vand.u32 $0xFFFF, v14  }
0x1c4: {  	v12 =	vld.idx.msk [tilespmem:v12+s16+$0x0], $0xffff;
	v14 =	vshrl.u32 v14, $0x10;
	v46 =	vmul.u32 $0x3, v45  }
0x1c5: {  	v47 =	vmul.u32 $0x3, v14;
	_ =	sdelay $0x1  }
0x1c6: {  	v48 =	vadd.s32 $0x1, v46  }
0x1c7: {  	v49 =	vadd.s32 $0x1, v47  }
0x1c8: {  	v12 =	vshrl.u32 v12, v2;
	v15 =	vadd.s32 $0x2, v46  }
0x1c9: {  	v12 =	vand.u32 $0x1F, v12;
	v16 =	vadd.s32 $0x2, v47;
	v51 =	vld.idx.msk [tilespmem:v46+s6+$0x0], $0xffff  }
0x1ca: {  	v50 =	vmul.u32 $0x5556, v12;
	v53 =	vld.idx.msk [tilespmem:v47+s6+$0x0], $0xffff  }
0x1cb: {  	v52 =	vmul.u32 $0x1C72, v12;
	v17 =	vld.idx.msk [tilespmem:v48+s6+$0x0], $0xffff  }
0x1cc: {  	v19 =	vshrl.u32 v50, $0x10;
	v18 =	vld.idx.msk [tilespmem:v49+s6+$0x0], $0xffff  }
0x1cd: {  	v21 =	vshrl.u32 v52, $0x10;
	v54 =	vmul.u32 $0xFFFFFFFD, v19;
	v15 =	vld.idx.msk [tilespmem:v15+s6+$0x0], $0xffff  }
0x1ce: {  	v55 =	vmul.u32 $0xFFFFFFFD, v21;
	v16 =	vld.idx.msk [tilespmem:v16+s6+$0x0], $0xffff  }
0x1cf: {  	v12 =	vadd.s32 v12, v54  }
0x1d0: {  	v19 =	vadd.s32 v19, v55;
	v12 =	vcvt.s32.f32 v12;
	v20 =	vsub.f32 v53, v51  }
0x1d1: {  	v57 =	vcvt.s32.f32 v21;
	v19 =	vcvt.s32.f32 v19  }
0x1d2: {  	v56 =	vmul.f32 v12, v11;
	v17 =	vsub.f32 v18, v17;
	v20 =	vmul.f32 $1.000000000e+01, v20  }
0x1d3: {  	v60 =	vmul.f32 v57, v6;
	v58 =	vmul.f32 v19, v9;
	v15 =	vsub.f32 v16, v15  }
0x1d4: {  	v59 =	vmul.f32 v12, v10;
	v17 =	vmul.f32 $1.000000000e+01, v17;
	v20 =	vadd.f32 v56, v20  }
0x1d5: {  	v12 =	vmul.f32 v12, v8;
	v15 =	vmul.f32 $1.000000000e+01, v15  }
0x1d6: {  	v61 =	vmul.f32 v19, v7;
	v17 =	vadd.f32 v59, v17;
	v20 =	vadd.f32 v20, v58  }
0x1d7: {  	v63 =	vmul.f32 v19, v5;
	v12 =	vadd.f32 v12, v15  }
0x1d8: {  	v62 =	vmul.f32 v57, v4;
	v17 =	vadd.f32 v17, v61;
	v16 =	vadd.f32 v20, v60  }
0x1d9: {  	v12 =	vadd.f32 v12, v63  }
0x1da: {  	v20 =	vmul.f32 v57, v3;
	v17 =	vadd.f32 v17, v62;
	v16 =	vmul.f32 v16, v16;
	_ =	sdelay $0x1  }
0x1db: {  	v12 =	vadd.f32 v12, v20;
	v17 =	vmul.f32 v17, v17;
	v16 =	vadd.f32 $9.999999710e-10, v16;
	_ =	sdelay $0x1  }
0x1dc: {  	v12 =	vmul.f32 v12, v12;
	v21 =	vadd.f32 v16, v17;
	_ =	sdelay $0x1  }
0x1dd: {  	v12 =	vadd.f32 v21, v12;
	_ =	sdelay $0x1  }
0x1de: {  	v15 =	vshrl.u32 v12, $0x1;
	v22 =	vmul.f32 $5.000000000e-01, v12  }
0x1df: {  	v15 =	vsub.s32 $0x5F3759DF, v15  }
0x1e0: {  	v23 =	vmul.f32 v15, v22;
	_ =	sdelay $0x1  }
0x1e1: {  	v17 =	vmul.f32 v15, v23;
	_ =	sdelay $0x1  }
0x1e2: {  	v17 =	vsub.f32 $1.500000000e+00, v17;
	_ =	sdelay $0x1  }
0x1e3: {  	v15 =	vmul.f32 v15, v17;
	_ =	sdelay $0x1  }
0x1e4: {  	v17 =	vmul.f32 v15, v22;
	_ =	sdelay $0x1  }
0x1e5: {  	v17 =	vmul.f32 v17, v15;
	_ =	sdelay $0x1  }
0x1e6: {  	v17 =	vsub.f32 $1.500000000e+00, v17;
	_ =	sdelay $0x1  }
0x1e7: {  	v15 =	vmul.f32 v17, v15;
	_ =	sdelay $0x1  }
0x1e8: {  	v16 =	vmul.f32 v15, v22;
	_ =	sdelay $0x1  }
0x1e9: {  	v16 =	vmul.f32 v16, v15;
	_ =	sdelay $0x1  }
0x1ea: {  	v16 =	vsub.f32 $1.500000000e+00, v16;
	_ =	sdelay $0x1  }
0x1eb: {  	v15 =	vmul.f32 v16, v15;
	_ =	sdelay $0x1  }
0x1ec: {  	v12 =	vmul.f32 v15, v12;
	_ =	sdelay $0x1  }
0x1ed: {  	v12 =	vmul.f32 $2.000000030e-01, v12;
	_ =	sdelay $0x1  }
0x1ee: {  	v24 =	vmin.f32 v12, $1.000000000e+00  }
0x1ef: {  	v25 =	vmul.f32 $3.141592740e+00, v24;
	_ =	sdelay $0x1  }
0x1f0: {  	v17 =	vadd.f32 $-1.570796370e+00, v25;
	_ =	sdelay $0x1  }
0x1f1: {  	v26 =	vmul.f32 v17, v17;
	_ =	sdelay $0x1  }
0x1f2: {  	v27 =	vmul.f32 $2.505210790e-08, v26;
	_ =	sdelay $0x1  }
0x1f3: {  	v28 =	vmul.f32 $2.087675590e-09, v26;
	v19 =	vsub.f32 $2.755731880e-06, v27;
	_ =	sdelay $0x1  }
0x1f4: {  	v20 =	vadd.f32 $-2.755732000e-07, v28;
	v19 =	vmul.f32 v19, v26;
	_ =	sdelay $0x1  }
0x1f5: {  	v20 =	vmul.f32 v20, v26;
	v19 =	vadd.f32 $-1.984127010e-04, v19;
	_ =	sdelay $0x1  }
0x1f6: {  	v20 =	vadd.f32 $2.480158760e-05, v20;
	v19 =	vmul.f32 v19, v26;
	_ =	sdelay $0x1  }
0x1f7: {  	v20 =	vmul.f32 v20, v26;
	v19 =	vadd.f32 $8.333333770e-03, v19;
	_ =	sdelay $0x1  }
0x1f8: {  	v20 =	vadd.f32 $-1.388888920e-03, v20;
	v19 =	vmul.f32 v19, v26;
	_ =	sdelay $0x1  }
0x1f9: {  	v20 =	vmul.f32 v20, v26;
	v19 =	vadd.f32 $-1.666666720e-01, v19;
	_ =	sdelay $0x1  }
0x1fa: {  	v20 =	vadd.f32 $4.166666790e-02, v20;
	v19 =	vmul.f32 v19, v26;
	_ =	sdelay $0x1  }
0x1fb: {  	v20 =	vmul.f32 v20, v26;
	v19 =	vadd.f32 $1.000000000e+00, v19;
	_ =	sdelay $0x1  }
0x1fc: {  	v20 =	vadd.f32 $-5.000000000e-01, v20;
	v17 =	vmul.f32 v19, v17;
	_ =	sdelay $0x1  }
0x1fd: {  	v18 =	vmul.f32 v20, v26;
	v17 =	vsub.f32 $0.0e+00, v17  }
0x1fe: {  	v29 =	vmul.f32 v24, v24  }
0x1ff: {  	v18 =	vadd.f32 $1.000000000e+00, v18;
	v17 =	vadd.f32 v17, v17  }
0x200: {  	v19 =	vmul.f32 v29, v24  }
0x201: {  	v30 =	vmul.f32 v17, v18  }
0x202: {  	v19 =	vmul.f32 v19, v19  }
0x203: {  	v32 =	vmul.f32 v30, v17  }
0x204: {  	v31 =	vmul.f32 v19, v24  }
0x205: {  	v13 =	vld.idx.msk [tilespmem:v45+s14+$0x0], $0xffff;
	v19 =	vmul.f32 $2.800000000e+01, v19;
	v22 =	vsub.f32 v32, v18  }
0x206: {  	v16 =	vmul.f32 v31, v24  }
0x207: {  	v19 =	vsub.f32 $1.000000000e+00, v19;
	v21 =	vmul.f32 $4.800000000e+01, v31;
	v33 =	vmul.f32 v22, v17  }
0x208: {  	v14 =	vmul.u32 $0x5, v14  }
0x209: {  	v19 =	vadd.f32 v21, v19;
	v16 =	vmul.f32 $2.100000000e+01, v16;
	v34 =	vsub.f32 v33, v30  }
0x20a: {  	v13 =	vsub.s32 v13, v1  }
0x20b: {  	v36 =	vadd.s32 v14, v13;
	v16 =	vsub.f32 v19, v16;
	v21 =	vmul.f32 v34, v17  }
0x20c: {  	vm9 =	vlt.u32 v13, $0x5;
	vm8 =	vlt.f32 v12, $1.000000000e+00;
	v12 =	vshll.u32 v36, $0x3  }
0x20d: {  	v12 =	vnsel vm9, $0x61A80, v12;
	v16 =	vmul.f32 $6.324555270e-01, v16;
	v35 =	vsub.f32 v21, v22  }
0x20e: {  	[tilespmem:$0x11340] =	vst v12;
	v41 =	vor.u32 $0x1, v12  }
0x20f: {  	v43 =	vor.u32 $0x2, v12;
	[tilespmem:$0x113C0] =	vst v41;
	v15 =	vmul.f32 v16, v15;
	v39 =	vmul.f32 v35, v17  }
0x210: {  	v46 =	vor.u32 $0x3, v12;
	[tilespmem:$0x11440] =	vst v43  }
0x211: {  	v49 =	vor.u32 $0x4, v12;
	[tilespmem:$0x114C0] =	vst v46;
	v37 =	vnsel vm8, $0x0, v15;
	v15 =	vsub.f32 v39, v34  }
0x212: {  	v51 =	vor.u32 $0x5, v12;
	[tilespmem:$0x11540] =	vst v49  }
0x213: {  	v53 =	vor.u32 $0x6, v12;
	[tilespmem:$0x115C0] =	vst v51;
	v44 =	vmul.f32 v15, v17  }
0x214: {  	v12 =	vor.u32 $0x7, v12;
	[tilespmem:$0x11640] =	vst v53;
	v38 =	vmul.f32 v18, v37  }
0x215: {  	[tilespmem:$0x116C0] =	vst v12;
	v40 =	vmul.f32 v30, v37;
	v47 =	vsub.f32 v44, v35  }
0x216: {  	v42 =	vmul.f32 v22, v37;
	[tilespmem:$0x11740] =	vst v38  }
0x217: {  	v45 =	vmul.f32 v34, v37;
	[tilespmem:$0x117C0] =	vst v40;
	v17 =	vmul.f32 v47, v17  }
0x218: {  	[tilespmem:$0x11840] =	vst v42;
	v48 =	vmul.f32 v35, v37  }
0x219: {  	[tilespmem:$0x118C0] =	vst v45;
	v50 =	vmul.f32 v15, v37;
	v15 =	vsub.f32 v17, v15  }
0x21a: {  	[tilespmem:$0x11940] =	vst v48;
	v52 =	vmul.f32 v47, v37  }
0x21b: {  	s15 =	sadd.s32 $0xFFFFFFE0, s1;
	[tilespmem:$0x119C0] =	vst v50;
	v14 =	vmul.f32 v15, v37  }
0x21c: {  	v54 =	vmov s15;
	v55 =	vor.u32 s15, v0;
	[tilespmem:$0x11A40] =	vst v52  }
0x21d: {  	v13 =	vshrl.u32 v54, $0x1;
	v56 =	vshrl.u32 v55, $0x1;
	[tilespmem:$0x11AC0] =	vst v14  }
0x21e: {  	v13 =	vand.u32 $0x3F80, v13;
	v12 =	vand.u32 $0x6F, v56;
	v14 =	vld [tilespmem:s7+$0x10]  }
0x21f: {  	v12 =	vor.u32 v13, v12;
	_ =	sdelay $0x3  }
0x220: {  	v57 =	vand.u32 $0xFFFF, v14  }
0x221: {  	v12 =	vld.idx.msk [tilespmem:v12+s16+$0x0], $0xffff;
	v14 =	vshrl.u32 v14, $0x10;
	v58 =	vmul.u32 $0x3, v57  }
0x222: {  	v59 =	vmul.u32 $0x3, v14;
	_ =	sdelay $0x1  }
0x223: {  	v60 =	vadd.s32 $0x1, v58  }
0x224: {  	v61 =	vadd.s32 $0x1, v59  }
0x225: {  	v12 =	vshrl.u32 v12, v2;
	v15 =	vadd.s32 $0x2, v58  }
0x226: {  	v12 =	vand.u32 $0x1F, v12;
	v16 =	vadd.s32 $0x2, v59;
	v63 =	vld.idx.msk [tilespmem:v58+s6+$0x0], $0xffff  }
0x227: {  	v62 =	vmul.u32 $0x5556, v12;
	v28 =	vld.idx.msk [tilespmem:v59+s6+$0x0], $0xffff  }
0x228: {  	v27 =	vmul.u32 $0x1C72, v12;
	v17 =	vld.idx.msk [tilespmem:v60+s6+$0x0], $0xffff  }
0x229: {  	v19 =	vshrl.u32 v62, $0x10;
	v18 =	vld.idx.msk [tilespmem:v61+s6+$0x0], $0xffff  }
0x22a: {  	v21 =	vshrl.u32 v27, $0x10;
	v29 =	vmul.u32 $0xFFFFFFFD, v19;
	v15 =	vld.idx.msk [tilespmem:v15+s6+$0x0], $0xffff  }
0x22b: {  	v30 =	vmul.u32 $0xFFFFFFFD, v21;
	v16 =	vld.idx.msk [tilespmem:v16+s6+$0x0], $0xffff  }
0x22c: {  	v12 =	vadd.s32 v12, v29  }
0x22d: {  	v19 =	vadd.s32 v19, v30;
	v12 =	vcvt.s32.f32 v12;
	v20 =	vsub.f32 v28, v63  }
0x22e: {  	v32 =	vcvt.s32.f32 v21;
	v19 =	vcvt.s32.f32 v19  }
0x22f: {  	v31 =	vmul.f32 v12, v11;
	v17 =	vsub.f32 v18, v17;
	v20 =	vmul.f32 $1.000000000e+01, v20  }
0x230: {  	v35 =	vmul.f32 v32, v6;
	v33 =	vmul.f32 v19, v9;
	v15 =	vsub.f32 v16, v15  }
0x231: {  	v34 =	vmul.f32 v12, v10;
	v17 =	vmul.f32 $1.000000000e+01, v17;
	v20 =	vadd.f32 v31, v20  }
0x232: {  	v12 =	vmul.f32 v12, v8;
	v15 =	vmul.f32 $1.000000000e+01, v15  }
0x233: {  	v36 =	vmul.f32 v19, v7;
	v17 =	vadd.f32 v34, v17;
	v20 =	vadd.f32 v20, v33  }
0x234: {  	v37 =	vmul.f32 v32, v4;
	v12 =	vadd.f32 v12, v15  }
0x235: {  	v38 =	vmul.f32 v19, v5;
	v17 =	vadd.f32 v17, v36;
	v16 =	vadd.f32 v20, v35  }
0x236: {  	v39 =	vmul.f32 v32, v3  }
0x237: {  	v12 =	vadd.f32 v12, v38;
	v17 =	vadd.f32 v17, v37;
	v16 =	vmul.f32 v16, v16;
	_ =	sdelay $0x1  }
0x238: {  	v12 =	vadd.f32 v12, v39;
	v17 =	vmul.f32 v17, v17;
	v16 =	vadd.f32 $9.999999710e-10, v16;
	_ =	sdelay $0x1  }
0x239: {  	v12 =	vmul.f32 v12, v12;
	v40 =	vadd.f32 v16, v17;
	_ =	sdelay $0x1  }
0x23a: {  	v12 =	vadd.f32 v40, v12;
	_ =	sdelay $0x1  }
0x23b: {  	v15 =	vshrl.u32 v12, $0x1;
	v41 =	vmul.f32 $5.000000000e-01, v12  }
0x23c: {  	v15 =	vsub.s32 $0x5F3759DF, v15  }
0x23d: {  	v42 =	vmul.f32 v15, v41;
	_ =	sdelay $0x1  }
0x23e: {  	v17 =	vmul.f32 v15, v42;
	_ =	sdelay $0x1  }
0x23f: {  	v17 =	vsub.f32 $1.500000000e+00, v17;
	_ =	sdelay $0x1  }
0x240: {  	v15 =	vmul.f32 v15, v17;
	_ =	sdelay $0x1  }
0x241: {  	v17 =	vmul.f32 v15, v41;
	_ =	sdelay $0x1  }
0x242: {  	v17 =	vmul.f32 v17, v15;
	_ =	sdelay $0x1  }
0x243: {  	v17 =	vsub.f32 $1.500000000e+00, v17;
	_ =	sdelay $0x1  }
0x244: {  	v15 =	vmul.f32 v17, v15;
	_ =	sdelay $0x1  }
0x245: {  	v16 =	vmul.f32 v15, v41;
	_ =	sdelay $0x1  }
0x246: {  	v16 =	vmul.f32 v16, v15;
	_ =	sdelay $0x1  }
0x247: {  	v16 =	vsub.f32 $1.500000000e+00, v16;
	_ =	sdelay $0x1  }
0x248: {  	v15 =	vmul.f32 v16, v15;
	_ =	sdelay $0x1  }
0x249: {  	v12 =	vmul.f32 v15, v12;
	_ =	sdelay $0x1  }
0x24a: {  	v12 =	vmul.f32 $2.000000030e-01, v12;
	_ =	sdelay $0x1  }
0x24b: {  	v43 =	vmin.f32 v12, $1.000000000e+00  }
0x24c: {  	v44 =	vmul.f32 $3.141592740e+00, v43;
	_ =	sdelay $0x1  }
0x24d: {  	v17 =	vadd.f32 $-1.570796370e+00, v44;
	_ =	sdelay $0x1  }
0x24e: {  	v45 =	vmul.f32 v17, v17;
	_ =	sdelay $0x1  }
0x24f: {  	v46 =	vmul.f32 $2.505210790e-08, v45;
	_ =	sdelay $0x1  }
0x250: {  	v47 =	vmul.f32 $2.087675590e-09, v45;
	v19 =	vsub.f32 $2.755731880e-06, v46;
	_ =	sdelay $0x1  }
0x251: {  	v20 =	vadd.f32 $-2.755732000e-07, v47;
	v19 =	vmul.f32 v19, v45;
	_ =	sdelay $0x1  }
0x252: {  	v20 =	vmul.f32 v20, v45;
	v19 =	vadd.f32 $-1.984127010e-04, v19;
	_ =	sdelay $0x1  }
0x253: {  	v20 =	vadd.f32 $2.480158760e-05, v20;
	v19 =	vmul.f32 v19, v45;
	_ =	sdelay $0x1  }
0x254: {  	v20 =	vmul.f32 v20, v45;
	v19 =	vadd.f32 $8.333333770e-03, v19;
	_ =	sdelay $0x1  }
0x255: {  	v20 =	vadd.f32 $-1.388888920e-03, v20;
	v19 =	vmul.f32 v19, v45;
	_ =	sdelay $0x1  }
0x256: {  	v20 =	vmul.f32 v20, v45;
	v19 =	vadd.f32 $-1.666666720e-01, v19;
	_ =	sdelay $0x1  }
0x257: {  	v20 =	vadd.f32 $4.166666790e-02, v20;
	v19 =	vmul.f32 v19, v45;
	_ =	sdelay $0x1  }
0x258: {  	v20 =	vmul.f32 v20, v45;
	v19 =	vadd.f32 $1.000000000e+00, v19;
	_ =	sdelay $0x1  }
0x259: {  	v20 =	vadd.f32 $-5.000000000e-01, v20;
	v17 =	vmul.f32 v19, v17;
	_ =	sdelay $0x1  }
0x25a: {  	v18 =	vmul.f32 v20, v45;
	v17 =	vsub.f32 $0.0e+00, v17  }
0x25b: {  	v48 =	vmul.f32 v43, v43  }
0x25c: {  	v18 =	vadd.f32 $1.000000000e+00, v18;
	v17 =	vadd.f32 v17, v17  }
0x25d: {  	v19 =	vmul.f32 v48, v43  }
0x25e: {  	v49 =	vmul.f32 v17, v18  }
0x25f: {  	v19 =	vmul.f32 v19, v19  }
0x260: {  	v51 =	vmul.f32 v49, v17  }
0x261: {  	v50 =	vmul.f32 v19, v43  }
0x262: {  	v13 =	vld.idx.msk [tilespmem:v57+s14+$0x0], $0xffff;
	v19 =	vmul.f32 $2.800000000e+01, v19;
	v22 =	vsub.f32 v51, v18  }
0x263: {  	v16 =	vmul.f32 v50, v43  }
0x264: {  	v19 =	vsub.f32 $1.000000000e+00, v19;
	v21 =	vmul.f32 $4.800000000e+01, v50;
	v52 =	vmul.f32 v22, v17  }
0x265: {  	v14 =	vmul.u32 $0x5, v14  }
0x266: {  	v19 =	vadd.f32 v21, v19;
	v16 =	vmul.f32 $2.100000000e+01, v16;
	v53 =	vsub.f32 v52, v49  }
0x267: {  	v13 =	vsub.s32 v13, v1  }
0x268: {  	v55 =	vadd.s32 v14, v13;
	v16 =	vsub.f32 v19, v16;
	v21 =	vmul.f32 v53, v17  }
0x269: {  	vm11 =	vlt.u32 v13, $0x5;
	vm10 =	vlt.f32 v12, $1.000000000e+00;
	v12 =	vshll.u32 v55, $0x3  }
0x26a: {  	v12 =	vnsel vm11, $0x61A80, v12;
	v16 =	vmul.f32 $6.324555270e-01, v16;
	v54 =	vsub.f32 v21, v22  }
0x26b: {  	[tilespmem:$0x11350] =	vst v12;
	v60 =	vor.u32 $0x1, v12  }
0x26c: {  	v62 =	vor.u32 $0x2, v12;
	[tilespmem:$0x113D0] =	vst v60;
	v15 =	vmul.f32 v16, v15;
	v58 =	vmul.f32 v54, v17  }
0x26d: {  	v25 =	vor.u32 $0x3, v12;
	[tilespmem:$0x11450] =	vst v62  }
0x26e: {  	v28 =	vor.u32 $0x4, v12;
	[tilespmem:$0x114D0] =	vst v25;
	v56 =	vnsel vm10, $0x0, v15;
	v15 =	vsub.f32 v58, v53  }
0x26f: {  	v30 =	vor.u32 $0x5, v12;
	[tilespmem:$0x11550] =	vst v28  }
0x270: {  	v32 =	vor.u32 $0x6, v12;
	[tilespmem:$0x115D0] =	vst v30;
	v63 =	vmul.f32 v15, v17  }
0x271: {  	v12 =	vor.u32 $0x7, v12;
	[tilespmem:$0x11650] =	vst v32;
	v57 =	vmul.f32 v18, v56  }
0x272: {  	[tilespmem:$0x116D0] =	vst v12;
	v59 =	vmul.f32 v49, v56;
	v26 =	vsub.f32 v63, v54  }
0x273: {  	v61 =	vmul.f32 v22, v56;
	[tilespmem:$0x11750] =	vst v57  }
0x274: {  	v24 =	vmul.f32 v53, v56;
	[tilespmem:$0x117D0] =	vst v59;
	v17 =	vmul.f32 v26, v17  }
0x275: {  	[tilespmem:$0x11850] =	vst v61;
	v27 =	vmul.f32 v54, v56  }
0x276: {  	[tilespmem:$0x118D0] =	vst v24;
	v29 =	vmul.f32 v15, v56;
	v15 =	vsub.f32 v17, v15  }
0x277: {  	[tilespmem:$0x11950] =	vst v27;
	v31 =	vmul.f32 v26, v56  }
0x278: {  	s17 =	sadd.s32 $0xFFFFFFF0, s1;
	[tilespmem:$0x119D0] =	vst v29;
	v14 =	vmul.f32 v15, v56  }
0x279: {  	v34 =	vor.u32 s17, v0;
	v33 =	vmov s17;
	[tilespmem:$0x11A50] =	vst v31  }
0x27a: {  	v13 =	vshrl.u32 v33, $0x1;
	v35 =	vshrl.u32 v34, $0x1;
	[tilespmem:$0x11AD0] =	vst v14  }
0x27b: {  	v13 =	vand.u32 $0x3F80, v13;
	v12 =	vand.u32 $0x77, v35;
	v14 =	vld [tilespmem:s7+$0x20]  }
0x27c: {  	v12 =	vor.u32 v13, v12;
	_ =	sdelay $0x3  }
0x27d: {  	v36 =	vand.u32 $0xFFFF, v14  }
0x27e: {  	v12 =	vld.idx.msk [tilespmem:v12+s16+$0x0], $0xffff;
	v14 =	vshrl.u32 v14, $0x10;
	v37 =	vmul.u32 $0x3, v36  }
0x27f: {  	v38 =	vmul.u32 $0x3, v14;
	_ =	sdelay $0x1  }
0x280: {  	v39 =	vadd.s32 $0x1, v37  }
0x281: {  	v40 =	vadd.s32 $0x1, v38  }
0x282: {  	v12 =	vshrl.u32 v12, v2;
	v15 =	vadd.s32 $0x2, v37  }
0x283: {  	v12 =	vand.u32 $0x1F, v12;
	v16 =	vadd.s32 $0x2, v38;
	v42 =	vld.idx.msk [tilespmem:v37+s6+$0x0], $0xffff  }
0x284: {  	v41 =	vmul.u32 $0x5556, v12;
	v44 =	vld.idx.msk [tilespmem:v38+s6+$0x0], $0xffff  }
0x285: {  	v43 =	vmul.u32 $0x1C72, v12;
	v17 =	vld.idx.msk [tilespmem:v39+s6+$0x0], $0xffff  }
0x286: {  	v19 =	vshrl.u32 v41, $0x10;
	v18 =	vld.idx.msk [tilespmem:v40+s6+$0x0], $0xffff  }
0x287: {  	v21 =	vshrl.u32 v43, $0x10;
	v45 =	vmul.u32 $0xFFFFFFFD, v19;
	v15 =	vld.idx.msk [tilespmem:v15+s6+$0x0], $0xffff  }
0x288: {  	v46 =	vmul.u32 $0xFFFFFFFD, v21;
	v16 =	vld.idx.msk [tilespmem:v16+s6+$0x0], $0xffff  }
0x289: {  	v12 =	vadd.s32 v12, v45  }
0x28a: {  	v19 =	vadd.s32 v19, v46;
	v12 =	vcvt.s32.f32 v12;
	v20 =	vsub.f32 v44, v42  }
0x28b: {  	v48 =	vcvt.s32.f32 v21;
	v19 =	vcvt.s32.f32 v19  }
0x28c: {  	v47 =	vmul.f32 v12, v11;
	v17 =	vsub.f32 v18, v17;
	v20 =	vmul.f32 $1.000000000e+01, v20  }
0x28d: {  	v51 =	vmul.f32 v48, v6;
	v49 =	vmul.f32 v19, v9;
	v15 =	vsub.f32 v16, v15  }
0x28e: {  	v50 =	vmul.f32 v12, v10;
	v17 =	vmul.f32 $1.000000000e+01, v17;
	v20 =	vadd.f32 v47, v20  }
0x28f: {  	v12 =	vmul.f32 v12, v8;
	v15 =	vmul.f32 $1.000000000e+01, v15  }
0x290: {  	v52 =	vmul.f32 v19, v7;
	v17 =	vadd.f32 v50, v17;
	v20 =	vadd.f32 v20, v49  }
0x291: {  	v53 =	vmul.f32 v48, v4;
	v12 =	vadd.f32 v12, v15  }
0x292: {  	v54 =	vmul.f32 v19, v5;
	v17 =	vadd.f32 v17, v52;
	v16 =	vadd.f32 v20, v51  }
0x293: {  	v55 =	vmul.f32 v48, v3  }
0x294: {  	v12 =	vadd.f32 v12, v54;
	v17 =	vadd.f32 v17, v53;
	v16 =	vmul.f32 v16, v16;
	_ =	sdelay $0x1  }
0x295: {  	v12 =	vadd.f32 v12, v55;
	v17 =	vmul.f32 v17, v17;
	v16 =	vadd.f32 $9.999999710e-10, v16;
	_ =	sdelay $0x1  }
0x296: {  	v12 =	vmul.f32 v12, v12;
	v56 =	vadd.f32 v16, v17;
	_ =	sdelay $0x1  }
0x297: {  	v12 =	vadd.f32 v56, v12;
	_ =	sdelay $0x1  }
0x298: {  	v15 =	vshrl.u32 v12, $0x1;
	v57 =	vmul.f32 $5.000000000e-01, v12  }
0x299: {  	v15 =	vsub.s32 $0x5F3759DF, v15  }
0x29a: {  	v58 =	vmul.f32 v15, v57;
	_ =	sdelay $0x1  }
0x29b: {  	v17 =	vmul.f32 v15, v58;
	_ =	sdelay $0x1  }
0x29c: {  	v17 =	vsub.f32 $1.500000000e+00, v17;
	_ =	sdelay $0x1  }
0x29d: {  	v15 =	vmul.f32 v15, v17;
	_ =	sdelay $0x1  }
0x29e: {  	v17 =	vmul.f32 v15, v57;
	_ =	sdelay $0x1  }
0x29f: {  	v17 =	vmul.f32 v17, v15;
	_ =	sdelay $0x1  }
0x2a0: {  	v17 =	vsub.f32 $1.500000000e+00, v17;
	_ =	sdelay $0x1  }
0x2a1: {  	v15 =	vmul.f32 v17, v15;
	_ =	sdelay $0x1  }
0x2a2: {  	v16 =	vmul.f32 v15, v57;
	_ =	sdelay $0x1  }
0x2a3: {  	v16 =	vmul.f32 v16, v15;
	_ =	sdelay $0x1  }
0x2a4: {  	v16 =	vsub.f32 $1.500000000e+00, v16;
	_ =	sdelay $0x1  }
0x2a5: {  	v15 =	vmul.f32 v16, v15;
	_ =	sdelay $0x1  }
0x2a6: {  	v12 =	vmul.f32 v15, v12;
	_ =	sdelay $0x1  }
0x2a7: {  	v12 =	vmul.f32 $2.000000030e-01, v12;
	_ =	sdelay $0x1  }
0x2a8: {  	v59 =	vmin.f32 v12, $1.000000000e+00  }
0x2a9: {  	v60 =	vmul.f32 $3.141592740e+00, v59;
	_ =	sdelay $0x1  }
0x2aa: {  	v17 =	vadd.f32 $-1.570796370e+00, v60;
	_ =	sdelay $0x1  }
0x2ab: {  	v61 =	vmul.f32 v17, v17;
	_ =	sdelay $0x1  }
0x2ac: {  	v62 =	vmul.f32 $2.505210790e-08, v61;
	_ =	sdelay $0x1  }
0x2ad: {  	v63 =	vmul.f32 $2.087675590e-09, v61;
	v19 =	vsub.f32 $2.755731880e-06, v62;
	_ =	sdelay $0x1  }
0x2ae: {  	v20 =	vadd.f32 $-2.755732000e-07, v63;
	v19 =	vmul.f32 v19, v61;
	_ =	sdelay $0x1  }
0x2af: {  	v20 =	vmul.f32 v20, v61;
	v19 =	vadd.f32 $-1.984127010e-04, v19;
	_ =	sdelay $0x1  }
0x2b0: {  	v20 =	vadd.f32 $2.480158760e-05, v20;
	v19 =	vmul.f32 v19, v61;
	_ =	sdelay $0x1  }
0x2b1: {  	v20 =	vmul.f32 v20, v61;
	v19 =	vadd.f32 $8.333333770e-03, v19;
	_ =	sdelay $0x1  }
0x2b2: {  	v20 =	vadd.f32 $-1.388888920e-03, v20;
	v19 =	vmul.f32 v19, v61;
	_ =	sdelay $0x1  }
0x2b3: {  	v20 =	vmul.f32 v20, v61;
	v19 =	vadd.f32 $-1.666666720e-01, v19;
	_ =	sdelay $0x1  }
0x2b4: {  	v20 =	vadd.f32 $4.166666790e-02, v20;
	v19 =	vmul.f32 v19, v61;
	_ =	sdelay $0x1  }
0x2b5: {  	v20 =	vmul.f32 v20, v61;
	v19 =	vadd.f32 $1.000000000e+00, v19;
	_ =	sdelay $0x1  }
0x2b6: {  	v20 =	vadd.f32 $-5.000000000e-01, v20;
	v17 =	vmul.f32 v19, v17;
	_ =	sdelay $0x1  }
0x2b7: {  	v18 =	vmul.f32 v20, v61;
	v17 =	vsub.f32 $0.0e+00, v17  }
0x2b8: {  	v23 =	vmul.f32 v59, v59  }
0x2b9: {  	v18 =	vadd.f32 $1.000000000e+00, v18;
	v17 =	vadd.f32 v17, v17  }
0x2ba: {  	v19 =	vmul.f32 v23, v59  }
0x2bb: {  	v24 =	vmul.f32 v17, v18  }
0x2bc: {  	v19 =	vmul.f32 v19, v19  }
0x2bd: {  	v26 =	vmul.f32 v24, v17  }
0x2be: {  	v25 =	vmul.f32 v19, v59  }
0x2bf: {  	v13 =	vld.idx.msk [tilespmem:v36+s14+$0x0], $0xffff;
	v19 =	vmul.f32 $2.800000000e+01, v19;
	v22 =	vsub.f32 v26, v18  }
0x2c0: {  	v16 =	vmul.f32 v25, v59  }
0x2c1: {  	v19 =	vsub.f32 $1.000000000e+00, v19;
	v21 =	vmul.f32 $4.800000000e+01, v25;
	v27 =	vmul.f32 v22, v17  }
0x2c2: {  	v14 =	vmul.u32 $0x5, v14  }
0x2c3: {  	v19 =	vadd.f32 v21, v19;
	v16 =	vmul.f32 $2.100000000e+01, v16;
	v28 =	vsub.f32 v27, v24  }
0x2c4: {  	v13 =	vsub.s32 v13, v1  }
0x2c5: {  	v30 =	vadd.s32 v14, v13;
	v16 =	vsub.f32 v19, v16;
	v21 =	vmul.f32 v28, v17  }
0x2c6: {  	vm13 =	vlt.u32 v13, $0x5;
	vm12 =	vlt.f32 v12, $1.000000000e+00;
	v12 =	vshll.u32 v30, $0x3  }
0x2c7: {  	v12 =	vnsel vm13, $0x61A80, v12;
	v16 =	vmul.f32 $6.324555270e-01, v16;
	v29 =	vsub.f32 v21, v22  }
0x2c8: {  	[tilespmem:$0x11360] =	vst v12;
	v35 =	vor.u32 $0x1, v12  }
0x2c9: {  	v37 =	vor.u32 $0x2, v12;
	[tilespmem:$0x113E0] =	vst v35;
	v15 =	vmul.f32 v16, v15;
	v33 =	vmul.f32 v29, v17  }
0x2ca: {  	v40 =	vor.u32 $0x3, v12;
	[tilespmem:$0x11460] =	vst v37  }
0x2cb: {  	v43 =	vor.u32 $0x4, v12;
	[tilespmem:$0x114E0] =	vst v40;
	v31 =	vnsel vm12, $0x0, v15;
	v15 =	vsub.f32 v33, v28  }
0x2cc: {  	v45 =	vor.u32 $0x5, v12;
	[tilespmem:$0x11560] =	vst v43  }
0x2cd: {  	v47 =	vor.u32 $0x6, v12;
	[tilespmem:$0x115E0] =	vst v45;
	v38 =	vmul.f32 v15, v17  }
0x2ce: {  	v12 =	vor.u32 $0x7, v12;
	[tilespmem:$0x11660] =	vst v47;
	v32 =	vmul.f32 v18, v31  }
0x2cf: {  	[tilespmem:$0x116E0] =	vst v12;
	v34 =	vmul.f32 v24, v31;
	v41 =	vsub.f32 v38, v29  }
0x2d0: {  	v36 =	vmul.f32 v22, v31;
	[tilespmem:$0x11760] =	vst v32  }
0x2d1: {  	v39 =	vmul.f32 v28, v31;
	[tilespmem:$0x117E0] =	vst v34;
	v17 =	vmul.f32 v41, v17  }
0x2d2: {  	[tilespmem:$0x11860] =	vst v36;
	v42 =	vmul.f32 v29, v31  }
0x2d3: {  	[tilespmem:$0x118E0] =	vst v39;
	v44 =	vmul.f32 v15, v31;
	v15 =	vsub.f32 v17, v15  }
0x2d4: {  	[tilespmem:$0x11960] =	vst v42;
	v46 =	vmul.f32 v41, v31  }
0x2d5: {  	[tilespmem:$0x119E0] =	vst v44;
	v14 =	vmul.f32 v15, v31  }
0x2d6: {  	v48 =	vmov s1;
	v49 =	vor.u32 s1, v0;
	[tilespmem:$0x11A60] =	vst v46  }
0x2d7: {  	v13 =	vshrl.u32 v48, $0x1;
	v50 =	vshrl.u32 v49, $0x1;
	[tilespmem:$0x11AE0] =	vst v14  }
0x2d8: {  	v13 =	vand.u32 $0x3F80, v13;
	v12 =	vand.u32 $0x7F, v50;
	v14 =	vld [tilespmem:s7+$0x30]  }
0x2d9: {  	v12 =	vor.u32 v13, v12;
	_ =	sdelay $0x3  }
0x2da: {  	v51 =	vand.u32 $0xFFFF, v14  }
0x2db: {  	v12 =	vld.idx.msk [tilespmem:v12+s16+$0x0], $0xffff;
	v14 =	vshrl.u32 v14, $0x10;
	v52 =	vmul.u32 $0x3, v51  }
0x2dc: {  	v53 =	vmul.u32 $0x3, v14;
	_ =	sdelay $0x1  }
0x2dd: {  	v54 =	vadd.s32 $0x1, v52  }
0x2de: {  	v55 =	vadd.s32 $0x1, v53  }
0x2df: {  	v12 =	vshrl.u32 v12, v2;
	v15 =	vadd.s32 $0x2, v52  }
0x2e0: {  	v12 =	vand.u32 $0x1F, v12;
	v16 =	vadd.s32 $0x2, v53;
	v57 =	vld.idx.msk [tilespmem:v52+s6+$0x0], $0xffff  }
0x2e1: {  	v56 =	vmul.u32 $0x5556, v12;
	v59 =	vld.idx.msk [tilespmem:v53+s6+$0x0], $0xffff  }
0x2e2: {  	v58 =	vmul.u32 $0x1C72, v12;
	v17 =	vld.idx.msk [tilespmem:v54+s6+$0x0], $0xffff  }
0x2e3: {  	v19 =	vshrl.u32 v56, $0x10;
	v18 =	vld.idx.msk [tilespmem:v55+s6+$0x0], $0xffff  }
0x2e4: {  	v21 =	vshrl.u32 v58, $0x10;
	v60 =	vmul.u32 $0xFFFFFFFD, v19;
	v15 =	vld.idx.msk [tilespmem:v15+s6+$0x0], $0xffff  }
0x2e5: {  	v61 =	vmul.u32 $0xFFFFFFFD, v21;
	v16 =	vld.idx.msk [tilespmem:v16+s6+$0x0], $0xffff  }
0x2e6: {  	v12 =	vadd.s32 v12, v60  }
0x2e7: {  	v19 =	vadd.s32 v19, v61;
	v12 =	vcvt.s32.f32 v12;
	v20 =	vsub.f32 v59, v57  }
0x2e8: {  	v63 =	vcvt.s32.f32 v21;
	v19 =	vcvt.s32.f32 v19  }
0x2e9: {  	v62 =	vmul.f32 v12, v11;
	v17 =	vsub.f32 v18, v17;
	v20 =	vmul.f32 $1.000000000e+01, v20  }
0x2ea: {  	v26 =	vmul.f32 v63, v6;
	v24 =	vmul.f32 v19, v9;
	v15 =	vsub.f32 v16, v15  }
0x2eb: {  	v25 =	vmul.f32 v12, v10;
	v17 =	vmul.f32 $1.000000000e+01, v17;
	v20 =	vadd.f32 v62, v20  }
0x2ec: {  	v12 =	vmul.f32 v12, v8;
	v15 =	vmul.f32 $1.000000000e+01, v15  }
0x2ed: {  	v27 =	vmul.f32 v19, v7;
	v17 =	vadd.f32 v25, v17;
	v20 =	vadd.f32 v20, v24  }
0x2ee: {  	v28 =	vmul.f32 v63, v4;
	v12 =	vadd.f32 v12, v15  }
0x2ef: {  	v29 =	vmul.f32 v19, v5;
	v17 =	vadd.f32 v17, v27;
	v16 =	vadd.f32 v20, v26  }
0x2f0: {  	v30 =	vmul.f32 v63, v3  }
0x2f1: {  	v12 =	vadd.f32 v12, v29;
	v17 =	vadd.f32 v17, v28;
	v16 =	vmul.f32 v16, v16;
	_ =	sdelay $0x1  }
0x2f2: {  	v12 =	vadd.f32 v12, v30;
	v17 =	vmul.f32 v17, v17;
	v16 =	vadd.f32 $9.999999710e-10, v16;
	_ =	sdelay $0x1  }
0x2f3: {  	v12 =	vmul.f32 v12, v12;
	v31 =	vadd.f32 v16, v17;
	_ =	sdelay $0x1  }
0x2f4: {  	v12 =	vadd.f32 v31, v12;
	_ =	sdelay $0x1  }
0x2f5: {  	v15 =	vshrl.u32 v12, $0x1;
	v32 =	vmul.f32 $5.000000000e-01, v12  }
0x2f6: {  	v15 =	vsub.s32 $0x5F3759DF, v15  }
0x2f7: {  	v33 =	vmul.f32 v15, v32;
	_ =	sdelay $0x1  }
0x2f8: {  	v17 =	vmul.f32 v15, v33;
	_ =	sdelay $0x1  }
0x2f9: {  	v17 =	vsub.f32 $1.500000000e+00, v17;
	_ =	sdelay $0x1  }
0x2fa: {  	v15 =	vmul.f32 v15, v17;
	_ =	sdelay $0x1  }
0x2fb: {  	v17 =	vmul.f32 v15, v32;
	_ =	sdelay $0x1  }
0x2fc: {  	v17 =	vmul.f32 v17, v15;
	_ =	sdelay $0x1  }
0x2fd: {  	v17 =	vsub.f32 $1.500000000e+00, v17;
	_ =	sdelay $0x1  }
0x2fe: {  	v15 =	vmul.f32 v17, v15;
	_ =	sdelay $0x1  }
0x2ff: {  	v16 =	vmul.f32 v15, v32;
	_ =	sdelay $0x1  }
0x300: {  	v16 =	vmul.f32 v16, v15;
	_ =	sdelay $0x1  }
0x301: {  	v16 =	vsub.f32 $1.500000000e+00, v16;
	_ =	sdelay $0x1  }
0x302: {  	v15 =	vmul.f32 v16, v15;
	_ =	sdelay $0x1  }
0x303: {  	v12 =	vmul.f32 v15, v12;
	_ =	sdelay $0x1  }
0x304: {  	v12 =	vmul.f32 $2.000000030e-01, v12;
	_ =	sdelay $0x1  }
0x305: {  	v34 =	vmin.f32 v12, $1.000000000e+00  }
0x306: {  	v35 =	vmul.f32 $3.141592740e+00, v34;
	_ =	sdelay $0x1  }
0x307: {  	v17 =	vadd.f32 $-1.570796370e+00, v35;
	_ =	sdelay $0x1  }
0x308: {  	v36 =	vmul.f32 v17, v17;
	_ =	sdelay $0x1  }
0x309: {  	v37 =	vmul.f32 $2.505210790e-08, v36;
	_ =	sdelay $0x1  }
0x30a: {  	v38 =	vmul.f32 $2.087675590e-09, v36;
	v19 =	vsub.f32 $2.755731880e-06, v37;
	_ =	sdelay $0x1  }
0x30b: {  	v20 =	vadd.f32 $-2.755732000e-07, v38;
	v19 =	vmul.f32 v19, v36;
	_ =	sdelay $0x1  }
0x30c: {  	v20 =	vmul.f32 v20, v36;
	v19 =	vadd.f32 $-1.984127010e-04, v19;
	_ =	sdelay $0x1  }
0x30d: {  	v20 =	vadd.f32 $2.480158760e-05, v20;
	v19 =	vmul.f32 v19, v36;
	_ =	sdelay $0x1  }
0x30e: {  	v20 =	vmul.f32 v20, v36;
	v19 =	vadd.f32 $8.333333770e-03, v19;
	_ =	sdelay $0x1  }
0x30f: {  	v20 =	vadd.f32 $-1.388888920e-03, v20;
	v19 =	vmul.f32 v19, v36;
	_ =	sdelay $0x1  }
0x310: {  	v20 =	vmul.f32 v20, v36;
	v19 =	vadd.f32 $-1.666666720e-01, v19;
	_ =	sdelay $0x1  }
0x311: {  	v20 =	vadd.f32 $4.166666790e-02, v20;
	v19 =	vmul.f32 v19, v36;
	_ =	sdelay $0x1  }
0x312: {  	v20 =	vmul.f32 v20, v36;
	v19 =	vadd.f32 $1.000000000e+00, v19;
	_ =	sdelay $0x1  }
0x313: {  	v20 =	vadd.f32 $-5.000000000e-01, v20;
	v17 =	vmul.f32 v19, v17  }
0x314: {  	v39 =	vmul.f32 v34, v34  }
0x315: {  	v18 =	vmul.f32 v20, v36;
	v17 =	vsub.f32 $0.0e+00, v17  }
0x316: {  	v40 =	vmul.f32 v39, v34  }
0x317: {  	v18 =	vadd.f32 $1.000000000e+00, v18;
	v17 =	vadd.f32 v17, v17  }
0x318: {  	v19 =	vmul.f32 v40, v40  }
0x319: {  	v42 =	vmul.f32 v17, v18  }
0x31a: {  	v41 =	vmul.f32 v19, v34  }
0x31b: {  	v19 =	vmul.f32 $2.800000000e+01, v19;
	v43 =	vmul.f32 v42, v17  }
0x31c: {  	v16 =	vmul.f32 v41, v34  }
0x31d: {  	v13 =	vld.idx.msk [tilespmem:v51+s14+$0x0], $0xffff;
	v19 =	vsub.f32 $1.000000000e+00, v19;
	v20 =	vmul.f32 $4.800000000e+01, v41;
	v44 =	vsub.f32 v43, v18;
	_ =	sdelay $0x1  }
0x31e: {  	v19 =	vadd.f32 v20, v19;
	v16 =	vmul.f32 $2.100000000e+01, v16;
	v45 =	vmul.f32 v44, v17;
	_ =	sdelay $0x1  }
0x31f: {  	v14 =	vmul.u32 $0x5, v14;
	v16 =	vsub.f32 v19, v16;
	v19 =	vsub.f32 v45, v42  }
0x320: {  	v13 =	vsub.s32 v13, v1  }
0x321: {  	v47 =	vadd.s32 v14, v13;
	v46 =	vmul.f32 v19, v17  }
0x322: {  	vm15 =	vlt.u32 v13, $0x5;
	vm14 =	vlt.f32 v12, $1.000000000e+00;
	v12 =	vshll.u32 v47, $0x3  }
0x323: {  	v12 =	vnsel vm15, $0x61A80, v12;
	v16 =	vmul.f32 $6.324555270e-01, v16;
	v49 =	vsub.f32 v46, v44  }
0x324: {  	[tilespmem:$0x11370] =	vst v12;
	v51 =	vor.u32 $0x1, v12  }
0x325: {  	v54 =	vor.u32 $0x2, v12;
	[tilespmem:$0x113F0] =	vst v51;
	v15 =	vmul.f32 v16, v15;
	v16 =	vmul.f32 v49, v17  }
0x326: {  	v56 =	vor.u32 $0x3, v12;
	[tilespmem:$0x11470] =	vst v54  }
0x327: {  	v58 =	vor.u32 $0x4, v12;
	[tilespmem:$0x114F0] =	vst v56;
	v52 =	vsub.f32 v16, v19  }
0x328: {  	v60 =	vor.u32 $0x5, v12;
	[tilespmem:$0x11570] =	vst v58  }
0x329: {  	v63 =	vor.u32 $0x6, v12;
	[tilespmem:$0x115F0] =	vst v60;
	v48 =	vnsel vm14, $0x0, v15;
	v55 =	vmul.f32 v52, v17  }
0x32a: {  	v12 =	vor.u32 $0x7, v12;
	[tilespmem:$0x11670] =	vst v63;
	v15 =	vmul.f32 v18, v48  }
0x32b: {  	[tilespmem:$0x116F0] =	vst v12;
	v50 =	vmul.f32 v42, v48;
	v57 =	vsub.f32 v55, v49  }
0x32c: {  	v53 =	vmul.f32 v44, v48;
	[tilespmem:$0x11770] =	vst v15  }
0x32d: {  	[tilespmem:$0x117F0] =	vst v50;
	v13 =	vmul.f32 v49, v48;
	v17 =	vmul.f32 v57, v17  }
0x32e: {  	[tilespmem:$0x11870] =	vst v53;
	v19 =	vmul.f32 v19, v48  }
0x32f: {  	[tilespmem:$0x11970] =	vst v13;
	v59 =	vmul.f32 v52, v48;
	v61 =	vsub.f32 v17, v52  }
0x330: {  	[tilespmem:$0x118F0] =	vst v19;
	v62 =	vmul.f32 v57, v48  }
0x331: {  	[tilespmem:$0x119F0] =	vst v59;
	v13 =	vmul.f32 v61, v48  }
0x332: {  	[tilespmem:$0x11A70] =	vst v62  }
0x333: {  	s18 =	rddreg [dreg:$0x5];
	[tilespmem:$0x11AF0] =	vst v13  }
0x334: {  	[spmem:s5] =	stream.indirect.scatter.add.f32 [tilespmem:s20], [sflag:$0x1], $0x1, s18, s19, $0xb8;
	[tilespmem:$0x18180] =	vst v63  }
0x335: {  	_ = 	snop  }
0x336: {  	[spmem:s5] =	stream.indirect.scatter.add.f32 [tilespmem:s22], [sflag:$0x1], $0x1, s21, s19, $0xb8;
	[tilespmem:$0x18180] =	vst v63  }
0x337: {  	_ = 	snop  }
0x338: {  	[spmem:s5] =	stream.indirect.scatter.add.f32 [tilespmem:s24], [sflag:$0x1], $0x1, s23, s19, $0xb8;
	[tilespmem:$0x18180] =	vst v63  }
0x339: {  	_ = 	snop  }
0x33a: {  	[spmem:s5] =	stream.indirect.scatter.add.f32 [tilespmem:s26], [sflag:$0x1], $0x1, s25, s19, $0xb8;
	[tilespmem:$0x18180] =	vst v63  }
0x33b: {  	_ = 	snop  }
0x33c: {  	[spmem:s5] =	stream.indirect.scatter.add.f32 [tilespmem:s29], [sflag:$0x1], $0x1, s28, s19, $0xb8;
	[tilespmem:$0x18180] =	vst v63  }
0x33d: {  	_ = 	snop  }
0x33e: {  	[spmem:s5] =	stream.indirect.scatter.add.f32 [tilespmem:s31], [sflag:$0x1], $0x1, s30, s19, $0xb8;
	[tilespmem:$0x18180] =	vst v63  }
0x33f: {  	_ = 	snop  }
0x340: {  	[spmem:s5] =	stream.indirect.scatter.add.f32 [tilespmem:s2], [sflag:$0x1], $0x1, s0, s19, $0xb8;
	[tilespmem:$0x18180] =	vst v63  }
0x341: {  	_ = 	snop  }
0x342: {  	[spmem:s5] =	stream.indirect.scatter.add.f32 [tilespmem:s4], [sflag:$0x1], $0x1, s3, s19, $0xb8;
	[tilespmem:$0x18180] =	vst v63  }
0x343: {  	_ =	swait.ge [sflag:s12], $0x80  }
0x344: {  	[sflag:s12] =	ssyncset.done $0x0  }
0x345: {  	[sflag:s12] =	ssyncadd.s32 $0xFFFFFF80  }
0x346: {  	_ =	swait.ge [sflag:s12], $0x80  }
0x347: {  	[sflag:s12] =	ssyncset.done $0x0  }
0x348: {  	[sflag:s12] =	ssyncadd.s32 $0xFFFFFF80  }
0x349: {  	_ =	swait.ge [sflag:s12], $0x80  }
0x34a: {  	[sflag:s12] =	ssyncset.done $0x0  }
0x34b: {  	[sflag:s12] =	ssyncadd.s32 $0xFFFFFF80  }
0x34c: {  	_ =	swait.ge [sflag:s12], $0x80  }
0x34d: {  	[sflag:s12] =	ssyncset.done $0x0  }
0x34e: {  	[sflag:s12] =	ssyncadd.s32 $0xFFFFFF80  }
0x34f: {  	_ =	swait.ge [sflag:s12], $0x80  }
0x350: {  	[sflag:s12] =	ssyncset.done $0x0  }
0x351: {  	[sflag:s12] =	ssyncadd.s32 $0xFFFFFF80  }
0x352: {  	_ =	swait.ge [sflag:s12], $0x80  }
0x353: {  	[sflag:s12] =	ssyncset.done $0x0  }
0x354: {  	[sflag:s12] =	ssyncadd.s32 $0xFFFFFF80  }
0x355: {  	p0 =	sne.s32 s1, $0x4DF0;
	_ =	swait.ge [sflag:s12], $0x80  }
.Ltmp0:
0x356: {  	[sflag:s12] =	ssyncset.done $0x0;
	(pc) =	sbr.rel @p0 .LBB2_2-.Ltmp0, $4  }
0x357: {  	[sflag:s12] =	ssyncadd.s32 $0xFFFFFF80  }
0x358: {  	_ =	swait.ge [sflag:s12], $0x80  }
0x359: {  	[sflag:s12] =	ssyncset.done $0x0  }
0x35a: {  	s1 =	sadd.s32 $0x80, s1;
	s7 =	sadd.s32 $0x80, s7;
	[sflag:s12] =	ssyncadd.s32 $0xFFFFFF80  }
0x35b: {  	v12 =	vshrl.u32 v0, $0x1;
	v13 =	vld [tilespmem:$0xEB00]  }
0x35c: {  	v14 =	vor.u32 $0x2700, v12;
	_ =	sdelay $0x3  }
0x35d: {  	v15 =	vand.u32 $0xFFFF, v13  }
0x35e: {  	v13 =	vshrl.u32 v13, $0x10;
	v14 =	vld.idx.msk [tilespmem:v14+s16+$0x0], $0xffff;
	v16 =	vmul.u32 $0x3, v15  }
0x35f: {  	v17 =	vmul.u32 $0x3, v13;
	_ =	sdelay $0x1  }
0x360: {  	v18 =	vadd.s32 $0x1, v16  }
0x361: {  	v19 =	vadd.s32 $0x1, v17  }
0x362: {  	v14 =	vshrl.u32 v14, v2  }
0x363: {  	v14 =	vand.u32 $0x1F, v14;
	v21 =	vld.idx.msk [tilespmem:v16+s6+$0x0], $0xffff;
	v16 =	vadd.s32 $0x2, v16  }
0x364: {  	v23 =	vld.idx.msk [tilespmem:v17+s6+$0x0], $0xffff;
	v17 =	vadd.s32 $0x2, v17;
	v20 =	vmul.u32 $0x5556, v14  }
0x365: {  	v22 =	vmul.u32 $0x1C72, v14;
	v18 =	vld.idx.msk [tilespmem:v18+s6+$0x0], $0xffff  }
0x366: {  	v19 =	vld.idx.msk [tilespmem:v19+s6+$0x0], $0xffff;
	v20 =	vshrl.u32 v20, $0x10  }
0x367: {  	v22 =	vshrl.u32 v22, $0x10;
	v24 =	vmul.u32 $0xFFFFFFFD, v20  }
0x368: {  	v25 =	vmul.u32 $0xFFFFFFFD, v22;
	v16 =	vld.idx.msk [tilespmem:v16+s6+$0x0], $0xffff  }
0x369: {  	v17 =	vld.idx.msk [tilespmem:v17+s6+$0x0], $0xffff;
	v14 =	vadd.s32 v14, v24  }
0x36a: {  	v21 =	vsub.f32 v23, v21;
	v20 =	vadd.s32 v20, v25;
	v14 =	vcvt.s32.f32 v14  }
0x36b: {  	v52 =	vcvt.s32.f32 v22;
	v18 =	vsub.f32 v19, v18;
	v20 =	vcvt.s32.f32 v20  }
0x36c: {  	v21 =	vmul.f32 $1.000000000e+01, v21;
	v51 =	vmul.f32 v14, v11  }
0x36d: {  	v18 =	vmul.f32 $1.000000000e+01, v18;
	v54 =	vmul.f32 v14, v10  }
0x36e: {  	v53 =	vmul.f32 v20, v9;
	v16 =	vsub.f32 v17, v16;
	v21 =	vadd.f32 v51, v21  }
0x36f: {  	v55 =	vmul.f32 v52, v6;
	v56 =	vmul.f32 v20, v7;
	v18 =	vadd.f32 v54, v18  }
0x370: {  	v14 =	vmul.f32 v14, v8;
	v16 =	vmul.f32 $1.000000000e+01, v16;
	v21 =	vadd.f32 v21, v53  }
0x371: {  	v57 =	vmul.f32 v52, v4;
	v18 =	vadd.f32 v18, v56  }
0x372: {  	v58 =	vmul.f32 v20, v5;
	v14 =	vadd.f32 v14, v16;
	v17 =	vadd.f32 v21, v55  }
0x373: {  	v59 =	vmul.f32 v52, v3  }
0x374: {  	v18 =	vadd.f32 v18, v57;
	v14 =	vadd.f32 v14, v58;
	v17 =	vmul.f32 v17, v17;
	_ =	sdelay $0x1  }
0x375: {  	v18 =	vmul.f32 v18, v18;
	v14 =	vadd.f32 v14, v59;
	v17 =	vadd.f32 $9.999999710e-10, v17;
	_ =	sdelay $0x1  }
0x376: {  	v14 =	vmul.f32 v14, v14;
	v60 =	vadd.f32 v17, v18;
	_ =	sdelay $0x1  }
0x377: {  	v14 =	vadd.f32 v60, v14;
	_ =	sdelay $0x1  }
0x378: {  	v16 =	vshrl.u32 v14, $0x1;
	v61 =	vmul.f32 $5.000000000e-01, v14  }
0x379: {  	v16 =	vsub.s32 $0x5F3759DF, v16  }
0x37a: {  	v62 =	vmul.f32 v16, v61;
	_ =	sdelay $0x1  }
0x37b: {  	v18 =	vmul.f32 v16, v62;
	_ =	sdelay $0x1  }
0x37c: {  	v18 =	vsub.f32 $1.500000000e+00, v18;
	_ =	sdelay $0x1  }
0x37d: {  	v16 =	vmul.f32 v16, v18;
	_ =	sdelay $0x1  }
0x37e: {  	v18 =	vmul.f32 v16, v61;
	_ =	sdelay $0x1  }
0x37f: {  	v18 =	vmul.f32 v18, v16;
	_ =	sdelay $0x1  }
0x380: {  	v18 =	vsub.f32 $1.500000000e+00, v18;
	_ =	sdelay $0x1  }
0x381: {  	v16 =	vmul.f32 v18, v16;
	_ =	sdelay $0x1  }
0x382: {  	v17 =	vmul.f32 v16, v61;
	_ =	sdelay $0x1  }
0x383: {  	v17 =	vmul.f32 v17, v16;
	_ =	sdelay $0x1  }
0x384: {  	v17 =	vsub.f32 $1.500000000e+00, v17;
	_ =	sdelay $0x1  }
0x385: {  	v16 =	vmul.f32 v17, v16;
	_ =	sdelay $0x1  }
0x386: {  	v14 =	vmul.f32 v16, v14;
	_ =	sdelay $0x1  }
0x387: {  	v14 =	vmul.f32 $2.000000030e-01, v14;
	_ =	sdelay $0x1  }
0x388: {  	v63 =	vmin.f32 v14, $1.000000000e+00  }
0x389: {  	v24 =	vmul.f32 $3.141592740e+00, v63;
	_ =	sdelay $0x1  }
0x38a: {  	v18 =	vadd.f32 $-1.570796370e+00, v24;
	_ =	sdelay $0x1  }
0x38b: {  	v25 =	vmul.f32 v18, v18;
	_ =	sdelay $0x1  }
0x38c: {  	v26 =	vmul.f32 $2.505210790e-08, v25;
	_ =	sdelay $0x1  }
0x38d: {  	v27 =	vmul.f32 $2.087675590e-09, v25;
	v20 =	vsub.f32 $2.755731880e-06, v26;
	_ =	sdelay $0x1  }
0x38e: {  	v21 =	vadd.f32 $-2.755732000e-07, v27;
	v20 =	vmul.f32 v20, v25;
	_ =	sdelay $0x1  }
0x38f: {  	v21 =	vmul.f32 v21, v25;
	v20 =	vadd.f32 $-1.984127010e-04, v20;
	_ =	sdelay $0x1  }
0x390: {  	v21 =	vadd.f32 $2.480158760e-05, v21;
	v20 =	vmul.f32 v20, v25;
	_ =	sdelay $0x1  }
0x391: {  	v21 =	vmul.f32 v21, v25;
	v20 =	vadd.f32 $8.333333770e-03, v20;
	_ =	sdelay $0x1  }
0x392: {  	v21 =	vadd.f32 $-1.388888920e-03, v21;
	v20 =	vmul.f32 v20, v25;
	_ =	sdelay $0x1  }
0x393: {  	v21 =	vmul.f32 v21, v25;
	v20 =	vadd.f32 $-1.666666720e-01, v20;
	_ =	sdelay $0x1  }
0x394: {  	v21 =	vadd.f32 $4.166666790e-02, v21;
	v20 =	vmul.f32 v20, v25;
	_ =	sdelay $0x1  }
0x395: {  	v21 =	vmul.f32 v21, v25;
	v20 =	vadd.f32 $1.000000000e+00, v20;
	_ =	sdelay $0x1  }
0x396: {  	v21 =	vadd.f32 $-5.000000000e-01, v21;
	v18 =	vmul.f32 v20, v18;
	_ =	sdelay $0x1  }
0x397: {  	v19 =	vmul.f32 v21, v25;
	v18 =	vsub.f32 $0.0e+00, v18  }
0x398: {  	v28 =	vmul.f32 v63, v63  }
0x399: {  	v19 =	vadd.f32 $1.000000000e+00, v19;
	v18 =	vadd.f32 v18, v18  }
0x39a: {  	v20 =	vmul.f32 v28, v63  }
0x39b: {  	v29 =	vmul.f32 v18, v19  }
0x39c: {  	v20 =	vmul.f32 v20, v20  }
0x39d: {  	v31 =	vmul.f32 v29, v18  }
0x39e: {  	v30 =	vmul.f32 v20, v63  }
0x39f: {  	v15 =	vld.idx.msk [tilespmem:v15+s14+$0x0], $0xffff;
	v20 =	vmul.f32 $2.800000000e+01, v20;
	v23 =	vsub.f32 v31, v19  }
0x3a0: {  	v17 =	vmul.f32 v30, v63  }
0x3a1: {  	v20 =	vsub.f32 $1.000000000e+00, v20;
	v22 =	vmul.f32 $4.800000000e+01, v30;
	v32 =	vmul.f32 v23, v18  }
0x3a2: {  	v13 =	vmul.u32 $0x5, v13  }
0x3a3: {  	v20 =	vadd.f32 v22, v20;
	v17 =	vmul.f32 $2.100000000e+01, v17;
	v33 =	vsub.f32 v32, v29  }
0x3a4: {  	v15 =	vsub.s32 v15, v1  }
0x3a5: {  	v13 =	vadd.s32 v13, v15;
	v17 =	vsub.f32 v20, v17;
	v22 =	vmul.f32 v33, v18  }
0x3a6: {  	vm13 =	vlt.u32 v15, $0x5;
	v13 =	vshll.u32 v13, $0x3  }
0x3a7: {  	v13 =	vnsel vm13, $0x61A80, v13;
	v17 =	vmul.f32 $6.324555270e-01, v17;
	v34 =	vsub.f32 v22, v23  }
0x3a8: {  	[tilespmem:$0x11B00] =	vst v13;
	v38 =	vor.u32 $0x1, v13  }
0x3a9: {  	v40 =	vor.u32 $0x2, v13;
	[tilespmem:$0x11B20] =	vst v38;
	v16 =	vmul.f32 v17, v16;
	v36 =	vmul.f32 v34, v18  }
0x3aa: {  	v43 =	vor.u32 $0x3, v13;
	[tilespmem:$0x11B40] =	vst v40;
	vm0 =	vlt.f32 v14, $1.000000000e+00  }
0x3ab: {  	v46 =	vor.u32 $0x4, v13;
	[tilespmem:$0x11B60] =	vst v43;
	v14 =	vnsel vm0, $0x0, v16;
	v16 =	vsub.f32 v36, v33  }
0x3ac: {  	v48 =	vor.u32 $0x5, v13;
	[tilespmem:$0x11B80] =	vst v46  }
0x3ad: {  	v50 =	vor.u32 $0x6, v13;
	[tilespmem:$0x11BA0] =	vst v48;
	v41 =	vmul.f32 v16, v18  }
0x3ae: {  	v13 =	vor.u32 $0x7, v13;
	[tilespmem:$0x11BC0] =	vst v50;
	v35 =	vmul.f32 v19, v14  }
0x3af: {  	[tilespmem:$0x11BE0] =	vst v13;
	v37 =	vmul.f32 v29, v14;
	v44 =	vsub.f32 v41, v34  }
0x3b0: {  	v51 =	vld [tilespmem:$0xEB10];
	v39 =	vmul.f32 v23, v14;
	[tilespmem:$0x11C00] =	vst v35  }
0x3b1: {  	v42 =	vmul.f32 v33, v14;
	[tilespmem:$0x11C20] =	vst v37;
	v18 =	vmul.f32 v44, v18  }
0x3b2: {  	[tilespmem:$0x11C40] =	vst v39;
	v45 =	vmul.f32 v34, v14  }
0x3b3: {  	v12 =	vor.u32 $0x2708, v12;
	[tilespmem:$0x11C60] =	vst v42;
	v47 =	vmul.f32 v16, v14;
	v16 =	vsub.f32 v18, v16  }
0x3b4: {  	[tilespmem:$0x11C80] =	vst v45;
	v49 =	vmul.f32 v44, v14  }
0x3b5: {  	v52 =	vand.u32 $0xFFFF, v51;
	[tilespmem:$0x11CA0] =	vst v47;
	v14 =	vmul.f32 v16, v14  }
0x3b6: {  	v53 =	vshrl.u32 v51, $0x10;
	v54 =	vmul.u32 $0x3, v52;
	[tilespmem:$0x11CC0] =	vst v49  }
0x3b7: {  	v55 =	vmul.u32 $0x3, v53;
	[tilespmem:$0x11CE0] =	vst v14  }
0x3b8: {  	v12 =	vld.idx.msk [tilespmem:v12+s16+$0x0], $0xffff  }
0x3b9: {  	v56 =	vadd.s32 $0x1, v54  }
0x3ba: {  	v57 =	vadd.s32 $0x1, v55;
	_ =	sdelay $0x1  }
0x3bb: {  	v59 =	vld.idx.msk [tilespmem:v54+s6+$0x0], $0xffff  }
0x3bc: {  	v61 =	vld.idx.msk [tilespmem:v55+s6+$0x0], $0xffff;
	v12 =	vshrl.u32 v12, v2  }
0x3bd: {  	v15 =	vadd.s32 $0x2, v54;
	v17 =	vld.idx.msk [tilespmem:v56+s6+$0x0], $0xffff;
	v12 =	vand.u32 $0x1F, v12  }
0x3be: {  	v16 =	vadd.s32 $0x2, v55;
	v18 =	vld.idx.msk [tilespmem:v57+s6+$0x0], $0xffff;
	v58 =	vmul.u32 $0x5556, v12;
	_ =	sdelay $0x1  }
0x3bf: {  	v60 =	vmul.u32 $0x1C72, v12;
	v19 =	vshrl.u32 v58, $0x10  }
0x3c0: {  	v62 =	vmul.u32 $0xFFFFFFFD, v19  }
0x3c1: {  	v15 =	vld.idx.msk [tilespmem:v15+s6+$0x0], $0xffff;
	v20 =	vsub.f32 v61, v59;
	v21 =	vshrl.u32 v60, $0x10  }
0x3c2: {  	v16 =	vld.idx.msk [tilespmem:v16+s6+$0x0], $0xffff;
	v17 =	vsub.f32 v18, v17;
	v63 =	vmul.u32 $0xFFFFFFFD, v21;
	v12 =	vadd.s32 v12, v62  }
0x3c3: {  	v12 =	vcvt.s32.f32 v12  }
0x3c4: {  	v20 =	vmul.f32 $1.000000000e+01, v20;
	v17 =	vmul.f32 $1.000000000e+01, v17;
	v19 =	vadd.s32 v19, v63  }
0x3c5: {  	v19 =	vcvt.s32.f32 v19;
	v23 =	vmul.f32 v12, v11  }
0x3c6: {  	v24 =	vcvt.s32.f32 v21;
	v26 =	vmul.f32 v12, v10  }
0x3c7: {  	v27 =	vsub.f32 v16, v15;
	v25 =	vmul.f32 v19, v9;
	v11 =	vadd.f32 v23, v20  }
0x3c8: {  	v28 =	vmul.f32 v24, v6;
	v29 =	vmul.f32 v19, v7;
	v10 =	vadd.f32 v26, v17  }
0x3c9: {  	v30 =	vmul.f32 v12, v8;
	v9 =	vadd.f32 v11, v25;
	v11 =	vmul.f32 $1.000000000e+01, v27  }
0x3ca: {  	v31 =	vmul.f32 v24, v4;
	v7 =	vadd.f32 v10, v29  }
0x3cb: {  	v32 =	vmul.f32 v19, v5;
	v6 =	vadd.f32 v9, v28;
	v8 =	vadd.f32 v30, v11  }
0x3cc: {  	v3 =	vmul.f32 v24, v3  }
0x3cd: {  	v4 =	vadd.f32 v7, v31;
	v6 =	vmul.f32 v6, v6;
	v5 =	vadd.f32 v8, v32;
	_ =	sdelay $0x1  }
0x3ce: {  	v4 =	vmul.f32 v4, v4;
	v6 =	vadd.f32 $9.999999710e-10, v6;
	v3 =	vadd.f32 v5, v3;
	_ =	sdelay $0x1  }
0x3cf: {  	v4 =	vadd.f32 v6, v4;
	v3 =	vmul.f32 v3, v3;
	_ =	sdelay $0x1  }
0x3d0: {  	v3 =	vadd.f32 v4, v3;
	_ =	sdelay $0x1  }
0x3d1: {  	v4 =	vshrl.u32 v3, $0x1;
	v33 =	vmul.f32 $5.000000000e-01, v3  }
0x3d2: {  	v4 =	vsub.s32 $0x5F3759DF, v4  }
0x3d3: {  	v34 =	vmul.f32 v4, v33;
	_ =	sdelay $0x1  }
0x3d4: {  	v6 =	vmul.f32 v4, v34;
	_ =	sdelay $0x1  }
0x3d5: {  	v6 =	vsub.f32 $1.500000000e+00, v6;
	_ =	sdelay $0x1  }
0x3d6: {  	v4 =	vmul.f32 v4, v6;
	_ =	sdelay $0x1  }
0x3d7: {  	v6 =	vmul.f32 v4, v33;
	_ =	sdelay $0x1  }
0x3d8: {  	v6 =	vmul.f32 v6, v4;
	_ =	sdelay $0x1  }
0x3d9: {  	v6 =	vsub.f32 $1.500000000e+00, v6;
	_ =	sdelay $0x1  }
0x3da: {  	v4 =	vmul.f32 v6, v4;
	_ =	sdelay $0x1  }
0x3db: {  	v5 =	vmul.f32 v4, v33;
	_ =	sdelay $0x1  }
0x3dc: {  	v5 =	vmul.f32 v5, v4;
	_ =	sdelay $0x1  }
0x3dd: {  	v5 =	vsub.f32 $1.500000000e+00, v5;
	_ =	sdelay $0x1  }
0x3de: {  	v4 =	vmul.f32 v5, v4;
	_ =	sdelay $0x1  }
0x3df: {  	v3 =	vmul.f32 v4, v3;
	_ =	sdelay $0x1  }
0x3e0: {  	v3 =	vmul.f32 $2.000000030e-01, v3;
	_ =	sdelay $0x1  }
0x3e1: {  	v35 =	vmin.f32 v3, $1.000000000e+00  }
0x3e2: {  	v36 =	vmul.f32 $3.141592740e+00, v35;
	_ =	sdelay $0x1  }
0x3e3: {  	v6 =	vadd.f32 $-1.570796370e+00, v36;
	_ =	sdelay $0x1  }
0x3e4: {  	v37 =	vmul.f32 v6, v6;
	_ =	sdelay $0x1  }
0x3e5: {  	v38 =	vmul.f32 $2.505210790e-08, v37;
	_ =	sdelay $0x1  }
0x3e6: {  	v39 =	vmul.f32 $2.087675590e-09, v37;
	v8 =	vsub.f32 $2.755731880e-06, v38;
	_ =	sdelay $0x1  }
0x3e7: {  	v9 =	vadd.f32 $-2.755732000e-07, v39;
	v8 =	vmul.f32 v8, v37;
	_ =	sdelay $0x1  }
0x3e8: {  	v9 =	vmul.f32 v9, v37;
	v8 =	vadd.f32 $-1.984127010e-04, v8;
	_ =	sdelay $0x1  }
0x3e9: {  	v9 =	vadd.f32 $2.480158760e-05, v9;
	v8 =	vmul.f32 v8, v37;
	_ =	sdelay $0x1  }
0x3ea: {  	v9 =	vmul.f32 v9, v37;
	v8 =	vadd.f32 $8.333333770e-03, v8;
	_ =	sdelay $0x1  }
0x3eb: {  	v9 =	vadd.f32 $-1.388888920e-03, v9;
	v8 =	vmul.f32 v8, v37;
	_ =	sdelay $0x1  }
0x3ec: {  	v9 =	vmul.f32 v9, v37;
	v8 =	vadd.f32 $-1.666666720e-01, v8;
	_ =	sdelay $0x1  }
0x3ed: {  	v9 =	vadd.f32 $4.166666790e-02, v9;
	v8 =	vmul.f32 v8, v37;
	_ =	sdelay $0x1  }
0x3ee: {  	v9 =	vmul.f32 v9, v37;
	v8 =	vadd.f32 $1.000000000e+00, v8;
	_ =	sdelay $0x1  }
0x3ef: {  	v9 =	vadd.f32 $-5.000000000e-01, v9;
	v6 =	vmul.f32 v8, v6  }
0x3f0: {  	v40 =	vmul.f32 v35, v35  }
0x3f1: {  	v7 =	vmul.f32 v9, v37;
	v6 =	vsub.f32 $0.0e+00, v6  }
0x3f2: {  	v41 =	vmul.f32 v40, v35  }
0x3f3: {  	v7 =	vadd.f32 $1.000000000e+00, v7;
	v6 =	vadd.f32 v6, v6  }
0x3f4: {  	v8 =	vmul.f32 v41, v41  }
0x3f5: {  	v43 =	vmul.f32 v6, v7  }
0x3f6: {  	v42 =	vmul.f32 v8, v35  }
0x3f7: {  	v8 =	vmul.f32 $2.800000000e+01, v8;
	v44 =	vmul.f32 v43, v6  }
0x3f8: {  	v5 =	vmul.f32 v42, v35  }
0x3f9: {  	v45 =	vld.idx.msk [tilespmem:v52+s14+$0x0], $0xffff;
	v8 =	vsub.f32 $1.000000000e+00, v8;
	v9 =	vmul.f32 $4.800000000e+01, v42;
	v11 =	vsub.f32 v44, v7;
	_ =	sdelay $0x1  }
0x3fa: {  	v8 =	vadd.f32 v9, v8;
	v5 =	vmul.f32 $2.100000000e+01, v5;
	v46 =	vmul.f32 v11, v6;
	_ =	sdelay $0x1  }
0x3fb: {  	v47 =	vmul.u32 $0x5, v53;
	v5 =	vsub.f32 v8, v5;
	v8 =	vsub.f32 v46, v43  }
0x3fc: {  	v48 =	vsub.s32 v45, v1  }
0x3fd: {  	vm14 =	vlt.f32 v3, $1.000000000e+00;
	v3 =	vadd.s32 v47, v48;
	v49 =	vmul.f32 v8, v6  }
0x3fe: {  	vm15 =	vlt.u32 v48, $0x5;
	v3 =	vshll.u32 v3, $0x3  }
0x3ff: {  	v3 =	vnsel vm15, $0x61A80, v3;
	v50 =	vsub.f32 v49, v11  }
0x400: {  	[tilespmem:$0x11B10] =	vst v3;
	v51 =	vor.u32 $0x1, v3  }
0x401: {  	v54 =	vor.u32 $0x2, v3;
	[tilespmem:$0x11B30] =	vst v51;
	v5 =	vmul.f32 $6.324555270e-01, v5;
	v9 =	vmul.f32 v50, v6  }
0x402: {  	v56 =	vor.u32 $0x3, v3;
	[tilespmem:$0x11B50] =	vst v54  }
0x403: {  	v58 =	vor.u32 $0x4, v3;
	[tilespmem:$0x11B70] =	vst v56;
	v4 =	vmul.f32 v5, v4;
	v52 =	vsub.f32 v9, v8  }
0x404: {  	v60 =	vor.u32 $0x5, v3;
	[tilespmem:$0x11B90] =	vst v58  }
0x405: {  	v63 =	vor.u32 $0x6, v3;
	[tilespmem:$0x11BB0] =	vst v60;
	v4 =	vnsel vm14, $0x0, v4;
	v55 =	vmul.f32 v52, v6  }
0x406: {  	v3 =	vor.u32 $0x7, v3;
	[tilespmem:$0x11BD0] =	vst v63;
	v7 =	vmul.f32 v7, v4  }
0x407: {  	[tilespmem:$0x11BF0] =	vst v3;
	v10 =	vmul.f32 v43, v4;
	v57 =	vsub.f32 v55, v50  }
0x408: {  	v53 =	vmul.f32 v11, v4;
	[tilespmem:$0x11C10] =	vst v7  }
0x409: {  	[tilespmem:$0x11C30] =	vst v10;
	v5 =	vmul.f32 v50, v4;
	v6 =	vmul.f32 v57, v6  }
0x40a: {  	[tilespmem:$0x11C50] =	vst v53;
	v8 =	vmul.f32 v8, v4  }
0x40b: {  	[tilespmem:$0x11C90] =	vst v5;
	v59 =	vmul.f32 v52, v4;
	v61 =	vsub.f32 v6, v52  }
0x40c: {  	[tilespmem:$0x11C70] =	vst v8;
	v62 =	vmul.f32 v57, v4  }
0x40d: {  	[tilespmem:$0x11CB0] =	vst v59;
	v4 =	vmul.f32 v61, v4  }
0x40e: {  	[tilespmem:$0x11CD0] =	vst v62  }
0x40f: {  	s1 =	simm.s32 $0x11B00;
	s7 =	simm.s32 $0x11C00;
	[tilespmem:$0x11CF0] =	vst v4  }
0x410: {  	[spmem:s5] =	stream.indirect.scatter.add.f32 [tilespmem:s7], [sflag:$0x1], $0x1, s1, s19, $0xb8;
	[tilespmem:$0x18180] =	vst v63  }
0x411: {  	s10 =	simm.s32 $0x11B80;
	s11 =	simm.s32 $0x11C80  }
0x412: {  	[spmem:s5] =	stream.indirect.scatter.add.f32 [tilespmem:s11], [sflag:$0x1], $0x1, s10, s19, $0xb8;
	[tilespmem:$0x18180] =	vst v63  }
0x413: {  	_ =	swait.ge [sflag:s12], $0x80  }
0x414: {  	[sflag:s12] =	ssyncset.done $0x0  }
0x415: {  	[sflag:s12] =	ssyncadd.s32 $0xFFFFFF80  }
0x416: {  	_ =	swait.ge [sflag:s12], $0x80  }
0x417: {  	[sflag:s12] =	ssyncset.done $0x0  }
0x418: {  	[sflag:s12] =	ssyncadd.s32 $0xFFFFFF80  }
0x419: {  	[bflag:$0x0] =	sbarrier.arrive $0xFFFF  }
0x41a: {  	s15 =	rddreg [dreg:$0x9]  }
0x41b: {  	s8 =	rddreg [dreg:$0xb]  }
0x41c: {  	s9 =	rddreg [dreg:$0xc]  }
0x41d: {  	[hbm:s15], [sflag:s8] =	dma.local [spmem:s9], $0xC80  }
0x41e: {  	_ =	swait.ge [sflag:s13], $0xC80  }
0x41f: {  	s17 =	rddreg [dreg:$0xd]  }
0x420: {  	s18 =	rddreg [dreg:$0xa];
	s7 =	sadd.s32 $0x1, s17  }
0x421: {  	p0 =	sne.s32 s7, s18  }
.Ltmp1:
0x422: {  	_ = 	snop;
	(pc) =	sbr.rel @p0 .LBB2_1-.Ltmp1, $3  }
0x423: {  	_ =	sdelay $0x1  }
0x424: {  	[sflag:s13] =	ssyncset.done $0x0  }
0x425: {  	[sflag:s13] =	ssyncadd.s32 $0xFFFFF380  }
0x426: {  	_ =	sfence.sel $0x180000  }
0x427: {  	[bflag:$0x0] =	sbarrier.arrive $0xFFFF  }
0x428: {  	_ =	strace $0x90000047  }
0x429: {  	s0 =	stileid.u32;
	[bflag:$0x2] =	sbarrier.arrive $0xFFFF  }
0x42a: {  	p0 =	sne.s32 s0, $0x0;
	s0 =	rddreg [dreg:$0x4]  }
0x42b: {  	s0 =	sadd.s32 @!p0 $0x100000, s0  }
0x42c: {  	[sflag:s0] =	ssyncadd.tile.s32 @!p0 $0x1;
	_ =	shalt  }
.Lfunc_end2:
_tile_overlayer_lowered:
.L_overlay_start_2:
0x42d: {  	(tag) =	ssettag $0x2  }
0x42e: {  	s0 =	rddreg [dreg:$0x0];
	s2 =	stileid.u32  }
0x42f: {  	s1 =	rddreg [dreg:$0x1];
	p0 =	sne.s32 s2, $0x0  }
0x430: {  	s3 =	rddreg [dreg:$0x2];
	[bflag:$0x3] =	sbarrier.arrive $0xFFFF;
	s2 =	simm.s32 @!p0 $0x1C02  }
0x431: {  	[timem:s3], [sflag:s2] =	dma.local @!p0 [hbm:s0], s1  }
0x432: {  	s0 =	simm.s32 @!p0 $0x2  }
0x433: {  	_ =	swait.ge @!p0 [sflag:s0], s1  }
0x434: {  	s1 =	ssub.s32 @!p0 $0x0, s1;
	[sflag:s0] =	ssyncset.done @!p0 $0x0  }
0x435: {  	[sflag:s0] =	ssyncadd.s32 @!p0 s1  }
0x436: {  	[bflag:$0x3] =	sbarrier.arrive $0xFFFF  }
0x437: {  	_ =	shalt  }

</sc_bundles>
